<compile_context>
chip_gen: v7x
topology: tpu7x:2x2x1
jax: 0.10.2.dev20260603
libtpu: 0.0.44.dev20260713+nightly
codegen_flags: <defaults>
</compile_context>

<pallas_src>
import dataclasses

import jax
import jax.numpy as jnp
from jax import lax
from jax.experimental import pallas as pl
from jax.experimental.pallas import tpu as pltpu
from jax.experimental.pallas import tpu_sc as plsc

N_NODES = 10000
N_EDGES = 320000
D = 128

NC = 2
NS = 16
NW = NC * NS
LANES = 16

N_PAD = 10240
ROWS_W = N_PAD // NS
SENT = N_PAD - 1
EPW = N_PAD
CW = 80
RPB = 8
BLKE = RPB * CW
NBLK = EPW // BLKE
NEG_BIG = -3.4e38
SENT_VAL = -1e30


def _sc_compiler_params():
    cp = pltpu.CompilerParams()
    if "needs_layout_passes" in pltpu.CompilerParams.__dataclass_fields__:
        cp = dataclasses.replace(cp, needs_layout_passes=False)
    return cp



def _proj_body(h_ref, w_ref, o_ref):
    o_ref[...] = jnp.dot(h_ref[...], w_ref[...],
                         preferred_element_type=jnp.float32)


def _project(h, w2):
    n = h.shape[0]
    blk = 1000
    return pl.pallas_call(
        _proj_body,
        grid=(n // blk,),
        in_specs=[
            pl.BlockSpec((blk, D), lambda i: (i, 0)),
            pl.BlockSpec((D, 256), lambda i: (0, 0)),
        ],
        out_specs=pl.BlockSpec((blk, 256), lambda i: (i, 0)),
        out_shape=jax.ShapeDtypeStruct((n, 256), jnp.float32),
    )(h, w2)



def _sca_body(s_hbm, d_hbm, src_hbm, dst_hbm,
              ex_hbm, den_hbm, mx_hbm,
              s_v, d_v, e_v, denom_v, srcblk_v, dstblk_v, e_blk, m_v, stage_v,
              stage_sh):
    cid = lax.axis_index("c")
    sid = lax.axis_index("s")
    wid = cid * NS + sid

    pltpu.sync_copy(s_hbm, s_v)
    pltpu.sync_copy(d_hbm, d_v)
    @pl.loop(0, N_PAD, step=LANES)
    def _(i):
        denom_v[pl.ds(i, LANES)] = jnp.zeros((LANES,), jnp.float32)

    @pl.loop(0, NBLK, init_carry=jnp.full((LANES,), NEG_BIG, jnp.float32))
    def mfin(b, m_blk):
        pltpu.sync_copy(src_hbm.at[wid, pl.ds(b * RPB, RPB)], srcblk_v)
        pltpu.sync_copy(dst_hbm.at[wid, pl.ds(b * RPB, RPB)], dstblk_v)

        @pl.loop(0, RPB, init_carry=m_blk)
        def m_r(r, m_row):
            @plsc.parallel_loop(0, CW, LANES, unroll=4, carry=m_row)
            def m_k(k, m_acc):
                s16 = plsc.load_gather(s_v, [srcblk_v.at[r][pl.ds(k, LANES)]])
                d16 = plsc.load_gather(d_v, [dstblk_v.at[r][pl.ds(k, LANES)]])
                x = s16 + d16
                e16 = jnp.where(x >= 0.0, x, x * jnp.float32(0.01))
                e_v[pl.ds(b * BLKE + r * CW + k, LANES)] = e16
                return jnp.maximum(m_acc, e16)
            return m_k
        return m_r

    m_v[...] = mfin

    pltpu.sync_copy(m_v, stage_sh.at[sid])
    plsc.subcore_barrier()
    pltpu.sync_copy(stage_sh, stage_v)

    @pl.loop(0, NS)
    def _(i):
        m_v[...] = jnp.maximum(m_v[...], stage_v.at[i][...])

    @pl.when(sid == 0)
    def _():
        pltpu.sync_copy(m_v, mx_hbm.at[cid, 0])

    msc = jnp.max(m_v[...])

    @pl.loop(0, NBLK)
    def _(b):
        pltpu.sync_copy(dst_hbm.at[wid, pl.ds(b * RPB, RPB)], dstblk_v)

        @pl.loop(0, RPB)
        def _(r):
            @plsc.parallel_loop(0, CW, LANES, unroll=4)
            def _(k):
                ex = jnp.exp(e_v[pl.ds(b * BLKE + r * CW + k, LANES)] - msc)
                e_blk[pl.ds(r * CW + k, LANES)] = ex
                plsc.addupdate_scatter(
                    denom_v, [dstblk_v.at[r][pl.ds(k, LANES)]], ex)

        pltpu.sync_copy(e_blk, ex_hbm.at[pl.ds(wid * EPW + b * BLKE, BLKE)])

    pltpu.sync_copy(denom_v, den_hbm.at[pl.ds(wid * N_PAD, N_PAD)])


def _sc_logits(s_pad, d_pad, src3, dst3):
    mesh = plsc.VectorSubcoreMesh(core_axis_name="c", subcore_axis_name="s")
    kern = pl.kernel(
        _sca_body,
        out_type=[
            jax.ShapeDtypeStruct((NW * EPW,), jnp.float32),
            jax.ShapeDtypeStruct((NW * N_PAD,), jnp.float32),
            jax.ShapeDtypeStruct((NC, 8, LANES), jnp.float32),
        ],
        mesh=mesh,
        scratch_types=[
            pltpu.VMEM((N_PAD,), jnp.float32),
            pltpu.VMEM((N_PAD,), jnp.float32),
            pltpu.VMEM((EPW,), jnp.float32),
            pltpu.VMEM((N_PAD,), jnp.float32),
            pltpu.VMEM((RPB, CW), jnp.int32),
            pltpu.VMEM((RPB, CW), jnp.int32),
            pltpu.VMEM((BLKE,), jnp.float32),
            pltpu.VMEM((LANES,), jnp.float32),
            pltpu.VMEM((NS, LANES), jnp.float32),
            pltpu.VMEM_SHARED((NS, LANES), jnp.float32),
        ],
        compiler_params=_sc_compiler_params(),
    )
    return kern(s_pad, d_pad, src3, dst3)



def _scb_body(z_hbm, src_hbm, dst_hbm, ex_hbm, zeros_hbm,
              p_hbm,
              srcblk_v, dstblk_v, eexp_blk,
              z0, z1, z2, z3,
              p_sh,
              sg0, sg1, sg2, sg3, ss0, ss1, ss2, ss3):
    cid = lax.axis_index("c")
    sid = lax.axis_index("s")
    wid = cid * NS + sid
    cbase = sid * ROWS_W

    pltpu.sync_copy(zeros_hbm, p_sh.at[pl.ds(cbase, ROWS_W)])
    plsc.subcore_barrier()

    zbufs = (z0, z1, z2, z3)
    gsems = (sg0, sg1, sg2, sg3)
    ssems = (ss0, ss1, ss2, ss3)
    NBUF = 4

    def scale_chunk(buf, r):
        @plsc.parallel_loop(0, CW, unroll=4)
        def _(j):
            bc = plsc.load_gather(
                eexp_blk, [jnp.zeros((LANES,), jnp.int32) + (r * CW + j)])
            row = buf.at[j]
            for t in range(D // LANES):
                row[pl.ds(t * LANES, LANES)] = (
                    row[pl.ds(t * LANES, LANES)] * bc)

    @pl.loop(0, NBLK)
    def _(b):
        pltpu.sync_copy(src_hbm.at[wid, pl.ds(b * RPB, RPB)], srcblk_v)
        pltpu.sync_copy(dst_hbm.at[wid, pl.ds(b * RPB, RPB)], dstblk_v)
        pltpu.sync_copy(ex_hbm.at[pl.ds(wid * EPW + b * BLKE, BLKE)], eexp_blk)

        gds = [None] * RPB
        sds = [None] * RPB
        for r in range(NBUF - 1):
            gds[r] = pltpu.async_copy(
                z_hbm.at[srcblk_v.at[r]], zbufs[r % NBUF], gsems[r % NBUF])
        for r in range(RPB):
            buf = zbufs[r % NBUF]
            gds[r].wait()
            scale_chunk(buf, r)
            sds[r] = pltpu.async_copy(
                buf, p_sh.at[dstblk_v.at[r]], ssems[r % NBUF], add=True)
            if r + NBUF - 1 < RPB:
                nb = (r + NBUF - 1) % NBUF
                if r >= 1 and sds[r - 1] is not None:
                    sds[r - 1].wait()
                gds[r + NBUF - 1] = pltpu.async_copy(
                    z_hbm.at[srcblk_v.at[r + NBUF - 1]], zbufs[nb], gsems[nb])
        for r in range(RPB - NBUF, RPB):
            if r >= 0 and sds[r] is not None:
                sds[r].wait()

    plsc.subcore_barrier()

    pltpu.sync_copy(p_sh.at[pl.ds(cbase, ROWS_W)],
                    p_hbm.at[cid, pl.ds(cbase, ROWS_W)])


def _sc_aggregate(z_pad, src3, dst3, ex_all, zeros_rows):
    mesh = plsc.VectorSubcoreMesh(core_axis_name="c", subcore_axis_name="s")
    kern = pl.kernel(
        _scb_body,
        out_type=[
            jax.ShapeDtypeStruct((NC, N_PAD, D), jnp.float32),
        ],
        mesh=mesh,
        scratch_types=[
            pltpu.VMEM((RPB, CW), jnp.int32),
            pltpu.VMEM((RPB, CW), jnp.int32),
            pltpu.VMEM((BLKE,), jnp.float32),
            pltpu.VMEM((CW, D), jnp.float32),
            pltpu.VMEM((CW, D), jnp.float32),
            pltpu.VMEM((CW, D), jnp.float32),
            pltpu.VMEM((CW, D), jnp.float32),
            pltpu.VMEM_SHARED((N_PAD, D), jnp.float32),
            pltpu.SemaphoreType.DMA,
            pltpu.SemaphoreType.DMA,
            pltpu.SemaphoreType.DMA,
            pltpu.SemaphoreType.DMA,
            pltpu.SemaphoreType.DMA,
            pltpu.SemaphoreType.DMA,
            pltpu.SemaphoreType.DMA,
            pltpu.SemaphoreType.DMA,
        ],
        compiler_params=_sc_compiler_params(),
    )
    return kern(z_pad, src3, dst3, ex_all, zeros_rows)



def _combine_body(p0_ref, p1_ref, d_ref, c_ref, o_ref):
    c0 = c_ref[0]
    c1 = c_ref[1]
    den = (jnp.sum(d_ref[0], axis=0) * c0
           + jnp.sum(d_ref[1], axis=0) * c1)[:, None]
    den = jnp.where(den == 0.0, jnp.float32(1.0), den)
    o_ref[...] = (p0_ref[...] * c0 + p1_ref[...] * c1) / den


def _combine(p0, p1, dall, c):
    blk = 1024
    return pl.pallas_call(
        _combine_body,
        grid=(N_PAD // blk,),
        in_specs=[
            pl.BlockSpec((blk, D), lambda i: (i, 0)),
            pl.BlockSpec((blk, D), lambda i: (i, 0)),
            pl.BlockSpec((NC, NS, blk), lambda i: (0, 0, i)),
            pl.BlockSpec(memory_space=pltpu.SMEM),
        ],
        out_specs=pl.BlockSpec((blk, D), lambda i: (i, 0)),
        out_shape=jax.ShapeDtypeStruct((N_PAD, D), jnp.float32),
    )(p0, p1, dall, c)



@jax.jit
def kernel(h, edge_index, W_fc, W_attn):
    a_src = W_attn[0, :D]
    a_dst = W_attn[0, D:]
    wt = W_fc.T
    v1 = wt @ a_src
    v2 = wt @ a_dst
    w2 = jnp.zeros((D, 256), jnp.float32)
    w2 = w2.at[:, :D].set(wt).at[:, D].set(v1).at[:, D + 1].set(v2)

    z2 = _project(h, w2)
    z_pad = jnp.zeros((N_PAD, D), jnp.float32).at[:N_NODES].set(z2[:, :D])
    s_pad = (jnp.zeros((N_PAD,), jnp.float32).at[:N_NODES].set(z2[:, D])
             .at[SENT].set(jnp.float32(SENT_VAL)))
    d_pad = (jnp.zeros((N_PAD,), jnp.float32).at[:N_NODES].set(z2[:, D + 1])
             .at[SENT].set(jnp.float32(SENT_VAL)))

    def slab(row):
        a = row.astype(jnp.int32).reshape(NW, N_EDGES // NW)
        a = jnp.pad(a, ((0, 0), (0, EPW - N_EDGES // NW)),
                    constant_values=SENT)
        return a.reshape(NW, EPW // CW, CW)

    src3 = slab(edge_index[0])
    dst3 = slab(edge_index[1])
    zeros_rows = jnp.zeros((ROWS_W, D), jnp.float32)

    ex_all, den, mx = _sc_logits(s_pad, d_pad, src3, dst3)
    (p,) = _sc_aggregate(z_pad, src3, dst3, ex_all, zeros_rows)
    dall = den.reshape(NC, NS, N_PAD)

    m0 = jnp.max(mx[0, 0])
    m1 = jnp.max(mx[1, 0])
    mg = jnp.maximum(m0, m1)
    c = jnp.stack([jnp.exp(m0 - mg), jnp.exp(m1 - mg)])

    sh = _combine(p[0], p[1], dall, c)
    return sh[:N_NODES]

# --- scband reference (transcript-rebuilt; emitter-appended) ---
"""Pipeline reference for scband-sgatlayer-3186865734207 (READ-ONLY COPY).

The authoritative reference and input builder live on the scoring server;
editing this copy changes nothing except your own understanding.
"""

import jax, jax.numpy as jnp
import numpy as np

N_NODES = 10000
N_EDGES = 320000
D_IN = 128
D_OUT = 128


def setup_inputs(seed: int = 0) -> dict:
    key = jax.random.key(seed)
    k1, k2, k3, k4 = jax.random.split(key, 4)
    h = jax.random.normal(k1, (N_NODES, D_IN), dtype=jnp.float32)
    edge_index = jax.random.randint(k2, (2, N_EDGES), 0, N_NODES)
    # learned params: fc.weight [out_dim, in_dim], attn_fc.weight [1, 2*out_dim]
    W_fc = jax.random.normal(k3, (D_OUT, D_IN), dtype=jnp.float32) * 0.05
    W_attn = jax.random.normal(k4, (1, 2 * D_OUT), dtype=jnp.float32) * 0.05
    return {"h": h, "edge_index": edge_index, "W_fc": W_fc, "W_attn": W_attn}


def reference(h, edge_index, W_fc, W_attn):
    # SGAT on a homogeneous graph: every node is a sentence node (unit==1),
    # every edge is a sentence-sentence edge (dtype==0).
    N = h.shape[0]
    z = h @ W_fc.T                               # fc(h), no bias
    src = edge_index[0]
    dst = edge_index[1]
    z_src = z[src]                               # gather
    z_dst = z[dst]                               # gather
    z2 = jnp.concatenate([z_src, z_dst], axis=1)
    e = jax.nn.leaky_relu(z2 @ W_attn.T, negative_slope=0.01)[:, 0]  # [E]
    # per-destination-node softmax over incoming edges (mailbox softmax)
    m = jax.ops.segment_max(e, dst, num_segments=N)
    e_exp = jnp.exp(e - m[dst])
    denom = jax.ops.segment_sum(e_exp, dst, num_segments=N)
    denom = jnp.where(denom == 0.0, 1.0, denom)
    alpha = e_exp / denom[dst]
    sh = jax.ops.segment_sum(alpha[:, None] * z_src, dst, num_segments=N)
    return sh

if __name__ == "__main__":
    import jax
    _d = setup_inputs()
    print(jax.jit(kernel)(*tuple(_d.values())))

</pallas_src>

<mosaic_0001>
#map = affine_map<(d0, d1) -> (0)>
#map1 = affine_map<(d0, d1) -> (0, 0, 0)>
module attributes {stable_mosaic.version = 14 : i64} {
  func.func @_sca_body(%arg0: i32, %arg1: i32, %arg2: memref<10240xf32, #tpu.memory_space<hbm>>, %arg3: memref<10240xf32, #tpu.memory_space<hbm>>, %arg4: memref<32x128x80xi32, #tpu.memory_space<hbm>>, %arg5: memref<32x128x80xi32, #tpu.memory_space<hbm>>, %arg6: memref<327680xf32, #tpu.memory_space<hbm>>, %arg7: memref<327680xf32, #tpu.memory_space<hbm>>, %arg8: memref<2x8x16xf32, #tpu.memory_space<hbm>>, %arg9: memref<10240xf32, #tpu.memory_space<vmem>>, %arg10: memref<10240xf32, #tpu.memory_space<vmem>>, %arg11: memref<10240xf32, #tpu.memory_space<vmem>>, %arg12: memref<10240xf32, #tpu.memory_space<vmem>>, %arg13: memref<8x80xi32, #tpu.memory_space<vmem>>, %arg14: memref<8x80xi32, #tpu.memory_space<vmem>>, %arg15: memref<640xf32, #tpu.memory_space<vmem>>, %arg16: memref<16xf32, #tpu.memory_space<vmem>>, %arg17: memref<16x16xf32, #tpu.memory_space<vmem>>, %arg18: memref<16x16xf32, #tpu.memory_space<vmem_shared>>) attributes {dimension_semantics = [#tpu.dimension_semantics<core_parallel>, #tpu.dimension_semantics<subcore_parallel>], iteration_bounds = array<i64: 2, 16>, scalar_prefetch = 0 : i64, scratch_operands = 10 : i64, tpu.core_type = #tpu.core_type<sc_vector_subcore>, window_params = [{transform_indices = #map}, {transform_indices = #map}, {transform_indices = #map1}, {transform_indices = #map1}, {transform_indices = #map}, {transform_indices = #map}, {transform_indices = #map1}]} {
    %mul3A = arith.constant 16 : i32
    %mul3A_0 = arith.muli %arg0, %mul3A : i32
    %add3A = arith.addi %mul3A_0, %arg1 : i32
    "tpu.region"() ({
      %run_scoped3A = tpu.sem_alloc : memref<!tpu.dma_semaphore, #tpu.memory_space<semaphore_mem>>
      tpu.enqueue_dma source(%arg2 : memref<10240xf32, #tpu.memory_space<hbm>>) target(%arg9 : memref<10240xf32, #tpu.memory_space<vmem>>) target_semaphore(%run_scoped3A : memref<!tpu.dma_semaphore, #tpu.memory_space<semaphore_mem>>)
      tpu.wait_dma2 semaphore(%run_scoped3A : memref<!tpu.dma_semaphore, #tpu.memory_space<semaphore_mem>>) src(%arg2 : memref<10240xf32, #tpu.memory_space<hbm>>) dst(%arg9 : memref<10240xf32, #tpu.memory_space<vmem>>)
      tpu.yield
    }) : () -> ()
    "tpu.region"() ({
      %run_scoped3A = tpu.sem_alloc : memref<!tpu.dma_semaphore, #tpu.memory_space<semaphore_mem>>
      tpu.enqueue_dma source(%arg3 : memref<10240xf32, #tpu.memory_space<hbm>>) target(%arg10 : memref<10240xf32, #tpu.memory_space<vmem>>) target_semaphore(%run_scoped3A : memref<!tpu.dma_semaphore, #tpu.memory_space<semaphore_mem>>)
      tpu.wait_dma2 semaphore(%run_scoped3A : memref<!tpu.dma_semaphore, #tpu.memory_space<semaphore_mem>>) src(%arg3 : memref<10240xf32, #tpu.memory_space<hbm>>) dst(%arg10 : memref<10240xf32, #tpu.memory_space<vmem>>)
      tpu.yield
    }) : () -> ()
    %scan3A = arith.constant 0 : i32
    %scan3A_1 = arith.constant 640 : i32
    %scan3A_2 = arith.addi %scan3A, %scan3A_1 : i32
    %scan3A_3 = arith.constant 1 : i32
    scf.for %scan3A_31 = %scan3A to %scan3A_2 step %scan3A_3  : i32 {
      %mul3A_32 = arith.constant 16 : i32
      %mul3A_33 = arith.muli %scan3A_31, %mul3A_32 : i32
      %add3A_34 = arith.constant 0 : i32
      %add3A_35 = arith.addi %add3A_34, %mul3A_33 : i32
      %broadcast_in_dim3A_36 = arith.constant 0.000000e+00 : f32
      %broadcast_in_dim3A_37 = vector.broadcast %broadcast_in_dim3A_36 : f32 to vector<16xf32>
      %swap3A_38 = arith.index_cast %add3A_35 : i32 to index
      %swap3A_39 = tpu.vector_load %arg12[%swap3A_38] {strides = array<i32>} : memref<10240xf32, #tpu.memory_space<vmem>>, vector<16xf32>,
      tpu.vector_store %arg12[%swap3A_38], %broadcast_in_dim3A_37 {strides = array<i32>} : memref<10240xf32, #tpu.memory_space<vmem>>, vector<16xf32>,
    }
    %scan3A_4 = arith.constant 640 : i32
    %broadcast_in_dim3A = arith.constant -3.400000e+38 : f32
    %broadcast_in_dim3A_5 = vector.broadcast %broadcast_in_dim3A : f32 to vector<16xf32>
    %scan3A_6 = arith.constant 0 : i32
    %scan3A_7 = arith.constant 16 : i32
    %scan3A_8 = arith.addi %scan3A_6, %scan3A_7 : i32
    %scan3A_9 = arith.constant 1 : i32
    %scan3A_10 = scf.for %scan3A_31 = %scan3A_6 to %scan3A_8 step %scan3A_9 iter_args(%scan3A_32 = %broadcast_in_dim3A_5) -> (vector<16xf32>)  : i32 {
      %mul3A_33 = arith.constant 1 : i32
      %mul3A_34 = arith.muli %scan3A_31, %mul3A_33 : i32
      %add3A_35 = arith.constant 0 : i32
      %add3A_36 = arith.addi %add3A_35, %mul3A_34 : i32
      %mul3A_37 = arith.constant 8 : i32
      %mul3A_38 = arith.muli %add3A_36, %mul3A_37 : i32
      "tpu.region"() ({
        %run_scoped3A = tpu.sem_alloc : memref<!tpu.dma_semaphore, #tpu.memory_space<semaphore_mem>>
        %dma_start3A = arith.constant 0 : i32
        %dma_start3A_47 = tpu.memref_slice %arg4[%add3A, %mul3A_38, %dma_start3A] : memref<32x128x80xi32, #tpu.memory_space<hbm>> -> memref<1x8x80xi32, #tpu.memory_space<hbm>>
        %dma_start3A_48 = tpu.memref_squeeze %dma_start3A_47 : memref<1x8x80xi32, #tpu.memory_space<hbm>> -> memref<8x80xi32, #tpu.memory_space<hbm>>
        %dma_start3A_49 = arith.constant 0 : i32
        %dma_start3A_50 = tpu.memref_slice %arg4[%add3A, %mul3A_38, %dma_start3A_49] : memref<32x128x80xi32, #tpu.memory_space<hbm>> -> memref<1x8x80xi32, #tpu.memory_space<hbm>>
        %dma_start3A_51 = tpu.memref_squeeze %dma_start3A_50 : memref<1x8x80xi32, #tpu.memory_space<hbm>> -> memref<8x80xi32, #tpu.memory_space<hbm>>
        tpu.enqueue_dma source(%dma_start3A_51 : memref<8x80xi32, #tpu.memory_space<hbm>>) target(%arg13 : memref<8x80xi32, #tpu.memory_space<vmem>>) target_semaphore(%run_scoped3A : memref<!tpu.dma_semaphore, #tpu.memory_space<semaphore_mem>>)
        %dma_wait3A = arith.constant 0 : i32
        %dma_wait3A_52 = tpu.memref_slice %arg4[%add3A, %mul3A_38, %dma_wait3A] : memref<32x128x80xi32, #tpu.memory_space<hbm>> -> memref<1x8x80xi32, #tpu.memory_space<hbm>>
        %dma_wait3A_53 = tpu.memref_squeeze %dma_wait3A_52 : memref<1x8x80xi32, #tpu.memory_space<hbm>> -> memref<8x80xi32, #tpu.memory_space<hbm>>
        %dma_wait3A_54 = arith.constant 0 : i32
        %dma_wait3A_55 = tpu.memref_slice %arg4[%add3A, %mul3A_38, %dma_wait3A_54] : memref<32x128x80xi32, #tpu.memory_space<hbm>> -> memref<1x8x80xi32, #tpu.memory_space<hbm>>
        %dma_wait3A_56 = tpu.memref_squeeze %dma_wait3A_55 : memref<1x8x80xi32, #tpu.memory_space<hbm>> -> memref<8x80xi32, #tpu.memory_space<hbm>>
        tpu.wait_dma2 semaphore(%run_scoped3A : memref<!tpu.dma_semaphore, #tpu.memory_space<semaphore_mem>>) src(%dma_wait3A_56 : memref<8x80xi32, #tpu.memory_space<hbm>>) dst(%arg13 : memref<8x80xi32, #tpu.memory_space<vmem>>)
        tpu.yield
      }) : () -> ()
      %mul3A_39 = arith.constant 8 : i32
      %mul3A_40 = arith.muli %add3A_36, %mul3A_39 : i32
      "tpu.region"() ({
        %run_scoped3A = tpu.sem_alloc : memref<!tpu.dma_semaphore, #tpu.memory_space<semaphore_mem>>
        %dma_start3A = arith.constant 0 : i32
        %dma_start3A_47 = tpu.memref_slice %arg5[%add3A, %mul3A_40, %dma_start3A] : memref<32x128x80xi32, #tpu.memory_space<hbm>> -> memref<1x8x80xi32, #tpu.memory_space<hbm>>
        %dma_start3A_48 = tpu.memref_squeeze %dma_start3A_47 : memref<1x8x80xi32, #tpu.memory_space<hbm>> -> memref<8x80xi32, #tpu.memory_space<hbm>>
        %dma_start3A_49 = arith.constant 0 : i32
        %dma_start3A_50 = tpu.memref_slice %arg5[%add3A, %mul3A_40, %dma_start3A_49] : memref<32x128x80xi32, #tpu.memory_space<hbm>> -> memref<1x8x80xi32, #tpu.memory_space<hbm>>
        %dma_start3A_51 = tpu.memref_squeeze %dma_start3A_50 : memref<1x8x80xi32, #tpu.memory_space<hbm>> -> memref<8x80xi32, #tpu.memory_space<hbm>>
        tpu.enqueue_dma source(%dma_start3A_51 : memref<8x80xi32, #tpu.memory_space<hbm>>) target(%arg14 : memref<8x80xi32, #tpu.memory_space<vmem>>) target_semaphore(%run_scoped3A : memref<!tpu.dma_semaphore, #tpu.memory_space<semaphore_mem>>)
        %dma_wait3A = arith.constant 0 : i32
        %dma_wait3A_52 = tpu.memref_slice %arg5[%add3A, %mul3A_40, %dma_wait3A] : memref<32x128x80xi32, #tpu.memory_space<hbm>> -> memref<1x8x80xi32, #tpu.memory_space<hbm>>
        %dma_wait3A_53 = tpu.memref_squeeze %dma_wait3A_52 : memref<1x8x80xi32, #tpu.memory_space<hbm>> -> memref<8x80xi32, #tpu.memory_space<hbm>>
        %dma_wait3A_54 = arith.constant 0 : i32
        %dma_wait3A_55 = tpu.memref_slice %arg5[%add3A, %mul3A_40, %dma_wait3A_54] : memref<32x128x80xi32, #tpu.memory_space<hbm>> -> memref<1x8x80xi32, #tpu.memory_space<hbm>>
        %dma_wait3A_56 = tpu.memref_squeeze %dma_wait3A_55 : memref<1x8x80xi32, #tpu.memory_space<hbm>> -> memref<8x80xi32, #tpu.memory_space<hbm>>
        tpu.wait_dma2 semaphore(%run_scoped3A : memref<!tpu.dma_semaphore, #tpu.memory_space<semaphore_mem>>) src(%dma_wait3A_56 : memref<8x80xi32, #tpu.memory_space<hbm>>) dst(%arg14 : memref<8x80xi32, #tpu.memory_space<vmem>>)
        tpu.yield
      }) : () -> ()
      %scan3A_41 = arith.constant 0 : i32
      %scan3A_42 = arith.constant 8 : i32
      %scan3A_43 = arith.addi %scan3A_41, %scan3A_42 : i32
      %scan3A_44 = arith.constant 1 : i32
      %scan3A_45 = scf.for %scan3A_47 = %scan3A_41 to %scan3A_43 step %scan3A_44 iter_args(%scan3A_48 = %scan3A_32) -> (vector<16xf32>)  : i32 {
        %mul3A_49 = arith.constant 1 : i32
        %mul3A_50 = arith.muli %scan3A_47, %mul3A_49 : i32
        %add3A_51 = arith.constant 0 : i32
        %add3A_52 = arith.addi %add3A_51, %mul3A_50 : i32
        %parallel_loop3A = arith.constant 0 : i32
        %parallel_loop3A_53 = arith.constant 80 : i32
        %parallel_loop3A_54 = arith.constant 16 : i32
        %parallel_loop3A_55 = scf.for %parallel_loop3A_56 = %parallel_loop3A to %parallel_loop3A_53 step %parallel_loop3A_54 iter_args(%parallel_loop3A_57 = %scan3A_48) -> (vector<16xf32>)  : i32 {
          %parallel_loop3A_58 = arith.constant 0 : i32
          %parallel_loop3A_59 = tpu.memref_slice %arg13[%add3A_52, %parallel_loop3A_58] : memref<8x80xi32, #tpu.memory_space<vmem>> -> memref<1x80xi32, #tpu.memory_space<vmem>>
          %parallel_loop3A_60 = tpu.memref_squeeze %parallel_loop3A_59 : memref<1x80xi32, #tpu.memory_space<vmem>> -> memref<80xi32, #tpu.memory_space<vmem>>
          %parallel_loop3A_61 = arith.index_cast %parallel_loop3A_56 : i32 to index
          %parallel_loop3A_62 = tpu.vector_load %parallel_loop3A_60[%parallel_loop3A_61] {strides = array<i32>} : memref<80xi32, #tpu.memory_space<vmem>>, vector<16xi32>,
          %parallel_loop3A_63 = tpu.vector_load_idx %arg9[%parallel_loop3A_62] : memref<10240xf32, #tpu.memory_space<vmem>>[vector<16xi32>], vector<16xf32>,
          %parallel_loop3A_64 = arith.constant 0 : i32
          %parallel_loop3A_65 = tpu.memref_slice %arg14[%add3A_52, %parallel_loop3A_64] : memref<8x80xi32, #tpu.memory_space<vmem>> -> memref<1x80xi32, #tpu.memory_space<vmem>>
          %parallel_loop3A_66 = tpu.memref_squeeze %parallel_loop3A_65 : memref<1x80xi32, #tpu.memory_space<vmem>> -> memref<80xi32, #tpu.memory_space<vmem>>
          %parallel_loop3A_67 = arith.index_cast %parallel_loop3A_56 : i32 to index
          %parallel_loop3A_68 = tpu.vector_load %parallel_loop3A_66[%parallel_loop3A_67] {strides = array<i32>} : memref<80xi32, #tpu.memory_space<vmem>>, vector<16xi32>,
          %parallel_loop3A_69 = tpu.vector_load_idx %arg10[%parallel_loop3A_68] : memref<10240xf32, #tpu.memory_space<vmem>>[vector<16xi32>], vector<16xf32>,
          %parallel_loop3A_70 = arith.addf %parallel_loop3A_63, %parallel_loop3A_69 : vector<16xf32>
          %parallel_loop3A_71 = arith.constant 0.000000e+00 : f32
          %parallel_loop3A_72 = vector.broadcast %parallel_loop3A_71 : f32 to vector<16xf32>
          %parallel_loop3A_73 = arith.cmpf oge, %parallel_loop3A_70, %parallel_loop3A_72 : vector<16xf32>
          %parallel_loop3A_74 = arith.constant 0.00999999977 : f32
          %parallel_loop3A_75 = vector.broadcast %parallel_loop3A_74 : f32 to vector<16xf32>
          %parallel_loop3A_76 = arith.mulf %parallel_loop3A_70, %parallel_loop3A_75 : vector<16xf32>
          %parallel_loop3A_77 = arith.select %parallel_loop3A_73, %parallel_loop3A_70, %parallel_loop3A_76 : vector<16xi1>, vector<16xf32>
          %parallel_loop3A_78 = arith.constant 640 : i32
          %parallel_loop3A_79 = arith.muli %add3A_36, %parallel_loop3A_78 : i32
          %parallel_loop3A_80 = arith.constant 80 : i32
          %parallel_loop3A_81 = arith.muli %add3A_52, %parallel_loop3A_80 : i32
          %parallel_loop3A_82 = arith.addi %parallel_loop3A_79, %parallel_loop3A_81 : i32
          %parallel_loop3A_83 = arith.addi %parallel_loop3A_82, %parallel_loop3A_56 : i32
          %parallel_loop3A_84 = arith.index_cast %parallel_loop3A_83 : i32 to index
          %parallel_loop3A_85 = tpu.vector_load %arg11[%parallel_loop3A_84] {strides = array<i32>} : memref<10240xf32, #tpu.memory_space<vmem>>, vector<16xf32>,
          tpu.vector_store %arg11[%parallel_loop3A_84], %parallel_loop3A_77 {strides = array<i32>} : memref<10240xf32, #tpu.memory_space<vmem>>, vector<16xf32>,
          %parallel_loop3A_86 = arith.maximumf %parallel_loop3A_57, %parallel_loop3A_77 : vector<16xf32>
          scf.yield %parallel_loop3A_86 : vector<16xf32>
        } {sc.loop_unroll_factor = 4 : i64, sc.parallel_access}
        scf.yield %parallel_loop3A_55 : vector<16xf32>
      }
      %scan3A_46 = arith.constant 8 : i32
      scf.yield %scan3A_45 : vector<16xf32>
    }
    %scan3A_11 = arith.constant 16 : i32
    %swap3A = arith.constant 0 : index
    %swap3A_12 = tpu.vector_load %arg16[%swap3A] {strides = array<i32>} : memref<16xf32, #tpu.memory_space<vmem>>, vector<16xf32>,
    tpu.vector_store %arg16[%swap3A], %scan3A_10 {strides = array<i32>} : memref<16xf32, #tpu.memory_space<vmem>>, vector<16xf32>,
    "tpu.region"() ({
      %run_scoped3A = tpu.sem_alloc : memref<!tpu.dma_semaphore, #tpu.memory_space<semaphore_mem>>
      %dma_start3A = arith.constant 0 : i32
      %dma_start3A_31 = tpu.memref_slice %arg18[%arg1, %dma_start3A] : memref<16x16xf32, #tpu.memory_space<vmem_shared>> -> memref<1x16xf32, #tpu.memory_space<vmem_shared>>
      %dma_start3A_32 = tpu.memref_squeeze %dma_start3A_31 : memref<1x16xf32, #tpu.memory_space<vmem_shared>> -> memref<16xf32, #tpu.memory_space<vmem_shared>>
      %dma_start3A_33 = arith.constant 0 : i32
      %dma_start3A_34 = tpu.memref_slice %arg18[%arg1, %dma_start3A_33] : memref<16x16xf32, #tpu.memory_space<vmem_shared>> -> memref<1x16xf32, #tpu.memory_space<vmem_shared>>
      %dma_start3A_35 = tpu.memref_squeeze %dma_start3A_34 : memref<1x16xf32, #tpu.memory_space<vmem_shared>> -> memref<16xf32, #tpu.memory_space<vmem_shared>>
      tpu.enqueue_dma source(%arg16 : memref<16xf32, #tpu.memory_space<vmem>>) target(%dma_start3A_35 : memref<16xf32, #tpu.memory_space<vmem_shared>>) target_semaphore(%run_scoped3A : memref<!tpu.dma_semaphore, #tpu.memory_space<semaphore_mem>>)
      %dma_wait3A = arith.constant 0 : i32
      %dma_wait3A_36 = tpu.memref_slice %arg18[%arg1, %dma_wait3A] : memref<16x16xf32, #tpu.memory_space<vmem_shared>> -> memref<1x16xf32, #tpu.memory_space<vmem_shared>>
      %dma_wait3A_37 = tpu.memref_squeeze %dma_wait3A_36 : memref<1x16xf32, #tpu.memory_space<vmem_shared>> -> memref<16xf32, #tpu.memory_space<vmem_shared>>
      %dma_wait3A_38 = arith.constant 0 : i32
      %dma_wait3A_39 = tpu.memref_slice %arg18[%arg1, %dma_wait3A_38] : memref<16x16xf32, #tpu.memory_space<vmem_shared>> -> memref<1x16xf32, #tpu.memory_space<vmem_shared>>
      %dma_wait3A_40 = tpu.memref_squeeze %dma_wait3A_39 : memref<1x16xf32, #tpu.memory_space<vmem_shared>> -> memref<16xf32, #tpu.memory_space<vmem_shared>>
      tpu.wait_dma2 semaphore(%run_scoped3A : memref<!tpu.dma_semaphore, #tpu.memory_space<semaphore_mem>>) src(%arg16 : memref<16xf32, #tpu.memory_space<vmem>>) dst(%dma_wait3A_40 : memref<16xf32, #tpu.memory_space<vmem_shared>>)
      tpu.yield
    }) : () -> ()
    %barrier3A = arith.constant 0 : index
    tpu.barrier barrier_id(%barrier3A)
    "tpu.region"() ({
      %run_scoped3A = tpu.sem_alloc : memref<!tpu.dma_semaphore, #tpu.memory_space<semaphore_mem>>
      tpu.enqueue_dma source(%arg18 : memref<16x16xf32, #tpu.memory_space<vmem_shared>>) target(%arg17 : memref<16x16xf32, #tpu.memory_space<vmem>>) target_semaphore(%run_scoped3A : memref<!tpu.dma_semaphore, #tpu.memory_space<semaphore_mem>>)
      tpu.wait_dma2 semaphore(%run_scoped3A : memref<!tpu.dma_semaphore, #tpu.memory_space<semaphore_mem>>) src(%arg18 : memref<16x16xf32, #tpu.memory_space<vmem_shared>>) dst(%arg17 : memref<16x16xf32, #tpu.memory_space<vmem>>)
      tpu.yield
    }) : () -> ()
    %scan3A_13 = arith.constant 0 : i32
    %scan3A_14 = arith.constant 16 : i32
    %scan3A_15 = arith.addi %scan3A_13, %scan3A_14 : i32
    %scan3A_16 = arith.constant 1 : i32
    scf.for %scan3A_31 = %scan3A_13 to %scan3A_15 step %scan3A_16  : i32 {
      %mul3A_32 = arith.constant 1 : i32
      %mul3A_33 = arith.muli %scan3A_31, %mul3A_32 : i32
      %add3A_34 = arith.constant 0 : i32
      %add3A_35 = arith.addi %add3A_34, %mul3A_33 : i32
      %get3A_36 = arith.constant 0 : index
      %get3A_37 = tpu.vector_load %arg16[%get3A_36] {strides = array<i32>} : memref<16xf32, #tpu.memory_space<vmem>>, vector<16xf32>,
      %get3A_38 = arith.index_cast %add3A_35 : i32 to index
      %get3A_39 = arith.constant 0 : index
      %get3A_40 = tpu.vector_load %arg17[%get3A_38, %get3A_39] {strides = array<i32>} : memref<16x16xf32, #tpu.memory_space<vmem>>, vector<16xf32>,
      %max3A = arith.maximumf %get3A_37, %get3A_40 : vector<16xf32>
      %swap3A_41 = arith.constant 0 : index
      %swap3A_42 = tpu.vector_load %arg16[%swap3A_41] {strides = array<i32>} : memref<16xf32, #tpu.memory_space<vmem>>, vector<16xf32>,
      tpu.vector_store %arg16[%swap3A_41], %max3A {strides = array<i32>} : memref<16xf32, #tpu.memory_space<vmem>>, vector<16xf32>,
    }
    %scan3A_17 = arith.constant 16 : i32
    %eq3A = arith.constant 0 : i32
    %eq3A_18 = arith.cmpi eq, %arg1, %eq3A : i32
    %convert_element_type3A = arith.extui %eq3A_18 : i1 to i32
    %cond3A = arith.constant 0 : i32
    %cond3A_19 = arith.cmpi ne, %convert_element_type3A, %cond3A : i32
    scf.if %cond3A_19 {
      %run_scoped3A = arith.constant 0 : i32
      "tpu.region"() ({
        %run_scoped3A_31 = tpu.sem_alloc : memref<!tpu.dma_semaphore, #tpu.memory_space<semaphore_mem>>
        %dma_start3A = arith.constant 0 : i32
        %dma_start3A_32 = tpu.memref_slice %arg8[%arg0, %run_scoped3A, %dma_start3A] : memref<2x8x16xf32, #tpu.memory_space<hbm>> -> memref<1x1x16xf32, #tpu.memory_space<hbm>>
        %dma_start3A_33 = tpu.memref_squeeze %dma_start3A_32 : memref<1x1x16xf32, #tpu.memory_space<hbm>> -> memref<16xf32, #tpu.memory_space<hbm>>
        %dma_start3A_34 = arith.constant 0 : i32
        %dma_start3A_35 = tpu.memref_slice %arg8[%arg0, %run_scoped3A, %dma_start3A_34] : memref<2x8x16xf32, #tpu.memory_space<hbm>> -> memref<1x1x16xf32, #tpu.memory_space<hbm>>
        %dma_start3A_36 = tpu.memref_squeeze %dma_start3A_35 : memref<1x1x16xf32, #tpu.memory_space<hbm>> -> memref<16xf32, #tpu.memory_space<hbm>>
        tpu.enqueue_dma source(%arg16 : memref<16xf32, #tpu.memory_space<vmem>>) target(%dma_start3A_36 : memref<16xf32, #tpu.memory_space<hbm>>) target_semaphore(%run_scoped3A_31 : memref<!tpu.dma_semaphore, #tpu.memory_space<semaphore_mem>>)
        %dma_wait3A = arith.constant 0 : i32
        %dma_wait3A_37 = tpu.memref_slice %arg8[%arg0, %run_scoped3A, %dma_wait3A] : memref<2x8x16xf32, #tpu.memory_space<hbm>> -> memref<1x1x16xf32, #tpu.memory_space<hbm>>
        %dma_wait3A_38 = tpu.memref_squeeze %dma_wait3A_37 : memref<1x1x16xf32, #tpu.memory_space<hbm>> -> memref<16xf32, #tpu.memory_space<hbm>>
        %dma_wait3A_39 = arith.constant 0 : i32
        %dma_wait3A_40 = tpu.memref_slice %arg8[%arg0, %run_scoped3A, %dma_wait3A_39] : memref<2x8x16xf32, #tpu.memory_space<hbm>> -> memref<1x1x16xf32, #tpu.memory_space<hbm>>
        %dma_wait3A_41 = tpu.memref_squeeze %dma_wait3A_40 : memref<1x1x16xf32, #tpu.memory_space<hbm>> -> memref<16xf32, #tpu.memory_space<hbm>>
        tpu.wait_dma2 semaphore(%run_scoped3A_31 : memref<!tpu.dma_semaphore, #tpu.memory_space<semaphore_mem>>) src(%arg16 : memref<16xf32, #tpu.memory_space<vmem>>) dst(%dma_wait3A_41 : memref<16xf32, #tpu.memory_space<hbm>>)
        tpu.yield
      }) : () -> ()
    } else {
    }
    %get3A = arith.constant 0 : index
    %get3A_20 = tpu.vector_load %arg16[%get3A] {strides = array<i32>} : memref<16xf32, #tpu.memory_space<vmem>>, vector<16xf32>,
    %reduce_max3A = arith.constant true
    %reduce_max3A_21 = vector.broadcast %reduce_max3A : i1 to vector<16xi1>
    %reduce_max3A_22 = tpu.scan <max>, %get3A_20 masked %reduce_max3A_21 : vector<16xf32>, vector<16xi1> -> vector<16xf32>
    %reduce_max3A_23 = vector.extract %reduce_max3A_22[15] : f32 from vector<16xf32>
    %scan3A_24 = arith.constant 0 : i32
    %scan3A_25 = arith.constant 16 : i32
    %scan3A_26 = arith.addi %scan3A_24, %scan3A_25 : i32
    %scan3A_27 = arith.constant 1 : i32
    scf.for %scan3A_31 = %scan3A_24 to %scan3A_26 step %scan3A_27  : i32 {
      %mul3A_32 = arith.constant 1 : i32
      %mul3A_33 = arith.muli %scan3A_31, %mul3A_32 : i32
      %add3A_34 = arith.constant 0 : i32
      %add3A_35 = arith.addi %add3A_34, %mul3A_33 : i32
      %mul3A_36 = arith.constant 8 : i32
      %mul3A_37 = arith.muli %add3A_35, %mul3A_36 : i32
      "tpu.region"() ({
        %run_scoped3A = tpu.sem_alloc : memref<!tpu.dma_semaphore, #tpu.memory_space<semaphore_mem>>
        %dma_start3A = arith.constant 0 : i32
        %dma_start3A_48 = tpu.memref_slice %arg5[%add3A, %mul3A_37, %dma_start3A] : memref<32x128x80xi32, #tpu.memory_space<hbm>> -> memref<1x8x80xi32, #tpu.memory_space<hbm>>
        %dma_start3A_49 = tpu.memref_squeeze %dma_start3A_48 : memref<1x8x80xi32, #tpu.memory_space<hbm>> -> memref<8x80xi32, #tpu.memory_space<hbm>>
        %dma_start3A_50 = arith.constant 0 : i32
        %dma_start3A_51 = tpu.memref_slice %arg5[%add3A, %mul3A_37, %dma_start3A_50] : memref<32x128x80xi32, #tpu.memory_space<hbm>> -> memref<1x8x80xi32, #tpu.memory_space<hbm>>
        %dma_start3A_52 = tpu.memref_squeeze %dma_start3A_51 : memref<1x8x80xi32, #tpu.memory_space<hbm>> -> memref<8x80xi32, #tpu.memory_space<hbm>>
        tpu.enqueue_dma source(%dma_start3A_52 : memref<8x80xi32, #tpu.memory_space<hbm>>) target(%arg14 : memref<8x80xi32, #tpu.memory_space<vmem>>) target_semaphore(%run_scoped3A : memref<!tpu.dma_semaphore, #tpu.memory_space<semaphore_mem>>)
        %dma_wait3A = arith.constant 0 : i32
        %dma_wait3A_53 = tpu.memref_slice %arg5[%add3A, %mul3A_37, %dma_wait3A] : memref<32x128x80xi32, #tpu.memory_space<hbm>> -> memref<1x8x80xi32, #tpu.memory_space<hbm>>
        %dma_wait3A_54 = tpu.memref_squeeze %dma_wait3A_53 : memref<1x8x80xi32, #tpu.memory_space<hbm>> -> memref<8x80xi32, #tpu.memory_space<hbm>>
        %dma_wait3A_55 = arith.constant 0 : i32
        %dma_wait3A_56 = tpu.memref_slice %arg5[%add3A, %mul3A_37, %dma_wait3A_55] : memref<32x128x80xi32, #tpu.memory_space<hbm>> -> memref<1x8x80xi32, #tpu.memory_space<hbm>>
        %dma_wait3A_57 = tpu.memref_squeeze %dma_wait3A_56 : memref<1x8x80xi32, #tpu.memory_space<hbm>> -> memref<8x80xi32, #tpu.memory_space<hbm>>
        tpu.wait_dma2 semaphore(%run_scoped3A : memref<!tpu.dma_semaphore, #tpu.memory_space<semaphore_mem>>) src(%dma_wait3A_57 : memref<8x80xi32, #tpu.memory_space<hbm>>) dst(%arg14 : memref<8x80xi32, #tpu.memory_space<vmem>>)
        tpu.yield
      }) : () -> ()
      %scan3A_38 = arith.constant 0 : i32
      %scan3A_39 = arith.constant 8 : i32
      %scan3A_40 = arith.addi %scan3A_38, %scan3A_39 : i32
      %scan3A_41 = arith.constant 1 : i32
      scf.for %scan3A_48 = %scan3A_38 to %scan3A_40 step %scan3A_41  : i32 {
        %mul3A_49 = arith.constant 1 : i32
        %mul3A_50 = arith.muli %scan3A_48, %mul3A_49 : i32
        %add3A_51 = arith.constant 0 : i32
        %add3A_52 = arith.addi %add3A_51, %mul3A_50 : i32
        %parallel_loop3A = arith.constant 0 : i32
        %parallel_loop3A_53 = arith.constant 80 : i32
        %parallel_loop3A_54 = arith.constant 16 : i32
        scf.for %parallel_loop3A_55 = %parallel_loop3A to %parallel_loop3A_53 step %parallel_loop3A_54  : i32 {
          %parallel_loop3A_56 = arith.constant 640 : i32
          %parallel_loop3A_57 = arith.muli %add3A_35, %parallel_loop3A_56 : i32
          %parallel_loop3A_58 = arith.constant 80 : i32
          %parallel_loop3A_59 = arith.muli %add3A_52, %parallel_loop3A_58 : i32
          %parallel_loop3A_60 = arith.addi %parallel_loop3A_57, %parallel_loop3A_59 : i32
          %parallel_loop3A_61 = arith.addi %parallel_loop3A_60, %parallel_loop3A_55 : i32
          %parallel_loop3A_62 = arith.index_cast %parallel_loop3A_61 : i32 to index
          %parallel_loop3A_63 = tpu.vector_load %arg11[%parallel_loop3A_62] {strides = array<i32>} : memref<10240xf32, #tpu.memory_space<vmem>>, vector<16xf32>,
          %parallel_loop3A_64 = vector.broadcast %reduce_max3A_23 : f32 to vector<16xf32>
          %parallel_loop3A_65 = arith.subf %parallel_loop3A_63, %parallel_loop3A_64 : vector<16xf32>
          %parallel_loop3A_66 = math.exp %parallel_loop3A_65 : vector<16xf32>
          %parallel_loop3A_67 = arith.constant 80 : i32
          %parallel_loop3A_68 = arith.muli %add3A_52, %parallel_loop3A_67 : i32
          %parallel_loop3A_69 = arith.addi %parallel_loop3A_68, %parallel_loop3A_55 : i32
          %parallel_loop3A_70 = arith.index_cast %parallel_loop3A_69 : i32 to index
          %parallel_loop3A_71 = tpu.vector_load %arg15[%parallel_loop3A_70] {strides = array<i32>} : memref<640xf32, #tpu.memory_space<vmem>>, vector<16xf32>,
          tpu.vector_store %arg15[%parallel_loop3A_70], %parallel_loop3A_66 {strides = array<i32>} : memref<640xf32, #tpu.memory_space<vmem>>, vector<16xf32>,
          %parallel_loop3A_72 = arith.constant 0 : i32
          %parallel_loop3A_73 = tpu.memref_slice %arg14[%add3A_52, %parallel_loop3A_72] : memref<8x80xi32, #tpu.memory_space<vmem>> -> memref<1x80xi32, #tpu.memory_space<vmem>>
          %parallel_loop3A_74 = tpu.memref_squeeze %parallel_loop3A_73 : memref<1x80xi32, #tpu.memory_space<vmem>> -> memref<80xi32, #tpu.memory_space<vmem>>
          %parallel_loop3A_75 = arith.index_cast %parallel_loop3A_55 : i32 to index
          %parallel_loop3A_76 = tpu.vector_load %parallel_loop3A_74[%parallel_loop3A_75] {strides = array<i32>} : memref<80xi32, #tpu.memory_space<vmem>>, vector<16xi32>,
          tpu.vector_store_idx %arg12[%parallel_loop3A_76], %parallel_loop3A_66 {add = true} : memref<10240xf32, #tpu.memory_space<vmem>>[vector<16xi32>], vector<16xf32>,
        } {sc.loop_unroll_factor = 4 : i64, sc.parallel_access}
      }
      %scan3A_42 = arith.constant 8 : i32
      %mul3A_43 = arith.constant 10240 : i32
      %mul3A_44 = arith.muli %add3A, %mul3A_43 : i32
      %mul3A_45 = arith.constant 640 : i32
      %mul3A_46 = arith.muli %add3A_35, %mul3A_45 : i32
      %add3A_47 = arith.addi %mul3A_44, %mul3A_46 : i32
      "tpu.region"() ({
        %run_scoped3A = tpu.sem_alloc : memref<!tpu.dma_semaphore, #tpu.memory_space<semaphore_mem>>
        %dma_start3A = tpu.memref_slice %arg6[%add3A_47] : memref<327680xf32, #tpu.memory_space<hbm>> -> memref<640xf32, #tpu.memory_space<hbm>>
        %dma_start3A_48 = tpu.memref_slice %arg6[%add3A_47] : memref<327680xf32, #tpu.memory_space<hbm>> -> memref<640xf32, #tpu.memory_space<hbm>>
        tpu.enqueue_dma source(%arg15 : memref<640xf32, #tpu.memory_space<vmem>>) target(%dma_start3A_48 : memref<640xf32, #tpu.memory_space<hbm>>) target_semaphore(%run_scoped3A : memref<!tpu.dma_semaphore, #tpu.memory_space<semaphore_mem>>)
        %dma_wait3A = tpu.memref_slice %arg6[%add3A_47] : memref<327680xf32, #tpu.memory_space<hbm>> -> memref<640xf32, #tpu.memory_space<hbm>>
        %dma_wait3A_49 = tpu.memref_slice %arg6[%add3A_47] : memref<327680xf32, #tpu.memory_space<hbm>> -> memref<640xf32, #tpu.memory_space<hbm>>
        tpu.wait_dma2 semaphore(%run_scoped3A : memref<!tpu.dma_semaphore, #tpu.memory_space<semaphore_mem>>) src(%arg15 : memref<640xf32, #tpu.memory_space<vmem>>) dst(%dma_wait3A_49 : memref<640xf32, #tpu.memory_space<hbm>>)
        tpu.yield
      }) : () -> ()
    }
    %scan3A_28 = arith.constant 16 : i32
    %mul3A_29 = arith.constant 10240 : i32
    %mul3A_30 = arith.muli %add3A, %mul3A_29 : i32
    "tpu.region"() ({
      %run_scoped3A = tpu.sem_alloc : memref<!tpu.dma_semaphore, #tpu.memory_space<semaphore_mem>>
      %dma_start3A = tpu.memref_slice %arg7[%mul3A_30] : memref<327680xf32, #tpu.memory_space<hbm>> -> memref<10240xf32, #tpu.memory_space<hbm>>
      %dma_start3A_31 = tpu.memref_slice %arg7[%mul3A_30] : memref<327680xf32, #tpu.memory_space<hbm>> -> memref<10240xf32, #tpu.memory_space<hbm>>
      tpu.enqueue_dma source(%arg12 : memref<10240xf32, #tpu.memory_space<vmem>>) target(%dma_start3A_31 : memref<10240xf32, #tpu.memory_space<hbm>>) target_semaphore(%run_scoped3A : memref<!tpu.dma_semaphore, #tpu.memory_space<semaphore_mem>>)
      %dma_wait3A = tpu.memref_slice %arg7[%mul3A_30] : memref<327680xf32, #tpu.memory_space<hbm>> -> memref<10240xf32, #tpu.memory_space<hbm>>
      %dma_wait3A_32 = tpu.memref_slice %arg7[%mul3A_30] : memref<327680xf32, #tpu.memory_space<hbm>> -> memref<10240xf32, #tpu.memory_space<hbm>>
      tpu.wait_dma2 semaphore(%run_scoped3A : memref<!tpu.dma_semaphore, #tpu.memory_space<semaphore_mem>>) src(%arg12 : memref<10240xf32, #tpu.memory_space<vmem>>) dst(%dma_wait3A_32 : memref<10240xf32, #tpu.memory_space<hbm>>)
      tpu.yield
    }) : () -> ()
    return
  }
}

#map = affine_map<(d0, d1) -> (0, 0)>
#map1 = affine_map<(d0, d1) -> (0, 0, 0)>
#map2 = affine_map<(d0, d1) -> (0)>
module attributes {stable_mosaic.version = 14 : i64} {
  func.func @_scb_body(%arg0: i32, %arg1: i32, %arg2: memref<10240x128xf32, #tpu.memory_space<hbm>>, %arg3: memref<32x128x80xi32, #tpu.memory_space<hbm>>, %arg4: memref<32x128x80xi32, #tpu.memory_space<hbm>>, %arg5: memref<327680xf32, #tpu.memory_space<hbm>>, %arg6: memref<640x128xf32, #tpu.memory_space<hbm>>, %arg7: memref<2x10240x128xf32, #tpu.memory_space<hbm>>, %arg8: memref<8x80xi32, #tpu.memory_space<vmem>>, %arg9: memref<8x80xi32, #tpu.memory_space<vmem>>, %arg10: memref<640xf32, #tpu.memory_space<vmem>>, %arg11: memref<80x128xf32, #tpu.memory_space<vmem>>, %arg12: memref<80x128xf32, #tpu.memory_space<vmem>>, %arg13: memref<80x128xf32, #tpu.memory_space<vmem>>, %arg14: memref<80x128xf32, #tpu.memory_space<vmem>>, %arg15: memref<10240x128xf32, #tpu.memory_space<vmem_shared>>, %arg16: memref<!tpu.dma_semaphore, #tpu.memory_space<semaphore_mem>>, %arg17: memref<!tpu.dma_semaphore, #tpu.memory_space<semaphore_mem>>, %arg18: memref<!tpu.dma_semaphore, #tpu.memory_space<semaphore_mem>>, %arg19: memref<!tpu.dma_semaphore, #tpu.memory_space<semaphore_mem>>, %arg20: memref<!tpu.dma_semaphore, #tpu.memory_space<semaphore_mem>>, %arg21: memref<!tpu.dma_semaphore, #tpu.memory_space<semaphore_mem>>, %arg22: memref<!tpu.dma_semaphore, #tpu.memory_space<semaphore_mem>>, %arg23: memref<!tpu.dma_semaphore, #tpu.memory_space<semaphore_mem>>) attributes {dimension_semantics = [#tpu.dimension_semantics<core_parallel>, #tpu.dimension_semantics<subcore_parallel>], iteration_bounds = array<i64: 2, 16>, scalar_prefetch = 0 : i64, scratch_operands = 16 : i64, tpu.core_type = #tpu.core_type<sc_vector_subcore>, window_params = [{transform_indices = #map}, {transform_indices = #map1}, {transform_indices = #map1}, {transform_indices = #map2}, {transform_indices = #map}, {transform_indices = #map1}]} {
    %mul3A = arith.constant 16 : i32
    %mul3A_0 = arith.muli %arg0, %mul3A : i32
    %add3A = arith.addi %mul3A_0, %arg1 : i32
    %mul3A_1 = arith.constant 640 : i32
    %mul3A_2 = arith.muli %arg1, %mul3A_1 : i32
    "tpu.region"() ({
      %run_scoped3A = tpu.sem_alloc : memref<!tpu.dma_semaphore, #tpu.memory_space<semaphore_mem>>
      %dma_start3A = arith.constant 0 : i32
      %dma_start3A_8 = tpu.memref_slice %arg15[%mul3A_2, %dma_start3A] : memref<10240x128xf32, #tpu.memory_space<vmem_shared>> -> memref<640x128xf32, #tpu.memory_space<vmem_shared>>
      tpu.enqueue_dma source(%arg6 : memref<640x128xf32, #tpu.memory_space<hbm>>) target(%dma_start3A_8 : memref<640x128xf32, #tpu.memory_space<vmem_shared>>) target_semaphore(%run_scoped3A : memref<!tpu.dma_semaphore, #tpu.memory_space<semaphore_mem>>)
      %dma_wait3A = arith.constant 0 : i32
      %dma_wait3A_9 = tpu.memref_slice %arg15[%mul3A_2, %dma_wait3A] : memref<10240x128xf32, #tpu.memory_space<vmem_shared>> -> memref<640x128xf32, #tpu.memory_space<vmem_shared>>
      tpu.wait_dma2 semaphore(%run_scoped3A : memref<!tpu.dma_semaphore, #tpu.memory_space<semaphore_mem>>) src(%arg6 : memref<640x128xf32, #tpu.memory_space<hbm>>) dst(%dma_wait3A_9 : memref<640x128xf32, #tpu.memory_space<vmem_shared>>)
      tpu.yield
    }) : () -> ()
    %barrier3A = arith.constant 0 : index
    tpu.barrier barrier_id(%barrier3A)
    %scan3A = arith.constant 0 : i32
    %scan3A_3 = arith.constant 16 : i32
    %scan3A_4 = arith.addi %scan3A, %scan3A_3 : i32
    %scan3A_5 = arith.constant 1 : i32
    scf.for %scan3A_8 = %scan3A to %scan3A_4 step %scan3A_5  : i32 {
      %mul3A_9 = arith.constant 1 : i32
      %mul3A_10 = arith.muli %scan3A_8, %mul3A_9 : i32
      %add3A_11 = arith.constant 0 : i32
      %add3A_12 = arith.addi %add3A_11, %mul3A_10 : i32
      %mul3A_13 = arith.constant 8 : i32
      %mul3A_14 = arith.muli %add3A_12, %mul3A_13 : i32
      "tpu.region"() ({
        %run_scoped3A = tpu.sem_alloc : memref<!tpu.dma_semaphore, #tpu.memory_space<semaphore_mem>>
        %dma_start3A_267 = arith.constant 0 : i32
        %dma_start3A_268 = tpu.memref_slice %arg3[%add3A, %mul3A_14, %dma_start3A_267] : memref<32x128x80xi32, #tpu.memory_space<hbm>> -> memref<1x8x80xi32, #tpu.memory_space<hbm>>
        %dma_start3A_269 = tpu.memref_squeeze %dma_start3A_268 : memref<1x8x80xi32, #tpu.memory_space<hbm>> -> memref<8x80xi32, #tpu.memory_space<hbm>>
        %dma_start3A_270 = arith.constant 0 : i32
        %dma_start3A_271 = tpu.memref_slice %arg3[%add3A, %mul3A_14, %dma_start3A_270] : memref<32x128x80xi32, #tpu.memory_space<hbm>> -> memref<1x8x80xi32, #tpu.memory_space<hbm>>
        %dma_start3A_272 = tpu.memref_squeeze %dma_start3A_271 : memref<1x8x80xi32, #tpu.memory_space<hbm>> -> memref<8x80xi32, #tpu.memory_space<hbm>>
        tpu.enqueue_dma source(%dma_start3A_272 : memref<8x80xi32, #tpu.memory_space<hbm>>) target(%arg8 : memref<8x80xi32, #tpu.memory_space<vmem>>) target_semaphore(%run_scoped3A : memref<!tpu.dma_semaphore, #tpu.memory_space<semaphore_mem>>)
        %dma_wait3A_273 = arith.constant 0 : i32
        %dma_wait3A_274 = tpu.memref_slice %arg3[%add3A, %mul3A_14, %dma_wait3A_273] : memref<32x128x80xi32, #tpu.memory_space<hbm>> -> memref<1x8x80xi32, #tpu.memory_space<hbm>>
        %dma_wait3A_275 = tpu.memref_squeeze %dma_wait3A_274 : memref<1x8x80xi32, #tpu.memory_space<hbm>> -> memref<8x80xi32, #tpu.memory_space<hbm>>
        %dma_wait3A_276 = arith.constant 0 : i32
        %dma_wait3A_277 = tpu.memref_slice %arg3[%add3A, %mul3A_14, %dma_wait3A_276] : memref<32x128x80xi32, #tpu.memory_space<hbm>> -> memref<1x8x80xi32, #tpu.memory_space<hbm>>
        %dma_wait3A_278 = tpu.memref_squeeze %dma_wait3A_277 : memref<1x8x80xi32, #tpu.memory_space<hbm>> -> memref<8x80xi32, #tpu.memory_space<hbm>>
        tpu.wait_dma2 semaphore(%run_scoped3A : memref<!tpu.dma_semaphore, #tpu.memory_space<semaphore_mem>>) src(%dma_wait3A_278 : memref<8x80xi32, #tpu.memory_space<hbm>>) dst(%arg8 : memref<8x80xi32, #tpu.memory_space<vmem>>)
        tpu.yield
      }) : () -> ()
      %mul3A_15 = arith.constant 8 : i32
      %mul3A_16 = arith.muli %add3A_12, %mul3A_15 : i32
      "tpu.region"() ({
        %run_scoped3A = tpu.sem_alloc : memref<!tpu.dma_semaphore, #tpu.memory_space<semaphore_mem>>
        %dma_start3A_267 = arith.constant 0 : i32
        %dma_start3A_268 = tpu.memref_slice %arg4[%add3A, %mul3A_16, %dma_start3A_267] : memref<32x128x80xi32, #tpu.memory_space<hbm>> -> memref<1x8x80xi32, #tpu.memory_space<hbm>>
        %dma_start3A_269 = tpu.memref_squeeze %dma_start3A_268 : memref<1x8x80xi32, #tpu.memory_space<hbm>> -> memref<8x80xi32, #tpu.memory_space<hbm>>
        %dma_start3A_270 = arith.constant 0 : i32
        %dma_start3A_271 = tpu.memref_slice %arg4[%add3A, %mul3A_16, %dma_start3A_270] : memref<32x128x80xi32, #tpu.memory_space<hbm>> -> memref<1x8x80xi32, #tpu.memory_space<hbm>>
        %dma_start3A_272 = tpu.memref_squeeze %dma_start3A_271 : memref<1x8x80xi32, #tpu.memory_space<hbm>> -> memref<8x80xi32, #tpu.memory_space<hbm>>
        tpu.enqueue_dma source(%dma_start3A_272 : memref<8x80xi32, #tpu.memory_space<hbm>>) target(%arg9 : memref<8x80xi32, #tpu.memory_space<vmem>>) target_semaphore(%run_scoped3A : memref<!tpu.dma_semaphore, #tpu.memory_space<semaphore_mem>>)
        %dma_wait3A_273 = arith.constant 0 : i32
        %dma_wait3A_274 = tpu.memref_slice %arg4[%add3A, %mul3A_16, %dma_wait3A_273] : memref<32x128x80xi32, #tpu.memory_space<hbm>> -> memref<1x8x80xi32, #tpu.memory_space<hbm>>
        %dma_wait3A_275 = tpu.memref_squeeze %dma_wait3A_274 : memref<1x8x80xi32, #tpu.memory_space<hbm>> -> memref<8x80xi32, #tpu.memory_space<hbm>>
        %dma_wait3A_276 = arith.constant 0 : i32
        %dma_wait3A_277 = tpu.memref_slice %arg4[%add3A, %mul3A_16, %dma_wait3A_276] : memref<32x128x80xi32, #tpu.memory_space<hbm>> -> memref<1x8x80xi32, #tpu.memory_space<hbm>>
        %dma_wait3A_278 = tpu.memref_squeeze %dma_wait3A_277 : memref<1x8x80xi32, #tpu.memory_space<hbm>> -> memref<8x80xi32, #tpu.memory_space<hbm>>
        tpu.wait_dma2 semaphore(%run_scoped3A : memref<!tpu.dma_semaphore, #tpu.memory_space<semaphore_mem>>) src(%dma_wait3A_278 : memref<8x80xi32, #tpu.memory_space<hbm>>) dst(%arg9 : memref<8x80xi32, #tpu.memory_space<vmem>>)
        tpu.yield
      }) : () -> ()
      %mul3A_17 = arith.constant 10240 : i32
      %mul3A_18 = arith.muli %add3A, %mul3A_17 : i32
      %mul3A_19 = arith.constant 640 : i32
      %mul3A_20 = arith.muli %add3A_12, %mul3A_19 : i32
      %add3A_21 = arith.addi %mul3A_18, %mul3A_20 : i32
      "tpu.region"() ({
        %run_scoped3A = tpu.sem_alloc : memref<!tpu.dma_semaphore, #tpu.memory_space<semaphore_mem>>
        %dma_start3A_267 = tpu.memref_slice %arg5[%add3A_21] : memref<327680xf32, #tpu.memory_space<hbm>> -> memref<640xf32, #tpu.memory_space<hbm>>
        %dma_start3A_268 = tpu.memref_slice %arg5[%add3A_21] : memref<327680xf32, #tpu.memory_space<hbm>> -> memref<640xf32, #tpu.memory_space<hbm>>
        tpu.enqueue_dma source(%dma_start3A_268 : memref<640xf32, #tpu.memory_space<hbm>>) target(%arg10 : memref<640xf32, #tpu.memory_space<vmem>>) target_semaphore(%run_scoped3A : memref<!tpu.dma_semaphore, #tpu.memory_space<semaphore_mem>>)
        %dma_wait3A_269 = tpu.memref_slice %arg5[%add3A_21] : memref<327680xf32, #tpu.memory_space<hbm>> -> memref<640xf32, #tpu.memory_space<hbm>>
        %dma_wait3A_270 = tpu.memref_slice %arg5[%add3A_21] : memref<327680xf32, #tpu.memory_space<hbm>> -> memref<640xf32, #tpu.memory_space<hbm>>
        tpu.wait_dma2 semaphore(%run_scoped3A : memref<!tpu.dma_semaphore, #tpu.memory_space<semaphore_mem>>) src(%dma_wait3A_270 : memref<640xf32, #tpu.memory_space<hbm>>) dst(%arg10 : memref<640xf32, #tpu.memory_space<vmem>>)
        tpu.yield
      }) : () -> ()
      %dma_start3A = arith.constant 0 : i32
      %dma_start3A_22 = arith.constant 0 : i32
      %dma_start3A_23 = tpu.memref_slice %arg8[%dma_start3A, %dma_start3A_22] : memref<8x80xi32, #tpu.memory_space<vmem>> -> memref<1x80xi32, #tpu.memory_space<vmem>>
      %dma_start3A_24 = tpu.memref_squeeze %dma_start3A_23 : memref<1x80xi32, #tpu.memory_space<vmem>> -> memref<80xi32, #tpu.memory_space<vmem>>
      %dma_start3A_25 = arith.constant 0 : i32
      %dma_start3A_26 = arith.constant 0 : i32
      %dma_start3A_27 = tpu.memref_slice %arg2[%dma_start3A_25, %dma_start3A_26] : memref<10240x128xf32, #tpu.memory_space<hbm>> -> memref<10240x128xf32, #tpu.memory_space<hbm>>
      tpu.enqueue_indirect_dma source(%dma_start3A_27 : memref<10240x128xf32, #tpu.memory_space<hbm>>) target(%arg11 : memref<80x128xf32, #tpu.memory_space<vmem>>) offsets(%dma_start3A_24 : memref<80xi32, #tpu.memory_space<vmem>>) semaphore(%arg16 : memref<!tpu.dma_semaphore, #tpu.memory_space<semaphore_mem>>)
      %dma_start3A_28 = arith.constant 1 : i32
      %dma_start3A_29 = arith.constant 0 : i32
      %dma_start3A_30 = tpu.memref_slice %arg8[%dma_start3A_28, %dma_start3A_29] : memref<8x80xi32, #tpu.memory_space<vmem>> -> memref<1x80xi32, #tpu.memory_space<vmem>>
      %dma_start3A_31 = tpu.memref_squeeze %dma_start3A_30 : memref<1x80xi32, #tpu.memory_space<vmem>> -> memref<80xi32, #tpu.memory_space<vmem>>
      %dma_start3A_32 = arith.constant 0 : i32
      %dma_start3A_33 = arith.constant 0 : i32
      %dma_start3A_34 = tpu.memref_slice %arg2[%dma_start3A_32, %dma_start3A_33] : memref<10240x128xf32, #tpu.memory_space<hbm>> -> memref<10240x128xf32, #tpu.memory_space<hbm>>
      tpu.enqueue_indirect_dma source(%dma_start3A_34 : memref<10240x128xf32, #tpu.memory_space<hbm>>) target(%arg12 : memref<80x128xf32, #tpu.memory_space<vmem>>) offsets(%dma_start3A_31 : memref<80xi32, #tpu.memory_space<vmem>>) semaphore(%arg17 : memref<!tpu.dma_semaphore, #tpu.memory_space<semaphore_mem>>)
      %dma_start3A_35 = arith.constant 2 : i32
      %dma_start3A_36 = arith.constant 0 : i32
      %dma_start3A_37 = tpu.memref_slice %arg8[%dma_start3A_35, %dma_start3A_36] : memref<8x80xi32, #tpu.memory_space<vmem>> -> memref<1x80xi32, #tpu.memory_space<vmem>>
      %dma_start3A_38 = tpu.memref_squeeze %dma_start3A_37 : memref<1x80xi32, #tpu.memory_space<vmem>> -> memref<80xi32, #tpu.memory_space<vmem>>
      %dma_start3A_39 = arith.constant 0 : i32
      %dma_start3A_40 = arith.constant 0 : i32
      %dma_start3A_41 = tpu.memref_slice %arg2[%dma_start3A_39, %dma_start3A_40] : memref<10240x128xf32, #tpu.memory_space<hbm>> -> memref<10240x128xf32, #tpu.memory_space<hbm>>
      tpu.enqueue_indirect_dma source(%dma_start3A_41 : memref<10240x128xf32, #tpu.memory_space<hbm>>) target(%arg13 : memref<80x128xf32, #tpu.memory_space<vmem>>) offsets(%dma_start3A_38 : memref<80xi32, #tpu.memory_space<vmem>>) semaphore(%arg18 : memref<!tpu.dma_semaphore, #tpu.memory_space<semaphore_mem>>)
      %dma_wait3A = arith.constant 0 : i32
      %dma_wait3A_42 = arith.constant 0 : i32
      %dma_wait3A_43 = tpu.memref_slice %arg8[%dma_wait3A, %dma_wait3A_42] : memref<8x80xi32, #tpu.memory_space<vmem>> -> memref<1x80xi32, #tpu.memory_space<vmem>>
      %dma_wait3A_44 = tpu.memref_squeeze %dma_wait3A_43 : memref<1x80xi32, #tpu.memory_space<vmem>> -> memref<80xi32, #tpu.memory_space<vmem>>
      %dma_wait3A_45 = arith.constant 0 : i32
      %dma_wait3A_46 = arith.constant 0 : i32
      %dma_wait3A_47 = tpu.memref_slice %arg2[%dma_wait3A_45, %dma_wait3A_46] : memref<10240x128xf32, #tpu.memory_space<hbm>> -> memref<10240x128xf32, #tpu.memory_space<hbm>>
      tpu.wait_indirect_dma semaphore(%arg16 : memref<!tpu.dma_semaphore, #tpu.memory_space<semaphore_mem>>) src(%dma_wait3A_47 : memref<10240x128xf32, #tpu.memory_space<hbm>>) dst(%arg11 : memref<80x128xf32, #tpu.memory_space<vmem>>)
      %parallel_loop3A = arith.constant 0 : i32
      %parallel_loop3A_48 = arith.constant 80 : i32
      %parallel_loop3A_49 = arith.constant 1 : i32
      scf.for %parallel_loop3A_267 = %parallel_loop3A to %parallel_loop3A_48 step %parallel_loop3A_49  : i32 {
        %parallel_loop3A_268 = arith.constant 0 : i32
        %parallel_loop3A_269 = vector.broadcast %parallel_loop3A_268 : i32 to vector<16xi32>
        %parallel_loop3A_270 = arith.constant 0 : i32
        %parallel_loop3A_271 = arith.addi %parallel_loop3A_270, %parallel_loop3A_267 : i32
        %parallel_loop3A_272 = vector.broadcast %parallel_loop3A_271 : i32 to vector<16xi32>
        %parallel_loop3A_273 = arith.addi %parallel_loop3A_269, %parallel_loop3A_272 : vector<16xi32>
        %parallel_loop3A_274 = tpu.vector_load_idx %arg10[%parallel_loop3A_273] : memref<640xf32, #tpu.memory_space<vmem>>[vector<16xi32>], vector<16xf32>,
        %parallel_loop3A_275 = arith.constant 0 : i32
        %parallel_loop3A_276 = tpu.memref_slice %arg11[%parallel_loop3A_267, %parallel_loop3A_275] : memref<80x128xf32, #tpu.memory_space<vmem>> -> memref<1x128xf32, #tpu.memory_space<vmem>>
        %parallel_loop3A_277 = tpu.memref_squeeze %parallel_loop3A_276 : memref<1x128xf32, #tpu.memory_space<vmem>> -> memref<128xf32, #tpu.memory_space<vmem>>
        %parallel_loop3A_278 = arith.constant 0 : index
        %parallel_loop3A_279 = tpu.vector_load %parallel_loop3A_277[%parallel_loop3A_278] {strides = array<i32>} : memref<128xf32, #tpu.memory_space<vmem>>, vector<16xf32>,
        %parallel_loop3A_280 = arith.mulf %parallel_loop3A_279, %parallel_loop3A_274 : vector<16xf32>
        %parallel_loop3A_281 = arith.constant 0 : i32
        %parallel_loop3A_282 = tpu.memref_slice %arg11[%parallel_loop3A_267, %parallel_loop3A_281] : memref<80x128xf32, #tpu.memory_space<vmem>> -> memref<1x128xf32, #tpu.memory_space<vmem>>
        %parallel_loop3A_283 = tpu.memref_squeeze %parallel_loop3A_282 : memref<1x128xf32, #tpu.memory_space<vmem>> -> memref<128xf32, #tpu.memory_space<vmem>>
        %parallel_loop3A_284 = arith.constant 0 : index
        %parallel_loop3A_285 = tpu.vector_load %parallel_loop3A_283[%parallel_loop3A_284] {strides = array<i32>} : memref<128xf32, #tpu.memory_space<vmem>>, vector<16xf32>,
        tpu.vector_store %parallel_loop3A_283[%parallel_loop3A_284], %parallel_loop3A_280 {strides = array<i32>} : memref<128xf32, #tpu.memory_space<vmem>>, vector<16xf32>,
        %parallel_loop3A_286 = arith.constant 0 : i32
        %parallel_loop3A_287 = tpu.memref_slice %arg11[%parallel_loop3A_267, %parallel_loop3A_286] : memref<80x128xf32, #tpu.memory_space<vmem>> -> memref<1x128xf32, #tpu.memory_space<vmem>>
        %parallel_loop3A_288 = tpu.memref_squeeze %parallel_loop3A_287 : memref<1x128xf32, #tpu.memory_space<vmem>> -> memref<128xf32, #tpu.memory_space<vmem>>
        %parallel_loop3A_289 = arith.constant 16 : index
        %parallel_loop3A_290 = tpu.vector_load %parallel_loop3A_288[%parallel_loop3A_289] {strides = array<i32>} : memref<128xf32, #tpu.memory_space<vmem>>, vector<16xf32>,
        %parallel_loop3A_291 = arith.mulf %parallel_loop3A_290, %parallel_loop3A_274 : vector<16xf32>
        %parallel_loop3A_292 = arith.constant 0 : i32
        %parallel_loop3A_293 = tpu.memref_slice %arg11[%parallel_loop3A_267, %parallel_loop3A_292] : memref<80x128xf32, #tpu.memory_space<vmem>> -> memref<1x128xf32, #tpu.memory_space<vmem>>
        %parallel_loop3A_294 = tpu.memref_squeeze %parallel_loop3A_293 : memref<1x128xf32, #tpu.memory_space<vmem>> -> memref<128xf32, #tpu.memory_space<vmem>>
        %parallel_loop3A_295 = arith.constant 16 : index
        %parallel_loop3A_296 = tpu.vector_load %parallel_loop3A_294[%parallel_loop3A_295] {strides = array<i32>} : memref<128xf32, #tpu.memory_space<vmem>>, vector<16xf32>,
        tpu.vector_store %parallel_loop3A_294[%parallel_loop3A_295], %parallel_loop3A_291 {strides = array<i32>} : memref<128xf32, #tpu.memory_space<vmem>>, vector<16xf32>,
        %parallel_loop3A_297 = arith.constant 0 : i32
        %parallel_loop3A_298 = tpu.memref_slice %arg11[%parallel_loop3A_267, %parallel_loop3A_297] : memref<80x128xf32, #tpu.memory_space<vmem>> -> memref<1x128xf32, #tpu.memory_space<vmem>>
        %parallel_loop3A_299 = tpu.memref_squeeze %parallel_loop3A_298 : memref<1x128xf32, #tpu.memory_space<vmem>> -> memref<128xf32, #tpu.memory_space<vmem>>
        %parallel_loop3A_300 = arith.constant 32 : index
        %parallel_loop3A_301 = tpu.vector_load %parallel_loop3A_299[%parallel_loop3A_300] {strides = array<i32>} : memref<128xf32, #tpu.memory_space<vmem>>, vector<16xf32>,
        %parallel_loop3A_302 = arith.mulf %parallel_loop3A_301, %parallel_loop3A_274 : vector<16xf32>
        %parallel_loop3A_303 = arith.constant 0 : i32
        %parallel_loop3A_304 = tpu.memref_slice %arg11[%parallel_loop3A_267, %parallel_loop3A_303] : memref<80x128xf32, #tpu.memory_space<vmem>> -> memref<1x128xf32, #tpu.memory_space<vmem>>
        %parallel_loop3A_305 = tpu.memref_squeeze %parallel_loop3A_304 : memref<1x128xf32, #tpu.memory_space<vmem>> -> memref<128xf32, #tpu.memory_space<vmem>>
        %parallel_loop3A_306 = arith.constant 32 : index
        %parallel_loop3A_307 = tpu.vector_load %parallel_loop3A_305[%parallel_loop3A_306] {strides = array<i32>} : memref<128xf32, #tpu.memory_space<vmem>>, vector<16xf32>,
        tpu.vector_store %parallel_loop3A_305[%parallel_loop3A_306], %parallel_loop3A_302 {strides = array<i32>} : memref<128xf32, #tpu.memory_space<vmem>>, vector<16xf32>,
        %parallel_loop3A_308 = arith.constant 0 : i32
        %parallel_loop3A_309 = tpu.memref_slice %arg11[%parallel_loop3A_267, %parallel_loop3A_308] : memref<80x128xf32, #tpu.memory_space<vmem>> -> memref<1x128xf32, #tpu.memory_space<vmem>>
        %parallel_loop3A_310 = tpu.memref_squeeze %parallel_loop3A_309 : memref<1x128xf32, #tpu.memory_space<vmem>> -> memref<128xf32, #tpu.memory_space<vmem>>
        %parallel_loop3A_311 = arith.constant 48 : index
        %parallel_loop3A_312 = tpu.vector_load %parallel_loop3A_310[%parallel_loop3A_311] {strides = array<i32>} : memref<128xf32, #tpu.memory_space<vmem>>, vector<16xf32>,
        %parallel_loop3A_313 = arith.mulf %parallel_loop3A_312, %parallel_loop3A_274 : vector<16xf32>
        %parallel_loop3A_314 = arith.constant 0 : i32
        %parallel_loop3A_315 = tpu.memref_slice %arg11[%parallel_loop3A_267, %parallel_loop3A_314] : memref<80x128xf32, #tpu.memory_space<vmem>> -> memref<1x128xf32, #tpu.memory_space<vmem>>
        %parallel_loop3A_316 = tpu.memref_squeeze %parallel_loop3A_315 : memref<1x128xf32, #tpu.memory_space<vmem>> -> memref<128xf32, #tpu.memory_space<vmem>>
        %parallel_loop3A_317 = arith.constant 48 : index
        %parallel_loop3A_318 = tpu.vector_load %parallel_loop3A_316[%parallel_loop3A_317] {strides = array<i32>} : memref<128xf32, #tpu.memory_space<vmem>>, vector<16xf32>,
        tpu.vector_store %parallel_loop3A_316[%parallel_loop3A_317], %parallel_loop3A_313 {strides = array<i32>} : memref<128xf32, #tpu.memory_space<vmem>>, vector<16xf32>,
        %parallel_loop3A_319 = arith.constant 0 : i32
        %parallel_loop3A_320 = tpu.memref_slice %arg11[%parallel_loop3A_267, %parallel_loop3A_319] : memref<80x128xf32, #tpu.memory_space<vmem>> -> memref<1x128xf32, #tpu.memory_space<vmem>>
        %parallel_loop3A_321 = tpu.memref_squeeze %parallel_loop3A_320 : memref<1x128xf32, #tpu.memory_space<vmem>> -> memref<128xf32, #tpu.memory_space<vmem>>
        %parallel_loop3A_322 = arith.constant 64 : index
        %parallel_loop3A_323 = tpu.vector_load %parallel_loop3A_321[%parallel_loop3A_322] {strides = array<i32>} : memref<128xf32, #tpu.memory_space<vmem>>, vector<16xf32>,
        %parallel_loop3A_324 = arith.mulf %parallel_loop3A_323, %parallel_loop3A_274 : vector<16xf32>
        %parallel_loop3A_325 = arith.constant 0 : i32
        %parallel_loop3A_326 = tpu.memref_slice %arg11[%parallel_loop3A_267, %parallel_loop3A_325] : memref<80x128xf32, #tpu.memory_space<vmem>> -> memref<1x128xf32, #tpu.memory_space<vmem>>
        %parallel_loop3A_327 = tpu.memref_squeeze %parallel_loop3A_326 : memref<1x128xf32, #tpu.memory_space<vmem>> -> memref<128xf32, #tpu.memory_space<vmem>>
        %parallel_loop3A_328 = arith.constant 64 : index
        %parallel_loop3A_329 = tpu.vector_load %parallel_loop3A_327[%parallel_loop3A_328] {strides = array<i32>} : memref<128xf32, #tpu.memory_space<vmem>>, vector<16xf32>,
        tpu.vector_store %parallel_loop3A_327[%parallel_loop3A_328], %parallel_loop3A_324 {strides = array<i32>} : memref<128xf32, #tpu.memory_space<vmem>>, vector<16xf32>,
        %parallel_loop3A_330 = arith.constant 0 : i32
        %parallel_loop3A_331 = tpu.memref_slice %arg11[%parallel_loop3A_267, %parallel_loop3A_330] : memref<80x128xf32, #tpu.memory_space<vmem>> -> memref<1x128xf32, #tpu.memory_space<vmem>>
        %parallel_loop3A_332 = tpu.memref_squeeze %parallel_loop3A_331 : memref<1x128xf32, #tpu.memory_space<vmem>> -> memref<128xf32, #tpu.memory_space<vmem>>
        %parallel_loop3A_333 = arith.constant 80 : index
        %parallel_loop3A_334 = tpu.vector_load %parallel_loop3A_332[%parallel_loop3A_333] {strides = array<i32>} : memref<128xf32, #tpu.memory_space<vmem>>, vector<16xf32>,
        %parallel_loop3A_335 = arith.mulf %parallel_loop3A_334, %parallel_loop3A_274 : vector<16xf32>
        %parallel_loop3A_336 = arith.constant 0 : i32
        %parallel_loop3A_337 = tpu.memref_slice %arg11[%parallel_loop3A_267, %parallel_loop3A_336] : memref<80x128xf32, #tpu.memory_space<vmem>> -> memref<1x128xf32, #tpu.memory_space<vmem>>
        %parallel_loop3A_338 = tpu.memref_squeeze %parallel_loop3A_337 : memref<1x128xf32, #tpu.memory_space<vmem>> -> memref<128xf32, #tpu.memory_space<vmem>>
        %parallel_loop3A_339 = arith.constant 80 : index
        %parallel_loop3A_340 = tpu.vector_load %parallel_loop3A_338[%parallel_loop3A_339] {strides = array<i32>} : memref<128xf32, #tpu.memory_space<vmem>>, vector<16xf32>,
        tpu.vector_store %parallel_loop3A_338[%parallel_loop3A_339], %parallel_loop3A_335 {strides = array<i32>} : memref<128xf32, #tpu.memory_space<vmem>>, vector<16xf32>,
        %parallel_loop3A_341 = arith.constant 0 : i32
        %parallel_loop3A_342 = tpu.memref_slice %arg11[%parallel_loop3A_267, %parallel_loop3A_341] : memref<80x128xf32, #tpu.memory_space<vmem>> -> memref<1x128xf32, #tpu.memory_space<vmem>>
        %parallel_loop3A_343 = tpu.memref_squeeze %parallel_loop3A_342 : memref<1x128xf32, #tpu.memory_space<vmem>> -> memref<128xf32, #tpu.memory_space<vmem>>
        %parallel_loop3A_344 = arith.constant 96 : index
        %parallel_loop3A_345 = tpu.vector_load %parallel_loop3A_343[%parallel_loop3A_344] {strides = array<i32>} : memref<128xf32, #tpu.memory_space<vmem>>, vector<16xf32>,
        %parallel_loop3A_346 = arith.mulf %parallel_loop3A_345, %parallel_loop3A_274 : vector<16xf32>
        %parallel_loop3A_347 = arith.constant 0 : i32
        %parallel_loop3A_348 = tpu.memref_slice %arg11[%parallel_loop3A_267, %parallel_loop3A_347] : memref<80x128xf32, #tpu.memory_space<vmem>> -> memref<1x128xf32, #tpu.memory_space<vmem>>
        %parallel_loop3A_349 = tpu.memref_squeeze %parallel_loop3A_348 : memref<1x128xf32, #tpu.memory_space<vmem>> -> memref<128xf32, #tpu.memory_space<vmem>>
        %parallel_loop3A_350 = arith.constant 96 : index
        %parallel_loop3A_351 = tpu.vector_load %parallel_loop3A_349[%parallel_loop3A_350] {strides = array<i32>} : memref<128xf32, #tpu.memory_space<vmem>>, vector<16xf32>,
        tpu.vector_store %parallel_loop3A_349[%parallel_loop3A_350], %parallel_loop3A_346 {strides = array<i32>} : memref<128xf32, #tpu.memory_space<vmem>>, vector<16xf32>,
        %parallel_loop3A_352 = arith.constant 0 : i32
        %parallel_loop3A_353 = tpu.memref_slice %arg11[%parallel_loop3A_267, %parallel_loop3A_352] : memref<80x128xf32, #tpu.memory_space<vmem>> -> memref<1x128xf32, #tpu.memory_space<vmem>>
        %parallel_loop3A_354 = tpu.memref_squeeze %parallel_loop3A_353 : memref<1x128xf32, #tpu.memory_space<vmem>> -> memref<128xf32, #tpu.memory_space<vmem>>
        %parallel_loop3A_355 = arith.constant 112 : index
        %parallel_loop3A_356 = tpu.vector_load %parallel_loop3A_354[%parallel_loop3A_355] {strides = array<i32>} : memref<128xf32, #tpu.memory_space<vmem>>, vector<16xf32>,
        %parallel_loop3A_357 = arith.mulf %parallel_loop3A_356, %parallel_loop3A_274 : vector<16xf32>
        %parallel_loop3A_358 = arith.constant 0 : i32
        %parallel_loop3A_359 = tpu.memref_slice %arg11[%parallel_loop3A_267, %parallel_loop3A_358] : memref<80x128xf32, #tpu.memory_space<vmem>> -> memref<1x128xf32, #tpu.memory_space<vmem>>
        %parallel_loop3A_360 = tpu.memref_squeeze %parallel_loop3A_359 : memref<1x128xf32, #tpu.memory_space<vmem>> -> memref<128xf32, #tpu.memory_space<vmem>>
        %parallel_loop3A_361 = arith.constant 112 : index
        %parallel_loop3A_362 = tpu.vector_load %parallel_loop3A_360[%parallel_loop3A_361] {strides = array<i32>} : memref<128xf32, #tpu.memory_space<vmem>>, vector<16xf32>,
        tpu.vector_store %parallel_loop3A_360[%parallel_loop3A_361], %parallel_loop3A_357 {strides = array<i32>} : memref<128xf32, #tpu.memory_space<vmem>>, vector<16xf32>,
      } {sc.loop_unroll_factor = 4 : i64, sc.parallel_access}
      %dma_start3A_50 = arith.constant 0 : i32
      %dma_start3A_51 = arith.constant 0 : i32
      %dma_start3A_52 = tpu.memref_slice %arg9[%dma_start3A_50, %dma_start3A_51] : memref<8x80xi32, #tpu.memory_space<vmem>> -> memref<1x80xi32, #tpu.memory_space<vmem>>
      %dma_start3A_53 = tpu.memref_squeeze %dma_start3A_52 : memref<1x80xi32, #tpu.memory_space<vmem>> -> memref<80xi32, #tpu.memory_space<vmem>>
      %dma_start3A_54 = arith.constant 0 : i32
      %dma_start3A_55 = arith.constant 0 : i32
      %dma_start3A_56 = tpu.memref_slice %arg15[%dma_start3A_54, %dma_start3A_55] : memref<10240x128xf32, #tpu.memory_space<vmem_shared>> -> memref<10240x128xf32, #tpu.memory_space<vmem_shared>>
      tpu.enqueue_indirect_dma source(%arg11 : memref<80x128xf32, #tpu.memory_space<vmem>>) target(%dma_start3A_56 : memref<10240x128xf32, #tpu.memory_space<vmem_shared>>) offsets(%dma_start3A_53 : memref<80xi32, #tpu.memory_space<vmem>>) semaphore(%arg20 : memref<!tpu.dma_semaphore, #tpu.memory_space<semaphore_mem>>) {add = true}
      %dma_start3A_57 = arith.constant 3 : i32
      %dma_start3A_58 = arith.constant 0 : i32
      %dma_start3A_59 = tpu.memref_slice %arg8[%dma_start3A_57, %dma_start3A_58] : memref<8x80xi32, #tpu.memory_space<vmem>> -> memref<1x80xi32, #tpu.memory_space<vmem>>
      %dma_start3A_60 = tpu.memref_squeeze %dma_start3A_59 : memref<1x80xi32, #tpu.memory_space<vmem>> -> memref<80xi32, #tpu.memory_space<vmem>>
      %dma_start3A_61 = arith.constant 0 : i32
      %dma_start3A_62 = arith.constant 0 : i32
      %dma_start3A_63 = tpu.memref_slice %arg2[%dma_start3A_61, %dma_start3A_62] : memref<10240x128xf32, #tpu.memory_space<hbm>> -> memref<10240x128xf32, #tpu.memory_space<hbm>>
      tpu.enqueue_indirect_dma source(%dma_start3A_63 : memref<10240x128xf32, #tpu.memory_space<hbm>>) target(%arg14 : memref<80x128xf32, #tpu.memory_space<vmem>>) offsets(%dma_start3A_60 : memref<80xi32, #tpu.memory_space<vmem>>) semaphore(%arg19 : memref<!tpu.dma_semaphore, #tpu.memory_space<semaphore_mem>>)
      %dma_wait3A_64 = arith.constant 1 : i32
      %dma_wait3A_65 = arith.constant 0 : i32
      %dma_wait3A_66 = tpu.memref_slice %arg8[%dma_wait3A_64, %dma_wait3A_65] : memref<8x80xi32, #tpu.memory_space<vmem>> -> memref<1x80xi32, #tpu.memory_space<vmem>>
      %dma_wait3A_67 = tpu.memref_squeeze %dma_wait3A_66 : memref<1x80xi32, #tpu.memory_space<vmem>> -> memref<80xi32, #tpu.memory_space<vmem>>
      %dma_wait3A_68 = arith.constant 0 : i32
      %dma_wait3A_69 = arith.constant 0 : i32
      %dma_wait3A_70 = tpu.memref_slice %arg2[%dma_wait3A_68, %dma_wait3A_69] : memref<10240x128xf32, #tpu.memory_space<hbm>> -> memref<10240x128xf32, #tpu.memory_space<hbm>>
      tpu.wait_indirect_dma semaphore(%arg17 : memref<!tpu.dma_semaphore, #tpu.memory_space<semaphore_mem>>) src(%dma_wait3A_70 : memref<10240x128xf32, #tpu.memory_space<hbm>>) dst(%arg12 : memref<80x128xf32, #tpu.memory_space<vmem>>)
      %parallel_loop3A_71 = arith.constant 0 : i32
      %parallel_loop3A_72 = arith.constant 80 : i32
      %parallel_loop3A_73 = arith.constant 1 : i32
      scf.for %parallel_loop3A_267 = %parallel_loop3A_71 to %parallel_loop3A_72 step %parallel_loop3A_73  : i32 {
        %parallel_loop3A_268 = arith.constant 0 : i32
        %parallel_loop3A_269 = vector.broadcast %parallel_loop3A_268 : i32 to vector<16xi32>
        %parallel_loop3A_270 = arith.constant 80 : i32
        %parallel_loop3A_271 = arith.addi %parallel_loop3A_270, %parallel_loop3A_267 : i32
        %parallel_loop3A_272 = vector.broadcast %parallel_loop3A_271 : i32 to vector<16xi32>
        %parallel_loop3A_273 = arith.addi %parallel_loop3A_269, %parallel_loop3A_272 : vector<16xi32>
        %parallel_loop3A_274 = tpu.vector_load_idx %arg10[%parallel_loop3A_273] : memref<640xf32, #tpu.memory_space<vmem>>[vector<16xi32>], vector<16xf32>,
        %parallel_loop3A_275 = arith.constant 0 : i32
        %parallel_loop3A_276 = tpu.memref_slice %arg12[%parallel_loop3A_267, %parallel_loop3A_275] : memref<80x128xf32, #tpu.memory_space<vmem>> -> memref<1x128xf32, #tpu.memory_space<vmem>>
        %parallel_loop3A_277 = tpu.memref_squeeze %parallel_loop3A_276 : memref<1x128xf32, #tpu.memory_space<vmem>> -> memref<128xf32, #tpu.memory_space<vmem>>
        %parallel_loop3A_278 = arith.constant 0 : index
        %parallel_loop3A_279 = tpu.vector_load %parallel_loop3A_277[%parallel_loop3A_278] {strides = array<i32>} : memref<128xf32, #tpu.memory_space<vmem>>, vector<16xf32>,
        %parallel_loop3A_280 = arith.mulf %parallel_loop3A_279, %parallel_loop3A_274 : vector<16xf32>
        %parallel_loop3A_281 = arith.constant 0 : i32
        %parallel_loop3A_282 = tpu.memref_slice %arg12[%parallel_loop3A_267, %parallel_loop3A_281] : memref<80x128xf32, #tpu.memory_space<vmem>> -> memref<1x128xf32, #tpu.memory_space<vmem>>
        %parallel_loop3A_283 = tpu.memref_squeeze %parallel_loop3A_282 : memref<1x128xf32, #tpu.memory_space<vmem>> -> memref<128xf32, #tpu.memory_space<vmem>>
        %parallel_loop3A_284 = arith.constant 0 : index
        %parallel_loop3A_285 = tpu.vector_load %parallel_loop3A_283[%parallel_loop3A_284] {strides = array<i32>} : memref<128xf32, #tpu.memory_space<vmem>>, vector<16xf32>,
        tpu.vector_store %parallel_loop3A_283[%parallel_loop3A_284], %parallel_loop3A_280 {strides = array<i32>} : memref<128xf32, #tpu.memory_space<vmem>>, vector<16xf32>,
        %parallel_loop3A_286 = arith.constant 0 : i32
        %parallel_loop3A_287 = tpu.memref_slice %arg12[%parallel_loop3A_267, %parallel_loop3A_286] : memref<80x128xf32, #tpu.memory_space<vmem>> -> memref<1x128xf32, #tpu.memory_space<vmem>>
        %parallel_loop3A_288 = tpu.memref_squeeze %parallel_loop3A_287 : memref<1x128xf32, #tpu.memory_space<vmem>> -> memref<128xf32, #tpu.memory_space<vmem>>
        %parallel_loop3A_289 = arith.constant 16 : index
        %parallel_loop3A_290 = tpu.vector_load %parallel_loop3A_288[%parallel_loop3A_289] {strides = array<i32>} : memref<128xf32, #tpu.memory_space<vmem>>, vector<16xf32>,
        %parallel_loop3A_291 = arith.mulf %parallel_loop3A_290, %parallel_loop3A_274 : vector<16xf32>
        %parallel_loop3A_292 = arith.constant 0 : i32
        %parallel_loop3A_293 = tpu.memref_slice %arg12[%parallel_loop3A_267, %parallel_loop3A_292] : memref<80x128xf32, #tpu.memory_space<vmem>> -> memref<1x128xf32, #tpu.memory_space<vmem>>
        %parallel_loop3A_294 = tpu.memref_squeeze %parallel_loop3A_293 : memref<1x128xf32, #tpu.memory_space<vmem>> -> memref<128xf32, #tpu.memory_space<vmem>>
        %parallel_loop3A_295 = arith.constant 16 : index
        %parallel_loop3A_296 = tpu.vector_load %parallel_loop3A_294[%parallel_loop3A_295] {strides = array<i32>} : memref<128xf32, #tpu.memory_space<vmem>>, vector<16xf32>,
        tpu.vector_store %parallel_loop3A_294[%parallel_loop3A_295], %parallel_loop3A_291 {strides = array<i32>} : memref<128xf32, #tpu.memory_space<vmem>>, vector<16xf32>,
        %parallel_loop3A_297 = arith.constant 0 : i32
        %parallel_loop3A_298 = tpu.memref_slice %arg12[%parallel_loop3A_267, %parallel_loop3A_297] : memref<80x128xf32, #tpu.memory_space<vmem>> -> memref<1x128xf32, #tpu.memory_space<vmem>>
        %parallel_loop3A_299 = tpu.memref_squeeze %parallel_loop3A_298 : memref<1x128xf32, #tpu.memory_space<vmem>> -> memref<128xf32, #tpu.memory_space<vmem>>
        %parallel_loop3A_300 = arith.constant 32 : index
        %parallel_loop3A_301 = tpu.vector_load %parallel_loop3A_299[%parallel_loop3A_300] {strides = array<i32>} : memref<128xf32, #tpu.memory_space<vmem>>, vector<16xf32>,
        %parallel_loop3A_302 = arith.mulf %parallel_loop3A_301, %parallel_loop3A_274 : vector<16xf32>
        %parallel_loop3A_303 = arith.constant 0 : i32
        %parallel_loop3A_304 = tpu.memref_slice %arg12[%parallel_loop3A_267, %parallel_loop3A_303] : memref<80x128xf32, #tpu.memory_space<vmem>> -> memref<1x128xf32, #tpu.memory_space<vmem>>
        %parallel_loop3A_305 = tpu.memref_squeeze %parallel_loop3A_304 : memref<1x128xf32, #tpu.memory_space<vmem>> -> memref<128xf32, #tpu.memory_space<vmem>>
        %parallel_loop3A_306 = arith.constant 32 : index
        %parallel_loop3A_307 = tpu.vector_load %parallel_loop3A_305[%parallel_loop3A_306] {strides = array<i32>} : memref<128xf32, #tpu.memory_space<vmem>>, vector<16xf32>,
        tpu.vector_store %parallel_loop3A_305[%parallel_loop3A_306], %parallel_loop3A_302 {strides = array<i32>} : memref<128xf32, #tpu.memory_space<vmem>>, vector<16xf32>,
        %parallel_loop3A_308 = arith.constant 0 : i32
        %parallel_loop3A_309 = tpu.memref_slice %arg12[%parallel_loop3A_267, %parallel_loop3A_308] : memref<80x128xf32, #tpu.memory_space<vmem>> -> memref<1x128xf32, #tpu.memory_space<vmem>>
        %parallel_loop3A_310 = tpu.memref_squeeze %parallel_loop3A_309 : memref<1x128xf32, #tpu.memory_space<vmem>> -> memref<128xf32, #tpu.memory_space<vmem>>
        %parallel_loop3A_311 = arith.constant 48 : index
        %parallel_loop3A_312 = tpu.vector_load %parallel_loop3A_310[%parallel_loop3A_311] {strides = array<i32>} : memref<128xf32, #tpu.memory_space<vmem>>, vector<16xf32>,
        %parallel_loop3A_313 = arith.mulf %parallel_loop3A_312, %parallel_loop3A_274 : vector<16xf32>
        %parallel_loop3A_314 = arith.constant 0 : i32
        %parallel_loop3A_315 = tpu.memref_slice %arg12[%parallel_loop3A_267, %parallel_loop3A_314] : memref<80x128xf32, #tpu.memory_space<vmem>> -> memref<1x128xf32, #tpu.memory_space<vmem>>
        %parallel_loop3A_316 = tpu.memref_squeeze %parallel_loop3A_315 : memref<1x128xf32, #tpu.memory_space<vmem>> -> memref<128xf32, #tpu.memory_space<vmem>>
        %parallel_loop3A_317 = arith.constant 48 : index
        %parallel_loop3A_318 = tpu.vector_load %parallel_loop3A_316[%parallel_loop3A_317] {strides = array<i32>} : memref<128xf32, #tpu.memory_space<vmem>>, vector<16xf32>,
        tpu.vector_store %parallel_loop3A_316[%parallel_loop3A_317], %parallel_loop3A_313 {strides = array<i32>} : memref<128xf32, #tpu.memory_space<vmem>>, vector<16xf32>,
        %parallel_loop3A_319 = arith.constant 0 : i32
        %parallel_loop3A_320 = tpu.memref_slice %arg12[%parallel_loop3A_267, %parallel_loop3A_319] : memref<80x128xf32, #tpu.memory_space<vmem>> -> memref<1x128xf32, #tpu.memory_space<vmem>>
        %parallel_loop3A_321 = tpu.memref_squeeze %parallel_loop3A_320 : memref<1x128xf32, #tpu.memory_space<vmem>> -> memref<128xf32, #tpu.memory_space<vmem>>
        %parallel_loop3A_322 = arith.constant 64 : index
        %parallel_loop3A_323 = tpu.vector_load %parallel_loop3A_321[%parallel_loop3A_322] {strides = array<i32>} : memref<128xf32, #tpu.memory_space<vmem>>, vector<16xf32>,
        %parallel_loop3A_324 = arith.mulf %parallel_loop3A_323, %parallel_loop3A_274 : vector<16xf32>
        %parallel_loop3A_325 = arith.constant 0 : i32
        %parallel_loop3A_326 = tpu.memref_slice %arg12[%parallel_loop3A_267, %parallel_loop3A_325] : memref<80x128xf32, #tpu.memory_space<vmem>> -> memref<1x128xf32, #tpu.memory_space<vmem>>
        %parallel_loop3A_327 = tpu.memref_squeeze %parallel_loop3A_326 : memref<1x128xf32, #tpu.memory_space<vmem>> -> memref<128xf32, #tpu.memory_space<vmem>>
        %parallel_loop3A_328 = arith.constant 64 : index
        %parallel_loop3A_329 = tpu.vector_load %parallel_loop3A_327[%parallel_loop3A_328] {strides = array<i32>} : memref<128xf32, #tpu.memory_space<vmem>>, vector<16xf32>,
        tpu.vector_store %parallel_loop3A_327[%parallel_loop3A_328], %parallel_loop3A_324 {strides = array<i32>} : memref<128xf32, #tpu.memory_space<vmem>>, vector<16xf32>,
        %parallel_loop3A_330 = arith.constant 0 : i32
        %parallel_loop3A_331 = tpu.memref_slice %arg12[%parallel_loop3A_267, %parallel_loop3A_330] : memref<80x128xf32, #tpu.memory_space<vmem>> -> memref<1x128xf32, #tpu.memory_space<vmem>>
        %parallel_loop3A_332 = tpu.memref_squeeze %parallel_loop3A_331 : memref<1x128xf32, #tpu.memory_space<vmem>> -> memref<128xf32, #tpu.memory_space<vmem>>
        %parallel_loop3A_333 = arith.constant 80 : index
        %parallel_loop3A_334 = tpu.vector_load %parallel_loop3A_332[%parallel_loop3A_333] {strides = array<i32>} : memref<128xf32, #tpu.memory_space<vmem>>, vector<16xf32>,
        %parallel_loop3A_335 = arith.mulf %parallel_loop3A_334, %parallel_loop3A_274 : vector<16xf32>
        %parallel_loop3A_336 = arith.constant 0 : i32
        %parallel_loop3A_337 = tpu.memref_slice %arg12[%parallel_loop3A_267, %parallel_loop3A_336] : memref<80x128xf32, #tpu.memory_space<vmem>> -> memref<1x128xf32, #tpu.memory_space<vmem>>
        %parallel_loop3A_338 = tpu.memref_squeeze %parallel_loop3A_337 : memref<1x128xf32, #tpu.memory_space<vmem>> -> memref<128xf32, #tpu.memory_space<vmem>>
        %parallel_loop3A_339 = arith.constant 80 : index
        %parallel_loop3A_340 = tpu.vector_load %parallel_loop3A_338[%parallel_loop3A_339] {strides = array<i32>} : memref<128xf32, #tpu.memory_space<vmem>>, vector<16xf32>,
        tpu.vector_store %parallel_loop3A_338[%parallel_loop3A_339], %parallel_loop3A_335 {strides = array<i32>} : memref<128xf32, #tpu.memory_space<vmem>>, vector<16xf32>,
        %parallel_loop3A_341 = arith.constant 0 : i32
        %parallel_loop3A_342 = tpu.memref_slice %arg12[%parallel_loop3A_267, %parallel_loop3A_341] : memref<80x128xf32, #tpu.memory_space<vmem>> -> memref<1x128xf32, #tpu.memory_space<vmem>>
        %parallel_loop3A_343 = tpu.memref_squeeze %parallel_loop3A_342 : memref<1x128xf32, #tpu.memory_space<vmem>> -> memref<128xf32, #tpu.memory_space<vmem>>
        %parallel_loop3A_344 = arith.constant 96 : index
        %parallel_loop3A_345 = tpu.vector_load %parallel_loop3A_343[%parallel_loop3A_344] {strides = array<i32>} : memref<128xf32, #tpu.memory_space<vmem>>, vector<16xf32>,
        %parallel_loop3A_346 = arith.mulf %parallel_loop3A_345, %parallel_loop3A_274 : vector<16xf32>
        %parallel_loop3A_347 = arith.constant 0 : i32
        %parallel_loop3A_348 = tpu.memref_slice %arg12[%parallel_loop3A_267, %parallel_loop3A_347] : memref<80x128xf32, #tpu.memory_space<vmem>> -> memref<1x128xf32, #tpu.memory_space<vmem>>
        %parallel_loop3A_349 = tpu.memref_squeeze %parallel_loop3A_348 : memref<1x128xf32, #tpu.memory_space<vmem>> -> memref<128xf32, #tpu.memory_space<vmem>>
        %parallel_loop3A_350 = arith.constant 96 : index
        %parallel_loop3A_351 = tpu.vector_load %parallel_loop3A_349[%parallel_loop3A_350] {strides = array<i32>} : memref<128xf32, #tpu.memory_space<vmem>>, vector<16xf32>,
        tpu.vector_store %parallel_loop3A_349[%parallel_loop3A_350], %parallel_loop3A_346 {strides = array<i32>} : memref<128xf32, #tpu.memory_space<vmem>>, vector<16xf32>,
        %parallel_loop3A_352 = arith.constant 0 : i32
        %parallel_loop3A_353 = tpu.memref_slice %arg12[%parallel_loop3A_267, %parallel_loop3A_352] : memref<80x128xf32, #tpu.memory_space<vmem>> -> memref<1x128xf32, #tpu.memory_space<vmem>>
        %parallel_loop3A_354 = tpu.memref_squeeze %parallel_loop3A_353 : memref<1x128xf32, #tpu.memory_space<vmem>> -> memref<128xf32, #tpu.memory_space<vmem>>
        %parallel_loop3A_355 = arith.constant 112 : index
        %parallel_loop3A_356 = tpu.vector_load %parallel_loop3A_354[%parallel_loop3A_355] {strides = array<i32>} : memref<128xf32, #tpu.memory_space<vmem>>, vector<16xf32>,
        %parallel_loop3A_357 = arith.mulf %parallel_loop3A_356, %parallel_loop3A_274 : vector<16xf32>
        %parallel_loop3A_358 = arith.constant 0 : i32
        %parallel_loop3A_359 = tpu.memref_slice %arg12[%parallel_loop3A_267, %parallel_loop3A_358] : memref<80x128xf32, #tpu.memory_space<vmem>> -> memref<1x128xf32, #tpu.memory_space<vmem>>
        %parallel_loop3A_360 = tpu.memref_squeeze %parallel_loop3A_359 : memref<1x128xf32, #tpu.memory_space<vmem>> -> memref<128xf32, #tpu.memory_space<vmem>>
        %parallel_loop3A_361 = arith.constant 112 : index
        %parallel_loop3A_362 = tpu.vector_load %parallel_loop3A_360[%parallel_loop3A_361] {strides = array<i32>} : memref<128xf32, #tpu.memory_space<vmem>>, vector<16xf32>,
        tpu.vector_store %parallel_loop3A_360[%parallel_loop3A_361], %parallel_loop3A_357 {strides = array<i32>} : memref<128xf32, #tpu.memory_space<vmem>>, vector<16xf32>,
      } {sc.loop_unroll_factor = 4 : i64, sc.parallel_access}
      %dma_start3A_74 = arith.constant 1 : i32
      %dma_start3A_75 = arith.constant 0 : i32
      %dma_start3A_76 = tpu.memref_slice %arg9[%dma_start3A_74, %dma_start3A_75] : memref<8x80xi32, #tpu.memory_space<vmem>> -> memref<1x80xi32, #tpu.memory_space<vmem>>
      %dma_start3A_77 = tpu.memref_squeeze %dma_start3A_76 : memref<1x80xi32, #tpu.memory_space<vmem>> -> memref<80xi32, #tpu.memory_space<vmem>>
      %dma_start3A_78 = arith.constant 0 : i32
      %dma_start3A_79 = arith.constant 0 : i32
      %dma_start3A_80 = tpu.memref_slice %arg15[%dma_start3A_78, %dma_start3A_79] : memref<10240x128xf32, #tpu.memory_space<vmem_shared>> -> memref<10240x128xf32, #tpu.memory_space<vmem_shared>>
      tpu.enqueue_indirect_dma source(%arg12 : memref<80x128xf32, #tpu.memory_space<vmem>>) target(%dma_start3A_80 : memref<10240x128xf32, #tpu.memory_space<vmem_shared>>) offsets(%dma_start3A_77 : memref<80xi32, #tpu.memory_space<vmem>>) semaphore(%arg21 : memref<!tpu.dma_semaphore, #tpu.memory_space<semaphore_mem>>) {add = true}
      %dma_wait3A_81 = arith.constant 0 : i32
      %dma_wait3A_82 = arith.constant 0 : i32
      %dma_wait3A_83 = tpu.memref_slice %arg9[%dma_wait3A_81, %dma_wait3A_82] : memref<8x80xi32, #tpu.memory_space<vmem>> -> memref<1x80xi32, #tpu.memory_space<vmem>>
      %dma_wait3A_84 = tpu.memref_squeeze %dma_wait3A_83 : memref<1x80xi32, #tpu.memory_space<vmem>> -> memref<80xi32, #tpu.memory_space<vmem>>
      %dma_wait3A_85 = arith.constant 0 : i32
      %dma_wait3A_86 = arith.constant 0 : i32
      %dma_wait3A_87 = tpu.memref_slice %arg15[%dma_wait3A_85, %dma_wait3A_86] : memref<10240x128xf32, #tpu.memory_space<vmem_shared>> -> memref<10240x128xf32, #tpu.memory_space<vmem_shared>>
      tpu.wait_indirect_dma semaphore(%arg20 : memref<!tpu.dma_semaphore, #tpu.memory_space<semaphore_mem>>) src(%arg11 : memref<80x128xf32, #tpu.memory_space<vmem>>) dst(%dma_wait3A_87 : memref<10240x128xf32, #tpu.memory_space<vmem_shared>>)
      %dma_start3A_88 = arith.constant 4 : i32
      %dma_start3A_89 = arith.constant 0 : i32
      %dma_start3A_90 = tpu.memref_slice %arg8[%dma_start3A_88, %dma_start3A_89] : memref<8x80xi32, #tpu.memory_space<vmem>> -> memref<1x80xi32, #tpu.memory_space<vmem>>
      %dma_start3A_91 = tpu.memref_squeeze %dma_start3A_90 : memref<1x80xi32, #tpu.memory_space<vmem>> -> memref<80xi32, #tpu.memory_space<vmem>>
      %dma_start3A_92 = arith.constant 0 : i32
      %dma_start3A_93 = arith.constant 0 : i32
      %dma_start3A_94 = tpu.memref_slice %arg2[%dma_start3A_92, %dma_start3A_93] : memref<10240x128xf32, #tpu.memory_space<hbm>> -> memref<10240x128xf32, #tpu.memory_space<hbm>>
      tpu.enqueue_indirect_dma source(%dma_start3A_94 : memref<10240x128xf32, #tpu.memory_space<hbm>>) target(%arg11 : memref<80x128xf32, #tpu.memory_space<vmem>>) offsets(%dma_start3A_91 : memref<80xi32, #tpu.memory_space<vmem>>) semaphore(%arg16 : memref<!tpu.dma_semaphore, #tpu.memory_space<semaphore_mem>>)
      %dma_wait3A_95 = arith.constant 2 : i32
      %dma_wait3A_96 = arith.constant 0 : i32
      %dma_wait3A_97 = tpu.memref_slice %arg8[%dma_wait3A_95, %dma_wait3A_96] : memref<8x80xi32, #tpu.memory_space<vmem>> -> memref<1x80xi32, #tpu.memory_space<vmem>>
      %dma_wait3A_98 = tpu.memref_squeeze %dma_wait3A_97 : memref<1x80xi32, #tpu.memory_space<vmem>> -> memref<80xi32, #tpu.memory_space<vmem>>
      %dma_wait3A_99 = arith.constant 0 : i32
      %dma_wait3A_100 = arith.constant 0 : i32
      %dma_wait3A_101 = tpu.memref_slice %arg2[%dma_wait3A_99, %dma_wait3A_100] : memref<10240x128xf32, #tpu.memory_space<hbm>> -> memref<10240x128xf32, #tpu.memory_space<hbm>>
      tpu.wait_indirect_dma semaphore(%arg18 : memref<!tpu.dma_semaphore, #tpu.memory_space<semaphore_mem>>) src(%dma_wait3A_101 : memref<10240x128xf32, #tpu.memory_space<hbm>>) dst(%arg13 : memref<80x128xf32, #tpu.memory_space<vmem>>)
      %parallel_loop3A_102 = arith.constant 0 : i32
      %parallel_loop3A_103 = arith.constant 80 : i32
      %parallel_loop3A_104 = arith.constant 1 : i32
      scf.for %parallel_loop3A_267 = %parallel_loop3A_102 to %parallel_loop3A_103 step %parallel_loop3A_104  : i32 {
        %parallel_loop3A_268 = arith.constant 0 : i32
        %parallel_loop3A_269 = vector.broadcast %parallel_loop3A_268 : i32 to vector<16xi32>
        %parallel_loop3A_270 = arith.constant 160 : i32
        %parallel_loop3A_271 = arith.addi %parallel_loop3A_270, %parallel_loop3A_267 : i32
        %parallel_loop3A_272 = vector.broadcast %parallel_loop3A_271 : i32 to vector<16xi32>
        %parallel_loop3A_273 = arith.addi %parallel_loop3A_269, %parallel_loop3A_272 : vector<16xi32>
        %parallel_loop3A_274 = tpu.vector_load_idx %arg10[%parallel_loop3A_273] : memref<640xf32, #tpu.memory_space<vmem>>[vector<16xi32>], vector<16xf32>,
        %parallel_loop3A_275 = arith.constant 0 : i32
        %parallel_loop3A_276 = tpu.memref_slice %arg13[%parallel_loop3A_267, %parallel_loop3A_275] : memref<80x128xf32, #tpu.memory_space<vmem>> -> memref<1x128xf32, #tpu.memory_space<vmem>>
        %parallel_loop3A_277 = tpu.memref_squeeze %parallel_loop3A_276 : memref<1x128xf32, #tpu.memory_space<vmem>> -> memref<128xf32, #tpu.memory_space<vmem>>
        %parallel_loop3A_278 = arith.constant 0 : index
        %parallel_loop3A_279 = tpu.vector_load %parallel_loop3A_277[%parallel_loop3A_278] {strides = array<i32>} : memref<128xf32, #tpu.memory_space<vmem>>, vector<16xf32>,
        %parallel_loop3A_280 = arith.mulf %parallel_loop3A_279, %parallel_loop3A_274 : vector<16xf32>
        %parallel_loop3A_281 = arith.constant 0 : i32
        %parallel_loop3A_282 = tpu.memref_slice %arg13[%parallel_loop3A_267, %parallel_loop3A_281] : memref<80x128xf32, #tpu.memory_space<vmem>> -> memref<1x128xf32, #tpu.memory_space<vmem>>
        %parallel_loop3A_283 = tpu.memref_squeeze %parallel_loop3A_282 : memref<1x128xf32, #tpu.memory_space<vmem>> -> memref<128xf32, #tpu.memory_space<vmem>>
        %parallel_loop3A_284 = arith.constant 0 : index
        %parallel_loop3A_285 = tpu.vector_load %parallel_loop3A_283[%parallel_loop3A_284] {strides = array<i32>} : memref<128xf32, #tpu.memory_space<vmem>>, vector<16xf32>,
        tpu.vector_store %parallel_loop3A_283[%parallel_loop3A_284], %parallel_loop3A_280 {strides = array<i32>} : memref<128xf32, #tpu.memory_space<vmem>>, vector<16xf32>,
        %parallel_loop3A_286 = arith.constant 0 : i32
        %parallel_loop3A_287 = tpu.memref_slice %arg13[%parallel_loop3A_267, %parallel_loop3A_286] : memref<80x128xf32, #tpu.memory_space<vmem>> -> memref<1x128xf32, #tpu.memory_space<vmem>>
        %parallel_loop3A_288 = tpu.memref_squeeze %parallel_loop3A_287 : memref<1x128xf32, #tpu.memory_space<vmem>> -> memref<128xf32, #tpu.memory_space<vmem>>
        %parallel_loop3A_289 = arith.constant 16 : index
        %parallel_loop3A_290 = tpu.vector_load %parallel_loop3A_288[%parallel_loop3A_289] {strides = array<i32>} : memref<128xf32, #tpu.memory_space<vmem>>, vector<16xf32>,
        %parallel_loop3A_291 = arith.mulf %parallel_loop3A_290, %parallel_loop3A_274 : vector<16xf32>
        %parallel_loop3A_292 = arith.constant 0 : i32
        %parallel_loop3A_293 = tpu.memref_slice %arg13[%parallel_loop3A_267, %parallel_loop3A_292] : memref<80x128xf32, #tpu.memory_space<vmem>> -> memref<1x128xf32, #tpu.memory_space<vmem>>
        %parallel_loop3A_294 = tpu.memref_squeeze %parallel_loop3A_293 : memref<1x128xf32, #tpu.memory_space<vmem>> -> memref<128xf32, #tpu.memory_space<vmem>>
        %parallel_loop3A_295 = arith.constant 16 : index
        %parallel_loop3A_296 = tpu.vector_load %parallel_loop3A_294[%parallel_loop3A_295] {strides = array<i32>} : memref<128xf32, #tpu.memory_space<vmem>>, vector<16xf32>,
        tpu.vector_store %parallel_loop3A_294[%parallel_loop3A_295], %parallel_loop3A_291 {strides = array<i32>} : memref<128xf32, #tpu.memory_space<vmem>>, vector<16xf32>,
        %parallel_loop3A_297 = arith.constant 0 : i32
        %parallel_loop3A_298 = tpu.memref_slice %arg13[%parallel_loop3A_267, %parallel_loop3A_297] : memref<80x128xf32, #tpu.memory_space<vmem>> -> memref<1x128xf32, #tpu.memory_space<vmem>>
        %parallel_loop3A_299 = tpu.memref_squeeze %parallel_loop3A_298 : memref<1x128xf32, #tpu.memory_space<vmem>> -> memref<128xf32, #tpu.memory_space<vmem>>
        %parallel_loop3A_300 = arith.constant 32 : index
        %parallel_loop3A_301 = tpu.vector_load %parallel_loop3A_299[%parallel_loop3A_300] {strides = array<i32>} : memref<128xf32, #tpu.memory_space<vmem>>, vector<16xf32>,
        %parallel_loop3A_302 = arith.mulf %parallel_loop3A_301, %parallel_loop3A_274 : vector<16xf32>
        %parallel_loop3A_303 = arith.constant 0 : i32
        %parallel_loop3A_304 = tpu.memref_slice %arg13[%parallel_loop3A_267, %parallel_loop3A_303] : memref<80x128xf32, #tpu.memory_space<vmem>> -> memref<1x128xf32, #tpu.memory_space<vmem>>
        %parallel_loop3A_305 = tpu.memref_squeeze %parallel_loop3A_304 : memref<1x128xf32, #tpu.memory_space<vmem>> -> memref<128xf32, #tpu.memory_space<vmem>>
        %parallel_loop3A_306 = arith.constant 32 : index
        %parallel_loop3A_307 = tpu.vector_load %parallel_loop3A_305[%parallel_loop3A_306] {strides = array<i32>} : memref<128xf32, #tpu.memory_space<vmem>>, vector<16xf32>,
        tpu.vector_store %parallel_loop3A_305[%parallel_loop3A_306], %parallel_loop3A_302 {strides = array<i32>} : memref<128xf32, #tpu.memory_space<vmem>>, vector<16xf32>,
        %parallel_loop3A_308 = arith.constant 0 : i32
        %parallel_loop3A_309 = tpu.memref_slice %arg13[%parallel_loop3A_267, %parallel_loop3A_308] : memref<80x128xf32, #tpu.memory_space<vmem>> -> memref<1x128xf32, #tpu.memory_space<vmem>>
        %parallel_loop3A_310 = tpu.memref_squeeze %parallel_loop3A_309 : memref<1x128xf32, #tpu.memory_space<vmem>> -> memref<128xf32, #tpu.memory_space<vmem>>
        %parallel_loop3A_311 = arith.constant 48 : index
        %parallel_loop3A_312 = tpu.vector_load %parallel_loop3A_310[%parallel_loop3A_311] {strides = array<i32>} : memref<128xf32, #tpu.memory_space<vmem>>, vector<16xf32>,
        %parallel_loop3A_313 = arith.mulf %parallel_loop3A_312, %parallel_loop3A_274 : vector<16xf32>
        %parallel_loop3A_314 = arith.constant 0 : i32
        %parallel_loop3A_315 = tpu.memref_slice %arg13[%parallel_loop3A_267, %parallel_loop3A_314] : memref<80x128xf32, #tpu.memory_space<vmem>> -> memref<1x128xf32, #tpu.memory_space<vmem>>
        %parallel_loop3A_316 = tpu.memref_squeeze %parallel_loop3A_315 : memref<1x128xf32, #tpu.memory_space<vmem>> -> memref<128xf32, #tpu.memory_space<vmem>>
        %parallel_loop3A_317 = arith.constant 48 : index
        %parallel_loop3A_318 = tpu.vector_load %parallel_loop3A_316[%parallel_loop3A_317] {strides = array<i32>} : memref<128xf32, #tpu.memory_space<vmem>>, vector<16xf32>,
        tpu.vector_store %parallel_loop3A_316[%parallel_loop3A_317], %parallel_loop3A_313 {strides = array<i32>} : memref<128xf32, #tpu.memory_space<vmem>>, vector<16xf32>,
        %parallel_loop3A_319 = arith.constant 0 : i32
        %parallel_loop3A_320 = tpu.memref_slice %arg13[%parallel_loop3A_267, %parallel_loop3A_319] : memref<80x128xf32, #tpu.memory_space<vmem>> -> memref<1x128xf32, #tpu.memory_space<vmem>>
        %parallel_loop3A_321 = tpu.memref_squeeze %parallel_loop3A_320 : memref<1x128xf32, #tpu.memory_space<vmem>> -> memref<128xf32, #tpu.memory_space<vmem>>
        %parallel_loop3A_322 = arith.constant 64 : index
        %parallel_loop3A_323 = tpu.vector_load %parallel_loop3A_321[%parallel_loop3A_322] {strides = array<i32>} : memref<128xf32, #tpu.memory_space<vmem>>, vector<16xf32>,
        %parallel_loop3A_324 = arith.mulf %parallel_loop3A_323, %parallel_loop3A_274 : vector<16xf32>
        %parallel_loop3A_325 = arith.constant 0 : i32
        %parallel_loop3A_326 = tpu.memref_slice %arg13[%parallel_loop3A_267, %parallel_loop3A_325] : memref<80x128xf32, #tpu.memory_space<vmem>> -> memref<1x128xf32, #tpu.memory_space<vmem>>
        %parallel_loop3A_327 = tpu.memref_squeeze %parallel_loop3A_326 : memref<1x128xf32, #tpu.memory_space<vmem>> -> memref<128xf32, #tpu.memory_space<vmem>>
        %parallel_loop3A_328 = arith.constant 64 : index
        %parallel_loop3A_329 = tpu.vector_load %parallel_loop3A_327[%parallel_loop3A_328] {strides = array<i32>} : memref<128xf32, #tpu.memory_space<vmem>>, vector<16xf32>,
        tpu.vector_store %parallel_loop3A_327[%parallel_loop3A_328], %parallel_loop3A_324 {strides = array<i32>} : memref<128xf32, #tpu.memory_space<vmem>>, vector<16xf32>,
        %parallel_loop3A_330 = arith.constant 0 : i32
        %parallel_loop3A_331 = tpu.memref_slice %arg13[%parallel_loop3A_267, %parallel_loop3A_330] : memref<80x128xf32, #tpu.memory_space<vmem>> -> memref<1x128xf32, #tpu.memory_space<vmem>>
        %parallel_loop3A_332 = tpu.memref_squeeze %parallel_loop3A_331 : memref<1x128xf32, #tpu.memory_space<vmem>> -> memref<128xf32, #tpu.memory_space<vmem>>
        %parallel_loop3A_333 = arith.constant 80 : index
        %parallel_loop3A_334 = tpu.vector_load %parallel_loop3A_332[%parallel_loop3A_333] {strides = array<i32>} : memref<128xf32, #tpu.memory_space<vmem>>, vector<16xf32>,
        %parallel_loop3A_335 = arith.mulf %parallel_loop3A_334, %parallel_loop3A_274 : vector<16xf32>
        %parallel_loop3A_336 = arith.constant 0 : i32
        %parallel_loop3A_337 = tpu.memref_slice %arg13[%parallel_loop3A_267, %parallel_loop3A_336] : memref<80x128xf32, #tpu.memory_space<vmem>> -> memref<1x128xf32, #tpu.memory_space<vmem>>
        %parallel_loop3A_338 = tpu.memref_squeeze %parallel_loop3A_337 : memref<1x128xf32, #tpu.memory_space<vmem>> -> memref<128xf32, #tpu.memory_space<vmem>>
        %parallel_loop3A_339 = arith.constant 80 : index
        %parallel_loop3A_340 = tpu.vector_load %parallel_loop3A_338[%parallel_loop3A_339] {strides = array<i32>} : memref<128xf32, #tpu.memory_space<vmem>>, vector<16xf32>,
        tpu.vector_store %parallel_loop3A_338[%parallel_loop3A_339], %parallel_loop3A_335 {strides = array<i32>} : memref<128xf32, #tpu.memory_space<vmem>>, vector<16xf32>,
        %parallel_loop3A_341 = arith.constant 0 : i32
        %parallel_loop3A_342 = tpu.memref_slice %arg13[%parallel_loop3A_267, %parallel_loop3A_341] : memref<80x128xf32, #tpu.memory_space<vmem>> -> memref<1x128xf32, #tpu.memory_space<vmem>>
        %parallel_loop3A_343 = tpu.memref_squeeze %parallel_loop3A_342 : memref<1x128xf32, #tpu.memory_space<vmem>> -> memref<128xf32, #tpu.memory_space<vmem>>
        %parallel_loop3A_344 = arith.constant 96 : index
        %parallel_loop3A_345 = tpu.vector_load %parallel_loop3A_343[%parallel_loop3A_344] {strides = array<i32>} : memref<128xf32, #tpu.memory_space<vmem>>, vector<16xf32>,
        %parallel_loop3A_346 = arith.mulf %parallel_loop3A_345, %parallel_loop3A_274 : vector<16xf32>
        %parallel_loop3A_347 = arith.constant 0 : i32
        %parallel_loop3A_348 = tpu.memref_slice %arg13[%parallel_loop3A_267, %parallel_loop3A_347] : memref<80x128xf32, #tpu.memory_space<vmem>> -> memref<1x128xf32, #tpu.memory_space<vmem>>
        %parallel_loop3A_349 = tpu.memref_squeeze %parallel_loop3A_348 : memref<1x128xf32, #tpu.memory_space<vmem>> -> memref<128xf32, #tpu.memory_space<vmem>>
        %parallel_loop3A_350 = arith.constant 96 : index
        %parallel_loop3A_351 = tpu.vector_load %parallel_loop3A_349[%parallel_loop3A_350] {strides = array<i32>} : memref<128xf32, #tpu.memory_space<vmem>>, vector<16xf32>,
        tpu.vector_store %parallel_loop3A_349[%parallel_loop3A_350], %parallel_loop3A_346 {strides = array<i32>} : memref<128xf32, #tpu.memory_space<vmem>>, vector<16xf32>,
        %parallel_loop3A_352 = arith.constant 0 : i32
        %parallel_loop3A_353 = tpu.memref_slice %arg13[%parallel_loop3A_267, %parallel_loop3A_352] : memref<80x128xf32, #tpu.memory_space<vmem>> -> memref<1x128xf32, #tpu.memory_space<vmem>>
        %parallel_loop3A_354 = tpu.memref_squeeze %parallel_loop3A_353 : memref<1x128xf32, #tpu.memory_space<vmem>> -> memref<128xf32, #tpu.memory_space<vmem>>
        %parallel_loop3A_355 = arith.constant 112 : index
        %parallel_loop3A_356 = tpu.vector_load %parallel_loop3A_354[%parallel_loop3A_355] {strides = array<i32>} : memref<128xf32, #tpu.memory_space<vmem>>, vector<16xf32>,
        %parallel_loop3A_357 = arith.mulf %parallel_loop3A_356, %parallel_loop3A_274 : vector<16xf32>
        %parallel_loop3A_358 = arith.constant 0 : i32
        %parallel_loop3A_359 = tpu.memref_slice %arg13[%parallel_loop3A_267, %parallel_loop3A_358] : memref<80x128xf32, #tpu.memory_space<vmem>> -> memref<1x128xf32, #tpu.memory_space<vmem>>
        %parallel_loop3A_360 = tpu.memref_squeeze %parallel_loop3A_359 : memref<1x128xf32, #tpu.memory_space<vmem>> -> memref<128xf32, #tpu.memory_space<vmem>>
        %parallel_loop3A_361 = arith.constant 112 : index
        %parallel_loop3A_362 = tpu.vector_load %parallel_loop3A_360[%parallel_loop3A_361] {strides = array<i32>} : memref<128xf32, #tpu.memory_space<vmem>>, vector<16xf32>,
        tpu.vector_store %parallel_loop3A_360[%parallel_loop3A_361], %parallel_loop3A_357 {strides = array<i32>} : memref<128xf32, #tpu.memory_space<vmem>>, vector<16xf32>,
      } {sc.loop_unroll_factor = 4 : i64, sc.parallel_access}
      %dma_start3A_105 = arith.constant 2 : i32
      %dma_start3A_106 = arith.constant 0 : i32
      %dma_start3A_107 = tpu.memref_slice %arg9[%dma_start3A_105, %dma_start3A_106] : memref<8x80xi32, #tpu.memory_space<vmem>> -> memref<1x80xi32, #tpu.memory_space<vmem>>
      %dma_start3A_108 = tpu.memref_squeeze %dma_start3A_107 : memref<1x80xi32, #tpu.memory_space<vmem>> -> memref<80xi32, #tpu.memory_space<vmem>>
      %dma_start3A_109 = arith.constant 0 : i32
      %dma_start3A_110 = arith.constant 0 : i32
      %dma_start3A_111 = tpu.memref_slice %arg15[%dma_start3A_109, %dma_start3A_110] : memref<10240x128xf32, #tpu.memory_space<vmem_shared>> -> memref<10240x128xf32, #tpu.memory_space<vmem_shared>>
      tpu.enqueue_indirect_dma source(%arg13 : memref<80x128xf32, #tpu.memory_space<vmem>>) target(%dma_start3A_111 : memref<10240x128xf32, #tpu.memory_space<vmem_shared>>) offsets(%dma_start3A_108 : memref<80xi32, #tpu.memory_space<vmem>>) semaphore(%arg22 : memref<!tpu.dma_semaphore, #tpu.memory_space<semaphore_mem>>) {add = true}
      %dma_wait3A_112 = arith.constant 1 : i32
      %dma_wait3A_113 = arith.constant 0 : i32
      %dma_wait3A_114 = tpu.memref_slice %arg9[%dma_wait3A_112, %dma_wait3A_113] : memref<8x80xi32, #tpu.memory_space<vmem>> -> memref<1x80xi32, #tpu.memory_space<vmem>>
      %dma_wait3A_115 = tpu.memref_squeeze %dma_wait3A_114 : memref<1x80xi32, #tpu.memory_space<vmem>> -> memref<80xi32, #tpu.memory_space<vmem>>
      %dma_wait3A_116 = arith.constant 0 : i32
      %dma_wait3A_117 = arith.constant 0 : i32
      %dma_wait3A_118 = tpu.memref_slice %arg15[%dma_wait3A_116, %dma_wait3A_117] : memref<10240x128xf32, #tpu.memory_space<vmem_shared>> -> memref<10240x128xf32, #tpu.memory_space<vmem_shared>>
      tpu.wait_indirect_dma semaphore(%arg21 : memref<!tpu.dma_semaphore, #tpu.memory_space<semaphore_mem>>) src(%arg12 : memref<80x128xf32, #tpu.memory_space<vmem>>) dst(%dma_wait3A_118 : memref<10240x128xf32, #tpu.memory_space<vmem_shared>>)
      %dma_start3A_119 = arith.constant 5 : i32
      %dma_start3A_120 = arith.constant 0 : i32
      %dma_start3A_121 = tpu.memref_slice %arg8[%dma_start3A_119, %dma_start3A_120] : memref<8x80xi32, #tpu.memory_space<vmem>> -> memref<1x80xi32, #tpu.memory_space<vmem>>
      %dma_start3A_122 = tpu.memref_squeeze %dma_start3A_121 : memref<1x80xi32, #tpu.memory_space<vmem>> -> memref<80xi32, #tpu.memory_space<vmem>>
      %dma_start3A_123 = arith.constant 0 : i32
      %dma_start3A_124 = arith.constant 0 : i32
      %dma_start3A_125 = tpu.memref_slice %arg2[%dma_start3A_123, %dma_start3A_124] : memref<10240x128xf32, #tpu.memory_space<hbm>> -> memref<10240x128xf32, #tpu.memory_space<hbm>>
      tpu.enqueue_indirect_dma source(%dma_start3A_125 : memref<10240x128xf32, #tpu.memory_space<hbm>>) target(%arg12 : memref<80x128xf32, #tpu.memory_space<vmem>>) offsets(%dma_start3A_122 : memref<80xi32, #tpu.memory_space<vmem>>) semaphore(%arg17 : memref<!tpu.dma_semaphore, #tpu.memory_space<semaphore_mem>>)
      %dma_wait3A_126 = arith.constant 3 : i32
      %dma_wait3A_127 = arith.constant 0 : i32
      %dma_wait3A_128 = tpu.memref_slice %arg8[%dma_wait3A_126, %dma_wait3A_127] : memref<8x80xi32, #tpu.memory_space<vmem>> -> memref<1x80xi32, #tpu.memory_space<vmem>>
      %dma_wait3A_129 = tpu.memref_squeeze %dma_wait3A_128 : memref<1x80xi32, #tpu.memory_space<vmem>> -> memref<80xi32, #tpu.memory_space<vmem>>
      %dma_wait3A_130 = arith.constant 0 : i32
      %dma_wait3A_131 = arith.constant 0 : i32
      %dma_wait3A_132 = tpu.memref_slice %arg2[%dma_wait3A_130, %dma_wait3A_131] : memref<10240x128xf32, #tpu.memory_space<hbm>> -> memref<10240x128xf32, #tpu.memory_space<hbm>>
      tpu.wait_indirect_dma semaphore(%arg19 : memref<!tpu.dma_semaphore, #tpu.memory_space<semaphore_mem>>) src(%dma_wait3A_132 : memref<10240x128xf32, #tpu.memory_space<hbm>>) dst(%arg14 : memref<80x128xf32, #tpu.memory_space<vmem>>)
      %parallel_loop3A_133 = arith.constant 0 : i32
      %parallel_loop3A_134 = arith.constant 80 : i32
      %parallel_loop3A_135 = arith.constant 1 : i32
      scf.for %parallel_loop3A_267 = %parallel_loop3A_133 to %parallel_loop3A_134 step %parallel_loop3A_135  : i32 {
        %parallel_loop3A_268 = arith.constant 0 : i32
        %parallel_loop3A_269 = vector.broadcast %parallel_loop3A_268 : i32 to vector<16xi32>
        %parallel_loop3A_270 = arith.constant 240 : i32
        %parallel_loop3A_271 = arith.addi %parallel_loop3A_270, %parallel_loop3A_267 : i32
        %parallel_loop3A_272 = vector.broadcast %parallel_loop3A_271 : i32 to vector<16xi32>
        %parallel_loop3A_273 = arith.addi %parallel_loop3A_269, %parallel_loop3A_272 : vector<16xi32>
        %parallel_loop3A_274 = tpu.vector_load_idx %arg10[%parallel_loop3A_273] : memref<640xf32, #tpu.memory_space<vmem>>[vector<16xi32>], vector<16xf32>,
        %parallel_loop3A_275 = arith.constant 0 : i32
        %parallel_loop3A_276 = tpu.memref_slice %arg14[%parallel_loop3A_267, %parallel_loop3A_275] : memref<80x128xf32, #tpu.memory_space<vmem>> -> memref<1x128xf32, #tpu.memory_space<vmem>>
        %parallel_loop3A_277 = tpu.memref_squeeze %parallel_loop3A_276 : memref<1x128xf32, #tpu.memory_space<vmem>> -> memref<128xf32, #tpu.memory_space<vmem>>
        %parallel_loop3A_278 = arith.constant 0 : index
        %parallel_loop3A_279 = tpu.vector_load %parallel_loop3A_277[%parallel_loop3A_278] {strides = array<i32>} : memref<128xf32, #tpu.memory_space<vmem>>, vector<16xf32>,
        %parallel_loop3A_280 = arith.mulf %parallel_loop3A_279, %parallel_loop3A_274 : vector<16xf32>
        %parallel_loop3A_281 = arith.constant 0 : i32
        %parallel_loop3A_282 = tpu.memref_slice %arg14[%parallel_loop3A_267, %parallel_loop3A_281] : memref<80x128xf32, #tpu.memory_space<vmem>> -> memref<1x128xf32, #tpu.memory_space<vmem>>
        %parallel_loop3A_283 = tpu.memref_squeeze %parallel_loop3A_282 : memref<1x128xf32, #tpu.memory_space<vmem>> -> memref<128xf32, #tpu.memory_space<vmem>>
        %parallel_loop3A_284 = arith.constant 0 : index
        %parallel_loop3A_285 = tpu.vector_load %parallel_loop3A_283[%parallel_loop3A_284] {strides = array<i32>} : memref<128xf32, #tpu.memory_space<vmem>>, vector<16xf32>,
        tpu.vector_store %parallel_loop3A_283[%parallel_loop3A_284], %parallel_loop3A_280 {strides = array<i32>} : memref<128xf32, #tpu.memory_space<vmem>>, vector<16xf32>,
        %parallel_loop3A_286 = arith.constant 0 : i32
        %parallel_loop3A_287 = tpu.memref_slice %arg14[%parallel_loop3A_267, %parallel_loop3A_286] : memref<80x128xf32, #tpu.memory_space<vmem>> -> memref<1x128xf32, #tpu.memory_space<vmem>>
        %parallel_loop3A_288 = tpu.memref_squeeze %parallel_loop3A_287 : memref<1x128xf32, #tpu.memory_space<vmem>> -> memref<128xf32, #tpu.memory_space<vmem>>
        %parallel_loop3A_289 = arith.constant 16 : index
        %parallel_loop3A_290 = tpu.vector_load %parallel_loop3A_288[%parallel_loop3A_289] {strides = array<i32>} : memref<128xf32, #tpu.memory_space<vmem>>, vector<16xf32>,
        %parallel_loop3A_291 = arith.mulf %parallel_loop3A_290, %parallel_loop3A_274 : vector<16xf32>
        %parallel_loop3A_292 = arith.constant 0 : i32
        %parallel_loop3A_293 = tpu.memref_slice %arg14[%parallel_loop3A_267, %parallel_loop3A_292] : memref<80x128xf32, #tpu.memory_space<vmem>> -> memref<1x128xf32, #tpu.memory_space<vmem>>
        %parallel_loop3A_294 = tpu.memref_squeeze %parallel_loop3A_293 : memref<1x128xf32, #tpu.memory_space<vmem>> -> memref<128xf32, #tpu.memory_space<vmem>>
        %parallel_loop3A_295 = arith.constant 16 : index
        %parallel_loop3A_296 = tpu.vector_load %parallel_loop3A_294[%parallel_loop3A_295] {strides = array<i32>} : memref<128xf32, #tpu.memory_space<vmem>>, vector<16xf32>,
        tpu.vector_store %parallel_loop3A_294[%parallel_loop3A_295], %parallel_loop3A_291 {strides = array<i32>} : memref<128xf32, #tpu.memory_space<vmem>>, vector<16xf32>,
        %parallel_loop3A_297 = arith.constant 0 : i32
        %parallel_loop3A_298 = tpu.memref_slice %arg14[%parallel_loop3A_267, %parallel_loop3A_297] : memref<80x128xf32, #tpu.memory_space<vmem>> -> memref<1x128xf32, #tpu.memory_space<vmem>>
        %parallel_loop3A_299 = tpu.memref_squeeze %parallel_loop3A_298 : memref<1x128xf32, #tpu.memory_space<vmem>> -> memref<128xf32, #tpu.memory_space<vmem>>
        %parallel_loop3A_300 = arith.constant 32 : index
        %parallel_loop3A_301 = tpu.vector_load %parallel_loop3A_299[%parallel_loop3A_300] {strides = array<i32>} : memref<128xf32, #tpu.memory_space<vmem>>, vector<16xf32>,
        %parallel_loop3A_302 = arith.mulf %parallel_loop3A_301, %parallel_loop3A_274 : vector<16xf32>
        %parallel_loop3A_303 = arith.constant 0 : i32
        %parallel_loop3A_304 = tpu.memref_slice %arg14[%parallel_loop3A_267, %parallel_loop3A_303] : memref<80x128xf32, #tpu.memory_space<vmem>> -> memref<1x128xf32, #tpu.memory_space<vmem>>
        %parallel_loop3A_305 = tpu.memref_squeeze %parallel_loop3A_304 : memref<1x128xf32, #tpu.memory_space<vmem>> -> memref<128xf32, #tpu.memory_space<vmem>>
        %parallel_loop3A_306 = arith.constant 32 : index
        %parallel_loop3A_307 = tpu.vector_load %parallel_loop3A_305[%parallel_loop3A_306] {strides = array<i32>} : memref<128xf32, #tpu.memory_space<vmem>>, vector<16xf32>,
        tpu.vector_store %parallel_loop3A_305[%parallel_loop3A_306], %parallel_loop3A_302 {strides = array<i32>} : memref<128xf32, #tpu.memory_space<vmem>>, vector<16xf32>,
        %parallel_loop3A_308 = arith.constant 0 : i32
        %parallel_loop3A_309 = tpu.memref_slice %arg14[%parallel_loop3A_267, %parallel_loop3A_308] : memref<80x128xf32, #tpu.memory_space<vmem>> -> memref<1x128xf32, #tpu.memory_space<vmem>>
        %parallel_loop3A_310 = tpu.memref_squeeze %parallel_loop3A_309 : memref<1x128xf32, #tpu.memory_space<vmem>> -> memref<128xf32, #tpu.memory_space<vmem>>
        %parallel_loop3A_311 = arith.constant 48 : index
        %parallel_loop3A_312 = tpu.vector_load %parallel_loop3A_310[%parallel_loop3A_311] {strides = array<i32>} : memref<128xf32, #tpu.memory_space<vmem>>, vector<16xf32>,
        %parallel_loop3A_313 = arith.mulf %parallel_loop3A_312, %parallel_loop3A_274 : vector<16xf32>
        %parallel_loop3A_314 = arith.constant 0 : i32
        %parallel_loop3A_315 = tpu.memref_slice %arg14[%parallel_loop3A_267, %parallel_loop3A_314] : memref<80x128xf32, #tpu.memory_space<vmem>> -> memref<1x128xf32, #tpu.memory_space<vmem>>
        %parallel_loop3A_316 = tpu.memref_squeeze %parallel_loop3A_315 : memref<1x128xf32, #tpu.memory_space<vmem>> -> memref<128xf32, #tpu.memory_space<vmem>>
        %parallel_loop3A_317 = arith.constant 48 : index
        %parallel_loop3A_318 = tpu.vector_load %parallel_loop3A_316[%parallel_loop3A_317] {strides = array<i32>} : memref<128xf32, #tpu.memory_space<vmem>>, vector<16xf32>,
        tpu.vector_store %parallel_loop3A_316[%parallel_loop3A_317], %parallel_loop3A_313 {strides = array<i32>} : memref<128xf32, #tpu.memory_space<vmem>>, vector<16xf32>,
        %parallel_loop3A_319 = arith.constant 0 : i32
        %parallel_loop3A_320 = tpu.memref_slice %arg14[%parallel_loop3A_267, %parallel_loop3A_319] : memref<80x128xf32, #tpu.memory_space<vmem>> -> memref<1x128xf32, #tpu.memory_space<vmem>>
        %parallel_loop3A_321 = tpu.memref_squeeze %parallel_loop3A_320 : memref<1x128xf32, #tpu.memory_space<vmem>> -> memref<128xf32, #tpu.memory_space<vmem>>
        %parallel_loop3A_322 = arith.constant 64 : index
        %parallel_loop3A_323 = tpu.vector_load %parallel_loop3A_321[%parallel_loop3A_322] {strides = array<i32>} : memref<128xf32, #tpu.memory_space<vmem>>, vector<16xf32>,
        %parallel_loop3A_324 = arith.mulf %parallel_loop3A_323, %parallel_loop3A_274 : vector<16xf32>
        %parallel_loop3A_325 = arith.constant 0 : i32
        %parallel_loop3A_326 = tpu.memref_slice %arg14[%parallel_loop3A_267, %parallel_loop3A_325] : memref<80x128xf32, #tpu.memory_space<vmem>> -> memref<1x128xf32, #tpu.memory_space<vmem>>
        %parallel_loop3A_327 = tpu.memref_squeeze %parallel_loop3A_326 : memref<1x128xf32, #tpu.memory_space<vmem>> -> memref<128xf32, #tpu.memory_space<vmem>>
        %parallel_loop3A_328 = arith.constant 64 : index
        %parallel_loop3A_329 = tpu.vector_load %parallel_loop3A_327[%parallel_loop3A_328] {strides = array<i32>} : memref<128xf32, #tpu.memory_space<vmem>>, vector<16xf32>,
        tpu.vector_store %parallel_loop3A_327[%parallel_loop3A_328], %parallel_loop3A_324 {strides = array<i32>} : memref<128xf32, #tpu.memory_space<vmem>>, vector<16xf32>,
        %parallel_loop3A_330 = arith.constant 0 : i32
        %parallel_loop3A_331 = tpu.memref_slice %arg14[%parallel_loop3A_267, %parallel_loop3A_330] : memref<80x128xf32, #tpu.memory_space<vmem>> -> memref<1x128xf32, #tpu.memory_space<vmem>>
        %parallel_loop3A_332 = tpu.memref_squeeze %parallel_loop3A_331 : memref<1x128xf32, #tpu.memory_space<vmem>> -> memref<128xf32, #tpu.memory_space<vmem>>
        %parallel_loop3A_333 = arith.constant 80 : index
        %parallel_loop3A_334 = tpu.vector_load %parallel_loop3A_332[%parallel_loop3A_333] {strides = array<i32>} : memref<128xf32, #tpu.memory_space<vmem>>, vector<16xf32>,
        %parallel_loop3A_335 = arith.mulf %parallel_loop3A_334, %parallel_loop3A_274 : vector<16xf32>
        %parallel_loop3A_336 = arith.constant 0 : i32
        %parallel_loop3A_337 = tpu.memref_slice %arg14[%parallel_loop3A_267, %parallel_loop3A_336] : memref<80x128xf32, #tpu.memory_space<vmem>> -> memref<1x128xf32, #tpu.memory_space<vmem>>
        %parallel_loop3A_338 = tpu.memref_squeeze %parallel_loop3A_337 : memref<1x128xf32, #tpu.memory_space<vmem>> -> memref<128xf32, #tpu.memory_space<vmem>>
        %parallel_loop3A_339 = arith.constant 80 : index
        %parallel_loop3A_340 = tpu.vector_load %parallel_loop3A_338[%parallel_loop3A_339] {strides = array<i32>} : memref<128xf32, #tpu.memory_space<vmem>>, vector<16xf32>,
        tpu.vector_store %parallel_loop3A_338[%parallel_loop3A_339], %parallel_loop3A_335 {strides = array<i32>} : memref<128xf32, #tpu.memory_space<vmem>>, vector<16xf32>,
        %parallel_loop3A_341 = arith.constant 0 : i32
        %parallel_loop3A_342 = tpu.memref_slice %arg14[%parallel_loop3A_267, %parallel_loop3A_341] : memref<80x128xf32, #tpu.memory_space<vmem>> -> memref<1x128xf32, #tpu.memory_space<vmem>>
        %parallel_loop3A_343 = tpu.memref_squeeze %parallel_loop3A_342 : memref<1x128xf32, #tpu.memory_space<vmem>> -> memref<128xf32, #tpu.memory_space<vmem>>
        %parallel_loop3A_344 = arith.constant 96 : index
        %parallel_loop3A_345 = tpu.vector_load %parallel_loop3A_343[%parallel_loop3A_344] {strides = array<i32>} : memref<128xf32, #tpu.memory_space<vmem>>, vector<16xf32>,
        %parallel_loop3A_346 = arith.mulf %parallel_loop3A_345, %parallel_loop3A_274 : vector<16xf32>
        %parallel_loop3A_347 = arith.constant 0 : i32
        %parallel_loop3A_348 = tpu.memref_slice %arg14[%parallel_loop3A_267, %parallel_loop3A_347] : memref<80x128xf32, #tpu.memory_space<vmem>> -> memref<1x128xf32, #tpu.memory_space<vmem>>
        %parallel_loop3A_349 = tpu.memref_squeeze %parallel_loop3A_348 : memref<1x128xf32, #tpu.memory_space<vmem>> -> memref<128xf32, #tpu.memory_space<vmem>>
        %parallel_loop3A_350 = arith.constant 96 : index
        %parallel_loop3A_351 = tpu.vector_load %parallel_loop3A_349[%parallel_loop3A_350] {strides = array<i32>} : memref<128xf32, #tpu.memory_space<vmem>>, vector<16xf32>,
        tpu.vector_store %parallel_loop3A_349[%parallel_loop3A_350], %parallel_loop3A_346 {strides = array<i32>} : memref<128xf32, #tpu.memory_space<vmem>>, vector<16xf32>,
        %parallel_loop3A_352 = arith.constant 0 : i32
        %parallel_loop3A_353 = tpu.memref_slice %arg14[%parallel_loop3A_267, %parallel_loop3A_352] : memref<80x128xf32, #tpu.memory_space<vmem>> -> memref<1x128xf32, #tpu.memory_space<vmem>>
        %parallel_loop3A_354 = tpu.memref_squeeze %parallel_loop3A_353 : memref<1x128xf32, #tpu.memory_space<vmem>> -> memref<128xf32, #tpu.memory_space<vmem>>
        %parallel_loop3A_355 = arith.constant 112 : index
        %parallel_loop3A_356 = tpu.vector_load %parallel_loop3A_354[%parallel_loop3A_355] {strides = array<i32>} : memref<128xf32, #tpu.memory_space<vmem>>, vector<16xf32>,
        %parallel_loop3A_357 = arith.mulf %parallel_loop3A_356, %parallel_loop3A_274 : vector<16xf32>
        %parallel_loop3A_358 = arith.constant 0 : i32
        %parallel_loop3A_359 = tpu.memref_slice %arg14[%parallel_loop3A_267, %parallel_loop3A_358] : memref<80x128xf32, #tpu.memory_space<vmem>> -> memref<1x128xf32, #tpu.memory_space<vmem>>
        %parallel_loop3A_360 = tpu.memref_squeeze %parallel_loop3A_359 : memref<1x128xf32, #tpu.memory_space<vmem>> -> memref<128xf32, #tpu.memory_space<vmem>>
        %parallel_loop3A_361 = arith.constant 112 : index
        %parallel_loop3A_362 = tpu.vector_load %parallel_loop3A_360[%parallel_loop3A_361] {strides = array<i32>} : memref<128xf32, #tpu.memory_space<vmem>>, vector<16xf32>,
        tpu.vector_store %parallel_loop3A_360[%parallel_loop3A_361], %parallel_loop3A_357 {strides = array<i32>} : memref<128xf32, #tpu.memory_space<vmem>>, vector<16xf32>,
      } {sc.loop_unroll_factor = 4 : i64, sc.parallel_access}
      %dma_start3A_136 = arith.constant 3 : i32
      %dma_start3A_137 = arith.constant 0 : i32
      %dma_start3A_138 = tpu.memref_slice %arg9[%dma_start3A_136, %dma_start3A_137] : memref<8x80xi32, #tpu.memory_space<vmem>> -> memref<1x80xi32, #tpu.memory_space<vmem>>
      %dma_start3A_139 = tpu.memref_squeeze %dma_start3A_138 : memref<1x80xi32, #tpu.memory_space<vmem>> -> memref<80xi32, #tpu.memory_space<vmem>>
      %dma_start3A_140 = arith.constant 0 : i32
      %dma_start3A_141 = arith.constant 0 : i32
      %dma_start3A_142 = tpu.memref_slice %arg15[%dma_start3A_140, %dma_start3A_141] : memref<10240x128xf32, #tpu.memory_space<vmem_shared>> -> memref<10240x128xf32, #tpu.memory_space<vmem_shared>>
      tpu.enqueue_indirect_dma source(%arg14 : memref<80x128xf32, #tpu.memory_space<vmem>>) target(%dma_start3A_142 : memref<10240x128xf32, #tpu.memory_space<vmem_shared>>) offsets(%dma_start3A_139 : memref<80xi32, #tpu.memory_space<vmem>>) semaphore(%arg23 : memref<!tpu.dma_semaphore, #tpu.memory_space<semaphore_mem>>) {add = true}
      %dma_wait3A_143 = arith.constant 2 : i32
      %dma_wait3A_144 = arith.constant 0 : i32
      %dma_wait3A_145 = tpu.memref_slice %arg9[%dma_wait3A_143, %dma_wait3A_144] : memref<8x80xi32, #tpu.memory_space<vmem>> -> memref<1x80xi32, #tpu.memory_space<vmem>>
      %dma_wait3A_146 = tpu.memref_squeeze %dma_wait3A_145 : memref<1x80xi32, #tpu.memory_space<vmem>> -> memref<80xi32, #tpu.memory_space<vmem>>
      %dma_wait3A_147 = arith.constant 0 : i32
      %dma_wait3A_148 = arith.constant 0 : i32
      %dma_wait3A_149 = tpu.memref_slice %arg15[%dma_wait3A_147, %dma_wait3A_148] : memref<10240x128xf32, #tpu.memory_space<vmem_shared>> -> memref<10240x128xf32, #tpu.memory_space<vmem_shared>>
      tpu.wait_indirect_dma semaphore(%arg22 : memref<!tpu.dma_semaphore, #tpu.memory_space<semaphore_mem>>) src(%arg13 : memref<80x128xf32, #tpu.memory_space<vmem>>) dst(%dma_wait3A_149 : memref<10240x128xf32, #tpu.memory_space<vmem_shared>>)
      %dma_start3A_150 = arith.constant 6 : i32
      %dma_start3A_151 = arith.constant 0 : i32
      %dma_start3A_152 = tpu.memref_slice %arg8[%dma_start3A_150, %dma_start3A_151] : memref<8x80xi32, #tpu.memory_space<vmem>> -> memref<1x80xi32, #tpu.memory_space<vmem>>
      %dma_start3A_153 = tpu.memref_squeeze %dma_start3A_152 : memref<1x80xi32, #tpu.memory_space<vmem>> -> memref<80xi32, #tpu.memory_space<vmem>>
      %dma_start3A_154 = arith.constant 0 : i32
      %dma_start3A_155 = arith.constant 0 : i32
      %dma_start3A_156 = tpu.memref_slice %arg2[%dma_start3A_154, %dma_start3A_155] : memref<10240x128xf32, #tpu.memory_space<hbm>> -> memref<10240x128xf32, #tpu.memory_space<hbm>>
      tpu.enqueue_indirect_dma source(%dma_start3A_156 : memref<10240x128xf32, #tpu.memory_space<hbm>>) target(%arg13 : memref<80x128xf32, #tpu.memory_space<vmem>>) offsets(%dma_start3A_153 : memref<80xi32, #tpu.memory_space<vmem>>) semaphore(%arg18 : memref<!tpu.dma_semaphore, #tpu.memory_space<semaphore_mem>>)
      %dma_wait3A_157 = arith.constant 4 : i32
      %dma_wait3A_158 = arith.constant 0 : i32
      %dma_wait3A_159 = tpu.memref_slice %arg8[%dma_wait3A_157, %dma_wait3A_158] : memref<8x80xi32, #tpu.memory_space<vmem>> -> memref<1x80xi32, #tpu.memory_space<vmem>>
      %dma_wait3A_160 = tpu.memref_squeeze %dma_wait3A_159 : memref<1x80xi32, #tpu.memory_space<vmem>> -> memref<80xi32, #tpu.memory_space<vmem>>
      %dma_wait3A_161 = arith.constant 0 : i32
      %dma_wait3A_162 = arith.constant 0 : i32
      %dma_wait3A_163 = tpu.memref_slice %arg2[%dma_wait3A_161, %dma_wait3A_162] : memref<10240x128xf32, #tpu.memory_space<hbm>> -> memref<10240x128xf32, #tpu.memory_space<hbm>>
      tpu.wait_indirect_dma semaphore(%arg16 : memref<!tpu.dma_semaphore, #tpu.memory_space<semaphore_mem>>) src(%dma_wait3A_163 : memref<10240x128xf32, #tpu.memory_space<hbm>>) dst(%arg11 : memref<80x128xf32, #tpu.memory_space<vmem>>)
      %parallel_loop3A_164 = arith.constant 0 : i32
      %parallel_loop3A_165 = arith.constant 80 : i32
      %parallel_loop3A_166 = arith.constant 1 : i32
      scf.for %parallel_loop3A_267 = %parallel_loop3A_164 to %parallel_loop3A_165 step %parallel_loop3A_166  : i32 {
        %parallel_loop3A_268 = arith.constant 0 : i32
        %parallel_loop3A_269 = vector.broadcast %parallel_loop3A_268 : i32 to vector<16xi32>
        %parallel_loop3A_270 = arith.constant 320 : i32
        %parallel_loop3A_271 = arith.addi %parallel_loop3A_270, %parallel_loop3A_267 : i32
        %parallel_loop3A_272 = vector.broadcast %parallel_loop3A_271 : i32 to vector<16xi32>
        %parallel_loop3A_273 = arith.addi %parallel_loop3A_269, %parallel_loop3A_272 : vector<16xi32>
        %parallel_loop3A_274 = tpu.vector_load_idx %arg10[%parallel_loop3A_273] : memref<640xf32, #tpu.memory_space<vmem>>[vector<16xi32>], vector<16xf32>,
        %parallel_loop3A_275 = arith.constant 0 : i32
        %parallel_loop3A_276 = tpu.memref_slice %arg11[%parallel_loop3A_267, %parallel_loop3A_275] : memref<80x128xf32, #tpu.memory_space<vmem>> -> memref<1x128xf32, #tpu.memory_space<vmem>>
        %parallel_loop3A_277 = tpu.memref_squeeze %parallel_loop3A_276 : memref<1x128xf32, #tpu.memory_space<vmem>> -> memref<128xf32, #tpu.memory_space<vmem>>
        %parallel_loop3A_278 = arith.constant 0 : index
        %parallel_loop3A_279 = tpu.vector_load %parallel_loop3A_277[%parallel_loop3A_278] {strides = array<i32>} : memref<128xf32, #tpu.memory_space<vmem>>, vector<16xf32>,
        %parallel_loop3A_280 = arith.mulf %parallel_loop3A_279, %parallel_loop3A_274 : vector<16xf32>
        %parallel_loop3A_281 = arith.constant 0 : i32
        %parallel_loop3A_282 = tpu.memref_slice %arg11[%parallel_loop3A_267, %parallel_loop3A_281] : memref<80x128xf32, #tpu.memory_space<vmem>> -> memref<1x128xf32, #tpu.memory_space<vmem>>
        %parallel_loop3A_283 = tpu.memref_squeeze %parallel_loop3A_282 : memref<1x128xf32, #tpu.memory_space<vmem>> -> memref<128xf32, #tpu.memory_space<vmem>>
        %parallel_loop3A_284 = arith.constant 0 : index
        %parallel_loop3A_285 = tpu.vector_load %parallel_loop3A_283[%parallel_loop3A_284] {strides = array<i32>} : memref<128xf32, #tpu.memory_space<vmem>>, vector<16xf32>,
        tpu.vector_store %parallel_loop3A_283[%parallel_loop3A_284], %parallel_loop3A_280 {strides = array<i32>} : memref<128xf32, #tpu.memory_space<vmem>>, vector<16xf32>,
        %parallel_loop3A_286 = arith.constant 0 : i32
        %parallel_loop3A_287 = tpu.memref_slice %arg11[%parallel_loop3A_267, %parallel_loop3A_286] : memref<80x128xf32, #tpu.memory_space<vmem>> -> memref<1x128xf32, #tpu.memory_space<vmem>>
        %parallel_loop3A_288 = tpu.memref_squeeze %parallel_loop3A_287 : memref<1x128xf32, #tpu.memory_space<vmem>> -> memref<128xf32, #tpu.memory_space<vmem>>
        %parallel_loop3A_289 = arith.constant 16 : index
        %parallel_loop3A_290 = tpu.vector_load %parallel_loop3A_288[%parallel_loop3A_289] {strides = array<i32>} : memref<128xf32, #tpu.memory_space<vmem>>, vector<16xf32>,
        %parallel_loop3A_291 = arith.mulf %parallel_loop3A_290, %parallel_loop3A_274 : vector<16xf32>
        %parallel_loop3A_292 = arith.constant 0 : i32
        %parallel_loop3A_293 = tpu.memref_slice %arg11[%parallel_loop3A_267, %parallel_loop3A_292] : memref<80x128xf32, #tpu.memory_space<vmem>> -> memref<1x128xf32, #tpu.memory_space<vmem>>
        %parallel_loop3A_294 = tpu.memref_squeeze %parallel_loop3A_293 : memref<1x128xf32, #tpu.memory_space<vmem>> -> memref<128xf32, #tpu.memory_space<vmem>>
        %parallel_loop3A_295 = arith.constant 16 : index
        %parallel_loop3A_296 = tpu.vector_load %parallel_loop3A_294[%parallel_loop3A_295] {strides = array<i32>} : memref<128xf32, #tpu.memory_space<vmem>>, vector<16xf32>,
        tpu.vector_store %parallel_loop3A_294[%parallel_loop3A_295], %parallel_loop3A_291 {strides = array<i32>} : memref<128xf32, #tpu.memory_space<vmem>>, vector<16xf32>,
        %parallel_loop3A_297 = arith.constant 0 : i32
        %parallel_loop3A_298 = tpu.memref_slice %arg11[%parallel_loop3A_267, %parallel_loop3A_297] : memref<80x128xf32, #tpu.memory_space<vmem>> -> memref<1x128xf32, #tpu.memory_space<vmem>>
        %parallel_loop3A_299 = tpu.memref_squeeze %parallel_loop3A_298 : memref<1x128xf32, #tpu.memory_space<vmem>> -> memref<128xf32, #tpu.memory_space<vmem>>
        %parallel_loop3A_300 = arith.constant 32 : index
        %parallel_loop3A_301 = tpu.vector_load %parallel_loop3A_299[%parallel_loop3A_300] {strides = array<i32>} : memref<128xf32, #tpu.memory_space<vmem>>, vector<16xf32>,
        %parallel_loop3A_302 = arith.mulf %parallel_loop3A_301, %parallel_loop3A_274 : vector<16xf32>
        %parallel_loop3A_303 = arith.constant 0 : i32
        %parallel_loop3A_304 = tpu.memref_slice %arg11[%parallel_loop3A_267, %parallel_loop3A_303] : memref<80x128xf32, #tpu.memory_space<vmem>> -> memref<1x128xf32, #tpu.memory_space<vmem>>
        %parallel_loop3A_305 = tpu.memref_squeeze %parallel_loop3A_304 : memref<1x128xf32, #tpu.memory_space<vmem>> -> memref<128xf32, #tpu.memory_space<vmem>>
        %parallel_loop3A_306 = arith.constant 32 : index
        %parallel_loop3A_307 = tpu.vector_load %parallel_loop3A_305[%parallel_loop3A_306] {strides = array<i32>} : memref<128xf32, #tpu.memory_space<vmem>>, vector<16xf32>,
        tpu.vector_store %parallel_loop3A_305[%parallel_loop3A_306], %parallel_loop3A_302 {strides = array<i32>} : memref<128xf32, #tpu.memory_space<vmem>>, vector<16xf32>,
        %parallel_loop3A_308 = arith.constant 0 : i32
        %parallel_loop3A_309 = tpu.memref_slice %arg11[%parallel_loop3A_267, %parallel_loop3A_308] : memref<80x128xf32, #tpu.memory_space<vmem>> -> memref<1x128xf32, #tpu.memory_space<vmem>>
        %parallel_loop3A_310 = tpu.memref_squeeze %parallel_loop3A_309 : memref<1x128xf32, #tpu.memory_space<vmem>> -> memref<128xf32, #tpu.memory_space<vmem>>
        %parallel_loop3A_311 = arith.constant 48 : index
        %parallel_loop3A_312 = tpu.vector_load %parallel_loop3A_310[%parallel_loop3A_311] {strides = array<i32>} : memref<128xf32, #tpu.memory_space<vmem>>, vector<16xf32>,
        %parallel_loop3A_313 = arith.mulf %parallel_loop3A_312, %parallel_loop3A_274 : vector<16xf32>
        %parallel_loop3A_314 = arith.constant 0 : i32
        %parallel_loop3A_315 = tpu.memref_slice %arg11[%parallel_loop3A_267, %parallel_loop3A_314] : memref<80x128xf32, #tpu.memory_space<vmem>> -> memref<1x128xf32, #tpu.memory_space<vmem>>
        %parallel_loop3A_316 = tpu.memref_squeeze %parallel_loop3A_315 : memref<1x128xf32, #tpu.memory_space<vmem>> -> memref<128xf32, #tpu.memory_space<vmem>>
        %parallel_loop3A_317 = arith.constant 48 : index
        %parallel_loop3A_318 = tpu.vector_load %parallel_loop3A_316[%parallel_loop3A_317] {strides = array<i32>} : memref<128xf32, #tpu.memory_space<vmem>>, vector<16xf32>,
        tpu.vector_store %parallel_loop3A_316[%parallel_loop3A_317], %parallel_loop3A_313 {strides = array<i32>} : memref<128xf32, #tpu.memory_space<vmem>>, vector<16xf32>,
        %parallel_loop3A_319 = arith.constant 0 : i32
        %parallel_loop3A_320 = tpu.memref_slice %arg11[%parallel_loop3A_267, %parallel_loop3A_319] : memref<80x128xf32, #tpu.memory_space<vmem>> -> memref<1x128xf32, #tpu.memory_space<vmem>>
        %parallel_loop3A_321 = tpu.memref_squeeze %parallel_loop3A_320 : memref<1x128xf32, #tpu.memory_space<vmem>> -> memref<128xf32, #tpu.memory_space<vmem>>
        %parallel_loop3A_322 = arith.constant 64 : index
        %parallel_loop3A_323 = tpu.vector_load %parallel_loop3A_321[%parallel_loop3A_322] {strides = array<i32>} : memref<128xf32, #tpu.memory_space<vmem>>, vector<16xf32>,
        %parallel_loop3A_324 = arith.mulf %parallel_loop3A_323, %parallel_loop3A_274 : vector<16xf32>
        %parallel_loop3A_325 = arith.constant 0 : i32
        %parallel_loop3A_326 = tpu.memref_slice %arg11[%parallel_loop3A_267, %parallel_loop3A_325] : memref<80x128xf32, #tpu.memory_space<vmem>> -> memref<1x128xf32, #tpu.memory_space<vmem>>
        %parallel_loop3A_327 = tpu.memref_squeeze %parallel_loop3A_326 : memref<1x128xf32, #tpu.memory_space<vmem>> -> memref<128xf32, #tpu.memory_space<vmem>>
        %parallel_loop3A_328 = arith.constant 64 : index
        %parallel_loop3A_329 = tpu.vector_load %parallel_loop3A_327[%parallel_loop3A_328] {strides = array<i32>} : memref<128xf32, #tpu.memory_space<vmem>>, vector<16xf32>,
        tpu.vector_store %parallel_loop3A_327[%parallel_loop3A_328], %parallel_loop3A_324 {strides = array<i32>} : memref<128xf32, #tpu.memory_space<vmem>>, vector<16xf32>,
        %parallel_loop3A_330 = arith.constant 0 : i32
        %parallel_loop3A_331 = tpu.memref_slice %arg11[%parallel_loop3A_267, %parallel_loop3A_330] : memref<80x128xf32, #tpu.memory_space<vmem>> -> memref<1x128xf32, #tpu.memory_space<vmem>>
        %parallel_loop3A_332 = tpu.memref_squeeze %parallel_loop3A_331 : memref<1x128xf32, #tpu.memory_space<vmem>> -> memref<128xf32, #tpu.memory_space<vmem>>
        %parallel_loop3A_333 = arith.constant 80 : index
        %parallel_loop3A_334 = tpu.vector_load %parallel_loop3A_332[%parallel_loop3A_333] {strides = array<i32>} : memref<128xf32, #tpu.memory_space<vmem>>, vector<16xf32>,
        %parallel_loop3A_335 = arith.mulf %parallel_loop3A_334, %parallel_loop3A_274 : vector<16xf32>
        %parallel_loop3A_336 = arith.constant 0 : i32
        %parallel_loop3A_337 = tpu.memref_slice %arg11[%parallel_loop3A_267, %parallel_loop3A_336] : memref<80x128xf32, #tpu.memory_space<vmem>> -> memref<1x128xf32, #tpu.memory_space<vmem>>
        %parallel_loop3A_338 = tpu.memref_squeeze %parallel_loop3A_337 : memref<1x128xf32, #tpu.memory_space<vmem>> -> memref<128xf32, #tpu.memory_space<vmem>>
        %parallel_loop3A_339 = arith.constant 80 : index
        %parallel_loop3A_340 = tpu.vector_load %parallel_loop3A_338[%parallel_loop3A_339] {strides = array<i32>} : memref<128xf32, #tpu.memory_space<vmem>>, vector<16xf32>,
        tpu.vector_store %parallel_loop3A_338[%parallel_loop3A_339], %parallel_loop3A_335 {strides = array<i32>} : memref<128xf32, #tpu.memory_space<vmem>>, vector<16xf32>,
        %parallel_loop3A_341 = arith.constant 0 : i32
        %parallel_loop3A_342 = tpu.memref_slice %arg11[%parallel_loop3A_267, %parallel_loop3A_341] : memref<80x128xf32, #tpu.memory_space<vmem>> -> memref<1x128xf32, #tpu.memory_space<vmem>>
        %parallel_loop3A_343 = tpu.memref_squeeze %parallel_loop3A_342 : memref<1x128xf32, #tpu.memory_space<vmem>> -> memref<128xf32, #tpu.memory_space<vmem>>
        %parallel_loop3A_344 = arith.constant 96 : index
        %parallel_loop3A_345 = tpu.vector_load %parallel_loop3A_343[%parallel_loop3A_344] {strides = array<i32>} : memref<128xf32, #tpu.memory_space<vmem>>, vector<16xf32>,
        %parallel_loop3A_346 = arith.mulf %parallel_loop3A_345, %parallel_loop3A_274 : vector<16xf32>
        %parallel_loop3A_347 = arith.constant 0 : i32
        %parallel_loop3A_348 = tpu.memref_slice %arg11[%parallel_loop3A_267, %parallel_loop3A_347] : memref<80x128xf32, #tpu.memory_space<vmem>> -> memref<1x128xf32, #tpu.memory_space<vmem>>
        %parallel_loop3A_349 = tpu.memref_squeeze %parallel_loop3A_348 : memref<1x128xf32, #tpu.memory_space<vmem>> -> memref<128xf32, #tpu.memory_space<vmem>>
        %parallel_loop3A_350 = arith.constant 96 : index
        %parallel_loop3A_351 = tpu.vector_load %parallel_loop3A_349[%parallel_loop3A_350] {strides = array<i32>} : memref<128xf32, #tpu.memory_space<vmem>>, vector<16xf32>,
        tpu.vector_store %parallel_loop3A_349[%parallel_loop3A_350], %parallel_loop3A_346 {strides = array<i32>} : memref<128xf32, #tpu.memory_space<vmem>>, vector<16xf32>,
        %parallel_loop3A_352 = arith.constant 0 : i32
        %parallel_loop3A_353 = tpu.memref_slice %arg11[%parallel_loop3A_267, %parallel_loop3A_352] : memref<80x128xf32, #tpu.memory_space<vmem>> -> memref<1x128xf32, #tpu.memory_space<vmem>>
        %parallel_loop3A_354 = tpu.memref_squeeze %parallel_loop3A_353 : memref<1x128xf32, #tpu.memory_space<vmem>> -> memref<128xf32, #tpu.memory_space<vmem>>
        %parallel_loop3A_355 = arith.constant 112 : index
        %parallel_loop3A_356 = tpu.vector_load %parallel_loop3A_354[%parallel_loop3A_355] {strides = array<i32>} : memref<128xf32, #tpu.memory_space<vmem>>, vector<16xf32>,
        %parallel_loop3A_357 = arith.mulf %parallel_loop3A_356, %parallel_loop3A_274 : vector<16xf32>
        %parallel_loop3A_358 = arith.constant 0 : i32
        %parallel_loop3A_359 = tpu.memref_slice %arg11[%parallel_loop3A_267, %parallel_loop3A_358] : memref<80x128xf32, #tpu.memory_space<vmem>> -> memref<1x128xf32, #tpu.memory_space<vmem>>
        %parallel_loop3A_360 = tpu.memref_squeeze %parallel_loop3A_359 : memref<1x128xf32, #tpu.memory_space<vmem>> -> memref<128xf32, #tpu.memory_space<vmem>>
        %parallel_loop3A_361 = arith.constant 112 : index
        %parallel_loop3A_362 = tpu.vector_load %parallel_loop3A_360[%parallel_loop3A_361] {strides = array<i32>} : memref<128xf32, #tpu.memory_space<vmem>>, vector<16xf32>,
        tpu.vector_store %parallel_loop3A_360[%parallel_loop3A_361], %parallel_loop3A_357 {strides = array<i32>} : memref<128xf32, #tpu.memory_space<vmem>>, vector<16xf32>,
      } {sc.loop_unroll_factor = 4 : i64, sc.parallel_access}
      %dma_start3A_167 = arith.constant 4 : i32
      %dma_start3A_168 = arith.constant 0 : i32
      %dma_start3A_169 = tpu.memref_slice %arg9[%dma_start3A_167, %dma_start3A_168] : memref<8x80xi32, #tpu.memory_space<vmem>> -> memref<1x80xi32, #tpu.memory_space<vmem>>
      %dma_start3A_170 = tpu.memref_squeeze %dma_start3A_169 : memref<1x80xi32, #tpu.memory_space<vmem>> -> memref<80xi32, #tpu.memory_space<vmem>>
      %dma_start3A_171 = arith.constant 0 : i32
      %dma_start3A_172 = arith.constant 0 : i32
      %dma_start3A_173 = tpu.memref_slice %arg15[%dma_start3A_171, %dma_start3A_172] : memref<10240x128xf32, #tpu.memory_space<vmem_shared>> -> memref<10240x128xf32, #tpu.memory_space<vmem_shared>>
      tpu.enqueue_indirect_dma source(%arg11 : memref<80x128xf32, #tpu.memory_space<vmem>>) target(%dma_start3A_173 : memref<10240x128xf32, #tpu.memory_space<vmem_shared>>) offsets(%dma_start3A_170 : memref<80xi32, #tpu.memory_space<vmem>>) semaphore(%arg20 : memref<!tpu.dma_semaphore, #tpu.memory_space<semaphore_mem>>) {add = true}
      %dma_wait3A_174 = arith.constant 3 : i32
      %dma_wait3A_175 = arith.constant 0 : i32
      %dma_wait3A_176 = tpu.memref_slice %arg9[%dma_wait3A_174, %dma_wait3A_175] : memref<8x80xi32, #tpu.memory_space<vmem>> -> memref<1x80xi32, #tpu.memory_space<vmem>>
      %dma_wait3A_177 = tpu.memref_squeeze %dma_wait3A_176 : memref<1x80xi32, #tpu.memory_space<vmem>> -> memref<80xi32, #tpu.memory_space<vmem>>
      %dma_wait3A_178 = arith.constant 0 : i32
      %dma_wait3A_179 = arith.constant 0 : i32
      %dma_wait3A_180 = tpu.memref_slice %arg15[%dma_wait3A_178, %dma_wait3A_179] : memref<10240x128xf32, #tpu.memory_space<vmem_shared>> -> memref<10240x128xf32, #tpu.memory_space<vmem_shared>>
      tpu.wait_indirect_dma semaphore(%arg23 : memref<!tpu.dma_semaphore, #tpu.memory_space<semaphore_mem>>) src(%arg14 : memref<80x128xf32, #tpu.memory_space<vmem>>) dst(%dma_wait3A_180 : memref<10240x128xf32, #tpu.memory_space<vmem_shared>>)
      %dma_start3A_181 = arith.constant 7 : i32
      %dma_start3A_182 = arith.constant 0 : i32
      %dma_start3A_183 = tpu.memref_slice %arg8[%dma_start3A_181, %dma_start3A_182] : memref<8x80xi32, #tpu.memory_space<vmem>> -> memref<1x80xi32, #tpu.memory_space<vmem>>
      %dma_start3A_184 = tpu.memref_squeeze %dma_start3A_183 : memref<1x80xi32, #tpu.memory_space<vmem>> -> memref<80xi32, #tpu.memory_space<vmem>>
      %dma_start3A_185 = arith.constant 0 : i32
      %dma_start3A_186 = arith.constant 0 : i32
      %dma_start3A_187 = tpu.memref_slice %arg2[%dma_start3A_185, %dma_start3A_186] : memref<10240x128xf32, #tpu.memory_space<hbm>> -> memref<10240x128xf32, #tpu.memory_space<hbm>>
      tpu.enqueue_indirect_dma source(%dma_start3A_187 : memref<10240x128xf32, #tpu.memory_space<hbm>>) target(%arg14 : memref<80x128xf32, #tpu.memory_space<vmem>>) offsets(%dma_start3A_184 : memref<80xi32, #tpu.memory_space<vmem>>) semaphore(%arg19 : memref<!tpu.dma_semaphore, #tpu.memory_space<semaphore_mem>>)
      %dma_wait3A_188 = arith.constant 5 : i32
      %dma_wait3A_189 = arith.constant 0 : i32
      %dma_wait3A_190 = tpu.memref_slice %arg8[%dma_wait3A_188, %dma_wait3A_189] : memref<8x80xi32, #tpu.memory_space<vmem>> -> memref<1x80xi32, #tpu.memory_space<vmem>>
      %dma_wait3A_191 = tpu.memref_squeeze %dma_wait3A_190 : memref<1x80xi32, #tpu.memory_space<vmem>> -> memref<80xi32, #tpu.memory_space<vmem>>
      %dma_wait3A_192 = arith.constant 0 : i32
      %dma_wait3A_193 = arith.constant 0 : i32
      %dma_wait3A_194 = tpu.memref_slice %arg2[%dma_wait3A_192, %dma_wait3A_193] : memref<10240x128xf32, #tpu.memory_space<hbm>> -> memref<10240x128xf32, #tpu.memory_space<hbm>>
      tpu.wait_indirect_dma semaphore(%arg17 : memref<!tpu.dma_semaphore, #tpu.memory_space<semaphore_mem>>) src(%dma_wait3A_194 : memref<10240x128xf32, #tpu.memory_space<hbm>>) dst(%arg12 : memref<80x128xf32, #tpu.memory_space<vmem>>)
      %parallel_loop3A_195 = arith.constant 0 : i32
      %parallel_loop3A_196 = arith.constant 80 : i32
      %parallel_loop3A_197 = arith.constant 1 : i32
      scf.for %parallel_loop3A_267 = %parallel_loop3A_195 to %parallel_loop3A_196 step %parallel_loop3A_197  : i32 {
        %parallel_loop3A_268 = arith.constant 0 : i32
        %parallel_loop3A_269 = vector.broadcast %parallel_loop3A_268 : i32 to vector<16xi32>
        %parallel_loop3A_270 = arith.constant 400 : i32
        %parallel_loop3A_271 = arith.addi %parallel_loop3A_270, %parallel_loop3A_267 : i32
        %parallel_loop3A_272 = vector.broadcast %parallel_loop3A_271 : i32 to vector<16xi32>
        %parallel_loop3A_273 = arith.addi %parallel_loop3A_269, %parallel_loop3A_272 : vector<16xi32>
        %parallel_loop3A_274 = tpu.vector_load_idx %arg10[%parallel_loop3A_273] : memref<640xf32, #tpu.memory_space<vmem>>[vector<16xi32>], vector<16xf32>,
        %parallel_loop3A_275 = arith.constant 0 : i32
        %parallel_loop3A_276 = tpu.memref_slice %arg12[%parallel_loop3A_267, %parallel_loop3A_275] : memref<80x128xf32, #tpu.memory_space<vmem>> -> memref<1x128xf32, #tpu.memory_space<vmem>>
        %parallel_loop3A_277 = tpu.memref_squeeze %parallel_loop3A_276 : memref<1x128xf32, #tpu.memory_space<vmem>> -> memref<128xf32, #tpu.memory_space<vmem>>
        %parallel_loop3A_278 = arith.constant 0 : index
        %parallel_loop3A_279 = tpu.vector_load %parallel_loop3A_277[%parallel_loop3A_278] {strides = array<i32>} : memref<128xf32, #tpu.memory_space<vmem>>, vector<16xf32>,
        %parallel_loop3A_280 = arith.mulf %parallel_loop3A_279, %parallel_loop3A_274 : vector<16xf32>
        %parallel_loop3A_281 = arith.constant 0 : i32
        %parallel_loop3A_282 = tpu.memref_slice %arg12[%parallel_loop3A_267, %parallel_loop3A_281] : memref<80x128xf32, #tpu.memory_space<vmem>> -> memref<1x128xf32, #tpu.memory_space<vmem>>
        %parallel_loop3A_283 = tpu.memref_squeeze %parallel_loop3A_282 : memref<1x128xf32, #tpu.memory_space<vmem>> -> memref<128xf32, #tpu.memory_space<vmem>>
        %parallel_loop3A_284 = arith.constant 0 : index
        %parallel_loop3A_285 = tpu.vector_load %parallel_loop3A_283[%parallel_loop3A_284] {strides = array<i32>} : memref<128xf32, #tpu.memory_space<vmem>>, vector<16xf32>,
        tpu.vector_store %parallel_loop3A_283[%parallel_loop3A_284], %parallel_loop3A_280 {strides = array<i32>} : memref<128xf32, #tpu.memory_space<vmem>>, vector<16xf32>,
        %parallel_loop3A_286 = arith.constant 0 : i32
        %parallel_loop3A_287 = tpu.memref_slice %arg12[%parallel_loop3A_267, %parallel_loop3A_286] : memref<80x128xf32, #tpu.memory_space<vmem>> -> memref<1x128xf32, #tpu.memory_space<vmem>>
        %parallel_loop3A_288 = tpu.memref_squeeze %parallel_loop3A_287 : memref<1x128xf32, #tpu.memory_space<vmem>> -> memref<128xf32, #tpu.memory_space<vmem>>
        %parallel_loop3A_289 = arith.constant 16 : index
        %parallel_loop3A_290 = tpu.vector_load %parallel_loop3A_288[%parallel_loop3A_289] {strides = array<i32>} : memref<128xf32, #tpu.memory_space<vmem>>, vector<16xf32>,
        %parallel_loop3A_291 = arith.mulf %parallel_loop3A_290, %parallel_loop3A_274 : vector<16xf32>
        %parallel_loop3A_292 = arith.constant 0 : i32
        %parallel_loop3A_293 = tpu.memref_slice %arg12[%parallel_loop3A_267, %parallel_loop3A_292] : memref<80x128xf32, #tpu.memory_space<vmem>> -> memref<1x128xf32, #tpu.memory_space<vmem>>
        %parallel_loop3A_294 = tpu.memref_squeeze %parallel_loop3A_293 : memref<1x128xf32, #tpu.memory_space<vmem>> -> memref<128xf32, #tpu.memory_space<vmem>>
        %parallel_loop3A_295 = arith.constant 16 : index
        %parallel_loop3A_296 = tpu.vector_load %parallel_loop3A_294[%parallel_loop3A_295] {strides = array<i32>} : memref<128xf32, #tpu.memory_space<vmem>>, vector<16xf32>,
        tpu.vector_store %parallel_loop3A_294[%parallel_loop3A_295], %parallel_loop3A_291 {strides = array<i32>} : memref<128xf32, #tpu.memory_space<vmem>>, vector<16xf32>,
        %parallel_loop3A_297 = arith.constant 0 : i32
        %parallel_loop3A_298 = tpu.memref_slice %arg12[%parallel_loop3A_267, %parallel_loop3A_297] : memref<80x128xf32, #tpu.memory_space<vmem>> -> memref<1x128xf32, #tpu.memory_space<vmem>>
        %parallel_loop3A_299 = tpu.memref_squeeze %parallel_loop3A_298 : memref<1x128xf32, #tpu.memory_space<vmem>> -> memref<128xf32, #tpu.memory_space<vmem>>
        %parallel_loop3A_300 = arith.constant 32 : index
        %parallel_loop3A_301 = tpu.vector_load %parallel_loop3A_299[%parallel_loop3A_300] {strides = array<i32>} : memref<128xf32, #tpu.memory_space<vmem>>, vector<16xf32>,
        %parallel_loop3A_302 = arith.mulf %parallel_loop3A_301, %parallel_loop3A_274 : vector<16xf32>
        %parallel_loop3A_303 = arith.constant 0 : i32
        %parallel_loop3A_304 = tpu.memref_slice %arg12[%parallel_loop3A_267, %parallel_loop3A_303] : memref<80x128xf32, #tpu.memory_space<vmem>> -> memref<1x128xf32, #tpu.memory_space<vmem>>
        %parallel_loop3A_305 = tpu.memref_squeeze %parallel_loop3A_304 : memref<1x128xf32, #tpu.memory_space<vmem>> -> memref<128xf32, #tpu.memory_space<vmem>>
        %parallel_loop3A_306 = arith.constant 32 : index
        %parallel_loop3A_307 = tpu.vector_load %parallel_loop3A_305[%parallel_loop3A_306] {strides = array<i32>} : memref<128xf32, #tpu.memory_space<vmem>>, vector<16xf32>,
        tpu.vector_store %parallel_loop3A_305[%parallel_loop3A_306], %parallel_loop3A_302 {strides = array<i32>} : memref<128xf32, #tpu.memory_space<vmem>>, vector<16xf32>,
        %parallel_loop3A_308 = arith.constant 0 : i32
        %parallel_loop3A_309 = tpu.memref_slice %arg12[%parallel_loop3A_267, %parallel_loop3A_308] : memref<80x128xf32, #tpu.memory_space<vmem>> -> memref<1x128xf32, #tpu.memory_space<vmem>>
        %parallel_loop3A_310 = tpu.memref_squeeze %parallel_loop3A_309 : memref<1x128xf32, #tpu.memory_space<vmem>> -> memref<128xf32, #tpu.memory_space<vmem>>
        %parallel_loop3A_311 = arith.constant 48 : index
        %parallel_loop3A_312 = tpu.vector_load %parallel_loop3A_310[%parallel_loop3A_311] {strides = array<i32>} : memref<128xf32, #tpu.memory_space<vmem>>, vector<16xf32>,
        %parallel_loop3A_313 = arith.mulf %parallel_loop3A_312, %parallel_loop3A_274 : vector<16xf32>
        %parallel_loop3A_314 = arith.constant 0 : i32
        %parallel_loop3A_315 = tpu.memref_slice %arg12[%parallel_loop3A_267, %parallel_loop3A_314] : memref<80x128xf32, #tpu.memory_space<vmem>> -> memref<1x128xf32, #tpu.memory_space<vmem>>
        %parallel_loop3A_316 = tpu.memref_squeeze %parallel_loop3A_315 : memref<1x128xf32, #tpu.memory_space<vmem>> -> memref<128xf32, #tpu.memory_space<vmem>>
        %parallel_loop3A_317 = arith.constant 48 : index
        %parallel_loop3A_318 = tpu.vector_load %parallel_loop3A_316[%parallel_loop3A_317] {strides = array<i32>} : memref<128xf32, #tpu.memory_space<vmem>>, vector<16xf32>,
        tpu.vector_store %parallel_loop3A_316[%parallel_loop3A_317], %parallel_loop3A_313 {strides = array<i32>} : memref<128xf32, #tpu.memory_space<vmem>>, vector<16xf32>,
        %parallel_loop3A_319 = arith.constant 0 : i32
        %parallel_loop3A_320 = tpu.memref_slice %arg12[%parallel_loop3A_267, %parallel_loop3A_319] : memref<80x128xf32, #tpu.memory_space<vmem>> -> memref<1x128xf32, #tpu.memory_space<vmem>>
        %parallel_loop3A_321 = tpu.memref_squeeze %parallel_loop3A_320 : memref<1x128xf32, #tpu.memory_space<vmem>> -> memref<128xf32, #tpu.memory_space<vmem>>
        %parallel_loop3A_322 = arith.constant 64 : index
        %parallel_loop3A_323 = tpu.vector_load %parallel_loop3A_321[%parallel_loop3A_322] {strides = array<i32>} : memref<128xf32, #tpu.memory_space<vmem>>, vector<16xf32>,
        %parallel_loop3A_324 = arith.mulf %parallel_loop3A_323, %parallel_loop3A_274 : vector<16xf32>
        %parallel_loop3A_325 = arith.constant 0 : i32
        %parallel_loop3A_326 = tpu.memref_slice %arg12[%parallel_loop3A_267, %parallel_loop3A_325] : memref<80x128xf32, #tpu.memory_space<vmem>> -> memref<1x128xf32, #tpu.memory_space<vmem>>
        %parallel_loop3A_327 = tpu.memref_squeeze %parallel_loop3A_326 : memref<1x128xf32, #tpu.memory_space<vmem>> -> memref<128xf32, #tpu.memory_space<vmem>>
        %parallel_loop3A_328 = arith.constant 64 : index
        %parallel_loop3A_329 = tpu.vector_load %parallel_loop3A_327[%parallel_loop3A_328] {strides = array<i32>} : memref<128xf32, #tpu.memory_space<vmem>>, vector<16xf32>,
        tpu.vector_store %parallel_loop3A_327[%parallel_loop3A_328], %parallel_loop3A_324 {strides = array<i32>} : memref<128xf32, #tpu.memory_space<vmem>>, vector<16xf32>,
        %parallel_loop3A_330 = arith.constant 0 : i32
        %parallel_loop3A_331 = tpu.memref_slice %arg12[%parallel_loop3A_267, %parallel_loop3A_330] : memref<80x128xf32, #tpu.memory_space<vmem>> -> memref<1x128xf32, #tpu.memory_space<vmem>>
        %parallel_loop3A_332 = tpu.memref_squeeze %parallel_loop3A_331 : memref<1x128xf32, #tpu.memory_space<vmem>> -> memref<128xf32, #tpu.memory_space<vmem>>
        %parallel_loop3A_333 = arith.constant 80 : index
        %parallel_loop3A_334 = tpu.vector_load %parallel_loop3A_332[%parallel_loop3A_333] {strides = array<i32>} : memref<128xf32, #tpu.memory_space<vmem>>, vector<16xf32>,
        %parallel_loop3A_335 = arith.mulf %parallel_loop3A_334, %parallel_loop3A_274 : vector<16xf32>
        %parallel_loop3A_336 = arith.constant 0 : i32
        %parallel_loop3A_337 = tpu.memref_slice %arg12[%parallel_loop3A_267, %parallel_loop3A_336] : memref<80x128xf32, #tpu.memory_space<vmem>> -> memref<1x128xf32, #tpu.memory_space<vmem>>
        %parallel_loop3A_338 = tpu.memref_squeeze %parallel_loop3A_337 : memref<1x128xf32, #tpu.memory_space<vmem>> -> memref<128xf32, #tpu.memory_space<vmem>>
        %parallel_loop3A_339 = arith.constant 80 : index
        %parallel_loop3A_340 = tpu.vector_load %parallel_loop3A_338[%parallel_loop3A_339] {strides = array<i32>} : memref<128xf32, #tpu.memory_space<vmem>>, vector<16xf32>,
        tpu.vector_store %parallel_loop3A_338[%parallel_loop3A_339], %parallel_loop3A_335 {strides = array<i32>} : memref<128xf32, #tpu.memory_space<vmem>>, vector<16xf32>,
        %parallel_loop3A_341 = arith.constant 0 : i32
        %parallel_loop3A_342 = tpu.memref_slice %arg12[%parallel_loop3A_267, %parallel_loop3A_341] : memref<80x128xf32, #tpu.memory_space<vmem>> -> memref<1x128xf32, #tpu.memory_space<vmem>>
        %parallel_loop3A_343 = tpu.memref_squeeze %parallel_loop3A_342 : memref<1x128xf32, #tpu.memory_space<vmem>> -> memref<128xf32, #tpu.memory_space<vmem>>
        %parallel_loop3A_344 = arith.constant 96 : index
        %parallel_loop3A_345 = tpu.vector_load %parallel_loop3A_343[%parallel_loop3A_344] {strides = array<i32>} : memref<128xf32, #tpu.memory_space<vmem>>, vector<16xf32>,
        %parallel_loop3A_346 = arith.mulf %parallel_loop3A_345, %parallel_loop3A_274 : vector<16xf32>
        %parallel_loop3A_347 = arith.constant 0 : i32
        %parallel_loop3A_348 = tpu.memref_slice %arg12[%parallel_loop3A_267, %parallel_loop3A_347] : memref<80x128xf32, #tpu.memory_space<vmem>> -> memref<1x128xf32, #tpu.memory_space<vmem>>
        %parallel_loop3A_349 = tpu.memref_squeeze %parallel_loop3A_348 : memref<1x128xf32, #tpu.memory_space<vmem>> -> memref<128xf32, #tpu.memory_space<vmem>>
        %parallel_loop3A_350 = arith.constant 96 : index
        %parallel_loop3A_351 = tpu.vector_load %parallel_loop3A_349[%parallel_loop3A_350] {strides = array<i32>} : memref<128xf32, #tpu.memory_space<vmem>>, vector<16xf32>,
        tpu.vector_store %parallel_loop3A_349[%parallel_loop3A_350], %parallel_loop3A_346 {strides = array<i32>} : memref<128xf32, #tpu.memory_space<vmem>>, vector<16xf32>,
        %parallel_loop3A_352 = arith.constant 0 : i32
        %parallel_loop3A_353 = tpu.memref_slice %arg12[%parallel_loop3A_267, %parallel_loop3A_352] : memref<80x128xf32, #tpu.memory_space<vmem>> -> memref<1x128xf32, #tpu.memory_space<vmem>>
        %parallel_loop3A_354 = tpu.memref_squeeze %parallel_loop3A_353 : memref<1x128xf32, #tpu.memory_space<vmem>> -> memref<128xf32, #tpu.memory_space<vmem>>
        %parallel_loop3A_355 = arith.constant 112 : index
        %parallel_loop3A_356 = tpu.vector_load %parallel_loop3A_354[%parallel_loop3A_355] {strides = array<i32>} : memref<128xf32, #tpu.memory_space<vmem>>, vector<16xf32>,
        %parallel_loop3A_357 = arith.mulf %parallel_loop3A_356, %parallel_loop3A_274 : vector<16xf32>
        %parallel_loop3A_358 = arith.constant 0 : i32
        %parallel_loop3A_359 = tpu.memref_slice %arg12[%parallel_loop3A_267, %parallel_loop3A_358] : memref<80x128xf32, #tpu.memory_space<vmem>> -> memref<1x128xf32, #tpu.memory_space<vmem>>
        %parallel_loop3A_360 = tpu.memref_squeeze %parallel_loop3A_359 : memref<1x128xf32, #tpu.memory_space<vmem>> -> memref<128xf32, #tpu.memory_space<vmem>>
        %parallel_loop3A_361 = arith.constant 112 : index
        %parallel_loop3A_362 = tpu.vector_load %parallel_loop3A_360[%parallel_loop3A_361] {strides = array<i32>} : memref<128xf32, #tpu.memory_space<vmem>>, vector<16xf32>,
        tpu.vector_store %parallel_loop3A_360[%parallel_loop3A_361], %parallel_loop3A_357 {strides = array<i32>} : memref<128xf32, #tpu.memory_space<vmem>>, vector<16xf32>,
      } {sc.loop_unroll_factor = 4 : i64, sc.parallel_access}
      %dma_start3A_198 = arith.constant 5 : i32
      %dma_start3A_199 = arith.constant 0 : i32
      %dma_start3A_200 = tpu.memref_slice %arg9[%dma_start3A_198, %dma_start3A_199] : memref<8x80xi32, #tpu.memory_space<vmem>> -> memref<1x80xi32, #tpu.memory_space<vmem>>
      %dma_start3A_201 = tpu.memref_squeeze %dma_start3A_200 : memref<1x80xi32, #tpu.memory_space<vmem>> -> memref<80xi32, #tpu.memory_space<vmem>>
      %dma_start3A_202 = arith.constant 0 : i32
      %dma_start3A_203 = arith.constant 0 : i32
      %dma_start3A_204 = tpu.memref_slice %arg15[%dma_start3A_202, %dma_start3A_203] : memref<10240x128xf32, #tpu.memory_space<vmem_shared>> -> memref<10240x128xf32, #tpu.memory_space<vmem_shared>>
      tpu.enqueue_indirect_dma source(%arg12 : memref<80x128xf32, #tpu.memory_space<vmem>>) target(%dma_start3A_204 : memref<10240x128xf32, #tpu.memory_space<vmem_shared>>) offsets(%dma_start3A_201 : memref<80xi32, #tpu.memory_space<vmem>>) semaphore(%arg21 : memref<!tpu.dma_semaphore, #tpu.memory_space<semaphore_mem>>) {add = true}
      %dma_wait3A_205 = arith.constant 6 : i32
      %dma_wait3A_206 = arith.constant 0 : i32
      %dma_wait3A_207 = tpu.memref_slice %arg8[%dma_wait3A_205, %dma_wait3A_206] : memref<8x80xi32, #tpu.memory_space<vmem>> -> memref<1x80xi32, #tpu.memory_space<vmem>>
      %dma_wait3A_208 = tpu.memref_squeeze %dma_wait3A_207 : memref<1x80xi32, #tpu.memory_space<vmem>> -> memref<80xi32, #tpu.memory_space<vmem>>
      %dma_wait3A_209 = arith.constant 0 : i32
      %dma_wait3A_210 = arith.constant 0 : i32
      %dma_wait3A_211 = tpu.memref_slice %arg2[%dma_wait3A_209, %dma_wait3A_210] : memref<10240x128xf32, #tpu.memory_space<hbm>> -> memref<10240x128xf32, #tpu.memory_space<hbm>>
      tpu.wait_indirect_dma semaphore(%arg18 : memref<!tpu.dma_semaphore, #tpu.memory_space<semaphore_mem>>) src(%dma_wait3A_211 : memref<10240x128xf32, #tpu.memory_space<hbm>>) dst(%arg13 : memref<80x128xf32, #tpu.memory_space<vmem>>)
      %parallel_loop3A_212 = arith.constant 0 : i32
      %parallel_loop3A_213 = arith.constant 80 : i32
      %parallel_loop3A_214 = arith.constant 1 : i32
      scf.for %parallel_loop3A_267 = %parallel_loop3A_212 to %parallel_loop3A_213 step %parallel_loop3A_214  : i32 {
        %parallel_loop3A_268 = arith.constant 0 : i32
        %parallel_loop3A_269 = vector.broadcast %parallel_loop3A_268 : i32 to vector<16xi32>
        %parallel_loop3A_270 = arith.constant 480 : i32
        %parallel_loop3A_271 = arith.addi %parallel_loop3A_270, %parallel_loop3A_267 : i32
        %parallel_loop3A_272 = vector.broadcast %parallel_loop3A_271 : i32 to vector<16xi32>
        %parallel_loop3A_273 = arith.addi %parallel_loop3A_269, %parallel_loop3A_272 : vector<16xi32>
        %parallel_loop3A_274 = tpu.vector_load_idx %arg10[%parallel_loop3A_273] : memref<640xf32, #tpu.memory_space<vmem>>[vector<16xi32>], vector<16xf32>,
        %parallel_loop3A_275 = arith.constant 0 : i32
        %parallel_loop3A_276 = tpu.memref_slice %arg13[%parallel_loop3A_267, %parallel_loop3A_275] : memref<80x128xf32, #tpu.memory_space<vmem>> -> memref<1x128xf32, #tpu.memory_space<vmem>>
        %parallel_loop3A_277 = tpu.memref_squeeze %parallel_loop3A_276 : memref<1x128xf32, #tpu.memory_space<vmem>> -> memref<128xf32, #tpu.memory_space<vmem>>
        %parallel_loop3A_278 = arith.constant 0 : index
        %parallel_loop3A_279 = tpu.vector_load %parallel_loop3A_277[%parallel_loop3A_278] {strides = array<i32>} : memref<128xf32, #tpu.memory_space<vmem>>, vector<16xf32>,
        %parallel_loop3A_280 = arith.mulf %parallel_loop3A_279, %parallel_loop3A_274 : vector<16xf32>
        %parallel_loop3A_281 = arith.constant 0 : i32
        %parallel_loop3A_282 = tpu.memref_slice %arg13[%parallel_loop3A_267, %parallel_loop3A_281] : memref<80x128xf32, #tpu.memory_space<vmem>> -> memref<1x128xf32, #tpu.memory_space<vmem>>
        %parallel_loop3A_283 = tpu.memref_squeeze %parallel_loop3A_282 : memref<1x128xf32, #tpu.memory_space<vmem>> -> memref<128xf32, #tpu.memory_space<vmem>>
        %parallel_loop3A_284 = arith.constant 0 : index
        %parallel_loop3A_285 = tpu.vector_load %parallel_loop3A_283[%parallel_loop3A_284] {strides = array<i32>} : memref<128xf32, #tpu.memory_space<vmem>>, vector<16xf32>,
        tpu.vector_store %parallel_loop3A_283[%parallel_loop3A_284], %parallel_loop3A_280 {strides = array<i32>} : memref<128xf32, #tpu.memory_space<vmem>>, vector<16xf32>,
        %parallel_loop3A_286 = arith.constant 0 : i32
        %parallel_loop3A_287 = tpu.memref_slice %arg13[%parallel_loop3A_267, %parallel_loop3A_286] : memref<80x128xf32, #tpu.memory_space<vmem>> -> memref<1x128xf32, #tpu.memory_space<vmem>>
        %parallel_loop3A_288 = tpu.memref_squeeze %parallel_loop3A_287 : memref<1x128xf32, #tpu.memory_space<vmem>> -> memref<128xf32, #tpu.memory_space<vmem>>
        %parallel_loop3A_289 = arith.constant 16 : index
        %parallel_loop3A_290 = tpu.vector_load %parallel_loop3A_288[%parallel_loop3A_289] {strides = array<i32>} : memref<128xf32, #tpu.memory_space<vmem>>, vector<16xf32>,
        %parallel_loop3A_291 = arith.mulf %parallel_loop3A_290, %parallel_loop3A_274 : vector<16xf32>
        %parallel_loop3A_292 = arith.constant 0 : i32
        %parallel_loop3A_293 = tpu.memref_slice %arg13[%parallel_loop3A_267, %parallel_loop3A_292] : memref<80x128xf32, #tpu.memory_space<vmem>> -> memref<1x128xf32, #tpu.memory_space<vmem>>
        %parallel_loop3A_294 = tpu.memref_squeeze %parallel_loop3A_293 : memref<1x128xf32, #tpu.memory_space<vmem>> -> memref<128xf32, #tpu.memory_space<vmem>>
        %parallel_loop3A_295 = arith.constant 16 : index
        %parallel_loop3A_296 = tpu.vector_load %parallel_loop3A_294[%parallel_loop3A_295] {strides = array<i32>} : memref<128xf32, #tpu.memory_space<vmem>>, vector<16xf32>,
        tpu.vector_store %parallel_loop3A_294[%parallel_loop3A_295], %parallel_loop3A_291 {strides = array<i32>} : memref<128xf32, #tpu.memory_space<vmem>>, vector<16xf32>,
        %parallel_loop3A_297 = arith.constant 0 : i32
        %parallel_loop3A_298 = tpu.memref_slice %arg13[%parallel_loop3A_267, %parallel_loop3A_297] : memref<80x128xf32, #tpu.memory_space<vmem>> -> memref<1x128xf32, #tpu.memory_space<vmem>>
        %parallel_loop3A_299 = tpu.memref_squeeze %parallel_loop3A_298 : memref<1x128xf32, #tpu.memory_space<vmem>> -> memref<128xf32, #tpu.memory_space<vmem>>
        %parallel_loop3A_300 = arith.constant 32 : index
        %parallel_loop3A_301 = tpu.vector_load %parallel_loop3A_299[%parallel_loop3A_300] {strides = array<i32>} : memref<128xf32, #tpu.memory_space<vmem>>, vector<16xf32>,
        %parallel_loop3A_302 = arith.mulf %parallel_loop3A_301, %parallel_loop3A_274 : vector<16xf32>
        %parallel_loop3A_303 = arith.constant 0 : i32
        %parallel_loop3A_304 = tpu.memref_slice %arg13[%parallel_loop3A_267, %parallel_loop3A_303] : memref<80x128xf32, #tpu.memory_space<vmem>> -> memref<1x128xf32, #tpu.memory_space<vmem>>
        %parallel_loop3A_305 = tpu.memref_squeeze %parallel_loop3A_304 : memref<1x128xf32, #tpu.memory_space<vmem>> -> memref<128xf32, #tpu.memory_space<vmem>>
        %parallel_loop3A_306 = arith.constant 32 : index
        %parallel_loop3A_307 = tpu.vector_load %parallel_loop3A_305[%parallel_loop3A_306] {strides = array<i32>} : memref<128xf32, #tpu.memory_space<vmem>>, vector<16xf32>,
        tpu.vector_store %parallel_loop3A_305[%parallel_loop3A_306], %parallel_loop3A_302 {strides = array<i32>} : memref<128xf32, #tpu.memory_space<vmem>>, vector<16xf32>,
        %parallel_loop3A_308 = arith.constant 0 : i32
        %parallel_loop3A_309 = tpu.memref_slice %arg13[%parallel_loop3A_267, %parallel_loop3A_308] : memref<80x128xf32, #tpu.memory_space<vmem>> -> memref<1x128xf32, #tpu.memory_space<vmem>>
        %parallel_loop3A_310 = tpu.memref_squeeze %parallel_loop3A_309 : memref<1x128xf32, #tpu.memory_space<vmem>> -> memref<128xf32, #tpu.memory_space<vmem>>
        %parallel_loop3A_311 = arith.constant 48 : index
        %parallel_loop3A_312 = tpu.vector_load %parallel_loop3A_310[%parallel_loop3A_311] {strides = array<i32>} : memref<128xf32, #tpu.memory_space<vmem>>, vector<16xf32>,
        %parallel_loop3A_313 = arith.mulf %parallel_loop3A_312, %parallel_loop3A_274 : vector<16xf32>
        %parallel_loop3A_314 = arith.constant 0 : i32
        %parallel_loop3A_315 = tpu.memref_slice %arg13[%parallel_loop3A_267, %parallel_loop3A_314] : memref<80x128xf32, #tpu.memory_space<vmem>> -> memref<1x128xf32, #tpu.memory_space<vmem>>
        %parallel_loop3A_316 = tpu.memref_squeeze %parallel_loop3A_315 : memref<1x128xf32, #tpu.memory_space<vmem>> -> memref<128xf32, #tpu.memory_space<vmem>>
        %parallel_loop3A_317 = arith.constant 48 : index
        %parallel_loop3A_318 = tpu.vector_load %parallel_loop3A_316[%parallel_loop3A_317] {strides = array<i32>} : memref<128xf32, #tpu.memory_space<vmem>>, vector<16xf32>,
        tpu.vector_store %parallel_loop3A_316[%parallel_loop3A_317], %parallel_loop3A_313 {strides = array<i32>} : memref<128xf32, #tpu.memory_space<vmem>>, vector<16xf32>,
        %parallel_loop3A_319 = arith.constant 0 : i32
        %parallel_loop3A_320 = tpu.memref_slice %arg13[%parallel_loop3A_267, %parallel_loop3A_319] : memref<80x128xf32, #tpu.memory_space<vmem>> -> memref<1x128xf32, #tpu.memory_space<vmem>>
        %parallel_loop3A_321 = tpu.memref_squeeze %parallel_loop3A_320 : memref<1x128xf32, #tpu.memory_space<vmem>> -> memref<128xf32, #tpu.memory_space<vmem>>
        %parallel_loop3A_322 = arith.constant 64 : index
        %parallel_loop3A_323 = tpu.vector_load %parallel_loop3A_321[%parallel_loop3A_322] {strides = array<i32>} : memref<128xf32, #tpu.memory_space<vmem>>, vector<16xf32>,
        %parallel_loop3A_324 = arith.mulf %parallel_loop3A_323, %parallel_loop3A_274 : vector<16xf32>
        %parallel_loop3A_325 = arith.constant 0 : i32
        %parallel_loop3A_326 = tpu.memref_slice %arg13[%parallel_loop3A_267, %parallel_loop3A_325] : memref<80x128xf32, #tpu.memory_space<vmem>> -> memref<1x128xf32, #tpu.memory_space<vmem>>
        %parallel_loop3A_327 = tpu.memref_squeeze %parallel_loop3A_326 : memref<1x128xf32, #tpu.memory_space<vmem>> -> memref<128xf32, #tpu.memory_space<vmem>>
        %parallel_loop3A_328 = arith.constant 64 : index
        %parallel_loop3A_329 = tpu.vector_load %parallel_loop3A_327[%parallel_loop3A_328] {strides = array<i32>} : memref<128xf32, #tpu.memory_space<vmem>>, vector<16xf32>,
        tpu.vector_store %parallel_loop3A_327[%parallel_loop3A_328], %parallel_loop3A_324 {strides = array<i32>} : memref<128xf32, #tpu.memory_space<vmem>>, vector<16xf32>,
        %parallel_loop3A_330 = arith.constant 0 : i32
        %parallel_loop3A_331 = tpu.memref_slice %arg13[%parallel_loop3A_267, %parallel_loop3A_330] : memref<80x128xf32, #tpu.memory_space<vmem>> -> memref<1x128xf32, #tpu.memory_space<vmem>>
        %parallel_loop3A_332 = tpu.memref_squeeze %parallel_loop3A_331 : memref<1x128xf32, #tpu.memory_space<vmem>> -> memref<128xf32, #tpu.memory_space<vmem>>
        %parallel_loop3A_333 = arith.constant 80 : index
        %parallel_loop3A_334 = tpu.vector_load %parallel_loop3A_332[%parallel_loop3A_333] {strides = array<i32>} : memref<128xf32, #tpu.memory_space<vmem>>, vector<16xf32>,
        %parallel_loop3A_335 = arith.mulf %parallel_loop3A_334, %parallel_loop3A_274 : vector<16xf32>
        %parallel_loop3A_336 = arith.constant 0 : i32
        %parallel_loop3A_337 = tpu.memref_slice %arg13[%parallel_loop3A_267, %parallel_loop3A_336] : memref<80x128xf32, #tpu.memory_space<vmem>> -> memref<1x128xf32, #tpu.memory_space<vmem>>
        %parallel_loop3A_338 = tpu.memref_squeeze %parallel_loop3A_337 : memref<1x128xf32, #tpu.memory_space<vmem>> -> memref<128xf32, #tpu.memory_space<vmem>>
        %parallel_loop3A_339 = arith.constant 80 : index
        %parallel_loop3A_340 = tpu.vector_load %parallel_loop3A_338[%parallel_loop3A_339] {strides = array<i32>} : memref<128xf32, #tpu.memory_space<vmem>>, vector<16xf32>,
        tpu.vector_store %parallel_loop3A_338[%parallel_loop3A_339], %parallel_loop3A_335 {strides = array<i32>} : memref<128xf32, #tpu.memory_space<vmem>>, vector<16xf32>,
        %parallel_loop3A_341 = arith.constant 0 : i32
        %parallel_loop3A_342 = tpu.memref_slice %arg13[%parallel_loop3A_267, %parallel_loop3A_341] : memref<80x128xf32, #tpu.memory_space<vmem>> -> memref<1x128xf32, #tpu.memory_space<vmem>>
        %parallel_loop3A_343 = tpu.memref_squeeze %parallel_loop3A_342 : memref<1x128xf32, #tpu.memory_space<vmem>> -> memref<128xf32, #tpu.memory_space<vmem>>
        %parallel_loop3A_344 = arith.constant 96 : index
        %parallel_loop3A_345 = tpu.vector_load %parallel_loop3A_343[%parallel_loop3A_344] {strides = array<i32>} : memref<128xf32, #tpu.memory_space<vmem>>, vector<16xf32>,
        %parallel_loop3A_346 = arith.mulf %parallel_loop3A_345, %parallel_loop3A_274 : vector<16xf32>
        %parallel_loop3A_347 = arith.constant 0 : i32
        %parallel_loop3A_348 = tpu.memref_slice %arg13[%parallel_loop3A_267, %parallel_loop3A_347] : memref<80x128xf32, #tpu.memory_space<vmem>> -> memref<1x128xf32, #tpu.memory_space<vmem>>
        %parallel_loop3A_349 = tpu.memref_squeeze %parallel_loop3A_348 : memref<1x128xf32, #tpu.memory_space<vmem>> -> memref<128xf32, #tpu.memory_space<vmem>>
        %parallel_loop3A_350 = arith.constant 96 : index
        %parallel_loop3A_351 = tpu.vector_load %parallel_loop3A_349[%parallel_loop3A_350] {strides = array<i32>} : memref<128xf32, #tpu.memory_space<vmem>>, vector<16xf32>,
        tpu.vector_store %parallel_loop3A_349[%parallel_loop3A_350], %parallel_loop3A_346 {strides = array<i32>} : memref<128xf32, #tpu.memory_space<vmem>>, vector<16xf32>,
        %parallel_loop3A_352 = arith.constant 0 : i32
        %parallel_loop3A_353 = tpu.memref_slice %arg13[%parallel_loop3A_267, %parallel_loop3A_352] : memref<80x128xf32, #tpu.memory_space<vmem>> -> memref<1x128xf32, #tpu.memory_space<vmem>>
        %parallel_loop3A_354 = tpu.memref_squeeze %parallel_loop3A_353 : memref<1x128xf32, #tpu.memory_space<vmem>> -> memref<128xf32, #tpu.memory_space<vmem>>
        %parallel_loop3A_355 = arith.constant 112 : index
        %parallel_loop3A_356 = tpu.vector_load %parallel_loop3A_354[%parallel_loop3A_355] {strides = array<i32>} : memref<128xf32, #tpu.memory_space<vmem>>, vector<16xf32>,
        %parallel_loop3A_357 = arith.mulf %parallel_loop3A_356, %parallel_loop3A_274 : vector<16xf32>
        %parallel_loop3A_358 = arith.constant 0 : i32
        %parallel_loop3A_359 = tpu.memref_slice %arg13[%parallel_loop3A_267, %parallel_loop3A_358] : memref<80x128xf32, #tpu.memory_space<vmem>> -> memref<1x128xf32, #tpu.memory_space<vmem>>
        %parallel_loop3A_360 = tpu.memref_squeeze %parallel_loop3A_359 : memref<1x128xf32, #tpu.memory_space<vmem>> -> memref<128xf32, #tpu.memory_space<vmem>>
        %parallel_loop3A_361 = arith.constant 112 : index
        %parallel_loop3A_362 = tpu.vector_load %parallel_loop3A_360[%parallel_loop3A_361] {strides = array<i32>} : memref<128xf32, #tpu.memory_space<vmem>>, vector<16xf32>,
        tpu.vector_store %parallel_loop3A_360[%parallel_loop3A_361], %parallel_loop3A_357 {strides = array<i32>} : memref<128xf32, #tpu.memory_space<vmem>>, vector<16xf32>,
      } {sc.loop_unroll_factor = 4 : i64, sc.parallel_access}
      %dma_start3A_215 = arith.constant 6 : i32
      %dma_start3A_216 = arith.constant 0 : i32
      %dma_start3A_217 = tpu.memref_slice %arg9[%dma_start3A_215, %dma_start3A_216] : memref<8x80xi32, #tpu.memory_space<vmem>> -> memref<1x80xi32, #tpu.memory_space<vmem>>
      %dma_start3A_218 = tpu.memref_squeeze %dma_start3A_217 : memref<1x80xi32, #tpu.memory_space<vmem>> -> memref<80xi32, #tpu.memory_space<vmem>>
      %dma_start3A_219 = arith.constant 0 : i32
      %dma_start3A_220 = arith.constant 0 : i32
      %dma_start3A_221 = tpu.memref_slice %arg15[%dma_start3A_219, %dma_start3A_220] : memref<10240x128xf32, #tpu.memory_space<vmem_shared>> -> memref<10240x128xf32, #tpu.memory_space<vmem_shared>>
      tpu.enqueue_indirect_dma source(%arg13 : memref<80x128xf32, #tpu.memory_space<vmem>>) target(%dma_start3A_221 : memref<10240x128xf32, #tpu.memory_space<vmem_shared>>) offsets(%dma_start3A_218 : memref<80xi32, #tpu.memory_space<vmem>>) semaphore(%arg22 : memref<!tpu.dma_semaphore, #tpu.memory_space<semaphore_mem>>) {add = true}
      %dma_wait3A_222 = arith.constant 7 : i32
      %dma_wait3A_223 = arith.constant 0 : i32
      %dma_wait3A_224 = tpu.memref_slice %arg8[%dma_wait3A_222, %dma_wait3A_223] : memref<8x80xi32, #tpu.memory_space<vmem>> -> memref<1x80xi32, #tpu.memory_space<vmem>>
      %dma_wait3A_225 = tpu.memref_squeeze %dma_wait3A_224 : memref<1x80xi32, #tpu.memory_space<vmem>> -> memref<80xi32, #tpu.memory_space<vmem>>
      %dma_wait3A_226 = arith.constant 0 : i32
      %dma_wait3A_227 = arith.constant 0 : i32
      %dma_wait3A_228 = tpu.memref_slice %arg2[%dma_wait3A_226, %dma_wait3A_227] : memref<10240x128xf32, #tpu.memory_space<hbm>> -> memref<10240x128xf32, #tpu.memory_space<hbm>>
      tpu.wait_indirect_dma semaphore(%arg19 : memref<!tpu.dma_semaphore, #tpu.memory_space<semaphore_mem>>) src(%dma_wait3A_228 : memref<10240x128xf32, #tpu.memory_space<hbm>>) dst(%arg14 : memref<80x128xf32, #tpu.memory_space<vmem>>)
      %parallel_loop3A_229 = arith.constant 0 : i32
      %parallel_loop3A_230 = arith.constant 80 : i32
      %parallel_loop3A_231 = arith.constant 1 : i32
      scf.for %parallel_loop3A_267 = %parallel_loop3A_229 to %parallel_loop3A_230 step %parallel_loop3A_231  : i32 {
        %parallel_loop3A_268 = arith.constant 0 : i32
        %parallel_loop3A_269 = vector.broadcast %parallel_loop3A_268 : i32 to vector<16xi32>
        %parallel_loop3A_270 = arith.constant 560 : i32
        %parallel_loop3A_271 = arith.addi %parallel_loop3A_270, %parallel_loop3A_267 : i32
        %parallel_loop3A_272 = vector.broadcast %parallel_loop3A_271 : i32 to vector<16xi32>
        %parallel_loop3A_273 = arith.addi %parallel_loop3A_269, %parallel_loop3A_272 : vector<16xi32>
        %parallel_loop3A_274 = tpu.vector_load_idx %arg10[%parallel_loop3A_273] : memref<640xf32, #tpu.memory_space<vmem>>[vector<16xi32>], vector<16xf32>,
        %parallel_loop3A_275 = arith.constant 0 : i32
        %parallel_loop3A_276 = tpu.memref_slice %arg14[%parallel_loop3A_267, %parallel_loop3A_275] : memref<80x128xf32, #tpu.memory_space<vmem>> -> memref<1x128xf32, #tpu.memory_space<vmem>>
        %parallel_loop3A_277 = tpu.memref_squeeze %parallel_loop3A_276 : memref<1x128xf32, #tpu.memory_space<vmem>> -> memref<128xf32, #tpu.memory_space<vmem>>
        %parallel_loop3A_278 = arith.constant 0 : index
        %parallel_loop3A_279 = tpu.vector_load %parallel_loop3A_277[%parallel_loop3A_278] {strides = array<i32>} : memref<128xf32, #tpu.memory_space<vmem>>, vector<16xf32>,
        %parallel_loop3A_280 = arith.mulf %parallel_loop3A_279, %parallel_loop3A_274 : vector<16xf32>
        %parallel_loop3A_281 = arith.constant 0 : i32
        %parallel_loop3A_282 = tpu.memref_slice %arg14[%parallel_loop3A_267, %parallel_loop3A_281] : memref<80x128xf32, #tpu.memory_space<vmem>> -> memref<1x128xf32, #tpu.memory_space<vmem>>
        %parallel_loop3A_283 = tpu.memref_squeeze %parallel_loop3A_282 : memref<1x128xf32, #tpu.memory_space<vmem>> -> memref<128xf32, #tpu.memory_space<vmem>>
        %parallel_loop3A_284 = arith.constant 0 : index
        %parallel_loop3A_285 = tpu.vector_load %parallel_loop3A_283[%parallel_loop3A_284] {strides = array<i32>} : memref<128xf32, #tpu.memory_space<vmem>>, vector<16xf32>,
        tpu.vector_store %parallel_loop3A_283[%parallel_loop3A_284], %parallel_loop3A_280 {strides = array<i32>} : memref<128xf32, #tpu.memory_space<vmem>>, vector<16xf32>,
        %parallel_loop3A_286 = arith.constant 0 : i32
        %parallel_loop3A_287 = tpu.memref_slice %arg14[%parallel_loop3A_267, %parallel_loop3A_286] : memref<80x128xf32, #tpu.memory_space<vmem>> -> memref<1x128xf32, #tpu.memory_space<vmem>>
        %parallel_loop3A_288 = tpu.memref_squeeze %parallel_loop3A_287 : memref<1x128xf32, #tpu.memory_space<vmem>> -> memref<128xf32, #tpu.memory_space<vmem>>
        %parallel_loop3A_289 = arith.constant 16 : index
        %parallel_loop3A_290 = tpu.vector_load %parallel_loop3A_288[%parallel_loop3A_289] {strides = array<i32>} : memref<128xf32, #tpu.memory_space<vmem>>, vector<16xf32>,
        %parallel_loop3A_291 = arith.mulf %parallel_loop3A_290, %parallel_loop3A_274 : vector<16xf32>
        %parallel_loop3A_292 = arith.constant 0 : i32
        %parallel_loop3A_293 = tpu.memref_slice %arg14[%parallel_loop3A_267, %parallel_loop3A_292] : memref<80x128xf32, #tpu.memory_space<vmem>> -> memref<1x128xf32, #tpu.memory_space<vmem>>
        %parallel_loop3A_294 = tpu.memref_squeeze %parallel_loop3A_293 : memref<1x128xf32, #tpu.memory_space<vmem>> -> memref<128xf32, #tpu.memory_space<vmem>>
        %parallel_loop3A_295 = arith.constant 16 : index
        %parallel_loop3A_296 = tpu.vector_load %parallel_loop3A_294[%parallel_loop3A_295] {strides = array<i32>} : memref<128xf32, #tpu.memory_space<vmem>>, vector<16xf32>,
        tpu.vector_store %parallel_loop3A_294[%parallel_loop3A_295], %parallel_loop3A_291 {strides = array<i32>} : memref<128xf32, #tpu.memory_space<vmem>>, vector<16xf32>,
        %parallel_loop3A_297 = arith.constant 0 : i32
        %parallel_loop3A_298 = tpu.memref_slice %arg14[%parallel_loop3A_267, %parallel_loop3A_297] : memref<80x128xf32, #tpu.memory_space<vmem>> -> memref<1x128xf32, #tpu.memory_space<vmem>>
        %parallel_loop3A_299 = tpu.memref_squeeze %parallel_loop3A_298 : memref<1x128xf32, #tpu.memory_space<vmem>> -> memref<128xf32, #tpu.memory_space<vmem>>
        %parallel_loop3A_300 = arith.constant 32 : index
        %parallel_loop3A_301 = tpu.vector_load %parallel_loop3A_299[%parallel_loop3A_300] {strides = array<i32>} : memref<128xf32, #tpu.memory_space<vmem>>, vector<16xf32>,
        %parallel_loop3A_302 = arith.mulf %parallel_loop3A_301, %parallel_loop3A_274 : vector<16xf32>
        %parallel_loop3A_303 = arith.constant 0 : i32
        %parallel_loop3A_304 = tpu.memref_slice %arg14[%parallel_loop3A_267, %parallel_loop3A_303] : memref<80x128xf32, #tpu.memory_space<vmem>> -> memref<1x128xf32, #tpu.memory_space<vmem>>
        %parallel_loop3A_305 = tpu.memref_squeeze %parallel_loop3A_304 : memref<1x128xf32, #tpu.memory_space<vmem>> -> memref<128xf32, #tpu.memory_space<vmem>>
        %parallel_loop3A_306 = arith.constant 32 : index
        %parallel_loop3A_307 = tpu.vector_load %parallel_loop3A_305[%parallel_loop3A_306] {strides = array<i32>} : memref<128xf32, #tpu.memory_space<vmem>>, vector<16xf32>,
        tpu.vector_store %parallel_loop3A_305[%parallel_loop3A_306], %parallel_loop3A_302 {strides = array<i32>} : memref<128xf32, #tpu.memory_space<vmem>>, vector<16xf32>,
        %parallel_loop3A_308 = arith.constant 0 : i32
        %parallel_loop3A_309 = tpu.memref_slice %arg14[%parallel_loop3A_267, %parallel_loop3A_308] : memref<80x128xf32, #tpu.memory_space<vmem>> -> memref<1x128xf32, #tpu.memory_space<vmem>>
        %parallel_loop3A_310 = tpu.memref_squeeze %parallel_loop3A_309 : memref<1x128xf32, #tpu.memory_space<vmem>> -> memref<128xf32, #tpu.memory_space<vmem>>
        %parallel_loop3A_311 = arith.constant 48 : index
        %parallel_loop3A_312 = tpu.vector_load %parallel_loop3A_310[%parallel_loop3A_311] {strides = array<i32>} : memref<128xf32, #tpu.memory_space<vmem>>, vector<16xf32>,
        %parallel_loop3A_313 = arith.mulf %parallel_loop3A_312, %parallel_loop3A_274 : vector<16xf32>
        %parallel_loop3A_314 = arith.constant 0 : i32
        %parallel_loop3A_315 = tpu.memref_slice %arg14[%parallel_loop3A_267, %parallel_loop3A_314] : memref<80x128xf32, #tpu.memory_space<vmem>> -> memref<1x128xf32, #tpu.memory_space<vmem>>
        %parallel_loop3A_316 = tpu.memref_squeeze %parallel_loop3A_315 : memref<1x128xf32, #tpu.memory_space<vmem>> -> memref<128xf32, #tpu.memory_space<vmem>>
        %parallel_loop3A_317 = arith.constant 48 : index
        %parallel_loop3A_318 = tpu.vector_load %parallel_loop3A_316[%parallel_loop3A_317] {strides = array<i32>} : memref<128xf32, #tpu.memory_space<vmem>>, vector<16xf32>,
        tpu.vector_store %parallel_loop3A_316[%parallel_loop3A_317], %parallel_loop3A_313 {strides = array<i32>} : memref<128xf32, #tpu.memory_space<vmem>>, vector<16xf32>,
        %parallel_loop3A_319 = arith.constant 0 : i32
        %parallel_loop3A_320 = tpu.memref_slice %arg14[%parallel_loop3A_267, %parallel_loop3A_319] : memref<80x128xf32, #tpu.memory_space<vmem>> -> memref<1x128xf32, #tpu.memory_space<vmem>>
        %parallel_loop3A_321 = tpu.memref_squeeze %parallel_loop3A_320 : memref<1x128xf32, #tpu.memory_space<vmem>> -> memref<128xf32, #tpu.memory_space<vmem>>
        %parallel_loop3A_322 = arith.constant 64 : index
        %parallel_loop3A_323 = tpu.vector_load %parallel_loop3A_321[%parallel_loop3A_322] {strides = array<i32>} : memref<128xf32, #tpu.memory_space<vmem>>, vector<16xf32>,
        %parallel_loop3A_324 = arith.mulf %parallel_loop3A_323, %parallel_loop3A_274 : vector<16xf32>
        %parallel_loop3A_325 = arith.constant 0 : i32
        %parallel_loop3A_326 = tpu.memref_slice %arg14[%parallel_loop3A_267, %parallel_loop3A_325] : memref<80x128xf32, #tpu.memory_space<vmem>> -> memref<1x128xf32, #tpu.memory_space<vmem>>
        %parallel_loop3A_327 = tpu.memref_squeeze %parallel_loop3A_326 : memref<1x128xf32, #tpu.memory_space<vmem>> -> memref<128xf32, #tpu.memory_space<vmem>>
        %parallel_loop3A_328 = arith.constant 64 : index
        %parallel_loop3A_329 = tpu.vector_load %parallel_loop3A_327[%parallel_loop3A_328] {strides = array<i32>} : memref<128xf32, #tpu.memory_space<vmem>>, vector<16xf32>,
        tpu.vector_store %parallel_loop3A_327[%parallel_loop3A_328], %parallel_loop3A_324 {strides = array<i32>} : memref<128xf32, #tpu.memory_space<vmem>>, vector<16xf32>,
        %parallel_loop3A_330 = arith.constant 0 : i32
        %parallel_loop3A_331 = tpu.memref_slice %arg14[%parallel_loop3A_267, %parallel_loop3A_330] : memref<80x128xf32, #tpu.memory_space<vmem>> -> memref<1x128xf32, #tpu.memory_space<vmem>>
        %parallel_loop3A_332 = tpu.memref_squeeze %parallel_loop3A_331 : memref<1x128xf32, #tpu.memory_space<vmem>> -> memref<128xf32, #tpu.memory_space<vmem>>
        %parallel_loop3A_333 = arith.constant 80 : index
        %parallel_loop3A_334 = tpu.vector_load %parallel_loop3A_332[%parallel_loop3A_333] {strides = array<i32>} : memref<128xf32, #tpu.memory_space<vmem>>, vector<16xf32>,
        %parallel_loop3A_335 = arith.mulf %parallel_loop3A_334, %parallel_loop3A_274 : vector<16xf32>
        %parallel_loop3A_336 = arith.constant 0 : i32
        %parallel_loop3A_337 = tpu.memref_slice %arg14[%parallel_loop3A_267, %parallel_loop3A_336] : memref<80x128xf32, #tpu.memory_space<vmem>> -> memref<1x128xf32, #tpu.memory_space<vmem>>
        %parallel_loop3A_338 = tpu.memref_squeeze %parallel_loop3A_337 : memref<1x128xf32, #tpu.memory_space<vmem>> -> memref<128xf32, #tpu.memory_space<vmem>>
        %parallel_loop3A_339 = arith.constant 80 : index
        %parallel_loop3A_340 = tpu.vector_load %parallel_loop3A_338[%parallel_loop3A_339] {strides = array<i32>} : memref<128xf32, #tpu.memory_space<vmem>>, vector<16xf32>,
        tpu.vector_store %parallel_loop3A_338[%parallel_loop3A_339], %parallel_loop3A_335 {strides = array<i32>} : memref<128xf32, #tpu.memory_space<vmem>>, vector<16xf32>,
        %parallel_loop3A_341 = arith.constant 0 : i32
        %parallel_loop3A_342 = tpu.memref_slice %arg14[%parallel_loop3A_267, %parallel_loop3A_341] : memref<80x128xf32, #tpu.memory_space<vmem>> -> memref<1x128xf32, #tpu.memory_space<vmem>>
        %parallel_loop3A_343 = tpu.memref_squeeze %parallel_loop3A_342 : memref<1x128xf32, #tpu.memory_space<vmem>> -> memref<128xf32, #tpu.memory_space<vmem>>
        %parallel_loop3A_344 = arith.constant 96 : index
        %parallel_loop3A_345 = tpu.vector_load %parallel_loop3A_343[%parallel_loop3A_344] {strides = array<i32>} : memref<128xf32, #tpu.memory_space<vmem>>, vector<16xf32>,
        %parallel_loop3A_346 = arith.mulf %parallel_loop3A_345, %parallel_loop3A_274 : vector<16xf32>
        %parallel_loop3A_347 = arith.constant 0 : i32
        %parallel_loop3A_348 = tpu.memref_slice %arg14[%parallel_loop3A_267, %parallel_loop3A_347] : memref<80x128xf32, #tpu.memory_space<vmem>> -> memref<1x128xf32, #tpu.memory_space<vmem>>
        %parallel_loop3A_349 = tpu.memref_squeeze %parallel_loop3A_348 : memref<1x128xf32, #tpu.memory_space<vmem>> -> memref<128xf32, #tpu.memory_space<vmem>>
        %parallel_loop3A_350 = arith.constant 96 : index
        %parallel_loop3A_351 = tpu.vector_load %parallel_loop3A_349[%parallel_loop3A_350] {strides = array<i32>} : memref<128xf32, #tpu.memory_space<vmem>>, vector<16xf32>,
        tpu.vector_store %parallel_loop3A_349[%parallel_loop3A_350], %parallel_loop3A_346 {strides = array<i32>} : memref<128xf32, #tpu.memory_space<vmem>>, vector<16xf32>,
        %parallel_loop3A_352 = arith.constant 0 : i32
        %parallel_loop3A_353 = tpu.memref_slice %arg14[%parallel_loop3A_267, %parallel_loop3A_352] : memref<80x128xf32, #tpu.memory_space<vmem>> -> memref<1x128xf32, #tpu.memory_space<vmem>>
        %parallel_loop3A_354 = tpu.memref_squeeze %parallel_loop3A_353 : memref<1x128xf32, #tpu.memory_space<vmem>> -> memref<128xf32, #tpu.memory_space<vmem>>
        %parallel_loop3A_355 = arith.constant 112 : index
        %parallel_loop3A_356 = tpu.vector_load %parallel_loop3A_354[%parallel_loop3A_355] {strides = array<i32>} : memref<128xf32, #tpu.memory_space<vmem>>, vector<16xf32>,
        %parallel_loop3A_357 = arith.mulf %parallel_loop3A_356, %parallel_loop3A_274 : vector<16xf32>
        %parallel_loop3A_358 = arith.constant 0 : i32
        %parallel_loop3A_359 = tpu.memref_slice %arg14[%parallel_loop3A_267, %parallel_loop3A_358] : memref<80x128xf32, #tpu.memory_space<vmem>> -> memref<1x128xf32, #tpu.memory_space<vmem>>
        %parallel_loop3A_360 = tpu.memref_squeeze %parallel_loop3A_359 : memref<1x128xf32, #tpu.memory_space<vmem>> -> memref<128xf32, #tpu.memory_space<vmem>>
        %parallel_loop3A_361 = arith.constant 112 : index
        %parallel_loop3A_362 = tpu.vector_load %parallel_loop3A_360[%parallel_loop3A_361] {strides = array<i32>} : memref<128xf32, #tpu.memory_space<vmem>>, vector<16xf32>,
        tpu.vector_store %parallel_loop3A_360[%parallel_loop3A_361], %parallel_loop3A_357 {strides = array<i32>} : memref<128xf32, #tpu.memory_space<vmem>>, vector<16xf32>,
      } {sc.loop_unroll_factor = 4 : i64, sc.parallel_access}
      %dma_start3A_232 = arith.constant 7 : i32
      %dma_start3A_233 = arith.constant 0 : i32
      %dma_start3A_234 = tpu.memref_slice %arg9[%dma_start3A_232, %dma_start3A_233] : memref<8x80xi32, #tpu.memory_space<vmem>> -> memref<1x80xi32, #tpu.memory_space<vmem>>
      %dma_start3A_235 = tpu.memref_squeeze %dma_start3A_234 : memref<1x80xi32, #tpu.memory_space<vmem>> -> memref<80xi32, #tpu.memory_space<vmem>>
      %dma_start3A_236 = arith.constant 0 : i32
      %dma_start3A_237 = arith.constant 0 : i32
      %dma_start3A_238 = tpu.memref_slice %arg15[%dma_start3A_236, %dma_start3A_237] : memref<10240x128xf32, #tpu.memory_space<vmem_shared>> -> memref<10240x128xf32, #tpu.memory_space<vmem_shared>>
      tpu.enqueue_indirect_dma source(%arg14 : memref<80x128xf32, #tpu.memory_space<vmem>>) target(%dma_start3A_238 : memref<10240x128xf32, #tpu.memory_space<vmem_shared>>) offsets(%dma_start3A_235 : memref<80xi32, #tpu.memory_space<vmem>>) semaphore(%arg23 : memref<!tpu.dma_semaphore, #tpu.memory_space<semaphore_mem>>) {add = true}
      %dma_wait3A_239 = arith.constant 4 : i32
      %dma_wait3A_240 = arith.constant 0 : i32
      %dma_wait3A_241 = tpu.memref_slice %arg9[%dma_wait3A_239, %dma_wait3A_240] : memref<8x80xi32, #tpu.memory_space<vmem>> -> memref<1x80xi32, #tpu.memory_space<vmem>>
      %dma_wait3A_242 = tpu.memref_squeeze %dma_wait3A_241 : memref<1x80xi32, #tpu.memory_space<vmem>> -> memref<80xi32, #tpu.memory_space<vmem>>
      %dma_wait3A_243 = arith.constant 0 : i32
      %dma_wait3A_244 = arith.constant 0 : i32
      %dma_wait3A_245 = tpu.memref_slice %arg15[%dma_wait3A_243, %dma_wait3A_244] : memref<10240x128xf32, #tpu.memory_space<vmem_shared>> -> memref<10240x128xf32, #tpu.memory_space<vmem_shared>>
      tpu.wait_indirect_dma semaphore(%arg20 : memref<!tpu.dma_semaphore, #tpu.memory_space<semaphore_mem>>) src(%arg11 : memref<80x128xf32, #tpu.memory_space<vmem>>) dst(%dma_wait3A_245 : memref<10240x128xf32, #tpu.memory_space<vmem_shared>>)
      %dma_wait3A_246 = arith.constant 5 : i32
      %dma_wait3A_247 = arith.constant 0 : i32
      %dma_wait3A_248 = tpu.memref_slice %arg9[%dma_wait3A_246, %dma_wait3A_247] : memref<8x80xi32, #tpu.memory_space<vmem>> -> memref<1x80xi32, #tpu.memory_space<vmem>>
      %dma_wait3A_249 = tpu.memref_squeeze %dma_wait3A_248 : memref<1x80xi32, #tpu.memory_space<vmem>> -> memref<80xi32, #tpu.memory_space<vmem>>
      %dma_wait3A_250 = arith.constant 0 : i32
      %dma_wait3A_251 = arith.constant 0 : i32
      %dma_wait3A_252 = tpu.memref_slice %arg15[%dma_wait3A_250, %dma_wait3A_251] : memref<10240x128xf32, #tpu.memory_space<vmem_shared>> -> memref<10240x128xf32, #tpu.memory_space<vmem_shared>>
      tpu.wait_indirect_dma semaphore(%arg21 : memref<!tpu.dma_semaphore, #tpu.memory_space<semaphore_mem>>) src(%arg12 : memref<80x128xf32, #tpu.memory_space<vmem>>) dst(%dma_wait3A_252 : memref<10240x128xf32, #tpu.memory_space<vmem_shared>>)
      %dma_wait3A_253 = arith.constant 6 : i32
      %dma_wait3A_254 = arith.constant 0 : i32
      %dma_wait3A_255 = tpu.memref_slice %arg9[%dma_wait3A_253, %dma_wait3A_254] : memref<8x80xi32, #tpu.memory_space<vmem>> -> memref<1x80xi32, #tpu.memory_space<vmem>>
      %dma_wait3A_256 = tpu.memref_squeeze %dma_wait3A_255 : memref<1x80xi32, #tpu.memory_space<vmem>> -> memref<80xi32, #tpu.memory_space<vmem>>
      %dma_wait3A_257 = arith.constant 0 : i32
      %dma_wait3A_258 = arith.constant 0 : i32
      %dma_wait3A_259 = tpu.memref_slice %arg15[%dma_wait3A_257, %dma_wait3A_258] : memref<10240x128xf32, #tpu.memory_space<vmem_shared>> -> memref<10240x128xf32, #tpu.memory_space<vmem_shared>>
      tpu.wait_indirect_dma semaphore(%arg22 : memref<!tpu.dma_semaphore, #tpu.memory_space<semaphore_mem>>) src(%arg13 : memref<80x128xf32, #tpu.memory_space<vmem>>) dst(%dma_wait3A_259 : memref<10240x128xf32, #tpu.memory_space<vmem_shared>>)
      %dma_wait3A_260 = arith.constant 7 : i32
      %dma_wait3A_261 = arith.constant 0 : i32
      %dma_wait3A_262 = tpu.memref_slice %arg9[%dma_wait3A_260, %dma_wait3A_261] : memref<8x80xi32, #tpu.memory_space<vmem>> -> memref<1x80xi32, #tpu.memory_space<vmem>>
      %dma_wait3A_263 = tpu.memref_squeeze %dma_wait3A_262 : memref<1x80xi32, #tpu.memory_space<vmem>> -> memref<80xi32, #tpu.memory_space<vmem>>
      %dma_wait3A_264 = arith.constant 0 : i32
      %dma_wait3A_265 = arith.constant 0 : i32
      %dma_wait3A_266 = tpu.memref_slice %arg15[%dma_wait3A_264, %dma_wait3A_265] : memref<10240x128xf32, #tpu.memory_space<vmem_shared>> -> memref<10240x128xf32, #tpu.memory_space<vmem_shared>>
      tpu.wait_indirect_dma semaphore(%arg23 : memref<!tpu.dma_semaphore, #tpu.memory_space<semaphore_mem>>) src(%arg14 : memref<80x128xf32, #tpu.memory_space<vmem>>) dst(%dma_wait3A_266 : memref<10240x128xf32, #tpu.memory_space<vmem_shared>>)
    }
    %scan3A_6 = arith.constant 16 : i32
    %barrier3A_7 = arith.constant 0 : index
    tpu.barrier barrier_id(%barrier3A_7)
    "tpu.region"() ({
      %run_scoped3A = tpu.sem_alloc : memref<!tpu.dma_semaphore, #tpu.memory_space<semaphore_mem>>
      %dma_start3A = arith.constant 0 : i32
      %dma_start3A_8 = tpu.memref_slice %arg7[%arg0, %mul3A_2, %dma_start3A] : memref<2x10240x128xf32, #tpu.memory_space<hbm>> -> memref<1x640x128xf32, #tpu.memory_space<hbm>>
      %dma_start3A_9 = tpu.memref_squeeze %dma_start3A_8 : memref<1x640x128xf32, #tpu.memory_space<hbm>> -> memref<640x128xf32, #tpu.memory_space<hbm>>
      %dma_start3A_10 = arith.constant 0 : i32
      %dma_start3A_11 = tpu.memref_slice %arg15[%mul3A_2, %dma_start3A_10] : memref<10240x128xf32, #tpu.memory_space<vmem_shared>> -> memref<640x128xf32, #tpu.memory_space<vmem_shared>>
      tpu.enqueue_dma source(%dma_start3A_11 : memref<640x128xf32, #tpu.memory_space<vmem_shared>>) target(%dma_start3A_9 : memref<640x128xf32, #tpu.memory_space<hbm>>) target_semaphore(%run_scoped3A : memref<!tpu.dma_semaphore, #tpu.memory_space<semaphore_mem>>)
      %dma_wait3A = arith.constant 0 : i32
      %dma_wait3A_12 = tpu.memref_slice %arg7[%arg0, %mul3A_2, %dma_wait3A] : memref<2x10240x128xf32, #tpu.memory_space<hbm>> -> memref<1x640x128xf32, #tpu.memory_space<hbm>>
      %dma_wait3A_13 = tpu.memref_squeeze %dma_wait3A_12 : memref<1x640x128xf32, #tpu.memory_space<hbm>> -> memref<640x128xf32, #tpu.memory_space<hbm>>
      %dma_wait3A_14 = arith.constant 0 : i32
      %dma_wait3A_15 = tpu.memref_slice %arg15[%mul3A_2, %dma_wait3A_14] : memref<10240x128xf32, #tpu.memory_space<vmem_shared>> -> memref<640x128xf32, #tpu.memory_space<vmem_shared>>
      tpu.wait_dma2 semaphore(%run_scoped3A : memref<!tpu.dma_semaphore, #tpu.memory_space<semaphore_mem>>) src(%dma_wait3A_15 : memref<640x128xf32, #tpu.memory_space<vmem_shared>>) dst(%dma_wait3A_13 : memref<640x128xf32, #tpu.memory_space<hbm>>)
      tpu.yield
    }) : () -> ()
    return
  }
}

module attributes {stable_mosaic.version = 14 : i64} {
  func.func @_proj_body(%arg0: i32, %arg1: memref<1000x128xf32, #tpu.memory_space<vmem>>, %arg2: memref<128x256xf32, #tpu.memory_space<vmem>>, %arg3: memref<1000x256xf32, #tpu.memory_space<vmem>>) attributes {dimension_semantics = [#tpu.dimension_semantics<arbitrary>], iteration_bounds = array<i64: 10>, scalar_prefetch = 0 : i64, scratch_operands = 0 : i64, tpu.core_type = #tpu.core_type<tc>, window_params = [{transform_indices = @transform_0, window_bounds = array<i64: 1000, 128>}, {pipeline_mode = #tpu.pipeline_mode<synchronous>, transform_indices = @transform_1, window_bounds = array<i64: 128, 256>}, {transform_indices = @transform_2, window_bounds = array<i64: 1000, 256>}]} {
    %get3A = arith.constant 0 : index
    %get3A_0 = arith.constant 0 : index
    %get3A_1 = vector.load %arg1[%get3A, %get3A_0] : memref<1000x128xf32, #tpu.memory_space<vmem>>, vector<1000x128xf32>
    %get3A_2 = arith.constant 0 : index
    %get3A_3 = arith.constant 0 : index
    %get3A_4 = vector.load %arg2[%get3A_2, %get3A_3] : memref<128x256xf32, #tpu.memory_space<vmem>>, vector<128x256xf32>
    %dot_general3A = arith.constant dense<0.000000e+00> : vector<1000x256xf32>
    %dot_general3A_5 = tpu.matmul %get3A_1, %get3A_4, %dot_general3A {dimension_numbers = #tpu.dot_dimension_numbers<[1], [0], [0], [1], [0, 0, 1, 1], [], []>, transpose_lhs_hint = false} : vector<1000x128xf32>, vector<128x256xf32>, vector<1000x256xf32> -> vector<1000x256xf32>
    %swap3A = arith.constant 0 : index
    %swap3A_6 = arith.constant 0 : index
    %swap3A_7 = vector.load %arg3[%swap3A, %swap3A_6] : memref<1000x256xf32, #tpu.memory_space<vmem>>, vector<1000x256xf32>
    tpu.vector_store %arg3[%swap3A, %swap3A_6], %dot_general3A_5 {strides = array<i32>} : memref<1000x256xf32, #tpu.memory_space<vmem>>, vector<1000x256xf32>,
    return
  }
  func.func @transform_0(%arg0: i32) -> (i32, i32) {
    %c0_i32 = arith.constant 0 : i32
    %c0_i32_0 = arith.constant 0 : i32
    return %arg0, %c0_i32 : i32, i32
  }
  func.func @transform_1(%arg0: i32) -> (i32, i32) {
    %c0_i32 = arith.constant 0 : i32
    %c0_i32_0 = arith.constant 0 : i32
    %c0_i32_1 = arith.constant 0 : i32
    return %c0_i32, %c0_i32_0 : i32, i32
  }
  func.func @transform_2(%arg0: i32) -> (i32, i32) {
    %c0_i32 = arith.constant 0 : i32
    %c0_i32_0 = arith.constant 0 : i32
    return %arg0, %c0_i32 : i32, i32
  }
}

module attributes {stable_mosaic.version = 14 : i64} {
  func.func @_combine_body(%arg0: i32, %arg1: memref<1024x128xf32, #tpu.memory_space<vmem>>, %arg2: memref<1024x128xf32, #tpu.memory_space<vmem>>, %arg3: memref<2x16x1024xf32, #tpu.memory_space<vmem>>, %arg4: memref<2xf32, #tpu.memory_space<smem>>, %arg5: memref<1024x128xf32, #tpu.memory_space<vmem>>) attributes {dimension_semantics = [#tpu.dimension_semantics<arbitrary>], iteration_bounds = array<i64: 10>, scalar_prefetch = 0 : i64, scratch_operands = 0 : i64, tpu.core_type = #tpu.core_type<tc>, window_params = [{transform_indices = @transform_0, window_bounds = array<i64: 1024, 128>}, {transform_indices = @transform_1, window_bounds = array<i64: 1024, 128>}, {transform_indices = @transform_2, window_bounds = array<i64: 2, 16, 1024>}, {transform_indices = @transform_3, window_bounds = array<i64: 2>}, {transform_indices = @transform_4, window_bounds = array<i64: 1024, 128>}]} {
    %get3A = arith.constant 0 : index
    %get3A_0 = memref.load %arg4[%get3A] : memref<2xf32, #tpu.memory_space<smem>>
    %get3A_1 = arith.constant 1 : index
    %get3A_2 = memref.load %arg4[%get3A_1] : memref<2xf32, #tpu.memory_space<smem>>
    %get3A_3 = arith.constant 0 : index
    %get3A_4 = arith.constant 0 : index
    %get3A_5 = arith.constant 0 : index
    %get3A_6 = vector.load %arg3[%get3A_3, %get3A_4, %get3A_5] : memref<2x16x1024xf32, #tpu.memory_space<vmem>>, vector<1x16x1024xf32>
    %get3A_7 = vector.shape_cast %get3A_6 : vector<1x16x1024xf32> to vector<16x1024xf32>
    %reduce_sum3A = arith.constant dense<0.000000e+00> : vector<1024xf32>
    %reduce_sum3A_8 = vector.multi_reduction <add>, %get3A_7, %reduce_sum3A [0] : vector<16x1024xf32> to vector<1024xf32>
    %mul3A = vector.broadcast %get3A_0 : f32 to vector<1024xf32>
    %mul3A_9 = arith.mulf %reduce_sum3A_8, %mul3A : vector<1024xf32>
    %get3A_10 = arith.constant 1 : index
    %get3A_11 = arith.constant 0 : index
    %get3A_12 = arith.constant 0 : index
    %get3A_13 = vector.load %arg3[%get3A_10, %get3A_11, %get3A_12] : memref<2x16x1024xf32, #tpu.memory_space<vmem>>, vector<1x16x1024xf32>
    %get3A_14 = vector.shape_cast %get3A_13 : vector<1x16x1024xf32> to vector<16x1024xf32>
    %reduce_sum3A_15 = arith.constant dense<0.000000e+00> : vector<1024xf32>
    %reduce_sum3A_16 = vector.multi_reduction <add>, %get3A_14, %reduce_sum3A_15 [0] : vector<16x1024xf32> to vector<1024xf32>
    %mul3A_17 = vector.broadcast %get3A_2 : f32 to vector<1024xf32>
    %mul3A_18 = arith.mulf %reduce_sum3A_16, %mul3A_17 : vector<1024xf32>
    %add3A = arith.addf %mul3A_9, %mul3A_18 : vector<1024xf32>
    %broadcast_in_dim3A = vector.shape_cast %add3A : vector<1024xf32> to vector<1024x1xf32>
    %eq3A = arith.constant 0.000000e+00 : f32
    %eq3A_19 = vector.broadcast %eq3A : f32 to vector<1024x1xf32>
    %eq3A_20 = arith.cmpf oeq, %broadcast_in_dim3A, %eq3A_19 : vector<1024x1xf32>
    %jit3A = arith.constant 1.000000e+00 : f32
    %broadcast_in_dim3A_21 = vector.broadcast %jit3A : f32 to vector<1024x1xf32>
    %select_n3A = arith.select %eq3A_20, %broadcast_in_dim3A_21, %broadcast_in_dim3A : vector<1024x1xi1>, vector<1024x1xf32>
    %get3A_22 = arith.constant 0 : index
    %get3A_23 = arith.constant 0 : index
    %get3A_24 = vector.load %arg1[%get3A_22, %get3A_23] : memref<1024x128xf32, #tpu.memory_space<vmem>>, vector<1024x128xf32>
    %mul3A_25 = vector.broadcast %get3A_0 : f32 to vector<1024x128xf32>
    %mul3A_26 = arith.mulf %get3A_24, %mul3A_25 : vector<1024x128xf32>
    %get3A_27 = arith.constant 0 : index
    %get3A_28 = arith.constant 0 : index
    %get3A_29 = vector.load %arg2[%get3A_27, %get3A_28] : memref<1024x128xf32, #tpu.memory_space<vmem>>, vector<1024x128xf32>
    %mul3A_30 = vector.broadcast %get3A_2 : f32 to vector<1024x128xf32>
    %mul3A_31 = arith.mulf %get3A_29, %mul3A_30 : vector<1024x128xf32>
    %add3A_32 = arith.addf %mul3A_26, %mul3A_31 : vector<1024x128xf32>
    %div3A = vector.broadcast %select_n3A : vector<1024x1xf32> to vector<1024x128xf32>
    %div3A_33 = arith.divf %add3A_32, %div3A : vector<1024x128xf32>
    %swap3A = arith.constant 0 : index
    %swap3A_34 = arith.constant 0 : index
    %swap3A_35 = vector.load %arg5[%swap3A, %swap3A_34] : memref<1024x128xf32, #tpu.memory_space<vmem>>, vector<1024x128xf32>
    tpu.vector_store %arg5[%swap3A, %swap3A_34], %div3A_33 {strides = array<i32>} : memref<1024x128xf32, #tpu.memory_space<vmem>>, vector<1024x128xf32>,
    return
  }
  func.func @transform_0(%arg0: i32) -> (i32, i32) {
    %c0_i32 = arith.constant 0 : i32
    %c0_i32_0 = arith.constant 0 : i32
    return %arg0, %c0_i32 : i32, i32
  }
  func.func @transform_1(%arg0: i32) -> (i32, i32) {
    %c0_i32 = arith.constant 0 : i32
    %c0_i32_0 = arith.constant 0 : i32
    return %arg0, %c0_i32 : i32, i32
  }
  func.func @transform_2(%arg0: i32) -> (i32, i32, i32) {
    %c0_i32 = arith.constant 0 : i32
    %c0_i32_0 = arith.constant 0 : i32
    %c0_i32_1 = arith.constant 0 : i32
    return %c0_i32, %c0_i32_0, %arg0 : i32, i32, i32
  }
  func.func @transform_3(%arg0: i32) -> i32 {
    %c0_i32 = arith.constant 0 : i32
    %c0_i32_0 = arith.constant 0 : i32
    return %c0_i32 : i32
  }
  func.func @transform_4(%arg0: i32) -> (i32, i32) {
    %c0_i32 = arith.constant 0 : i32
    %c0_i32_0 = arith.constant 0 : i32
    return %arg0, %c0_i32 : i32, i32
  }
}

</mosaic_0001>

<sc_bundles>
// kernel: kernel.6.cloned.1.call-start
scs
__scs_entry_jumppad:
0x0: {  	(pc) =	sbr.rel $0x88, $3  }
0x1: {  	(tag) =	ssettag $0x0;
	lr =	simm.s32 $0x1  }
0x2: {  	[smem:$0x3F9D] =	sst lr;
	_ =	strace $0xD0000000  }
0x3: {  	_ = 	snop  }
0x4: {  	_ = 	snop  }
0x5: {  	_ = 	snop  }
0x6: {  	_ = 	snop  }
0x7: {  	_ = 	snop  }
__scs_overlays_trampoline_lowered:
0x8: {  	[smem:$0x3FAC] =	sst s0  }
0x9: {  	[smem:$0x3FAD] =	sst s1  }
0xa: {  	[smem:$0x3FAE] =	sst s2  }
0xb: {  	[smem:$0x3FAF] =	sst s3  }
0xc: {  	[smem:$0x3FB0] =	sst s4  }
0xd: {  	[smem:$0x3FB1] =	sst s5  }
0xe: {  	[smem:$0x3FB2] =	sst s6  }
0xf: {  	[smem:$0x3FB3] =	sst s7  }
0x10: {  	[smem:$0x3FB4] =	sst s8  }
0x11: {  	[smem:$0x3FB5] =	sst s9;
	s0 =	simm.s32 @!p0 $0x0  }
0x12: {  	s1 =	sld [smem:$0x3F9B];
	s0 =	simm.s32 @p0 $0x1  }
0x13: {  	[smem:$0x3FB6] =	sst s0;
	s0 =	simm.s32 @!p1 $0x0  }
0x14: {  	s2 =	sld [smem:$0x3F9A];
	s0 =	simm.s32 @p1 $0x1  }
0x15: {  	[smem:$0x3FB7] =	sst s0;
	s0 =	simm.s32 @!p2 $0x0  }
0x16: {  	s3 =	sld [smem:$0x3FDB];
	s0 =	simm.s32 @p2 $0x1  }
0x17: {  	s4 =	simm.s32 $0x1BF5;
	[smem:$0x3FB9] =	sst s0  }
0x18: {  	s0 =	sld [smem:$0x3F9C];
	_ =	swait.ge [sflag:s4], $0x0  }
0x19: {  	s7 =	sld [smem:$0x3F9D]  }
0x1a: {  	s8 =	sadd.s32 $0xFFFFE003, lr  }
0x1b: {  	s9 =	sadd.s32 $0xFFFFFEF7, lr;
	s5 =	simm.s32 $0xFFFFFFFF;
	p2 =	slt.u32 s8, $0xFFFFF086  }
0x1c: {  	p1 =	slt.u32 s9, $0xF7A;
	s5 =	simm.s32 @!p2 $0x0  }
0x1d: {  	s5 =	simm.s32 @p1 $0x1;
	p0 =	seq.s32 s7, s2  }
0x1e: {  	s7 =	smul.u32 @!p0 $0xF7A, s2;
	p2 =	seq.s32 @!p0 s5, $0x0  }
0x1f: {  	s9 =	smul.u32 $0xF7A, s1;
	s8 =	simm.s32 @!p0 $0x1BF5;
	p2 =	por !p2, p0  }
0x20: {  	[sflag:s8] =	ssyncset.s32 @!p0 $0xFFFFF086;
	s6 =	sadd.s32 @!p0 s3, s7;
	s7 =	simm.s32 @!p0 $0x108  }
0x21: {  	s3 =	sadd.s32 s3, s9;
	s6 =	sadd.s32 @!p0 $0x88, s6;
	s7 =	simm.s32 @p2 $0x1082  }
0x22: {  	[simem:s7], [sflag:s8] =	dma.local @!p0 [hbm:s6], $0xF7A  }
0x23: {  	s9 =	sor.u32 $0xD0000000, s2;
	s6 =	simm.s32 $0x108;
	_ =	swait.ge @!p0 [sflag:s8], $0x0  }
0x24: {  	s3 =	sadd.s32 $0x88, s3;
	s6 =	simm.s32 @!p1 $0x1082;
	[sflag:s4] =	ssyncset.s32 $0xFFFFF086  }
0x25: {  	[simem:s6], [sflag:s4] =	dma.local [hbm:s3], $0xF7A  }
0x26: {  	[smem:$0x3F9D] =	sst s1;
	(tag) =	ssettag s2;
	_ =	strace s9  }
0x27: {  	s1 =	sld [smem:$0x3FAD]  }
0x28: {  	s2 =	sld [smem:$0x3FAE]  }
0x29: {  	s4 =	sld [smem:$0x3FB0]  }
0x2a: {  	p0 =	seq.s32 s5, $0x0;
	s5 =	sld [smem:$0x3FB1]  }
0x2b: {  	s6 =	sld [smem:$0x3FB2]  }
0x2c: {  	s7 =	sld [smem:$0x3FB3]  }
0x2d: {  	s3 =	simm.s32 $0x108;
	s8 =	sld [smem:$0x3FB4]  }
0x2e: {  	s3 =	simm.s32 @!p0 $0x1082;
	s9 =	sld [smem:$0x3FB5]  }
0x2f: {  	lr =	sadd.s32 s0, s3;
	s0 =	sld [smem:$0x3FAC]  }
0x30: {  	s3 =	sld [smem:$0x3FAF]  }
0x31: {  	[smem:$0x3FB8] =	sst s10  }
0x32: {  	s10 =	sld [smem:$0x3FB6];
	_ =	sdelay $0x3  }
0x33: {  	p0 =	seq.s32 s10, $0x1;
	s10 =	sld [smem:$0x3FB8];
	_ =	sdelay $0x3  }
0x34: {  	[smem:$0x3FB8] =	sst s10  }
0x35: {  	s10 =	sld [smem:$0x3FB7];
	_ =	sdelay $0x3  }
0x36: {  	p1 =	seq.s32 s10, $0x1;
	s10 =	sld [smem:$0x3FB8];
	_ =	sdelay $0x3  }
0x37: {  	[smem:$0x3FB8] =	sst s10  }
0x38: {  	s10 =	sld [smem:$0x3FB9]  }
0x39: {  	_ = 	snop;
	(pc) =	sbr.ind lr, $3  }
0x3a: {  	_ = 	snop  }
0x3b: {  	_ = 	snop  }
0x3c: {  	p2 =	seq.s32 s10, $0x1;
	s10 =	sld [smem:$0x3FB8]  }
0x3d: {  	_ =	shalt  }
0x3e: {  	_ =	shalt  }
0x3f: {  	_ =	shalt  }
0x40: {  	_ =	shalt  }
0x41: {  	_ =	shalt  }
0x42: {  	_ =	shalt  }
0x43: {  	_ =	shalt  }
0x44: {  	_ =	shalt  }
0x45: {  	_ =	shalt  }
0x46: {  	_ =	shalt  }
0x47: {  	_ =	shalt  }
0x48: {  	_ =	shalt  }
0x49: {  	_ =	shalt  }
0x4a: {  	_ =	shalt  }
0x4b: {  	_ =	shalt  }
0x4c: {  	_ =	shalt  }
0x4d: {  	_ =	shalt  }
0x4e: {  	_ =	shalt  }
0x4f: {  	_ =	shalt  }
0x50: {  	_ =	shalt  }
0x51: {  	_ =	shalt  }
0x52: {  	_ =	shalt  }
0x53: {  	_ =	shalt  }
0x54: {  	_ =	shalt  }
0x55: {  	_ =	shalt  }
0x56: {  	_ =	shalt  }
0x57: {  	_ =	shalt  }
0x58: {  	_ =	shalt  }
0x59: {  	_ =	shalt  }
0x5a: {  	_ =	shalt  }
0x5b: {  	_ =	shalt  }
0x5c: {  	_ =	shalt  }
0x5d: {  	_ =	shalt  }
0x5e: {  	_ =	shalt  }
0x5f: {  	_ =	shalt  }
0x60: {  	_ =	shalt  }
0x61: {  	_ =	shalt  }
0x62: {  	_ =	shalt  }
0x63: {  	_ =	shalt  }
0x64: {  	_ =	shalt  }
0x65: {  	_ =	shalt  }
0x66: {  	_ =	shalt  }
0x67: {  	_ =	shalt  }
0x68: {  	_ =	shalt  }
0x69: {  	_ =	shalt  }
0x6a: {  	_ =	shalt  }
0x6b: {  	_ =	shalt  }
0x6c: {  	_ =	shalt  }
0x6d: {  	_ =	shalt  }
0x6e: {  	_ =	shalt  }
0x6f: {  	_ =	shalt  }
0x70: {  	_ =	shalt  }
0x71: {  	_ =	shalt  }
0x72: {  	_ =	shalt  }
0x73: {  	_ =	shalt  }
0x74: {  	_ =	shalt  }
0x75: {  	_ =	shalt  }
0x76: {  	_ =	shalt  }
0x77: {  	_ =	shalt  }
0x78: {  	_ =	shalt  }
0x79: {  	_ =	shalt  }
0x7a: {  	_ =	shalt  }
0x7b: {  	_ =	shalt  }
0x7c: {  	_ =	shalt  }
0x7d: {  	_ =	shalt  }
0x7e: {  	_ =	shalt  }
0x7f: {  	_ =	shalt  }
0x80: {  	_ =	shalt  }
0x81: {  	_ =	shalt  }
0x82: {  	_ =	shalt  }
0x83: {  	_ =	shalt  }
0x84: {  	_ =	shalt  }
0x85: {  	_ =	shalt  }
0x86: {  	_ =	shalt  }
0x87: {  	_ =	shalt  }
.Lfunc_end0:
.L_simem_size_0:
called_computation_lowered:
.L_overlay_start_0:
0x88: {  	s2 =	sld [smem:$0x3FD9]  }
0x89: {  	s3 =	sld [smem:$0x3FFE];
	_ =	sdelay $0x1  }
0x8a: {  	s1 =	srdreg.scid  }
0x8b: {  	s0 =	sand.u32 $0x1, s1  }
0x8c: {  	s17 =	sshll.u32 s0, $0xA;
	s2 =	sadd.s32 s3, s2  }
0x8d: {  	s2 =	sadd.s32 s2, s17  }
0x8e: {  	[smem:$0x3FC4] =	sst s2  }
0x8f: {  	_ = 	snop  }
0x90: {  	s2 =	sld [smem:$0x3FD0];
	(tm) =	ssettm $0x1  }
0x91: {  	s18 =	sld [smem:$0x3FFB];
	_ =	sdelay $0x3  }
0x92: {  	_ =	strace s18  }
0x93: {  	s3 =	sld [smem:$0x3FFC];
	_ =	sdelay $0x3  }
0x94: {  	_ =	strace s3  }
0x95: {  	s3 =	sld [smem:$0x3FFD];
	_ =	sdelay $0x3  }
0x96: {  	_ =	strace s3  }
0x97: {  	_ =	strace $0x8FFFFFFF  }
0x98: {  	s19 =	sld [smem:$0x3FDB];
	_ =	sdelay $0x1  }
0x99: {  	s4 =	simm.s32 $_scs_section_size  }
0x9a: {  	s5 =	simm.s32 $_size__tile_overlayer_lowered;
	s6 =	simm.s32 $_tile_overlayer_lowered  }
0x9b: {  	s22 =	simm.s32 $0x1BFF;
	s21 =	sshll.u32 s6, $0x1;
	s3 =	sadd.s32 s4, s19  }
0x9c: {  	s7 =	simm.s32 $0x0;
	s20 =	sshll.u32 s5, $0x1;
	s5 =	sadd.s32 s21, s3  }
0x9d: {  	[timem:s7], [sflag:s22] =	dma.local [hbm:s5], s20  }
0x9e: {  	_ =	swait.ge [sflag:s22], s20  }
0x9f: {  	s4 =	ssub.s32 $0x0, s20;
	[sflag:s22] =	ssyncset.done $0x0  }
0xa0: {  	[sflag:s22] =	ssyncadd.s32 s4;
	_ =	sdelay $0x1  }
0xa1: {  	s23 =	simm.s32 $0x1B8B  }
0xa2: {  	_ =	swait.ge [sflag:s23], $0x1  }
0xa3: {  	[sflag:s23] =	ssyncset.done $0x0  }
0xa4: {  	s25 =	simm.s32 $0x1B8E;
	s24 =	sld [smem:$0x3FFE];
	[sflag:s23] =	ssyncadd.s32 $0xFFFFFFFF  }
0xa5: {  	s26 =	simm.s32 $execute0_lowered;
	[smem:$0x3FD2] =	sst s25  }
0xa6: {  	s5 =	sshll.u32 s26, $0x1;
	_ =	strace $0x80000046;
	[dreg:$0x1] =	wrdreg $0xFFFFFFFF  }
0xa7: {  	s28 =	simm.s32 $_size_execute0_lowered;
	s3 =	sadd.s32 s3, s5;
	[dreg:$0x0] =	wrdreg $0x0  }
0xa8: {  	s5 =	sshll.u32 s28, $0x1;
	[dreg:$0x2] =	wrdreg s3  }
0xa9: {  	[dreg:$0x3] =	wrdreg s5  }
0xaa: {  	[dreg:$0x4] =	wrdreg $0xC0  }
0xab: {  	_ =	task [dreg:s7], $0x5FFFF  }
0xac: {  	[dreg:$0x1] =	wrdreg $0xFFFFFFFF  }
0xad: {  	[dreg:$0x0] =	wrdreg $0x60  }
0xae: {  	[dreg:$0x2] =	wrdreg s24  }
0xaf: {  	[dreg:$0x3] =	wrdreg s2  }
0xb0: {  	[dreg:$0x4] =	wrdreg $0xB3000  }
0xb1: {  	[dreg:$0x5] =	wrdreg $0x9  }
0xb2: {  	_ =	task.clear_ibuf [dreg:s7], $0x6FFFF;
	_ =	strace $0x90000046  }
0xb3: {  	s29 =	simm.s32 $0x9;
	_ =	strace $0x80000048  }
0xb4: {  	_ =	swait.ge [sflag:s29], $0x1  }
0xb5: {  	[sflag:s29] =	ssyncadd.s32 $0xFFFFFFFF  }
0xb6: {  	_ =	strace $0x90000048  }
0xb7: {  	_ =	sfence  }
0xb8: {  	s30 =	sld [smem:$0x0];
	_ =	sdelay $0x2  }
0xb9: {  	s31 =	sshll.u32 s1, $0xD;
	s1 =	sshrl.u32 s1, $0x2  }
0xba: {  	s3 =	sand.u32 $0x4000, s31;
	s1 =	sadd.s32 s1, s30  }
0xbb: {  	s0 =	sor.u32 s3, s0;
	s1 =	sshll.u32 s1, $0x11  }
0xbc: {  	s0 =	sor.u32 s1, s0  }
0xbd: {  	s0 =	sadd.s32 $0x8F2B, s0  }
0xbe: {  	[sflag:s0] =	ssyncadd.remote.s32 $0x1  }
0xbf: {  	_ =	sfence.sel $0xFFFF  }
0xc0: {  	[dreg:$0x0] =	wrdreg $0xFFFFFFFF;
	(pc) =	sbr.abs _section_cstart, $3  }
0xc1: {  	[dreg:$0x1] =	wrdreg $0xFFFFFFFF  }
0xc2: {  	_ =	task.clear_ibuf [dreg:s7], $0x2FFFF;
	_ =	strace $0x9FFFFFFF  }
0xc3: {  	(tm) =	ssettm $0x7FFFFFFF  }
tec
execute0_lowered:
.L_overlay_start_1:
0x0: {  	(tag) =	ssettag $0x1  }
0x1: {  	s0 =	rddreg [dreg:$0x0]  }
0x2: {  	s1 =	rddreg [dreg:$0x1]  }
0x3: {  	s11 =	rddreg [dreg:$0x2];
	s2 =	srdreg.scid  }
0x4: {  	s3 =	simm.s32 $0x0;
	s19 =	stileid.u32;
	s15 =	simm.s32 $0x1  }
0x5: {  	s16 =	simm.s32 $0x2800;
	s17 =	simm.s32 $0xA000;
	s18 =	simm.s32 $0xA400  }
0x6: {  	s21 =	simm.s32 $0x7800;
	s22 =	simm.s32 $0xA800;
	s23 =	simm.s32 $0x0  }
0x7: {  	s2 =	sand.u32 $0x1, s2;
	[smem:$0x7FF] =	sst s3;
	s4 =	sadd.s32 $0x10400, s0  }
0x8: {  	s6 =	sadd.s32 $0x400, s0;
	s7 =	sadd.s32 $0x1B000, s0;
	s31 =	sshll.u32 s19, $0x7  }
0x9: {  	p0 =	sne.s32 s19, $0x0;
	s5 =	sshll.u32 s2, $0x4;
	_ =	strace $0x80000047  }
0xa: {  	s9 =	ssub.s32 $0x2, s2;
	s2 =	sshll.u32 s2, $0x7;
	s12 =	sor.u32 s19, s5  }
0xb: {  	s5 =	sadd.s32 $0x10A00, s0;
	s10 =	sshrl.u32 s9, $0x1;
	s8 =	smul.u32 $0x500, s12  }
0xc: {  	s14 =	ssub.s32 s9, s10;
	s9 =	sadd.s32 s31, s11;
	s10 =	sadd.s32 s0, s2  }
0xd: {  	s14 =	smax.u32 s14, $0x1;
	s13 =	sadd.s32 s8, s0;
	s8 =	sshll.u32 s12, $0xB  }
0xe: {  	v0 =	vimm.f32 $0.0e+00;
	s12 =	smul.u32 $0x2800, s12;
	s11 =	sadd.s32 s6, s8;
	s13 =	sadd.s32 $0x11000, s13  }
.LBB2_1:
0xf: {  	[tilespmem:s3], [sflag:$0x1] =	stream.linear.gather [hbm4b:s4+s3], $0x2800, $0x38;
	[tilespmem:$0xB310] =	vst v63  }
0x10: {  	_ =	swait.ge [sflag:s15], $0x2800  }
0x11: {  	[sflag:s15] =	ssyncset.done $0x0  }
0x12: {  	[sflag:s15] =	ssyncadd.s32 $0xFFFFD800  }
0x13: {  	[tilespmem:s16], [sflag:$0x1] =	stream.linear.gather [hbm4b:s5+s3], $0x2800, $0x38;
	[tilespmem:$0xB310] =	vst v63  }
0x14: {  	_ =	swait.ge [sflag:s15], $0x2800  }
0x15: {  	[sflag:s15] =	ssyncset.done $0x0  }
0x16: {  	s0 =	simm.s32 $0x0;
	[sflag:s15] =	ssyncadd.s32 $0xFFFFD800  }
.LBB2_2:
0x17: {  	p1 =	sne.s32 s0, $0x9FC0  }
.Ltmp0:
0x18: {  	_ = 	snop;
	(pc) =	sbr.rel @p1 .LBB2_2-.Ltmp0, $3  }
0x19: {  	_ =	sdelay $0x1  }
0x1a: {  	s2 =	sshra.s32 s0, $0x2  }
0x1b: {  	s0 =	sadd.s32 $0x40, s0;
	[tilespmem:s2+$0x7800] =	vst v0  }
0x1c: {  	s2 =	simm.s32 $0x5020  }
0x1d: {  	v1 =	vimm.f32 $-3.399999950e+38;
	s25 =	simm.s32 $0x0;
	s26 =	simm.s32 $0x0;
	s28 =	simm.s32 $0x0  }
.LBB2_4:
0x1e: {  	s0 =	sshll.u32 s28, $0x7  }
0x1f: {  	s0 =	sadd.s32 s8, s0  }
0x20: {  	s24 =	sadd.s32 s1, s0  }
0x21: {  	[tilespmem:s17], [sflag:$0x1] =	stream.linear.gather [hbm4b:s24+s25], $0x400, $0x38;
	[tilespmem:$0xB310] =	vst v63  }
0x22: {  	_ =	swait.ge [sflag:s15], $0x400  }
0x23: {  	[sflag:s15] =	ssyncset.done $0x0  }
0x24: {  	s0 =	sadd.s32 s6, s0;
	[sflag:s15] =	ssyncadd.s32 $0xFFFFFC00  }
0x25: {  	[tilespmem:s18], [sflag:$0x1] =	stream.linear.gather [hbm4b:s0+s25], $0x400, $0x38;
	[tilespmem:$0xB310] =	vst v63  }
0x26: {  	_ =	swait.ge [sflag:s15], $0x400  }
0x27: {  	[sflag:s15] =	ssyncset.done $0x0  }
0x28: {  	s29 =	simm.s32 $0xA020;
	[sflag:s15] =	ssyncadd.s32 $0xFFFFFC00  }
0x29: {  	v2 =	vld [tilespmem:s29+$0xFFFFFFF0]  }
0x2a: {  	s30 =	simm.s32 $0xA420;
	v3 =	vld [tilespmem:s29+$0xFFFFFFE0]  }
0x2b: {  	v4 =	vld [tilespmem:s30+$0xFFFFFFF0]  }
0x2c: {  	v5 =	vld [tilespmem:s30+$0x0]  }
0x2d: {  	v6 =	vld [tilespmem:s29+$0x0]  }
0x2e: {  	v7 =	vld [tilespmem:s30+$0xFFFFFFE0]  }
0x2f: {  	v8 =	vld [tilespmem:s29+$0x10]  }
0x30: {  	v9 =	vld [tilespmem:s30+$0x10]  }
0x31: {  	v2 =	vld.idx.msk [tilespmem:v2+s3+$0x0], $0xffff  }
0x32: {  	v3 =	vld.idx.msk [tilespmem:v3+s3+$0x0], $0xffff  }
0x33: {  	v4 =	vld.idx.msk [tilespmem:v4+s16+$0x0], $0xffff  }
0x34: {  	v5 =	vld.idx.msk [tilespmem:v5+s16+$0x0], $0xffff  }
0x35: {  	v6 =	vld.idx.msk [tilespmem:v6+s3+$0x0], $0xffff  }
0x36: {  	v7 =	vld.idx.msk [tilespmem:v7+s16+$0x0], $0xffff  }
0x37: {  	v8 =	vld.idx.msk [tilespmem:v8+s3+$0x0], $0xffff  }
0x38: {  	v9 =	vld.idx.msk [tilespmem:v9+s16+$0x0], $0xffff;
	_ =	sdelay $0x1  }
0x39: {  	v2 =	vadd.f32 v4, v2  }
0x3a: {  	v3 =	vadd.f32 v7, v3  }
0x3b: {  	v56 =	vadd.f32 v5, v6;
	v57 =	vmul.f32 $9.999999770e-03, v2  }
0x3c: {  	s19 =	sadd.s32 $0x0, s26;
	v59 =	vadd.f32 v9, v8;
	v58 =	vmul.f32 $9.999999770e-03, v3;
	vm0 =	vge.f32 v2, $0.0e+00  }
0x3d: {  	s20 =	sand.u32 $0x70, s25;
	s0 =	sand.u32 $0x7F80, s19;
	v60 =	vmul.f32 $9.999999770e-03, v56;
	vm1 =	vge.f32 v3, $0.0e+00;
	v2 =	vsel vm0, v2, v57  }
0x3e: {  	s0 =	sor.u32 s20, s0;
	vm14 =	vge.f32 v56, $0.0e+00;
	v61 =	vmul.f32 $9.999999770e-03, v59;
	v3 =	vsel vm1, v3, v58;
	[tilespmem:s2+$0xFFFFFFF0] =	vst v2  }
0x3f: {  	vm15 =	vge.f32 v59, $0.0e+00;
	v4 =	vsel vm14, v56, v60;
	[tilespmem:s0+$0x5000] =	vst v3  }
0x40: {  	v5 =	vsel vm15, v59, v61;
	[tilespmem:s2+$0x0] =	vst v4  }
0x41: {  	[tilespmem:s2+$0x10] =	vst v5  }
0x42: {  	v62 =	vld [tilespmem:s29+$0x20]  }
0x43: {  	v63 =	vld [tilespmem:s30+$0x20];
	_ =	sdelay $0x6  }
0x44: {  	v6 =	vld.idx.msk [tilespmem:v62+s3+$0x0], $0xffff  }
0x45: {  	v7 =	vld.idx.msk [tilespmem:v63+s16+$0x0], $0xffff;
	_ =	sdelay $0x1  }
0x46: {  	v1 =	vmax.f32 v1, v3  }
0x47: {  	v1 =	vmax.f32 v1, v2  }
0x48: {  	v1 =	vmax.f32 v1, v4  }
0x49: {  	s31 =	smov.u32 s2;
	s24 =	smov.u32 s2;
	s0 =	simm.s32 $0x50;
	v1 =	vmax.f32 v1, v5;
	v2 =	vadd.f32 v7, v6  }
.LBB2_5:
0x4a: {  	_ = 	snop  }
0x4b: {  	s30 =	sadd.s32 $0x80, s30;
	s29 =	sadd.s32 $0x80, s29;
	s24 =	sadd.s32 $0x50, s24;
	vm0 =	vge.f32 v2, $0.0e+00;
	v3 =	vmul.f32 $9.999999770e-03, v2  }
0x4c: {  	p1 =	sne.s32 s0, $0x230;
	s19 =	smov.u32 s0;
	s0 =	sadd.s32 $0x50, s0  }
0x4d: {  	v2 =	vsel vm0, v2, v3  }
0x4e: {  	[tilespmem:s31+$0x20] =	vst v2;
	v1 =	vmax.f32 v1, v2;
	s31 =	smov.u32 s24  }
0x4f: {  	v2 =	vld [tilespmem:s29+$0xFFFFFFF0]  }
0x50: {  	v3 =	vld [tilespmem:s29+$0xFFFFFFE0]  }
0x51: {  	v4 =	vld [tilespmem:s30+$0xFFFFFFF0]  }
0x52: {  	v5 =	vld [tilespmem:s30+$0x0]  }
0x53: {  	v6 =	vld [tilespmem:s29+$0x0]  }
0x54: {  	v7 =	vld [tilespmem:s30+$0xFFFFFFE0]  }
0x55: {  	v8 =	vld [tilespmem:s29+$0x10]  }
0x56: {  	v9 =	vld [tilespmem:s30+$0x10]  }
0x57: {  	v2 =	vld.idx.msk [tilespmem:v2+s3+$0x0], $0xffff  }
0x58: {  	v3 =	vld.idx.msk [tilespmem:v3+s3+$0x0], $0xffff  }
0x59: {  	v4 =	vld.idx.msk [tilespmem:v4+s16+$0x0], $0xffff  }
0x5a: {  	v5 =	vld.idx.msk [tilespmem:v5+s16+$0x0], $0xffff  }
0x5b: {  	v6 =	vld.idx.msk [tilespmem:v6+s3+$0x0], $0xffff  }
0x5c: {  	v7 =	vld.idx.msk [tilespmem:v7+s16+$0x0], $0xffff  }
0x5d: {  	v8 =	vld.idx.msk [tilespmem:v8+s3+$0x0], $0xffff  }
0x5e: {  	v9 =	vld.idx.msk [tilespmem:v9+s16+$0x0], $0xffff;
	_ =	sdelay $0x2  }
0x5f: {  	v2 =	vadd.f32 v4, v2;
	v4 =	vadd.f32 v5, v6  }
0x60: {  	v3 =	vadd.f32 v7, v3  }
0x61: {  	v5 =	vmul.f32 $9.999999770e-03, v2;
	vm0 =	vge.f32 v4, $0.0e+00;
	v6 =	vmul.f32 $9.999999770e-03, v4  }
0x62: {  	s20 =	sadd.s32 s19, s26;
	vm1 =	vge.f32 v2, $0.0e+00;
	v7 =	vmul.f32 $9.999999770e-03, v3;
	v8 =	vadd.f32 v9, v8  }
0x63: {  	s19 =	sand.u32 $0x70, s19;
	s20 =	sand.u32 $0x7F80, s20;
	v2 =	vsel vm1, v2, v5;
	vm2 =	vge.f32 v3, $0.0e+00;
	v4 =	vsel vm0, v4, v6  }
0x64: {  	s19 =	sor.u32 s19, s20;
	v3 =	vsel vm2, v3, v7;
	v5 =	vmul.f32 $9.999999770e-03, v8;
	[tilespmem:s24+$0xFFFFFFF0] =	vst v2  }
0x65: {  	vm0 =	vge.f32 v8, $0.0e+00;
	v1 =	vmax.f32 v1, v3;
	[tilespmem:s19+$0x5000] =	vst v3  }
0x66: {  	v1 =	vmax.f32 v1, v2;
	v2 =	vsel vm0, v8, v5;
	[tilespmem:s24+$0x0] =	vst v4  }
0x67: {  	v1 =	vmax.f32 v1, v4;
	[tilespmem:s24+$0x10] =	vst v2  }
0x68: {  	v1 =	vmax.f32 v1, v2;
	v2 =	vld [tilespmem:s29+$0x20]  }
0x69: {  	v3 =	vld [tilespmem:s30+$0x20];
	_ =	sdelay $0x6  }
0x6a: {  	v2 =	vld.idx.msk [tilespmem:v2+s3+$0x0], $0xffff  }
0x6b: {  	v3 =	vld.idx.msk [tilespmem:v3+s16+$0x0], $0xffff;
	_ =	sdelay $0x1  }
.Ltmp1:
0x6c: {  	(pc) =	sbr.rel @p1 .LBB2_5-.Ltmp1, $2  }
0x6d: {  	_ =	sdelay $0x2  }
0x6e: {  	v2 =	vadd.f32 v3, v2  }
0x6f: {  	s28 =	sadd.s32 $0x1, s28  }
0x70: {  	p1 =	sne.s32 s28, $0x10  }
.Ltmp2:
0x71: {  	_ = 	snop;
	(pc) =	sbr.rel @p1 .LBB2_4-.Ltmp2, $4  }
0x72: {  	v3 =	vmul.f32 $9.999999770e-03, v2  }
0x73: {  	vm0 =	vge.f32 v2, $0.0e+00  }
0x74: {  	v2 =	vsel vm0, v2, v3  }
0x75: {  	s2 =	sadd.s32 $0x280, s2;
	s26 =	sadd.s32 $0x280, s26;
	[tilespmem:s31+$0x20] =	vst v2;
	v1 =	vmax.f32 v1, v2  }
0x76: {  	[tilespmem:$0xAA80] =	vst v1;
	s0 =	simm.s32 $0xAA80  }
0x77: {  	[spmem:s9] =	stream.linear.scatter [tilespmem:s0], [sflag:$0x1], $0x80, $0x38;
	[tilespmem:$0xB310] =	vst v63  }
0x78: {  	_ =	swait.ge [sflag:s15], $0x80  }
0x79: {  	[sflag:s15] =	ssyncset.done $0x0  }
0x7a: {  	[sflag:s15] =	ssyncadd.s32 $0xFFFFFF80  }
0x7b: {  	[bflag:$0x0] =	sbarrier.arrive $0xFFFF  }
0x7c: {  	s2 =	simm.s32 $0xAB00;
	s31 =	rddreg [dreg:$0x2]  }
0x7d: {  	[tilespmem:s2], [sflag:$0x1] =	stream.linear.gather [spmem:s31], $0x800, $0x38;
	[tilespmem:$0xB310] =	vst v63  }
0x7e: {  	_ =	swait.ge [sflag:s15], $0x800  }
0x7f: {  	[sflag:s15] =	ssyncset.done $0x0  }
0x80: {  	[sflag:s15] =	ssyncadd.s32 $0xFFFFF800  }
0x81: {  	v1 =	vld [tilespmem:$0xAA80]  }
0x82: {  	v2 =	vld [tilespmem:$0xAB00]  }
0x83: {  	v3 =	vld [tilespmem:$0xAB80]  }
0x84: {  	v4 =	vld [tilespmem:$0xAC00]  }
0x85: {  	v5 =	vld [tilespmem:$0xAC80]  }
0x86: {  	v6 =	vld [tilespmem:$0xAD00]  }
0x87: {  	v1 =	vmax.f32 v1, v2;
	v2 =	vld [tilespmem:$0xAD80]  }
0x88: {  	[tilespmem:$0xAA80] =	vst v1;
	v1 =	vmax.f32 v1, v3;
	v3 =	vld [tilespmem:$0xAE00]  }
0x89: {  	v58 =	vld [tilespmem:$0xAE80];
	[tilespmem:$0xAA80] =	vst v1;
	v1 =	vmax.f32 v1, v4  }
0x8a: {  	v59 =	vld [tilespmem:$0xAF00];
	[tilespmem:$0xAA80] =	vst v1;
	v1 =	vmax.f32 v1, v5  }
0x8b: {  	v60 =	vld [tilespmem:$0xAF80];
	[tilespmem:$0xAA80] =	vst v1;
	v1 =	vmax.f32 v1, v6  }
0x8c: {  	[tilespmem:$0xAA80] =	vst v1;
	v1 =	vmax.f32 v1, v2;
	v2 =	vld [tilespmem:$0xB000]  }
0x8d: {  	[tilespmem:$0xAA80] =	vst v1;
	v1 =	vmax.f32 v1, v3;
	v3 =	vld [tilespmem:$0xB080]  }
0x8e: {  	v61 =	vld [tilespmem:$0xB100];
	[tilespmem:$0xAA80] =	vst v1;
	v1 =	vmax.f32 v1, v58  }
0x8f: {  	v62 =	vld [tilespmem:$0xB180];
	[tilespmem:$0xAA80] =	vst v1;
	v1 =	vmax.f32 v1, v59  }
0x90: {  	v63 =	vld [tilespmem:$0xB200];
	[tilespmem:$0xAA80] =	vst v1;
	v1 =	vmax.f32 v1, v60  }
0x91: {  	[tilespmem:$0xAA80] =	vst v1;
	v1 =	vmax.f32 v1, v2;
	v2 =	vld [tilespmem:$0xB280]  }
0x92: {  	[tilespmem:$0xAA80] =	vst v1;
	v1 =	vmax.f32 v1, v3  }
0x93: {  	[tilespmem:$0xAA80] =	vst v1;
	v1 =	vmax.f32 v1, v61  }
0x94: {  	[tilespmem:$0xAA80] =	vst v1;
	v1 =	vmax.f32 v1, v62  }
0x95: {  	[tilespmem:$0xAA80] =	vst v1;
	v1 =	vmax.f32 v1, v63  }
0x96: {  	[tilespmem:$0xAA80] =	vst v1;
	v1 =	vmax.f32 v1, v2  }
0x97: {  	s0 =	simm.s32 @!p0 $0x0;
	s2 =	simm.s32 @!p0 $0xAA80;
	[tilespmem:$0xAA80] =	vst v1  }
0x98: {  	[hbm4b:s10+s0] =	stream.linear.scatter @!p0 [tilespmem:s2], [sflag:$0x1], $0x80, $0x38;
	[tilespmem:$0xB310] =	vst v63  }
0x99: {  	s0 =	simm.s32 @!p0 $0x1  }
0x9a: {  	_ =	swait.ge @!p0 [sflag:s0], $0x80  }
0x9b: {  	[sflag:s0] =	ssyncset.done @!p0 $0x0  }
0x9c: {  	[sflag:s0] =	ssyncadd.s32 @!p0 $0xFFFFFF80  }
0x9d: {  	v1 =	vld [tilespmem:$0xAA80];
	_ =	sdelay $0x4  }
0x9e: {  	(xrf0) =	vmax.scan.msk.f32 $0xffff, v1;
	_ =	sdelay $0x5  }
0x9f: {  	s24 =	simm.s32 $0x0;
	v1, _, _ =	vpop (xrf0)  }
0xa0: {  	s25 =	simm.s32 $0x5040;
	s26 =	simm.s32 $0x0;
	s28 =	simm.s32 $0x0;
	v1 =	vbroadcast v1, $0xF  }
.LBB2_8:
0xa1: {  	s0 =	sshll.u32 s28, $0x7  }
0xa2: {  	s0 =	sadd.s32 s0, s11  }
0xa3: {  	[tilespmem:s18], [sflag:$0x1] =	stream.linear.gather [hbm4b:s0+s24], $0x400, $0x38;
	[tilespmem:$0xB310] =	vst v63  }
0xa4: {  	_ =	swait.ge [sflag:s15], $0x400  }
0xa5: {  	[sflag:s15] =	ssyncset.done $0x0  }
0xa6: {  	[sflag:s15] =	ssyncadd.s32 $0xFFFFFC00  }
0xa7: {  	s20 =	sadd.s32 $0x0, s26;
	v2 =	vld [tilespmem:s25+$0xFFFFFFF0]  }
0xa8: {  	s2 =	sand.u32 $0x70, s24;
	s0 =	sand.u32 $0x7F80, s20;
	v3 =	vld [tilespmem:s25+$0xFFFFFFE0]  }
0xa9: {  	s0 =	sor.u32 s2, s0;
	v4 =	vld [tilespmem:s25+$0xFFFFFFD0]  }
0xaa: {  	v5 =	vld [tilespmem:s0+$0x5000];
	_ =	sdelay $0x1  }
0xab: {  	v2 =	vsub.f32 v2, v1  }
0xac: {  	v3 =	vsub.f32 v3, v1  }
0xad: {  	v4 =	vsub.f32 v4, v1;
	v2 =	vmul.f32 $1.442695020e+00, v2  }
0xae: {  	v5 =	vsub.f32 v5, v1;
	v3 =	vmul.f32 $1.442695020e+00, v3  }
0xaf: {  	v4 =	vmul.f32 $1.442695020e+00, v4;
	(erf) = vpow2.f32 v2  }
0xb0: {  	v2 =	vmul.f32 $1.442695020e+00, v5;
	(erf) = vpow2.f32 v3  }
0xb1: {  	(erf) = vpow2.f32 v4  }
0xb2: {  	(erf) = vpow2.f32 v2;
	_ =	sdelay $0x5  }
0xb3: {  	s29 =	simm.s32 $0xA820;
	v2 =	vpop (erf)  }
0xb4: {  	s30 =	simm.s32 $0xA420;
	[tilespmem:s29+$0x10] =	vst v2;
	v3 =	vpop (erf)  }
0xb5: {  	[tilespmem:s29+$0x0] =	vst v3;
	v4 =	vld [tilespmem:s30+$0x10];
	v5 =	vpop (erf)  }
0xb6: {  	[tilespmem:s29+$0xFFFFFFF0] =	vst v5;
	v6 =	vld [tilespmem:s30+$0x0];
	v7 =	vpop (erf)  }
0xb7: {  	[tilespmem:s29+$0xFFFFFFE0] =	vst v7;
	v8 =	vld [tilespmem:s30+$0xFFFFFFF0]  }
0xb8: {  	v9 =	vld [tilespmem:s30+$0xFFFFFFE0];
	_ =	sdelay $0x4  }
0xb9: {  	[tilespmem:v4+s21+$0x0] =	vst.idx.add.f32.msk $0xffff, v2  }
0xba: {  	[tilespmem:v6+s21+$0x0] =	vst.idx.add.f32.msk $0xffff, v3  }
0xbb: {  	[tilespmem:v8+s21+$0x0] =	vst.idx.add.f32.msk $0xffff, v5  }
0xbc: {  	[tilespmem:v9+s21+$0x0] =	vst.idx.add.f32.msk $0xffff, v7  }
0xbd: {  	v2 =	vld [tilespmem:s25+$0x0];
	_ =	sdelay $0x4  }
0xbe: {  	v2 =	vsub.f32 v2, v1;
	_ =	sdelay $0x1  }
0xbf: {  	v2 =	vmul.f32 $1.442695020e+00, v2;
	_ =	sdelay $0x1  }
0xc0: {  	(erf) = vpow2.f32 v2;
	_ =	sdelay $0x8  }
0xc1: {  	v2 =	vpop (erf)  }
0xc2: {  	[tilespmem:s29+$0x20] =	vst v2  }
0xc3: {  	s31 =	smov.u32 s25;
	s2 =	simm.s32 $0x50;
	s0 =	smul.u32 $0x280, s28;
	v3 =	vld [tilespmem:s30+$0x20]  }
.LBB2_9:
0xc4: {  	_ =	sdelay $0x5  }
0xc5: {  	s31 =	sadd.s32 $0x50, s31  }
0xc6: {  	s29 =	sadd.s32 $0x50, s29;
	s30 =	sadd.s32 $0x80, s30;
	s19 =	smov.u32 s2;
	[tilespmem:v3+s21+$0x0] =	vst.idx.add.f32.msk $0xffff, v2  }
0xc7: {  	p1 =	sne.s32 s2, $0x230;
	s2 =	sadd.s32 $0x50, s2;
	s20 =	sadd.s32 s19, s26;
	v2 =	vld [tilespmem:s31+$0xFFFFFFF0]  }
0xc8: {  	s19 =	sand.u32 $0x70, s19;
	s20 =	sand.u32 $0x7F80, s20;
	v3 =	vld [tilespmem:s31+$0xFFFFFFE0]  }
0xc9: {  	s19 =	sor.u32 s19, s20;
	v4 =	vld [tilespmem:s31+$0xFFFFFFD0]  }
0xca: {  	v5 =	vld [tilespmem:s19+$0x5000];
	_ =	sdelay $0x1  }
0xcb: {  	v2 =	vsub.f32 v2, v1  }
0xcc: {  	v3 =	vsub.f32 v3, v1  }
0xcd: {  	v4 =	vsub.f32 v4, v1;
	v2 =	vmul.f32 $1.442695020e+00, v2  }
0xce: {  	v5 =	vsub.f32 v5, v1;
	v3 =	vmul.f32 $1.442695020e+00, v3  }
0xcf: {  	v4 =	vmul.f32 $1.442695020e+00, v4;
	(erf) = vpow2.f32 v2  }
0xd0: {  	v2 =	vmul.f32 $1.442695020e+00, v5;
	(erf) = vpow2.f32 v3  }
0xd1: {  	(erf) = vpow2.f32 v4  }
0xd2: {  	(erf) = vpow2.f32 v2;
	_ =	sdelay $0x5  }
0xd3: {  	v2 =	vpop (erf)  }
0xd4: {  	[tilespmem:s29+$0x10] =	vst v2;
	v3 =	vpop (erf)  }
0xd5: {  	[tilespmem:s29+$0x0] =	vst v3;
	v4 =	vld [tilespmem:s30+$0x10];
	v5 =	vpop (erf)  }
0xd6: {  	[tilespmem:s29+$0xFFFFFFF0] =	vst v5;
	v6 =	vld [tilespmem:s30+$0x0];
	v7 =	vpop (erf)  }
0xd7: {  	[tilespmem:s29+$0xFFFFFFE0] =	vst v7;
	v8 =	vld [tilespmem:s30+$0xFFFFFFF0]  }
0xd8: {  	v9 =	vld [tilespmem:s30+$0xFFFFFFE0];
	_ =	sdelay $0x4  }
0xd9: {  	[tilespmem:v4+s21+$0x0] =	vst.idx.add.f32.msk $0xffff, v2  }
0xda: {  	[tilespmem:v6+s21+$0x0] =	vst.idx.add.f32.msk $0xffff, v3  }
0xdb: {  	[tilespmem:v8+s21+$0x0] =	vst.idx.add.f32.msk $0xffff, v5  }
0xdc: {  	[tilespmem:v9+s21+$0x0] =	vst.idx.add.f32.msk $0xffff, v7  }
0xdd: {  	v2 =	vld [tilespmem:s31+$0x0];
	_ =	sdelay $0x4  }
0xde: {  	v2 =	vsub.f32 v2, v1;
	_ =	sdelay $0x1  }
0xdf: {  	v2 =	vmul.f32 $1.442695020e+00, v2;
	_ =	sdelay $0x1  }
0xe0: {  	(erf) = vpow2.f32 v2;
	_ =	sdelay $0x6  }
.Ltmp3:
0xe1: {  	(pc) =	sbr.rel @p1 .LBB2_9-.Ltmp3, $4  }
0xe2: {  	_ = 	snop  }
0xe3: {  	v2 =	vpop (erf)  }
0xe4: {  	[tilespmem:s29+$0x20] =	vst v2  }
0xe5: {  	v3 =	vld [tilespmem:s30+$0x20]  }
0xe6: {  	_ =	sdelay $0x5  }
0xe7: {  	s0 =	sadd.s32 s12, s0;
	s28 =	sadd.s32 $0x1, s28  }
0xe8: {  	s0 =	sshrl.u32 s0, $0x3;
	p1 =	sne.s32 s28, $0x10  }
.Ltmp4:
0xe9: {  	s0 =	sadd.s32 s7, s0;
	[tilespmem:v3+s21+$0x0] =	vst.idx.add.f32.msk $0xffff, v2;
	(pc) =	sbr.rel @p1 .LBB2_8-.Ltmp4, $4  }
0xea: {  	[hbm4b:s0+s3] =	stream.linear.scatter [tilespmem:s22], [sflag:$0x1], $0x280, $0x38;
	[tilespmem:$0xB310] =	vst v63  }
0xeb: {  	_ =	swait.ge [sflag:s15], $0x280  }
0xec: {  	[sflag:s15] =	ssyncset.done $0x0  }
0xed: {  	s26 =	sadd.s32 $0x280, s26;
	s25 =	sadd.s32 $0x280, s25;
	[sflag:s15] =	ssyncadd.s32 $0xFFFFFD80  }
0xee: {  	s23 =	sadd.s32 $0x1, s23  }
0xef: {  	p1 =	sne.s32 s23, s14  }
.Ltmp5:
0xf0: {  	_ = 	snop;
	(pc) =	sbr.rel @p1 .LBB2_1-.Ltmp5, $4  }
0xf1: {  	[hbm4b:s13+s3] =	stream.linear.scatter [tilespmem:s21], [sflag:$0x1], $0x2800, $0x38;
	[tilespmem:$0xB310] =	vst v63  }
0xf2: {  	_ =	swait.ge [sflag:s15], $0x2800  }
0xf3: {  	[sflag:s15] =	ssyncset.done $0x0  }
0xf4: {  	[sflag:s15] =	ssyncadd.s32 $0xFFFFD800  }
0xf5: {  	_ =	sfence.sel $0x180000  }
0xf6: {  	[bflag:$0x0] =	sbarrier.arrive $0xFFFF  }
0xf7: {  	_ =	strace $0x90000047  }
0xf8: {  	[bflag:$0x2] =	sbarrier.arrive $0xFFFF  }
0xf9: {  	s0 =	rddreg [dreg:$0x3]  }
0xfa: {  	s0 =	sadd.s32 @!p0 $0x100000, s0  }
0xfb: {  	[sflag:s0] =	ssyncadd.tile.s32 @!p0 $0x1;
	_ =	shalt  }
.Lfunc_end2:
_tile_overlayer_lowered:
.L_overlay_start_2:
0xfc: {  	(tag) =	ssettag $0x2  }
0xfd: {  	s0 =	rddreg [dreg:$0x0];
	s2 =	stileid.u32  }
0xfe: {  	s1 =	rddreg [dreg:$0x1];
	p0 =	sne.s32 s2, $0x0  }
0xff: {  	s3 =	rddreg [dreg:$0x2];
	[bflag:$0x3] =	sbarrier.arrive $0xFFFF;
	s2 =	simm.s32 @!p0 $0x1C01  }
0x100: {  	[timem:s3], [sflag:s2] =	dma.local @!p0 [hbm:s0], s1  }
0x101: {  	s0 =	simm.s32 @!p0 $0x1  }
0x102: {  	_ =	swait.ge @!p0 [sflag:s0], s1  }
0x103: {  	s1 =	ssub.s32 @!p0 $0x0, s1;
	[sflag:s0] =	ssyncset.done @!p0 $0x0  }
0x104: {  	[sflag:s0] =	ssyncadd.s32 @!p0 s1  }
0x105: {  	[bflag:$0x3] =	sbarrier.arrive $0xFFFF  }
0x106: {  	_ =	shalt  }

// kernel: kernel.9.cloned.1.call-start
scs
__scs_entry_jumppad:
0x0: {  	(pc) =	sbr.rel $0x88, $3  }
0x1: {  	(tag) =	ssettag $0x0;
	lr =	simm.s32 $0x1  }
0x2: {  	[smem:$0x3F9D] =	sst lr;
	_ =	strace $0xD0000000  }
0x3: {  	_ = 	snop  }
0x4: {  	_ = 	snop  }
0x5: {  	_ = 	snop  }
0x6: {  	_ = 	snop  }
0x7: {  	_ = 	snop  }
__scs_overlays_trampoline_lowered:
0x8: {  	[smem:$0x3FAC] =	sst s0  }
0x9: {  	[smem:$0x3FAD] =	sst s1  }
0xa: {  	[smem:$0x3FAE] =	sst s2  }
0xb: {  	[smem:$0x3FAF] =	sst s3  }
0xc: {  	[smem:$0x3FB0] =	sst s4  }
0xd: {  	[smem:$0x3FB1] =	sst s5  }
0xe: {  	[smem:$0x3FB2] =	sst s6  }
0xf: {  	[smem:$0x3FB3] =	sst s7  }
0x10: {  	[smem:$0x3FB4] =	sst s8  }
0x11: {  	[smem:$0x3FB5] =	sst s9;
	s0 =	simm.s32 @!p0 $0x0  }
0x12: {  	s1 =	sld [smem:$0x3F9B];
	s0 =	simm.s32 @p0 $0x1  }
0x13: {  	[smem:$0x3FB6] =	sst s0;
	s0 =	simm.s32 @!p1 $0x0  }
0x14: {  	s2 =	sld [smem:$0x3F9A];
	s0 =	simm.s32 @p1 $0x1  }
0x15: {  	[smem:$0x3FB7] =	sst s0;
	s0 =	simm.s32 @!p2 $0x0  }
0x16: {  	s3 =	sld [smem:$0x3FDB];
	s0 =	simm.s32 @p2 $0x1  }
0x17: {  	s4 =	simm.s32 $0x1BF5;
	[smem:$0x3FB9] =	sst s0  }
0x18: {  	s0 =	sld [smem:$0x3F9C];
	_ =	swait.ge [sflag:s4], $0x0  }
0x19: {  	s7 =	sld [smem:$0x3F9D]  }
0x1a: {  	s8 =	sadd.s32 $0xFFFFE003, lr  }
0x1b: {  	s9 =	sadd.s32 $0xFFFFFEF7, lr;
	s5 =	simm.s32 $0xFFFFFFFF;
	p2 =	slt.u32 s8, $0xFFFFF086  }
0x1c: {  	p1 =	slt.u32 s9, $0xF7A;
	s5 =	simm.s32 @!p2 $0x0  }
0x1d: {  	s5 =	simm.s32 @p1 $0x1;
	p0 =	seq.s32 s7, s2  }
0x1e: {  	s7 =	smul.u32 @!p0 $0xF7A, s2;
	p2 =	seq.s32 @!p0 s5, $0x0  }
0x1f: {  	s9 =	smul.u32 $0xF7A, s1;
	s8 =	simm.s32 @!p0 $0x1BF5;
	p2 =	por !p2, p0  }
0x20: {  	[sflag:s8] =	ssyncset.s32 @!p0 $0xFFFFF086;
	s6 =	sadd.s32 @!p0 s3, s7;
	s7 =	simm.s32 @!p0 $0x108  }
0x21: {  	s3 =	sadd.s32 s3, s9;
	s6 =	sadd.s32 @!p0 $0x88, s6;
	s7 =	simm.s32 @p2 $0x1082  }
0x22: {  	[simem:s7], [sflag:s8] =	dma.local @!p0 [hbm:s6], $0xF7A  }
0x23: {  	s9 =	sor.u32 $0xD0000000, s2;
	s6 =	simm.s32 $0x108;
	_ =	swait.ge @!p0 [sflag:s8], $0x0  }
0x24: {  	s3 =	sadd.s32 $0x88, s3;
	s6 =	simm.s32 @!p1 $0x1082;
	[sflag:s4] =	ssyncset.s32 $0xFFFFF086  }
0x25: {  	[simem:s6], [sflag:s4] =	dma.local [hbm:s3], $0xF7A  }
0x26: {  	[smem:$0x3F9D] =	sst s1;
	(tag) =	ssettag s2;
	_ =	strace s9  }
0x27: {  	s1 =	sld [smem:$0x3FAD]  }
0x28: {  	s2 =	sld [smem:$0x3FAE]  }
0x29: {  	s4 =	sld [smem:$0x3FB0]  }
0x2a: {  	p0 =	seq.s32 s5, $0x0;
	s5 =	sld [smem:$0x3FB1]  }
0x2b: {  	s6 =	sld [smem:$0x3FB2]  }
0x2c: {  	s7 =	sld [smem:$0x3FB3]  }
0x2d: {  	s3 =	simm.s32 $0x108;
	s8 =	sld [smem:$0x3FB4]  }
0x2e: {  	s3 =	simm.s32 @!p0 $0x1082;
	s9 =	sld [smem:$0x3FB5]  }
0x2f: {  	lr =	sadd.s32 s0, s3;
	s0 =	sld [smem:$0x3FAC]  }
0x30: {  	s3 =	sld [smem:$0x3FAF]  }
0x31: {  	[smem:$0x3FB8] =	sst s10  }
0x32: {  	s10 =	sld [smem:$0x3FB6];
	_ =	sdelay $0x3  }
0x33: {  	p0 =	seq.s32 s10, $0x1;
	s10 =	sld [smem:$0x3FB8];
	_ =	sdelay $0x3  }
0x34: {  	[smem:$0x3FB8] =	sst s10  }
0x35: {  	s10 =	sld [smem:$0x3FB7];
	_ =	sdelay $0x3  }
0x36: {  	p1 =	seq.s32 s10, $0x1;
	s10 =	sld [smem:$0x3FB8];
	_ =	sdelay $0x3  }
0x37: {  	[smem:$0x3FB8] =	sst s10  }
0x38: {  	s10 =	sld [smem:$0x3FB9]  }
0x39: {  	_ = 	snop;
	(pc) =	sbr.ind lr, $3  }
0x3a: {  	_ = 	snop  }
0x3b: {  	_ = 	snop  }
0x3c: {  	p2 =	seq.s32 s10, $0x1;
	s10 =	sld [smem:$0x3FB8]  }
0x3d: {  	_ =	shalt  }
0x3e: {  	_ =	shalt  }
0x3f: {  	_ =	shalt  }
0x40: {  	_ =	shalt  }
0x41: {  	_ =	shalt  }
0x42: {  	_ =	shalt  }
0x43: {  	_ =	shalt  }
0x44: {  	_ =	shalt  }
0x45: {  	_ =	shalt  }
0x46: {  	_ =	shalt  }
0x47: {  	_ =	shalt  }
0x48: {  	_ =	shalt  }
0x49: {  	_ =	shalt  }
0x4a: {  	_ =	shalt  }
0x4b: {  	_ =	shalt  }
0x4c: {  	_ =	shalt  }
0x4d: {  	_ =	shalt  }
0x4e: {  	_ =	shalt  }
0x4f: {  	_ =	shalt  }
0x50: {  	_ =	shalt  }
0x51: {  	_ =	shalt  }
0x52: {  	_ =	shalt  }
0x53: {  	_ =	shalt  }
0x54: {  	_ =	shalt  }
0x55: {  	_ =	shalt  }
0x56: {  	_ =	shalt  }
0x57: {  	_ =	shalt  }
0x58: {  	_ =	shalt  }
0x59: {  	_ =	shalt  }
0x5a: {  	_ =	shalt  }
0x5b: {  	_ =	shalt  }
0x5c: {  	_ =	shalt  }
0x5d: {  	_ =	shalt  }
0x5e: {  	_ =	shalt  }
0x5f: {  	_ =	shalt  }
0x60: {  	_ =	shalt  }
0x61: {  	_ =	shalt  }
0x62: {  	_ =	shalt  }
0x63: {  	_ =	shalt  }
0x64: {  	_ =	shalt  }
0x65: {  	_ =	shalt  }
0x66: {  	_ =	shalt  }
0x67: {  	_ =	shalt  }
0x68: {  	_ =	shalt  }
0x69: {  	_ =	shalt  }
0x6a: {  	_ =	shalt  }
0x6b: {  	_ =	shalt  }
0x6c: {  	_ =	shalt  }
0x6d: {  	_ =	shalt  }
0x6e: {  	_ =	shalt  }
0x6f: {  	_ =	shalt  }
0x70: {  	_ =	shalt  }
0x71: {  	_ =	shalt  }
0x72: {  	_ =	shalt  }
0x73: {  	_ =	shalt  }
0x74: {  	_ =	shalt  }
0x75: {  	_ =	shalt  }
0x76: {  	_ =	shalt  }
0x77: {  	_ =	shalt  }
0x78: {  	_ =	shalt  }
0x79: {  	_ =	shalt  }
0x7a: {  	_ =	shalt  }
0x7b: {  	_ =	shalt  }
0x7c: {  	_ =	shalt  }
0x7d: {  	_ =	shalt  }
0x7e: {  	_ =	shalt  }
0x7f: {  	_ =	shalt  }
0x80: {  	_ =	shalt  }
0x81: {  	_ =	shalt  }
0x82: {  	_ =	shalt  }
0x83: {  	_ =	shalt  }
0x84: {  	_ =	shalt  }
0x85: {  	_ =	shalt  }
0x86: {  	_ =	shalt  }
0x87: {  	_ =	shalt  }
.Lfunc_end0:
.L_simem_size_0:
called_computation.1_lowered:
.L_overlay_start_0:
0x88: {  	s2 =	sld [smem:$0x3FD9]  }
0x89: {  	s3 =	sld [smem:$0x3FFE];
	_ =	sdelay $0x1  }
0x8a: {  	s1 =	srdreg.scid  }
0x8b: {  	s0 =	sand.u32 $0x1, s1  }
0x8c: {  	s17 =	sshll.u32 s0, $0xA;
	s2 =	sadd.s32 s3, s2  }
0x8d: {  	s2 =	sadd.s32 s2, s17  }
0x8e: {  	[smem:$0x3FC4] =	sst s2  }
0x8f: {  	_ = 	snop  }
0x90: {  	s2 =	sld [smem:$0x3FD0];
	(tm) =	ssettm $0x1  }
0x91: {  	s18 =	sld [smem:$0x3FFB];
	_ =	sdelay $0x3  }
0x92: {  	_ =	strace s18  }
0x93: {  	s3 =	sld [smem:$0x3FFC];
	_ =	sdelay $0x3  }
0x94: {  	_ =	strace s3  }
0x95: {  	s3 =	sld [smem:$0x3FFD];
	_ =	sdelay $0x3  }
0x96: {  	_ =	strace s3  }
0x97: {  	_ =	strace $0x8FFFFFFF  }
0x98: {  	s19 =	sld [smem:$0x3FDB];
	_ =	sdelay $0x1  }
0x99: {  	s4 =	simm.s32 $_scs_section_size  }
0x9a: {  	s5 =	simm.s32 $_size__tile_overlayer_lowered;
	s6 =	simm.s32 $_tile_overlayer_lowered  }
0x9b: {  	s22 =	simm.s32 $0x1BFF;
	s21 =	sshll.u32 s6, $0x1;
	s3 =	sadd.s32 s4, s19  }
0x9c: {  	s7 =	simm.s32 $0x0;
	s20 =	sshll.u32 s5, $0x1;
	s5 =	sadd.s32 s21, s3  }
0x9d: {  	[timem:s7], [sflag:s22] =	dma.local [hbm:s5], s20  }
0x9e: {  	_ =	swait.ge [sflag:s22], s20  }
0x9f: {  	s4 =	ssub.s32 $0x0, s20;
	[sflag:s22] =	ssyncset.done $0x0  }
0xa0: {  	[sflag:s22] =	ssyncadd.s32 s4;
	_ =	sdelay $0x1  }
0xa1: {  	s23 =	simm.s32 $0x1B8B  }
0xa2: {  	_ =	swait.ge [sflag:s23], $0x1  }
0xa3: {  	[sflag:s23] =	ssyncset.done $0x0  }
0xa4: {  	s25 =	simm.s32 $0x1B8E;
	s24 =	sld [smem:$0x3FFE];
	[sflag:s23] =	ssyncadd.s32 $0xFFFFFFFF  }
0xa5: {  	s26 =	simm.s32 $execute0_lowered;
	[smem:$0x3FD2] =	sst s25  }
0xa6: {  	s5 =	sshll.u32 s26, $0x1;
	_ =	strace $0x80000049;
	[dreg:$0x1] =	wrdreg $0xFFFFFFFF  }
0xa7: {  	s28 =	simm.s32 $_size_execute0_lowered;
	s3 =	sadd.s32 s3, s5;
	[dreg:$0x0] =	wrdreg $0x0  }
0xa8: {  	s5 =	sshll.u32 s28, $0x1;
	[dreg:$0x2] =	wrdreg s3  }
0xa9: {  	[dreg:$0x3] =	wrdreg s5  }
0xaa: {  	[dreg:$0x4] =	wrdreg $0xC0  }
0xab: {  	_ =	task [dreg:s7], $0x5FFFF  }
0xac: {  	[dreg:$0x1] =	wrdreg $0xFFFFFFFF  }
0xad: {  	[dreg:$0x0] =	wrdreg $0x60  }
0xae: {  	[dreg:$0x2] =	wrdreg s24  }
0xaf: {  	[dreg:$0x3] =	wrdreg s2  }
0xb0: {  	[dreg:$0x4] =	wrdreg $0xAA800  }
0xb1: {  	[dreg:$0x5] =	wrdreg $0x9  }
0xb2: {  	_ =	task.clear_ibuf [dreg:s7], $0x6FFFF;
	_ =	strace $0x90000049  }
0xb3: {  	s29 =	simm.s32 $0x9;
	_ =	strace $0x8000004B  }
0xb4: {  	_ =	swait.ge [sflag:s29], $0x1  }
0xb5: {  	[sflag:s29] =	ssyncadd.s32 $0xFFFFFFFF  }
0xb6: {  	_ =	strace $0x9000004B  }
0xb7: {  	_ =	sfence  }
0xb8: {  	s30 =	sld [smem:$0x0];
	_ =	sdelay $0x2  }
0xb9: {  	s31 =	sshll.u32 s1, $0xD;
	s1 =	sshrl.u32 s1, $0x2  }
0xba: {  	s3 =	sand.u32 $0x4000, s31;
	s1 =	sadd.s32 s1, s30  }
0xbb: {  	s0 =	sor.u32 s3, s0;
	s1 =	sshll.u32 s1, $0x11  }
0xbc: {  	s0 =	sor.u32 s1, s0  }
0xbd: {  	s0 =	sadd.s32 $0x8F2B, s0  }
0xbe: {  	[sflag:s0] =	ssyncadd.remote.s32 $0x1  }
0xbf: {  	_ =	sfence.sel $0xFFFF  }
0xc0: {  	[dreg:$0x0] =	wrdreg $0xFFFFFFFF;
	(pc) =	sbr.abs _section_cstart, $3  }
0xc1: {  	[dreg:$0x1] =	wrdreg $0xFFFFFFFF  }
0xc2: {  	_ =	task.clear_ibuf [dreg:s7], $0x2FFFF;
	_ =	strace $0x9FFFFFFF  }
0xc3: {  	(tm) =	ssettm $0x7FFFFFFF  }
tec
execute0_lowered:
.L_overlay_start_1:
0x0: {  	(tag) =	ssettag $0x1  }
0x1: {  	s0 =	rddreg [dreg:$0x0]  }
0x2: {  	s2 =	rddreg [dreg:$0x2];
	s1 =	srdreg.scid;
	s12 =	simm.s32 $0x0  }
0x3: {  	s9 =	stileid.u32;
	s15 =	simm.s32 $0x9;
	s16 =	simm.s32 $0x400  }
0x4: {  	s17 =	simm.s32 $0x800;
	s18 =	simm.s32 $0x50;
	s19 =	simm.s32 $0xA80  }
0x5: {  	s21 =	simm.s32 $0x3280;
	s28 =	simm.s32 $0x2;
	s30 =	simm.s32 $0x5  }
0x6: {  	s13 =	simm.s32 $0x4;
	s14 =	simm.s32 $0x7;
	s20 =	simm.s32 $0x8  }
0x7: {  	s29 =	simm.s32 $0x700;
	s31 =	simm.s32 $0x780;
	s1 =	sand.u32 $0x1, s1  }
0x8: {  	[smem:$0x7FF] =	sst s12;
	s4 =	smul.u32 $0x14000, s9;
	s5 =	sadd.s32 $0x25000, s0  }
0x9: {  	s6 =	sadd.s32 $0x400, s0;
	s7 =	sadd.s32 $0x1B000, s0;
	s8 =	smul.u32 $0x50000, s9  }
0xa: {  	s10 =	sadd.s32 $0x4D000, s0;
	s25 =	sshll.u32 s9, $0x6;
	s3 =	smul.u32 $0x140000, s1  }
0xb: {  	_ =	strace $0x8000004A;
	s22 =	ssub.s32 $0x2, s1;
	[dreg:$0x5] =	wrdreg s10  }
0xc: {  	s1 =	sshll.u32 s1, $0x4;
	s23 =	sshrl.u32 s22, $0x1;
	s24 =	sshrl.u32 s8, $0x2  }
0xd: {  	s1 =	sor.u32 s9, s1;
	s9 =	sor.u32 $0x1C09, s25;
	s3 =	sadd.s32 s4, s3  }
0xe: {  	s8 =	simm.s32 $0x6;
	s4 =	sadd.s32 s24, s2;
	s3 =	sshrl.u32 s3, $0x3  }
0xf: {  	s10 =	sshll.u32 s1, $0xB;
	s11 =	smul.u32 $0x2800, s1;
	s0 =	sadd.s32 s3, s0  }
0x10: {  	[dreg:$0x6] =	wrdreg s9;
	s3 =	ssub.s32 s22, s23;
	s0 =	sadd.s32 $0x4F800, s0  }
0x11: {  	s24 =	simm.s32 $0x1;
	s26 =	smax.u32 s3, $0x1;
	[dreg:$0x7] =	wrdreg s0  }
0x12: {  	s23 =	simm.s32 $0x5A80;
	s3 =	sshrl.u32 s4, $0x3;
	[dreg:$0x8] =	wrdreg s26  }
0x13: {  	s26 =	simm.s32 $0x8280;
	s0 =	simm.s32 $0x3;
	[dreg:$0x9] =	wrdreg s3  }
.LBB2_1:
0x14: {  	[dreg:$0x4] =	wrdreg s12  }
0x15: {  	s1 =	rddreg [dreg:$0x5]  }
0x16: {  	[spmem:s3], [sflag:s9] =	dma.local [hbm:s1], $0x2800  }
0x17: {  	_ =	swait.ge [sflag:s15], $0x2800  }
0x18: {  	[sflag:s15] =	ssyncset.done $0x0  }
0x19: {  	[sflag:s15] =	ssyncadd.s32 $0xFFFFD800  }
0x1a: {  	s3 =	simm.s32 $0x0;
	[bflag:$0x0] =	sbarrier.arrive $0xFFFF  }
.LBB2_2:
0x1b: {  	s1 =	sshll.u32 s3, $0x7  }
0x1c: {  	s4 =	rddreg [dreg:$0x1];
	s1 =	sadd.s32 s10, s1  }
0x1d: {  	s9 =	simm.s32 $0x0;
	s4 =	sadd.s32 s4, s1  }
0x1e: {  	[tilespmem:s9], [sflag:$0x9] =	stream.linear.gather [hbm4b:s4+s9], $0x400, $0x38;
	[tilespmem:$0x1EA80] =	vst v63  }
0x1f: {  	_ =	swait.ge [sflag:s15], $0x400  }
0x20: {  	[sflag:s15] =	ssyncset.done $0x0  }
0x21: {  	s25 =	smul.u32 $0x280, s3;
	s1 =	sadd.s32 s6, s1;
	[sflag:s15] =	ssyncadd.s32 $0xFFFFFC00  }
0x22: {  	[tilespmem:s16], [sflag:$0x9] =	stream.linear.gather [hbm4b:s1+s9], $0x400, $0x38;
	[tilespmem:$0x1EA80] =	vst v63  }
0x23: {  	s4 =	sadd.s32 s11, s25;
	_ =	swait.ge [sflag:s15], $0x400  }
0x24: {  	s1 =	sshrl.u32 s4, $0x3;
	[sflag:s15] =	ssyncset.done $0x0  }
0x25: {  	s1 =	sadd.s32 s7, s1;
	[sflag:s15] =	ssyncadd.s32 $0xFFFFFC00  }
0x26: {  	[tilespmem:s17], [sflag:$0x9] =	stream.linear.gather [hbm4b:s1+s9], $0x280, $0x38;
	[tilespmem:$0x1EA80] =	vst v63  }
0x27: {  	_ =	swait.ge [sflag:s15], $0x280  }
0x28: {  	[sflag:s15] =	ssyncset.done $0x0  }
0x29: {  	[sflag:s15] =	ssyncadd.s32 $0xFFFFFD80  }
0x2a: {  	v0 =	vmov s9;
	[tilespmem:s19], [sflag:$0x1] =	stream.indirect.gather [hbm4b:s5+s18], $0x80, s9, s18, $0xb8;
	[tilespmem:$0x1EA80] =	vst v63  }
0x2b: {  	s12 =	simm.s32 $0x80;
	v0 =	vand.u32 $0xFFFFFFFC, v0  }
0x2c: {  	v0 =	vbroadcast v0, $0x0;
	[tilespmem:s21], [sflag:$0x2] =	stream.indirect.gather [hbm4b:s5+s18], $0x80, s12, s18, $0xb8;
	[tilespmem:$0x1EA80] =	vst v63  }
0x2d: {  	s22 =	simm.s32 $0x100;
	s9 =	simm.s32 $0x2  }
0x2e: {  	[tilespmem:s23], [sflag:$0x3] =	stream.indirect.gather [hbm4b:s5+s18], $0x80, s22, s18, $0xb8;
	[tilespmem:$0x1EA80] =	vst v63  }
0x2f: {  	v1 =	vmov s9;
	_ =	swait.ge [sflag:s24], $0x2800  }
0x30: {  	v1 =	vand.u32 $0xFFFFFFFE, v1;
	[sflag:s24] =	ssyncset.done $0x0  }
0x31: {  	v1 =	vbroadcast v1, $0x0;
	[sflag:s24] =	ssyncadd.s32 $0xFFFFD800  }
0x32: {  	s12 =	simm.s32 $0xB80;
	v0 =	vld.idx.msk [tilespmem:v0+s17+$0x0], $0xffff  }
0x33: {  	s25 =	simm.s32 $0x1;
	v3 =	vld [tilespmem:s12+$0x70]  }
0x34: {  	v2 =	vmov s25;
	v4 =	vld [tilespmem:s12+$0xFFFFFF00]  }
0x35: {  	v2 =	vand.u32 $0xFFFFFFFD, v2;
	v5 =	vld [tilespmem:s12+$0xFFFFFF10]  }
0x36: {  	v2 =	vbroadcast v2, $0x0;
	v6 =	vld [tilespmem:s12+$0xFFFFFF20]  }
0x37: {  	v1 =	vld.idx.msk [tilespmem:v1+s17+$0x0], $0xffff  }
0x38: {  	v7 =	vld [tilespmem:s12+$0xFFFFFF30]  }
0x39: {  	v8 =	vld [tilespmem:s12+$0xFFFFFF40]  }
0x3a: {  	v9 =	vld [tilespmem:s12+$0xFFFFFF50]  }
0x3b: {  	v10 =	vld [tilespmem:s12+$0xFFFFFF60];
	v4 =	vmul.f32 v4, v0  }
0x3c: {  	v2 =	vld.idx.msk [tilespmem:v2+s17+$0x0], $0xffff;
	v3 =	vmul.f32 v3, v1  }
0x3d: {  	v12 =	vld [tilespmem:s12+$0x40];
	[tilespmem:s12+$0xFFFFFF00] =	vst v4;
	v4 =	vmul.f32 v5, v0  }
0x3e: {  	v5 =	vld [tilespmem:s12+$0xFFFFFF70];
	[tilespmem:s12+$0x70] =	vst v3;
	v3 =	vmul.f32 v6, v0  }
0x3f: {  	v6 =	vld [tilespmem:s12+$0xFFFFFF80];
	[tilespmem:s12+$0xFFFFFF10] =	vst v4;
	v4 =	vmul.f32 v7, v0  }
0x40: {  	v7 =	vld [tilespmem:s12+$0xFFFFFF90];
	[tilespmem:s12+$0xFFFFFF20] =	vst v3;
	v3 =	vmul.f32 v8, v0  }
0x41: {  	v8 =	vld [tilespmem:s12+$0xFFFFFFA0];
	[tilespmem:s12+$0xFFFFFF30] =	vst v4;
	v4 =	vmul.f32 v9, v0  }
0x42: {  	v9 =	vld [tilespmem:s12+$0xFFFFFFB0];
	[tilespmem:s12+$0xFFFFFF40] =	vst v3;
	v3 =	vmul.f32 v10, v0  }
0x43: {  	v10 =	vld [tilespmem:s12+$0xFFFFFFC0];
	v5 =	vmul.f32 v5, v0;
	[tilespmem:s12+$0xFFFFFF50] =	vst v4  }
0x44: {  	v4 =	vmul.f32 v6, v2;
	v6 =	vld [tilespmem:s12+$0xFFFFFFD0];
	[tilespmem:s12+$0xFFFFFF60] =	vst v3  }
0x45: {  	s4 =	simm.s32 $0x3;
	v3 =	vld [tilespmem:s12+$0xFFFFFFE0];
	v7 =	vmul.f32 v7, v2;
	[tilespmem:s12+$0xFFFFFF70] =	vst v5  }
0x46: {  	v11 =	vmov s4;
	v5 =	vld [tilespmem:s12+$0xFFFFFFF0];
	[tilespmem:s12+$0xFFFFFF80] =	vst v4;
	v4 =	vmul.f32 v8, v2  }
0x47: {  	v8 =	vld [tilespmem:s12+$0x0];
	[tilespmem:s12+$0xFFFFFF90] =	vst v7;
	v7 =	vmul.f32 v9, v2  }
0x48: {  	v9 =	vld [tilespmem:s12+$0x10];
	[tilespmem:s12+$0xFFFFFFA0] =	vst v4;
	v4 =	vmul.f32 v10, v2  }
0x49: {  	[tilespmem:s12+$0xFFFFFFB0] =	vst v7;
	v6 =	vmul.f32 v6, v2;
	v7 =	vld [tilespmem:s12+$0x20]  }
0x4a: {  	v10 =	vld [tilespmem:s12+$0x30];
	[tilespmem:s12+$0xFFFFFFC0] =	vst v4;
	v3 =	vmul.f32 v3, v2  }
0x4b: {  	v0 =	vld.idx.msk [tilespmem:v11+s17+$0x0], $0xffff;
	v2 =	vmul.f32 v5, v2;
	[tilespmem:s12+$0xFFFFFFD0] =	vst v6  }
0x4c: {  	v4 =	vmul.f32 v8, v1;
	[tilespmem:s12+$0xFFFFFFE0] =	vst v3;
	v3 =	vld [tilespmem:s12+$0x50]  }
0x4d: {  	s9 =	simm.s32 $0x4;
	[tilespmem:s12+$0xFFFFFFF0] =	vst v2;
	v5 =	vmul.f32 v9, v1;
	v2 =	vld [tilespmem:s12+$0x60]  }
0x4e: {  	s22 =	simm.s32 $0x7;
	v6 =	vmov s9;
	[tilespmem:s12+$0x0] =	vst v4;
	v8 =	vmul.f32 v7, v1;
	v7 =	vld [tilespmem:s12+$0x80]  }
0x4f: {  	s25 =	simm.s32 $0x5;
	v11 =	vand.u32 $0xFFFFFFFC, v6;
	v6 =	vld [tilespmem:s12+$0x90];
	v4 =	vmov s22;
	v9 =	vmul.f32 v10, v1;
	[tilespmem:s12+$0x10] =	vst v5  }
0x50: {  	s4 =	simm.s32 $0x8;
	s1 =	simm.s32 $0x6;
	s9 =	simm.s32 $0xB80;
	v10 =	vmul.f32 v12, v1;
	v5 =	vbroadcast v11, $0x0;
	v11 =	vmov s25;
	[tilespmem:s12+$0x20] =	vst v8;
	v8 =	vld [tilespmem:s12+$0xA0]  }
.LBB2_3:
0x51: {  	p0 =	slt.u32 s4, $0x4C;
	v11 =	vand.u32 $0xFFFFFFFD, v11;
	v12 =	vmov s1;
	[tilespmem:s12+$0x30] =	vst v9;
	v3 =	vmul.f32 v3, v1;
	v9 =	vld [tilespmem:s12+$0xB0]  }
0x52: {  	v11 =	vbroadcast v11, $0x0;
	v12 =	vand.u32 $0xFFFFFFFE, v12;
	[tilespmem:s12+$0x40] =	vst v10;
	v1 =	vmul.f32 v2, v1;
	v2 =	vld [tilespmem:s12+$0xC0]  }
0x53: {  	v10 =	vbroadcast v12, $0x0;
	[tilespmem:s12+$0x50] =	vst v3;
	v3 =	vmul.f32 v7, v0;
	v7 =	vld [tilespmem:s12+$0xD0]  }
0x54: {  	[tilespmem:s12+$0x60] =	vst v1;
	v1 =	vmul.f32 v6, v0;
	v6 =	vld [tilespmem:s12+$0xE0]  }
0x55: {  	[tilespmem:s12+$0x80] =	vst v3;
	v3 =	vmul.f32 v8, v0;
	v8 =	vld [tilespmem:s12+$0xF0]  }
0x56: {  	v4 =	vld.idx.msk [tilespmem:v4+s17+$0x0], $0xffff;
	[tilespmem:s12+$0x90] =	vst v1;
	v1 =	vmul.f32 v9, v0  }
0x57: {  	v5 =	vld.idx.msk [tilespmem:v5+s17+$0x0], $0xffff;
	[tilespmem:s12+$0xA0] =	vst v3;
	v2 =	vmul.f32 v2, v0  }
0x58: {  	v3 =	vld.idx.msk [tilespmem:v11+s17+$0x0], $0xffff;
	[tilespmem:s12+$0xB0] =	vst v1;
	v7 =	vmul.f32 v7, v0  }
0x59: {  	s12 =	sadd.s32 $0x200, s12;
	v1 =	vld.idx.msk [tilespmem:v10+s17+$0x0], $0xffff;
	[tilespmem:s9+$0xC0] =	vst v2;
	v2 =	vmul.f32 v6, v0  }
0x5a: {  	v6 =	vld [tilespmem:s12+$0x70];
	[tilespmem:s9+$0xD0] =	vst v7;
	v8 =	vmul.f32 v8, v0  }
0x5b: {  	v7 =	vld [tilespmem:s12+$0xFFFFFF00];
	[tilespmem:s9+$0xE0] =	vst v2  }
0x5c: {  	v0 =	vmov v4;
	v2 =	vld [tilespmem:s12+$0xFFFFFF10];
	[tilespmem:s9+$0xF0] =	vst v8;
	s9 =	smov.u32 s12  }
0x5d: {  	v4 =	vld [tilespmem:s12+$0xFFFFFF20]  }
0x5e: {  	v8 =	vld [tilespmem:s12+$0xFFFFFF30]  }
0x5f: {  	v9 =	vld [tilespmem:s12+$0xFFFFFF40];
	v6 =	vmul.f32 v6, v1  }
0x60: {  	v7 =	vmul.f32 v7, v5;
	v10 =	vld [tilespmem:s12+$0xFFFFFF50]  }
0x61: {  	v2 =	vmul.f32 v2, v5;
	v11 =	vld [tilespmem:s12+$0xFFFFFF60];
	[tilespmem:s12+$0x70] =	vst v6  }
0x62: {  	[tilespmem:s12+$0xFFFFFF00] =	vst v7;
	v4 =	vmul.f32 v4, v5;
	v6 =	vld [tilespmem:s12+$0xFFFFFF70]  }
0x63: {  	[tilespmem:s12+$0xFFFFFF10] =	vst v2;
	v2 =	vmul.f32 v8, v5;
	v7 =	vld [tilespmem:s12+$0xFFFFFF80]  }
0x64: {  	[tilespmem:s12+$0xFFFFFF20] =	vst v4;
	v4 =	vmul.f32 v9, v5;
	v8 =	vld [tilespmem:s12+$0xFFFFFF90]  }
0x65: {  	[tilespmem:s12+$0xFFFFFF30] =	vst v2;
	v2 =	vmul.f32 v10, v5;
	v9 =	vld [tilespmem:s12+$0xFFFFFFA0]  }
0x66: {  	[tilespmem:s12+$0xFFFFFF40] =	vst v4;
	v4 =	vmul.f32 v11, v5;
	v10 =	vld [tilespmem:s12+$0xFFFFFFB0]  }
0x67: {  	[tilespmem:s12+$0xFFFFFF50] =	vst v2;
	v2 =	vmul.f32 v6, v5;
	v5 =	vld [tilespmem:s12+$0xFFFFFFC0]  }
0x68: {  	[tilespmem:s12+$0xFFFFFF60] =	vst v4;
	v4 =	vmul.f32 v7, v3;
	v6 =	vld [tilespmem:s12+$0xFFFFFFD0]  }
0x69: {  	[tilespmem:s12+$0xFFFFFF70] =	vst v2;
	v2 =	vmul.f32 v8, v3;
	v7 =	vld [tilespmem:s12+$0xFFFFFFE0]  }
0x6a: {  	[tilespmem:s12+$0xFFFFFF80] =	vst v4;
	v4 =	vmul.f32 v9, v3;
	v8 =	vld [tilespmem:s12+$0xFFFFFFF0]  }
0x6b: {  	[tilespmem:s12+$0xFFFFFF90] =	vst v2;
	v2 =	vmul.f32 v10, v3;
	v9 =	vld [tilespmem:s12+$0x0]  }
0x6c: {  	[tilespmem:s12+$0xFFFFFFA0] =	vst v4;
	v4 =	vmul.f32 v5, v3;
	v5 =	vld [tilespmem:s12+$0x10]  }
0x6d: {  	[tilespmem:s12+$0xFFFFFFB0] =	vst v2;
	v2 =	vmul.f32 v6, v3;
	v6 =	vld [tilespmem:s12+$0x20]  }
0x6e: {  	[tilespmem:s12+$0xFFFFFFC0] =	vst v4;
	v4 =	vmul.f32 v7, v3;
	v10 =	vld [tilespmem:s12+$0x30]  }
0x6f: {  	[tilespmem:s12+$0xFFFFFFD0] =	vst v2;
	v2 =	vmul.f32 v8, v3;
	v8 =	vld [tilespmem:s12+$0x40]  }
.Ltmp0:
0x70: {  	[tilespmem:s12+$0xFFFFFFE0] =	vst v4;
	v4 =	vmul.f32 v9, v1;
	v3 =	vld [tilespmem:s12+$0x50];
	(pc) =	sbr.rel @p0 .LBB2_3-.Ltmp0, $4  }
0x71: {  	[tilespmem:s12+$0xFFFFFFF0] =	vst v2;
	v5 =	vmul.f32 v5, v1;
	v2 =	vld [tilespmem:s12+$0x60]  }
0x72: {  	s1 =	sadd.s32 $0x3, s4;
	v9 =	vmov s4;
	[tilespmem:s12+$0x0] =	vst v4;
	v12 =	vmul.f32 v6, v1;
	v7 =	vld [tilespmem:s12+$0x80]  }
0x73: {  	s22 =	sadd.s32 $0x1, s4;
	v11 =	vand.u32 $0xFFFFFFFC, v9;
	v4 =	vmov s1;
	[tilespmem:s12+$0x10] =	vst v5;
	v9 =	vmul.f32 v10, v1;
	v6 =	vld [tilespmem:s12+$0x90]  }
0x74: {  	s1 =	sadd.s32 $0x2, s4;
	s4 =	sadd.s32 $0x4, s4;
	v5 =	vbroadcast v11, $0x0;
	v11 =	vmov s22;
	[tilespmem:s12+$0x20] =	vst v12;
	v10 =	vmul.f32 v8, v1;
	v8 =	vld [tilespmem:s12+$0xA0]  }
0x75: {  	v12 =	vld [tilespmem:s12+$0xB0]  }
0x76: {  	v14 =	vld [tilespmem:s12+$0xC0]  }
0x77: {  	v13 =	vmov s1;
	v15 =	vld [tilespmem:s12+$0xD0]  }
0x78: {  	v16 =	vld [tilespmem:s12+$0xE0];
	[tilespmem:s12+$0x30] =	vst v9;
	v3 =	vmul.f32 v3, v1;
	v13 =	vand.u32 $0xFFFFFFFE, v13  }
0x79: {  	v11 =	vand.u32 $0xFFFFFFFD, v11;
	v4 =	vld.idx.msk [tilespmem:v4+s17+$0x0], $0xffff;
	[tilespmem:s12+$0x40] =	vst v10;
	v1 =	vmul.f32 v2, v1;
	v13 =	vbroadcast v13, $0x0  }
0x7a: {  	s4 =	sadd.s32 $0x200, s12;
	v11 =	vbroadcast v11, $0x0;
	v2 =	vld.idx.msk [tilespmem:v5+s17+$0x0], $0xffff;
	v7 =	vmul.f32 v7, v0;
	[tilespmem:s12+$0x50] =	vst v3  }
0x7b: {  	v9 =	vld [tilespmem:s4+$0xFFFFFF00];
	v3 =	vmul.f32 v6, v0;
	[tilespmem:s12+$0x60] =	vst v1  }
0x7c: {  	[tilespmem:s12+$0x80] =	vst v7;
	v7 =	vld [tilespmem:s12+$0xF0];
	v1 =	vmul.f32 v8, v0  }
0x7d: {  	v10 =	vld [tilespmem:s4+$0xFFFFFF10];
	[tilespmem:s12+$0x90] =	vst v3;
	v3 =	vmul.f32 v12, v0  }
0x7e: {  	v8 =	vld [tilespmem:s4+$0x70];
	[tilespmem:s12+$0xA0] =	vst v1;
	v1 =	vmul.f32 v14, v0  }
0x7f: {  	[tilespmem:s12+$0xB0] =	vst v3;
	v3 =	vmul.f32 v15, v0;
	v6 =	vld.idx.msk [tilespmem:v13+s17+$0x0], $0xffff  }
0x80: {  	v5 =	vld.idx.msk [tilespmem:v11+s17+$0x0], $0xffff;
	[tilespmem:s9+$0xC0] =	vst v1;
	v1 =	vmul.f32 v16, v0  }
0x81: {  	v11 =	vld [tilespmem:s4+$0xFFFFFF20];
	[tilespmem:s9+$0xD0] =	vst v3;
	v0 =	vmul.f32 v7, v0  }
0x82: {  	v3 =	vld [tilespmem:s4+$0xFFFFFF30];
	[tilespmem:s9+$0xE0] =	vst v1  }
0x83: {  	v1 =	vld [tilespmem:s4+$0xFFFFFF40];
	[tilespmem:s9+$0xF0] =	vst v0;
	v0 =	vmul.f32 v9, v2  }
0x84: {  	v7 =	vmul.f32 v8, v6;
	v8 =	vld [tilespmem:s4+$0xFFFFFF50]  }
0x85: {  	v9 =	vmul.f32 v10, v2;
	v10 =	vld [tilespmem:s4+$0xFFFFFF60];
	[tilespmem:s4+$0xFFFFFF00] =	vst v0  }
0x86: {  	v0 =	vmul.f32 v11, v2;
	[tilespmem:s4+$0x70] =	vst v7;
	v7 =	vld [tilespmem:s4+$0xFFFFFF70]  }
0x87: {  	[tilespmem:s4+$0xFFFFFF10] =	vst v9;
	v9 =	vld [tilespmem:s4+$0xFFFFFF80];
	v3 =	vmul.f32 v3, v2  }
0x88: {  	[tilespmem:s4+$0xFFFFFF20] =	vst v0;
	v0 =	vmul.f32 v1, v2;
	v1 =	vld [tilespmem:s4+$0xFFFFFF90]  }
0x89: {  	[tilespmem:s4+$0xFFFFFF30] =	vst v3;
	v3 =	vmul.f32 v8, v2;
	v8 =	vld [tilespmem:s4+$0xFFFFFFA0]  }
0x8a: {  	[tilespmem:s4+$0xFFFFFF40] =	vst v0;
	v0 =	vmul.f32 v10, v2;
	v10 =	vld [tilespmem:s4+$0xFFFFFFB0]  }
0x8b: {  	[tilespmem:s4+$0xFFFFFF50] =	vst v3;
	v2 =	vmul.f32 v7, v2;
	v3 =	vld [tilespmem:s4+$0xFFFFFFC0]  }
0x8c: {  	[tilespmem:s4+$0xFFFFFF60] =	vst v0;
	v0 =	vmul.f32 v9, v5;
	v7 =	vld [tilespmem:s4+$0xFFFFFFD0]  }
0x8d: {  	v1 =	vmul.f32 v1, v5;
	[tilespmem:s4+$0xFFFFFF70] =	vst v2;
	v2 =	vld [tilespmem:s4+$0xFFFFFFE0]  }
0x8e: {  	[tilespmem:s4+$0xFFFFFF80] =	vst v0;
	v0 =	vmul.f32 v8, v5;
	v8 =	vld [tilespmem:s4+$0xFFFFFFF0]  }
0x8f: {  	v9 =	vld [tilespmem:s4+$0x0];
	[tilespmem:s4+$0xFFFFFF90] =	vst v1;
	v1 =	vmul.f32 v10, v5  }
0x90: {  	[tilespmem:s4+$0xFFFFFFA0] =	vst v0;
	v0 =	vmul.f32 v3, v5;
	v3 =	vld [tilespmem:s4+$0x10]  }
0x91: {  	[tilespmem:s4+$0xFFFFFFB0] =	vst v1;
	v1 =	vmul.f32 v7, v5;
	v7 =	vld [tilespmem:s4+$0x20]  }
0x92: {  	[tilespmem:s4+$0xFFFFFFC0] =	vst v0;
	v0 =	vmul.f32 v2, v5;
	v2 =	vld [tilespmem:s4+$0x30]  }
0x93: {  	[tilespmem:s4+$0xFFFFFFD0] =	vst v1;
	v1 =	vmul.f32 v8, v5;
	v5 =	vld [tilespmem:s4+$0x40]  }
0x94: {  	v8 =	vld [tilespmem:s4+$0x50];
	[tilespmem:s4+$0xFFFFFFE0] =	vst v0;
	v0 =	vmul.f32 v9, v6  }
0x95: {  	[tilespmem:s4+$0xFFFFFFF0] =	vst v1;
	v1 =	vmul.f32 v3, v6;
	v3 =	vld [tilespmem:s4+$0x60]  }
0x96: {  	[tilespmem:s4+$0x0] =	vst v0;
	v0 =	vmul.f32 v7, v6;
	v7 =	vld [tilespmem:s4+$0x80]  }
0x97: {  	[tilespmem:s4+$0x10] =	vst v1;
	v1 =	vmul.f32 v2, v6;
	v2 =	vld [tilespmem:s4+$0x90]  }
0x98: {  	[tilespmem:s4+$0x20] =	vst v0;
	v0 =	vmul.f32 v5, v6;
	v5 =	vld [tilespmem:s4+$0xA0]  }
0x99: {  	[tilespmem:s4+$0x30] =	vst v1;
	v1 =	vmul.f32 v8, v6;
	v8 =	vld [tilespmem:s4+$0xB0]  }
0x9a: {  	[tilespmem:s4+$0x40] =	vst v0;
	v0 =	vmul.f32 v3, v6;
	v3 =	vld [tilespmem:s4+$0xC0]  }
0x9b: {  	v6 =	vld [tilespmem:s4+$0xD0];
	[tilespmem:s4+$0x50] =	vst v1;
	v1 =	vmul.f32 v7, v4  }
0x9c: {  	[tilespmem:s4+$0x60] =	vst v0;
	v0 =	vmul.f32 v2, v4;
	v2 =	vld [tilespmem:s4+$0xE0]  }
0x9d: {  	[tilespmem:s4+$0x80] =	vst v1;
	v1 =	vmul.f32 v5, v4;
	v5 =	vld [tilespmem:s4+$0xF0]  }
0x9e: {  	[tilespmem:s4+$0x90] =	vst v0;
	v0 =	vmul.f32 v8, v4  }
0x9f: {  	[tilespmem:s4+$0xA0] =	vst v1;
	v1 =	vmul.f32 v3, v4  }
0xa0: {  	[tilespmem:s4+$0xB0] =	vst v0;
	v0 =	vmul.f32 v6, v4  }
0xa1: {  	[tilespmem:s4+$0xC0] =	vst v1;
	v1 =	vmul.f32 v2, v4  }
0xa2: {  	s25 =	simm.s32 $0x50;
	[tilespmem:s4+$0xD0] =	vst v0;
	v0 =	vmul.f32 v5, v4  }
0xa3: {  	[tilespmem:s4+$0xE0] =	vst v1;
	v1 =	vmov s25  }
0xa4: {  	s9 =	simm.s32 $0x52;
	[tilespmem:s4+$0xF0] =	vst v0;
	v0 =	vand.u32 $0xFFFFFFFC, v1  }
0xa5: {  	v1 =	vmov s9;
	[spmem:s2] =	stream.indirect.scatter.add.f32 [tilespmem:s19], [sflag:$0x5], $0x80, s16, s18, $0xb8;
	v0 =	vbroadcast v0, $0x0;
	[tilespmem:$0x1EA80] =	vst v63  }
0xa6: {  	s12 =	simm.s32 $0x180;
	v1 =	vand.u32 $0xFFFFFFFE, v1  }
0xa7: {  	v1 =	vbroadcast v1, $0x0;
	[tilespmem:s26], [sflag:$0x4] =	stream.indirect.gather [hbm4b:s5+s18], $0x80, s12, s18, $0xb8;
	[tilespmem:$0x1EA80] =	vst v63  }
0xa8: {  	_ =	swait.ge [sflag:s28], $0x2800  }
0xa9: {  	[sflag:s28] =	ssyncset.done $0x0  }
0xaa: {  	[sflag:s28] =	ssyncadd.s32 $0xFFFFD800  }
0xab: {  	s12 =	simm.s32 $0x3380;
	v2 =	vld.idx.msk [tilespmem:v0+s17+$0x0], $0xffff  }
0xac: {  	s22 =	simm.s32 $0x51;
	v3 =	vld [tilespmem:s12+$0x70]  }
0xad: {  	v0 =	vld.idx.msk [tilespmem:v1+s17+$0x0], $0xffff;
	v1 =	vmov s22  }
0xae: {  	v4 =	vld [tilespmem:s12+$0xFFFFFF00];
	v1 =	vand.u32 $0xFFFFFFFD, v1  }
0xaf: {  	v5 =	vld [tilespmem:s12+$0xFFFFFF10];
	v1 =	vbroadcast v1, $0x0  }
0xb0: {  	v6 =	vld [tilespmem:s12+$0xFFFFFF20]  }
0xb1: {  	v7 =	vld [tilespmem:s12+$0xFFFFFF30]  }
0xb2: {  	v8 =	vld [tilespmem:s12+$0xFFFFFF40]  }
0xb3: {  	v9 =	vld [tilespmem:s12+$0xFFFFFF50]  }
0xb4: {  	v10 =	vld [tilespmem:s12+$0xFFFFFF60];
	v4 =	vmul.f32 v4, v2  }
0xb5: {  	v11 =	vld.idx.msk [tilespmem:v1+s17+$0x0], $0xffff;
	v1 =	vmul.f32 v3, v0  }
0xb6: {  	[tilespmem:s12+$0xFFFFFF00] =	vst v4;
	v4 =	vld [tilespmem:s12+$0xFFFFFF70];
	v3 =	vmul.f32 v5, v2  }
0xb7: {  	v5 =	vld [tilespmem:s12+$0xFFFFFF80];
	[tilespmem:s12+$0x70] =	vst v1;
	v1 =	vmul.f32 v6, v2  }
0xb8: {  	s25 =	simm.s32 $0x53;
	[tilespmem:s12+$0xFFFFFF10] =	vst v3;
	v3 =	vmul.f32 v7, v2;
	v6 =	vld [tilespmem:s12+$0xFFFFFF90]  }
0xb9: {  	v7 =	vmov s25;
	[tilespmem:s12+$0xFFFFFF20] =	vst v1;
	v1 =	vmul.f32 v8, v2;
	v8 =	vld [tilespmem:s12+$0xFFFFFFA0]  }
0xba: {  	[tilespmem:s12+$0xFFFFFF30] =	vst v3;
	v3 =	vmul.f32 v9, v2;
	v9 =	vld [tilespmem:s12+$0xFFFFFFB0]  }
0xbb: {  	[tilespmem:s12+$0xFFFFFF40] =	vst v1;
	v1 =	vmul.f32 v10, v2;
	v10 =	vld [tilespmem:s12+$0xFFFFFFC0]  }
0xbc: {  	[tilespmem:s12+$0xFFFFFF50] =	vst v3;
	v3 =	vmul.f32 v5, v11;
	v5 =	vld [tilespmem:s12+$0xFFFFFFD0]  }
0xbd: {  	v2 =	vmul.f32 v4, v2;
	v4 =	vld [tilespmem:s12+$0xFFFFFFE0];
	[tilespmem:s12+$0xFFFFFF60] =	vst v1  }
0xbe: {  	v6 =	vmul.f32 v6, v11;
	v1 =	vld.idx.msk [tilespmem:v7+s17+$0x0], $0xffff;
	[tilespmem:s12+$0xFFFFFF80] =	vst v3  }
0xbf: {  	[tilespmem:s12+$0xFFFFFF70] =	vst v2;
	v7 =	vld [tilespmem:s12+$0xFFFFFFF0];
	v2 =	vmul.f32 v8, v11  }
0xc0: {  	[tilespmem:s12+$0xFFFFFF90] =	vst v6;
	v3 =	vmul.f32 v9, v11;
	v9 =	vld [tilespmem:s12+$0x0]  }
0xc1: {  	v6 =	vld [tilespmem:s12+$0x10];
	[tilespmem:s12+$0xFFFFFFA0] =	vst v2;
	v2 =	vmul.f32 v10, v11  }
0xc2: {  	[tilespmem:s12+$0xFFFFFFB0] =	vst v3;
	v3 =	vmul.f32 v5, v11;
	v5 =	vld [tilespmem:s12+$0x20]  }
0xc3: {  	[tilespmem:s12+$0xFFFFFFC0] =	vst v2;
	v2 =	vmul.f32 v4, v11;
	v4 =	vld [tilespmem:s12+$0x30]  }
0xc4: {  	[tilespmem:s12+$0xFFFFFFD0] =	vst v3;
	v3 =	vld [tilespmem:s12+$0x40];
	v8 =	vmul.f32 v7, v11  }
0xc5: {  	s4 =	simm.s32 $0x0;
	s9 =	simm.s32 $0x3380;
	v7 =	vmul.f32 v9, v0;
	[tilespmem:s12+$0xFFFFFFE0] =	vst v2;
	v2 =	vld [tilespmem:s12+$0x50]  }
.LBB2_5:
0xc6: {  	s1 =	sadd.s32 $0x57, s4;
	[tilespmem:s12+$0xFFFFFFF0] =	vst v8;
	v6 =	vmul.f32 v6, v0;
	v8 =	vld [tilespmem:s12+$0x60]  }
0xc7: {  	s22 =	sadd.s32 $0x54, s4;
	s25 =	sadd.s32 $0x55, s4;
	v9 =	vmov s1;
	[tilespmem:s12+$0x0] =	vst v7;
	v5 =	vmul.f32 v5, v0;
	v7 =	vld [tilespmem:s12+$0x80]  }
0xc8: {  	v10 =	vmov s22;
	v11 =	vmov s25;
	[tilespmem:s12+$0x10] =	vst v6;
	v4 =	vmul.f32 v4, v0;
	v6 =	vld [tilespmem:s12+$0x90]  }
0xc9: {  	s1 =	sadd.s32 $0x56, s4;
	s4 =	sadd.s32 $0x4, s4;
	v10 =	vand.u32 $0xFFFFFFFC, v10;
	v11 =	vand.u32 $0xFFFFFFFD, v11;
	[tilespmem:s12+$0x20] =	vst v5;
	v3 =	vmul.f32 v3, v0;
	v5 =	vld [tilespmem:s12+$0xA0]  }
0xca: {  	v12 =	vmov s1;
	p0 =	slt.u32 s4, $0x4C;
	v10 =	vbroadcast v10, $0x0;
	[tilespmem:s12+$0x30] =	vst v4;
	v2 =	vmul.f32 v2, v0;
	v4 =	vld [tilespmem:s12+$0xB0]  }
0xcb: {  	v11 =	vbroadcast v11, $0x0;
	v12 =	vand.u32 $0xFFFFFFFE, v12;
	[tilespmem:s12+$0x40] =	vst v3;
	v0 =	vmul.f32 v8, v0;
	v3 =	vld [tilespmem:s12+$0xC0]  }
0xcc: {  	v8 =	vbroadcast v12, $0x0;
	[tilespmem:s12+$0x50] =	vst v2;
	v2 =	vmul.f32 v7, v1;
	v7 =	vld [tilespmem:s12+$0xD0]  }
0xcd: {  	[tilespmem:s12+$0x60] =	vst v0;
	v0 =	vmul.f32 v6, v1;
	v6 =	vld [tilespmem:s12+$0xE0]  }
0xce: {  	[tilespmem:s12+$0x80] =	vst v2;
	v2 =	vmul.f32 v5, v1;
	v5 =	vld [tilespmem:s12+$0xF0]  }
0xcf: {  	v9 =	vld.idx.msk [tilespmem:v9+s17+$0x0], $0xffff;
	[tilespmem:s12+$0x90] =	vst v0;
	v0 =	vmul.f32 v4, v1  }
0xd0: {  	v4 =	vld.idx.msk [tilespmem:v10+s17+$0x0], $0xffff;
	[tilespmem:s12+$0xA0] =	vst v2;
	v2 =	vmul.f32 v3, v1  }
0xd1: {  	v3 =	vld.idx.msk [tilespmem:v11+s17+$0x0], $0xffff;
	[tilespmem:s12+$0xB0] =	vst v0;
	v7 =	vmul.f32 v7, v1  }
0xd2: {  	s12 =	sadd.s32 $0x200, s12;
	v0 =	vld.idx.msk [tilespmem:v8+s17+$0x0], $0xffff;
	[tilespmem:s9+$0xC0] =	vst v2;
	v2 =	vmul.f32 v6, v1  }
0xd3: {  	v6 =	vld [tilespmem:s12+$0x70];
	[tilespmem:s9+$0xD0] =	vst v7;
	v7 =	vmul.f32 v5, v1  }
0xd4: {  	v5 =	vld [tilespmem:s12+$0xFFFFFF00];
	[tilespmem:s9+$0xE0] =	vst v2  }
0xd5: {  	v1 =	vmov v9;
	v2 =	vld [tilespmem:s12+$0xFFFFFF10];
	[tilespmem:s9+$0xF0] =	vst v7;
	s9 =	smov.u32 s12  }
0xd6: {  	v7 =	vld [tilespmem:s12+$0xFFFFFF20]  }
0xd7: {  	v8 =	vld [tilespmem:s12+$0xFFFFFF30]  }
0xd8: {  	v9 =	vld [tilespmem:s12+$0xFFFFFF40];
	v6 =	vmul.f32 v6, v0  }
0xd9: {  	v5 =	vmul.f32 v5, v4;
	v10 =	vld [tilespmem:s12+$0xFFFFFF50]  }
0xda: {  	v2 =	vmul.f32 v2, v4;
	v11 =	vld [tilespmem:s12+$0xFFFFFF60];
	[tilespmem:s12+$0x70] =	vst v6  }
0xdb: {  	[tilespmem:s12+$0xFFFFFF00] =	vst v5;
	v5 =	vmul.f32 v7, v4;
	v6 =	vld [tilespmem:s12+$0xFFFFFF70]  }
0xdc: {  	[tilespmem:s12+$0xFFFFFF10] =	vst v2;
	v2 =	vmul.f32 v8, v4;
	v7 =	vld [tilespmem:s12+$0xFFFFFF80]  }
0xdd: {  	[tilespmem:s12+$0xFFFFFF20] =	vst v5;
	v5 =	vmul.f32 v9, v4;
	v8 =	vld [tilespmem:s12+$0xFFFFFF90]  }
0xde: {  	[tilespmem:s12+$0xFFFFFF30] =	vst v2;
	v2 =	vmul.f32 v10, v4;
	v9 =	vld [tilespmem:s12+$0xFFFFFFA0]  }
0xdf: {  	[tilespmem:s12+$0xFFFFFF40] =	vst v5;
	v5 =	vmul.f32 v11, v4;
	v10 =	vld [tilespmem:s12+$0xFFFFFFB0]  }
0xe0: {  	[tilespmem:s12+$0xFFFFFF50] =	vst v2;
	v2 =	vmul.f32 v6, v4;
	v4 =	vld [tilespmem:s12+$0xFFFFFFC0]  }
0xe1: {  	[tilespmem:s12+$0xFFFFFF60] =	vst v5;
	v5 =	vmul.f32 v7, v3;
	v7 =	vld [tilespmem:s12+$0xFFFFFFD0]  }
0xe2: {  	[tilespmem:s12+$0xFFFFFF70] =	vst v2;
	v2 =	vmul.f32 v8, v3;
	v8 =	vld [tilespmem:s12+$0xFFFFFFE0]  }
0xe3: {  	[tilespmem:s12+$0xFFFFFF80] =	vst v5;
	v5 =	vmul.f32 v9, v3;
	v9 =	vld [tilespmem:s12+$0xFFFFFFF0]  }
0xe4: {  	[tilespmem:s12+$0xFFFFFF90] =	vst v2;
	v2 =	vmul.f32 v10, v3;
	v10 =	vld [tilespmem:s12+$0x0]  }
.Ltmp1:
0xe5: {  	[tilespmem:s12+$0xFFFFFFA0] =	vst v5;
	v4 =	vmul.f32 v4, v3;
	v6 =	vld [tilespmem:s12+$0x10];
	(pc) =	sbr.rel @p0 .LBB2_5-.Ltmp1, $4  }
0xe6: {  	[tilespmem:s12+$0xFFFFFFB0] =	vst v2;
	v2 =	vmul.f32 v7, v3;
	v5 =	vld [tilespmem:s12+$0x20]  }
0xe7: {  	[tilespmem:s12+$0xFFFFFFC0] =	vst v4;
	v7 =	vmul.f32 v8, v3;
	v4 =	vld [tilespmem:s12+$0x30]  }
0xe8: {  	[tilespmem:s12+$0xFFFFFFD0] =	vst v2;
	v8 =	vmul.f32 v9, v3;
	v3 =	vld [tilespmem:s12+$0x40]  }
0xe9: {  	[tilespmem:s12+$0xFFFFFFE0] =	vst v7;
	v7 =	vmul.f32 v10, v0;
	v2 =	vld [tilespmem:s12+$0x50]  }
0xea: {  	[tilespmem:s12+$0xFFFFFFF0] =	vst v8;
	v6 =	vmul.f32 v6, v0;
	v8 =	vld [tilespmem:s12+$0x80]  }
0xeb: {  	v9 =	vld [tilespmem:s12+$0x60];
	[tilespmem:s12+$0x0] =	vst v7;
	v5 =	vmul.f32 v5, v0  }
0xec: {  	v7 =	vld [tilespmem:s12+$0x90];
	[tilespmem:s12+$0x10] =	vst v6;
	v4 =	vmul.f32 v4, v0  }
0xed: {  	v6 =	vld [tilespmem:s12+$0xA0];
	[tilespmem:s12+$0x20] =	vst v5;
	v3 =	vmul.f32 v3, v0  }
0xee: {  	v5 =	vld [tilespmem:s12+$0xB0];
	[tilespmem:s12+$0x30] =	vst v4;
	v2 =	vmul.f32 v2, v0  }
0xef: {  	v4 =	vld [tilespmem:s12+$0xC0];
	[tilespmem:s12+$0x40] =	vst v3;
	v3 =	vmul.f32 v8, v1  }
0xf0: {  	v8 =	vld [tilespmem:s12+$0xD0];
	v0 =	vmul.f32 v9, v0;
	[tilespmem:s12+$0x50] =	vst v2  }
0xf1: {  	v2 =	vld [tilespmem:s12+$0xE0];
	v7 =	vmul.f32 v7, v1;
	[tilespmem:s12+$0x80] =	vst v3  }
0xf2: {  	[tilespmem:s12+$0x60] =	vst v0;
	v0 =	vmul.f32 v6, v1;
	v3 =	vld [tilespmem:s12+$0xF0]  }
0xf3: {  	[tilespmem:s12+$0x90] =	vst v7;
	v5 =	vmul.f32 v5, v1  }
0xf4: {  	[tilespmem:s12+$0xA0] =	vst v0;
	v0 =	vmul.f32 v4, v1  }
0xf5: {  	[tilespmem:s12+$0xB0] =	vst v5;
	v4 =	vmul.f32 v8, v1  }
0xf6: {  	[tilespmem:s9+$0xC0] =	vst v0;
	v0 =	vmul.f32 v2, v1  }
0xf7: {  	[tilespmem:s9+$0xD0] =	vst v4;
	v1 =	vmul.f32 v3, v1  }
0xf8: {  	[tilespmem:s9+$0xE0] =	vst v0  }
0xf9: {  	s1 =	simm.s32 $0x480;
	s4 =	simm.s32 $0xA0;
	[tilespmem:s9+$0xF0] =	vst v1;
	s9 =	simm.s32 $0xA2  }
0xfa: {  	v0 =	vmov s4;
	[spmem:s2] =	stream.indirect.scatter.add.f32 [tilespmem:s21], [sflag:$0x6], $0x80, s1, s18, $0xb8;
	[tilespmem:$0x1EA80] =	vst v63  }
0xfb: {  	v0 =	vand.u32 $0xFFFFFFFC, v0;
	v1 =	vmov s9;
	_ =	swait.ge [sflag:s30], $0x2800  }
0xfc: {  	v0 =	vbroadcast v0, $0x0;
	v1 =	vand.u32 $0xFFFFFFFE, v1;
	[sflag:s30] =	ssyncset.done $0x0  }
0xfd: {  	s12 =	simm.s32 $0x200;
	v1 =	vbroadcast v1, $0x0;
	[sflag:s30] =	ssyncadd.s32 $0xFFFFD800  }
0xfe: {  	[tilespmem:s19], [sflag:$0x1] =	stream.indirect.gather [hbm4b:s5+s18], $0x80, s12, s18, $0xb8;
	[tilespmem:$0x1EA80] =	vst v63  }
0xff: {  	_ =	swait.ge [sflag:s0], $0x2800  }
0x100: {  	[sflag:s0] =	ssyncset.done $0x0  }
0x101: {  	[sflag:s0] =	ssyncadd.s32 $0xFFFFD800  }
0x102: {  	v2 =	vld.idx.msk [tilespmem:v0+s17+$0x0], $0xffff  }
0x103: {  	s22 =	simm.s32 $0xA1;
	s12 =	simm.s32 $0x5B80;
	v0 =	vld.idx.msk [tilespmem:v1+s17+$0x0], $0xffff  }
0x104: {  	v1 =	vmov s22;
	v3 =	vld [tilespmem:s12+$0x70]  }
0x105: {  	v4 =	vld [tilespmem:s12+$0xFFFFFF00];
	v1 =	vand.u32 $0xFFFFFFFD, v1  }
0x106: {  	v5 =	vld [tilespmem:s12+$0xFFFFFF10];
	v1 =	vbroadcast v1, $0x0  }
0x107: {  	v6 =	vld [tilespmem:s12+$0xFFFFFF20]  }
0x108: {  	v7 =	vld [tilespmem:s12+$0xFFFFFF30]  }
0x109: {  	v8 =	vld [tilespmem:s12+$0xFFFFFF40]  }
0x10a: {  	v9 =	vld [tilespmem:s12+$0xFFFFFF50]  }
0x10b: {  	v10 =	vld [tilespmem:s12+$0xFFFFFF60];
	v4 =	vmul.f32 v4, v2  }
0x10c: {  	v11 =	vld.idx.msk [tilespmem:v1+s17+$0x0], $0xffff;
	v1 =	vmul.f32 v3, v0  }
0x10d: {  	[tilespmem:s12+$0xFFFFFF00] =	vst v4;
	v4 =	vld [tilespmem:s12+$0xFFFFFF70];
	v3 =	vmul.f32 v5, v2  }
0x10e: {  	v5 =	vld [tilespmem:s12+$0xFFFFFF80];
	[tilespmem:s12+$0x70] =	vst v1;
	v1 =	vmul.f32 v6, v2  }
0x10f: {  	s25 =	simm.s32 $0xA3;
	[tilespmem:s12+$0xFFFFFF10] =	vst v3;
	v3 =	vmul.f32 v7, v2;
	v6 =	vld [tilespmem:s12+$0xFFFFFF90]  }
0x110: {  	v7 =	vmov s25;
	[tilespmem:s12+$0xFFFFFF20] =	vst v1;
	v1 =	vmul.f32 v8, v2;
	v8 =	vld [tilespmem:s12+$0xFFFFFFA0]  }
0x111: {  	[tilespmem:s12+$0xFFFFFF30] =	vst v3;
	v3 =	vmul.f32 v9, v2;
	v9 =	vld [tilespmem:s12+$0xFFFFFFB0]  }
0x112: {  	[tilespmem:s12+$0xFFFFFF40] =	vst v1;
	v1 =	vmul.f32 v10, v2;
	v10 =	vld [tilespmem:s12+$0xFFFFFFC0]  }
0x113: {  	[tilespmem:s12+$0xFFFFFF50] =	vst v3;
	v3 =	vmul.f32 v5, v11;
	v5 =	vld [tilespmem:s12+$0xFFFFFFD0]  }
0x114: {  	v2 =	vmul.f32 v4, v2;
	v4 =	vld [tilespmem:s12+$0xFFFFFFE0];
	[tilespmem:s12+$0xFFFFFF60] =	vst v1  }
0x115: {  	v6 =	vmul.f32 v6, v11;
	v1 =	vld.idx.msk [tilespmem:v7+s17+$0x0], $0xffff;
	[tilespmem:s12+$0xFFFFFF80] =	vst v3  }
0x116: {  	[tilespmem:s12+$0xFFFFFF70] =	vst v2;
	v7 =	vld [tilespmem:s12+$0xFFFFFFF0];
	v2 =	vmul.f32 v8, v11  }
0x117: {  	[tilespmem:s12+$0xFFFFFF90] =	vst v6;
	v3 =	vmul.f32 v9, v11;
	v9 =	vld [tilespmem:s12+$0x0]  }
0x118: {  	v6 =	vld [tilespmem:s12+$0x10];
	[tilespmem:s12+$0xFFFFFFA0] =	vst v2;
	v2 =	vmul.f32 v10, v11  }
0x119: {  	[tilespmem:s12+$0xFFFFFFB0] =	vst v3;
	v3 =	vmul.f32 v5, v11;
	v5 =	vld [tilespmem:s12+$0x20]  }
0x11a: {  	[tilespmem:s12+$0xFFFFFFC0] =	vst v2;
	v2 =	vmul.f32 v4, v11;
	v4 =	vld [tilespmem:s12+$0x30]  }
0x11b: {  	[tilespmem:s12+$0xFFFFFFD0] =	vst v3;
	v3 =	vld [tilespmem:s12+$0x40];
	v8 =	vmul.f32 v7, v11  }
0x11c: {  	s4 =	simm.s32 $0x0;
	s9 =	simm.s32 $0x5B80;
	v7 =	vmul.f32 v9, v0;
	[tilespmem:s12+$0xFFFFFFE0] =	vst v2;
	v2 =	vld [tilespmem:s12+$0x50]  }
.LBB2_7:
0x11d: {  	s1 =	sadd.s32 $0xA7, s4;
	[tilespmem:s12+$0xFFFFFFF0] =	vst v8;
	v6 =	vmul.f32 v6, v0;
	v8 =	vld [tilespmem:s12+$0x60]  }
0x11e: {  	s22 =	sadd.s32 $0xA4, s4;
	s25 =	sadd.s32 $0xA5, s4;
	v9 =	vmov s1;
	[tilespmem:s12+$0x0] =	vst v7;
	v5 =	vmul.f32 v5, v0;
	v7 =	vld [tilespmem:s12+$0x80]  }
0x11f: {  	v10 =	vmov s22;
	v11 =	vmov s25;
	[tilespmem:s12+$0x10] =	vst v6;
	v4 =	vmul.f32 v4, v0;
	v6 =	vld [tilespmem:s12+$0x90]  }
0x120: {  	s1 =	sadd.s32 $0xA6, s4;
	s4 =	sadd.s32 $0x4, s4;
	v10 =	vand.u32 $0xFFFFFFFC, v10;
	v11 =	vand.u32 $0xFFFFFFFD, v11;
	[tilespmem:s12+$0x20] =	vst v5;
	v3 =	vmul.f32 v3, v0;
	v5 =	vld [tilespmem:s12+$0xA0]  }
0x121: {  	v12 =	vmov s1;
	p0 =	slt.u32 s4, $0x4C;
	v10 =	vbroadcast v10, $0x0;
	[tilespmem:s12+$0x30] =	vst v4;
	v2 =	vmul.f32 v2, v0;
	v4 =	vld [tilespmem:s12+$0xB0]  }
0x122: {  	v11 =	vbroadcast v11, $0x0;
	v12 =	vand.u32 $0xFFFFFFFE, v12;
	[tilespmem:s12+$0x40] =	vst v3;
	v0 =	vmul.f32 v8, v0;
	v3 =	vld [tilespmem:s12+$0xC0]  }
0x123: {  	v8 =	vbroadcast v12, $0x0;
	[tilespmem:s12+$0x50] =	vst v2;
	v2 =	vmul.f32 v7, v1;
	v7 =	vld [tilespmem:s12+$0xD0]  }
0x124: {  	[tilespmem:s12+$0x60] =	vst v0;
	v0 =	vmul.f32 v6, v1;
	v6 =	vld [tilespmem:s12+$0xE0]  }
0x125: {  	[tilespmem:s12+$0x80] =	vst v2;
	v2 =	vmul.f32 v5, v1;
	v5 =	vld [tilespmem:s12+$0xF0]  }
0x126: {  	v9 =	vld.idx.msk [tilespmem:v9+s17+$0x0], $0xffff;
	[tilespmem:s12+$0x90] =	vst v0;
	v0 =	vmul.f32 v4, v1  }
0x127: {  	v4 =	vld.idx.msk [tilespmem:v10+s17+$0x0], $0xffff;
	[tilespmem:s12+$0xA0] =	vst v2;
	v2 =	vmul.f32 v3, v1  }
0x128: {  	v3 =	vld.idx.msk [tilespmem:v11+s17+$0x0], $0xffff;
	[tilespmem:s12+$0xB0] =	vst v0;
	v7 =	vmul.f32 v7, v1  }
0x129: {  	s12 =	sadd.s32 $0x200, s12;
	v0 =	vld.idx.msk [tilespmem:v8+s17+$0x0], $0xffff;
	[tilespmem:s9+$0xC0] =	vst v2;
	v2 =	vmul.f32 v6, v1  }
0x12a: {  	v6 =	vld [tilespmem:s12+$0x70];
	[tilespmem:s9+$0xD0] =	vst v7;
	v7 =	vmul.f32 v5, v1  }
0x12b: {  	v5 =	vld [tilespmem:s12+$0xFFFFFF00];
	[tilespmem:s9+$0xE0] =	vst v2  }
0x12c: {  	v1 =	vmov v9;
	v2 =	vld [tilespmem:s12+$0xFFFFFF10];
	[tilespmem:s9+$0xF0] =	vst v7;
	s9 =	smov.u32 s12  }
0x12d: {  	v7 =	vld [tilespmem:s12+$0xFFFFFF20]  }
0x12e: {  	v8 =	vld [tilespmem:s12+$0xFFFFFF30]  }
0x12f: {  	v9 =	vld [tilespmem:s12+$0xFFFFFF40];
	v6 =	vmul.f32 v6, v0  }
0x130: {  	v5 =	vmul.f32 v5, v4;
	v10 =	vld [tilespmem:s12+$0xFFFFFF50]  }
0x131: {  	v2 =	vmul.f32 v2, v4;
	v11 =	vld [tilespmem:s12+$0xFFFFFF60];
	[tilespmem:s12+$0x70] =	vst v6  }
0x132: {  	[tilespmem:s12+$0xFFFFFF00] =	vst v5;
	v5 =	vmul.f32 v7, v4;
	v6 =	vld [tilespmem:s12+$0xFFFFFF70]  }
0x133: {  	[tilespmem:s12+$0xFFFFFF10] =	vst v2;
	v2 =	vmul.f32 v8, v4;
	v7 =	vld [tilespmem:s12+$0xFFFFFF80]  }
0x134: {  	[tilespmem:s12+$0xFFFFFF20] =	vst v5;
	v5 =	vmul.f32 v9, v4;
	v8 =	vld [tilespmem:s12+$0xFFFFFF90]  }
0x135: {  	[tilespmem:s12+$0xFFFFFF30] =	vst v2;
	v2 =	vmul.f32 v10, v4;
	v9 =	vld [tilespmem:s12+$0xFFFFFFA0]  }
0x136: {  	[tilespmem:s12+$0xFFFFFF40] =	vst v5;
	v5 =	vmul.f32 v11, v4;
	v10 =	vld [tilespmem:s12+$0xFFFFFFB0]  }
0x137: {  	[tilespmem:s12+$0xFFFFFF50] =	vst v2;
	v2 =	vmul.f32 v6, v4;
	v4 =	vld [tilespmem:s12+$0xFFFFFFC0]  }
0x138: {  	[tilespmem:s12+$0xFFFFFF60] =	vst v5;
	v5 =	vmul.f32 v7, v3;
	v7 =	vld [tilespmem:s12+$0xFFFFFFD0]  }
0x139: {  	[tilespmem:s12+$0xFFFFFF70] =	vst v2;
	v2 =	vmul.f32 v8, v3;
	v8 =	vld [tilespmem:s12+$0xFFFFFFE0]  }
0x13a: {  	[tilespmem:s12+$0xFFFFFF80] =	vst v5;
	v5 =	vmul.f32 v9, v3;
	v9 =	vld [tilespmem:s12+$0xFFFFFFF0]  }
0x13b: {  	[tilespmem:s12+$0xFFFFFF90] =	vst v2;
	v2 =	vmul.f32 v10, v3;
	v10 =	vld [tilespmem:s12+$0x0]  }
.Ltmp2:
0x13c: {  	[tilespmem:s12+$0xFFFFFFA0] =	vst v5;
	v4 =	vmul.f32 v4, v3;
	v6 =	vld [tilespmem:s12+$0x10];
	(pc) =	sbr.rel @p0 .LBB2_7-.Ltmp2, $4  }
0x13d: {  	[tilespmem:s12+$0xFFFFFFB0] =	vst v2;
	v2 =	vmul.f32 v7, v3;
	v5 =	vld [tilespmem:s12+$0x20]  }
0x13e: {  	[tilespmem:s12+$0xFFFFFFC0] =	vst v4;
	v7 =	vmul.f32 v8, v3;
	v4 =	vld [tilespmem:s12+$0x30]  }
0x13f: {  	[tilespmem:s12+$0xFFFFFFD0] =	vst v2;
	v8 =	vmul.f32 v9, v3;
	v3 =	vld [tilespmem:s12+$0x40]  }
0x140: {  	[tilespmem:s12+$0xFFFFFFE0] =	vst v7;
	v7 =	vmul.f32 v10, v0;
	v2 =	vld [tilespmem:s12+$0x50]  }
0x141: {  	[tilespmem:s12+$0xFFFFFFF0] =	vst v8;
	v6 =	vmul.f32 v6, v0;
	v8 =	vld [tilespmem:s12+$0x80]  }
0x142: {  	v9 =	vld [tilespmem:s12+$0x60];
	[tilespmem:s12+$0x0] =	vst v7;
	v5 =	vmul.f32 v5, v0  }
0x143: {  	v7 =	vld [tilespmem:s12+$0x90];
	[tilespmem:s12+$0x10] =	vst v6;
	v4 =	vmul.f32 v4, v0  }
0x144: {  	v6 =	vld [tilespmem:s12+$0xA0];
	[tilespmem:s12+$0x20] =	vst v5;
	v3 =	vmul.f32 v3, v0  }
0x145: {  	v5 =	vld [tilespmem:s12+$0xB0];
	[tilespmem:s12+$0x30] =	vst v4;
	v2 =	vmul.f32 v2, v0  }
0x146: {  	v4 =	vld [tilespmem:s12+$0xC0];
	[tilespmem:s12+$0x40] =	vst v3;
	v3 =	vmul.f32 v8, v1  }
0x147: {  	v8 =	vld [tilespmem:s12+$0xD0];
	v0 =	vmul.f32 v9, v0;
	[tilespmem:s12+$0x50] =	vst v2  }
0x148: {  	v2 =	vld [tilespmem:s12+$0xE0];
	v7 =	vmul.f32 v7, v1;
	[tilespmem:s12+$0x80] =	vst v3  }
0x149: {  	[tilespmem:s12+$0x60] =	vst v0;
	v0 =	vmul.f32 v6, v1;
	v3 =	vld [tilespmem:s12+$0xF0]  }
0x14a: {  	[tilespmem:s12+$0x90] =	vst v7;
	v5 =	vmul.f32 v5, v1  }
0x14b: {  	[tilespmem:s12+$0xA0] =	vst v0;
	v0 =	vmul.f32 v4, v1  }
0x14c: {  	[tilespmem:s12+$0xB0] =	vst v5;
	v4 =	vmul.f32 v8, v1  }
0x14d: {  	[tilespmem:s9+$0xC0] =	vst v0;
	v0 =	vmul.f32 v2, v1  }
0x14e: {  	[tilespmem:s9+$0xD0] =	vst v4;
	v1 =	vmul.f32 v3, v1  }
0x14f: {  	[tilespmem:s9+$0xE0] =	vst v0  }
0x150: {  	s1 =	simm.s32 $0x500;
	s4 =	simm.s32 $0xF0;
	[tilespmem:s9+$0xF0] =	vst v1;
	s9 =	simm.s32 $0xF2  }
0x151: {  	v0 =	vmov s4;
	[spmem:s2] =	stream.indirect.scatter.add.f32 [tilespmem:s23], [sflag:$0x7], $0x80, s1, s18, $0xb8;
	[tilespmem:$0x1EA80] =	vst v63  }
0x152: {  	v0 =	vand.u32 $0xFFFFFFFC, v0;
	v1 =	vmov s9;
	_ =	swait.ge [sflag:s8], $0x2800  }
0x153: {  	v0 =	vbroadcast v0, $0x0;
	v1 =	vand.u32 $0xFFFFFFFE, v1;
	[sflag:s8] =	ssyncset.done $0x0  }
0x154: {  	s12 =	simm.s32 $0x280;
	v1 =	vbroadcast v1, $0x0;
	[sflag:s8] =	ssyncadd.s32 $0xFFFFD800  }
0x155: {  	[tilespmem:s21], [sflag:$0x2] =	stream.indirect.gather [hbm4b:s5+s18], $0x80, s12, s18, $0xb8;
	[tilespmem:$0x1EA80] =	vst v63  }
0x156: {  	_ =	swait.ge [sflag:s13], $0x2800  }
0x157: {  	[sflag:s13] =	ssyncset.done $0x0  }
0x158: {  	[sflag:s13] =	ssyncadd.s32 $0xFFFFD800  }
0x159: {  	v2 =	vld.idx.msk [tilespmem:v0+s17+$0x0], $0xffff  }
0x15a: {  	s22 =	simm.s32 $0xF1;
	s12 =	simm.s32 $0x8380;
	v0 =	vld.idx.msk [tilespmem:v1+s17+$0x0], $0xffff  }
0x15b: {  	v1 =	vmov s22;
	v3 =	vld [tilespmem:s12+$0x70]  }
0x15c: {  	v4 =	vld [tilespmem:s12+$0xFFFFFF00];
	v1 =	vand.u32 $0xFFFFFFFD, v1  }
0x15d: {  	v5 =	vld [tilespmem:s12+$0xFFFFFF10];
	v1 =	vbroadcast v1, $0x0  }
0x15e: {  	v6 =	vld [tilespmem:s12+$0xFFFFFF20]  }
0x15f: {  	v7 =	vld [tilespmem:s12+$0xFFFFFF30]  }
0x160: {  	v8 =	vld [tilespmem:s12+$0xFFFFFF40]  }
0x161: {  	v9 =	vld [tilespmem:s12+$0xFFFFFF50]  }
0x162: {  	v10 =	vld [tilespmem:s12+$0xFFFFFF60];
	v4 =	vmul.f32 v4, v2  }
0x163: {  	v11 =	vld.idx.msk [tilespmem:v1+s17+$0x0], $0xffff;
	v1 =	vmul.f32 v3, v0  }
0x164: {  	[tilespmem:s12+$0xFFFFFF00] =	vst v4;
	v4 =	vld [tilespmem:s12+$0xFFFFFF70];
	v3 =	vmul.f32 v5, v2  }
0x165: {  	v5 =	vld [tilespmem:s12+$0xFFFFFF80];
	[tilespmem:s12+$0x70] =	vst v1;
	v1 =	vmul.f32 v6, v2  }
0x166: {  	s25 =	simm.s32 $0xF3;
	[tilespmem:s12+$0xFFFFFF10] =	vst v3;
	v3 =	vmul.f32 v7, v2;
	v6 =	vld [tilespmem:s12+$0xFFFFFF90]  }
0x167: {  	v7 =	vmov s25;
	[tilespmem:s12+$0xFFFFFF20] =	vst v1;
	v1 =	vmul.f32 v8, v2;
	v8 =	vld [tilespmem:s12+$0xFFFFFFA0]  }
0x168: {  	[tilespmem:s12+$0xFFFFFF30] =	vst v3;
	v3 =	vmul.f32 v9, v2;
	v9 =	vld [tilespmem:s12+$0xFFFFFFB0]  }
0x169: {  	[tilespmem:s12+$0xFFFFFF40] =	vst v1;
	v1 =	vmul.f32 v10, v2;
	v10 =	vld [tilespmem:s12+$0xFFFFFFC0]  }
0x16a: {  	[tilespmem:s12+$0xFFFFFF50] =	vst v3;
	v3 =	vmul.f32 v5, v11;
	v5 =	vld [tilespmem:s12+$0xFFFFFFD0]  }
0x16b: {  	v2 =	vmul.f32 v4, v2;
	v4 =	vld [tilespmem:s12+$0xFFFFFFE0];
	[tilespmem:s12+$0xFFFFFF60] =	vst v1  }
0x16c: {  	v6 =	vmul.f32 v6, v11;
	v1 =	vld.idx.msk [tilespmem:v7+s17+$0x0], $0xffff;
	[tilespmem:s12+$0xFFFFFF80] =	vst v3  }
0x16d: {  	[tilespmem:s12+$0xFFFFFF70] =	vst v2;
	v7 =	vld [tilespmem:s12+$0xFFFFFFF0];
	v2 =	vmul.f32 v8, v11  }
0x16e: {  	[tilespmem:s12+$0xFFFFFF90] =	vst v6;
	v3 =	vmul.f32 v9, v11;
	v9 =	vld [tilespmem:s12+$0x0]  }
0x16f: {  	v6 =	vld [tilespmem:s12+$0x10];
	[tilespmem:s12+$0xFFFFFFA0] =	vst v2;
	v2 =	vmul.f32 v10, v11  }
0x170: {  	[tilespmem:s12+$0xFFFFFFB0] =	vst v3;
	v3 =	vmul.f32 v5, v11;
	v5 =	vld [tilespmem:s12+$0x20]  }
0x171: {  	[tilespmem:s12+$0xFFFFFFC0] =	vst v2;
	v2 =	vmul.f32 v4, v11;
	v4 =	vld [tilespmem:s12+$0x30]  }
0x172: {  	[tilespmem:s12+$0xFFFFFFD0] =	vst v3;
	v3 =	vld [tilespmem:s12+$0x40];
	v8 =	vmul.f32 v7, v11  }
0x173: {  	s4 =	simm.s32 $0x0;
	s9 =	simm.s32 $0x8380;
	v7 =	vmul.f32 v9, v0;
	[tilespmem:s12+$0xFFFFFFE0] =	vst v2;
	v2 =	vld [tilespmem:s12+$0x50]  }
.LBB2_9:
0x174: {  	s1 =	sadd.s32 $0xF7, s4;
	[tilespmem:s12+$0xFFFFFFF0] =	vst v8;
	v6 =	vmul.f32 v6, v0;
	v8 =	vld [tilespmem:s12+$0x60]  }
0x175: {  	s22 =	sadd.s32 $0xF4, s4;
	s25 =	sadd.s32 $0xF5, s4;
	v9 =	vmov s1;
	[tilespmem:s12+$0x0] =	vst v7;
	v5 =	vmul.f32 v5, v0;
	v7 =	vld [tilespmem:s12+$0x80]  }
0x176: {  	v10 =	vmov s22;
	v11 =	vmov s25;
	[tilespmem:s12+$0x10] =	vst v6;
	v4 =	vmul.f32 v4, v0;
	v6 =	vld [tilespmem:s12+$0x90]  }
0x177: {  	s1 =	sadd.s32 $0xF6, s4;
	s4 =	sadd.s32 $0x4, s4;
	v10 =	vand.u32 $0xFFFFFFFC, v10;
	v11 =	vand.u32 $0xFFFFFFFD, v11;
	[tilespmem:s12+$0x20] =	vst v5;
	v3 =	vmul.f32 v3, v0;
	v5 =	vld [tilespmem:s12+$0xA0]  }
0x178: {  	v12 =	vmov s1;
	p0 =	slt.u32 s4, $0x4C;
	v10 =	vbroadcast v10, $0x0;
	[tilespmem:s12+$0x30] =	vst v4;
	v2 =	vmul.f32 v2, v0;
	v4 =	vld [tilespmem:s12+$0xB0]  }
0x179: {  	v11 =	vbroadcast v11, $0x0;
	v12 =	vand.u32 $0xFFFFFFFE, v12;
	[tilespmem:s12+$0x40] =	vst v3;
	v0 =	vmul.f32 v8, v0;
	v3 =	vld [tilespmem:s12+$0xC0]  }
0x17a: {  	v8 =	vbroadcast v12, $0x0;
	[tilespmem:s12+$0x50] =	vst v2;
	v2 =	vmul.f32 v7, v1;
	v7 =	vld [tilespmem:s12+$0xD0]  }
0x17b: {  	[tilespmem:s12+$0x60] =	vst v0;
	v0 =	vmul.f32 v6, v1;
	v6 =	vld [tilespmem:s12+$0xE0]  }
0x17c: {  	[tilespmem:s12+$0x80] =	vst v2;
	v2 =	vmul.f32 v5, v1;
	v5 =	vld [tilespmem:s12+$0xF0]  }
0x17d: {  	v9 =	vld.idx.msk [tilespmem:v9+s17+$0x0], $0xffff;
	[tilespmem:s12+$0x90] =	vst v0;
	v0 =	vmul.f32 v4, v1  }
0x17e: {  	v4 =	vld.idx.msk [tilespmem:v10+s17+$0x0], $0xffff;
	[tilespmem:s12+$0xA0] =	vst v2;
	v2 =	vmul.f32 v3, v1  }
0x17f: {  	v3 =	vld.idx.msk [tilespmem:v11+s17+$0x0], $0xffff;
	[tilespmem:s12+$0xB0] =	vst v0;
	v7 =	vmul.f32 v7, v1  }
0x180: {  	s12 =	sadd.s32 $0x200, s12;
	v0 =	vld.idx.msk [tilespmem:v8+s17+$0x0], $0xffff;
	[tilespmem:s9+$0xC0] =	vst v2;
	v2 =	vmul.f32 v6, v1  }
0x181: {  	v6 =	vld [tilespmem:s12+$0x70];
	[tilespmem:s9+$0xD0] =	vst v7;
	v7 =	vmul.f32 v5, v1  }
0x182: {  	v5 =	vld [tilespmem:s12+$0xFFFFFF00];
	[tilespmem:s9+$0xE0] =	vst v2  }
0x183: {  	v1 =	vmov v9;
	v2 =	vld [tilespmem:s12+$0xFFFFFF10];
	[tilespmem:s9+$0xF0] =	vst v7;
	s9 =	smov.u32 s12  }
0x184: {  	v7 =	vld [tilespmem:s12+$0xFFFFFF20]  }
0x185: {  	v8 =	vld [tilespmem:s12+$0xFFFFFF30]  }
0x186: {  	v9 =	vld [tilespmem:s12+$0xFFFFFF40];
	v6 =	vmul.f32 v6, v0  }
0x187: {  	v5 =	vmul.f32 v5, v4;
	v10 =	vld [tilespmem:s12+$0xFFFFFF50]  }
0x188: {  	v2 =	vmul.f32 v2, v4;
	v11 =	vld [tilespmem:s12+$0xFFFFFF60];
	[tilespmem:s12+$0x70] =	vst v6  }
0x189: {  	[tilespmem:s12+$0xFFFFFF00] =	vst v5;
	v5 =	vmul.f32 v7, v4;
	v6 =	vld [tilespmem:s12+$0xFFFFFF70]  }
0x18a: {  	[tilespmem:s12+$0xFFFFFF10] =	vst v2;
	v2 =	vmul.f32 v8, v4;
	v7 =	vld [tilespmem:s12+$0xFFFFFF80]  }
0x18b: {  	[tilespmem:s12+$0xFFFFFF20] =	vst v5;
	v5 =	vmul.f32 v9, v4;
	v8 =	vld [tilespmem:s12+$0xFFFFFF90]  }
0x18c: {  	[tilespmem:s12+$0xFFFFFF30] =	vst v2;
	v2 =	vmul.f32 v10, v4;
	v9 =	vld [tilespmem:s12+$0xFFFFFFA0]  }
0x18d: {  	[tilespmem:s12+$0xFFFFFF40] =	vst v5;
	v5 =	vmul.f32 v11, v4;
	v10 =	vld [tilespmem:s12+$0xFFFFFFB0]  }
0x18e: {  	[tilespmem:s12+$0xFFFFFF50] =	vst v2;
	v2 =	vmul.f32 v6, v4;
	v4 =	vld [tilespmem:s12+$0xFFFFFFC0]  }
0x18f: {  	[tilespmem:s12+$0xFFFFFF60] =	vst v5;
	v5 =	vmul.f32 v7, v3;
	v7 =	vld [tilespmem:s12+$0xFFFFFFD0]  }
0x190: {  	[tilespmem:s12+$0xFFFFFF70] =	vst v2;
	v2 =	vmul.f32 v8, v3;
	v8 =	vld [tilespmem:s12+$0xFFFFFFE0]  }
0x191: {  	[tilespmem:s12+$0xFFFFFF80] =	vst v5;
	v5 =	vmul.f32 v9, v3;
	v9 =	vld [tilespmem:s12+$0xFFFFFFF0]  }
0x192: {  	[tilespmem:s12+$0xFFFFFF90] =	vst v2;
	v2 =	vmul.f32 v10, v3;
	v10 =	vld [tilespmem:s12+$0x0]  }
.Ltmp3:
0x193: {  	[tilespmem:s12+$0xFFFFFFA0] =	vst v5;
	v4 =	vmul.f32 v4, v3;
	v6 =	vld [tilespmem:s12+$0x10];
	(pc) =	sbr.rel @p0 .LBB2_9-.Ltmp3, $4  }
0x194: {  	[tilespmem:s12+$0xFFFFFFB0] =	vst v2;
	v2 =	vmul.f32 v7, v3;
	v5 =	vld [tilespmem:s12+$0x20]  }
0x195: {  	[tilespmem:s12+$0xFFFFFFC0] =	vst v4;
	v7 =	vmul.f32 v8, v3;
	v4 =	vld [tilespmem:s12+$0x30]  }
0x196: {  	[tilespmem:s12+$0xFFFFFFD0] =	vst v2;
	v8 =	vmul.f32 v9, v3;
	v3 =	vld [tilespmem:s12+$0x40]  }
0x197: {  	[tilespmem:s12+$0xFFFFFFE0] =	vst v7;
	v7 =	vmul.f32 v10, v0;
	v2 =	vld [tilespmem:s12+$0x50]  }
0x198: {  	[tilespmem:s12+$0xFFFFFFF0] =	vst v8;
	v6 =	vmul.f32 v6, v0;
	v8 =	vld [tilespmem:s12+$0x80]  }
0x199: {  	v9 =	vld [tilespmem:s12+$0x60];
	[tilespmem:s12+$0x0] =	vst v7;
	v5 =	vmul.f32 v5, v0  }
0x19a: {  	v7 =	vld [tilespmem:s12+$0x90];
	[tilespmem:s12+$0x10] =	vst v6;
	v4 =	vmul.f32 v4, v0  }
0x19b: {  	v6 =	vld [tilespmem:s12+$0xA0];
	[tilespmem:s12+$0x20] =	vst v5;
	v3 =	vmul.f32 v3, v0  }
0x19c: {  	v5 =	vld [tilespmem:s12+$0xB0];
	[tilespmem:s12+$0x30] =	vst v4;
	v2 =	vmul.f32 v2, v0  }
0x19d: {  	v4 =	vld [tilespmem:s12+$0xC0];
	[tilespmem:s12+$0x40] =	vst v3;
	v3 =	vmul.f32 v8, v1  }
0x19e: {  	v8 =	vld [tilespmem:s12+$0xD0];
	v0 =	vmul.f32 v9, v0;
	[tilespmem:s12+$0x50] =	vst v2  }
0x19f: {  	v2 =	vld [tilespmem:s12+$0xE0];
	v7 =	vmul.f32 v7, v1;
	[tilespmem:s12+$0x80] =	vst v3  }
0x1a0: {  	[tilespmem:s12+$0x60] =	vst v0;
	v0 =	vmul.f32 v6, v1;
	v3 =	vld [tilespmem:s12+$0xF0]  }
0x1a1: {  	[tilespmem:s12+$0x90] =	vst v7;
	v5 =	vmul.f32 v5, v1  }
0x1a2: {  	[tilespmem:s12+$0xA0] =	vst v0;
	v0 =	vmul.f32 v4, v1  }
0x1a3: {  	[tilespmem:s12+$0xB0] =	vst v5;
	v4 =	vmul.f32 v8, v1  }
0x1a4: {  	[tilespmem:s9+$0xC0] =	vst v0;
	v0 =	vmul.f32 v2, v1  }
0x1a5: {  	[tilespmem:s9+$0xD0] =	vst v4;
	v1 =	vmul.f32 v3, v1  }
0x1a6: {  	[tilespmem:s9+$0xE0] =	vst v0  }
0x1a7: {  	s1 =	simm.s32 $0x580;
	s4 =	simm.s32 $0x140;
	[tilespmem:s9+$0xF0] =	vst v1;
	s9 =	simm.s32 $0x142  }
0x1a8: {  	v0 =	vmov s4;
	[spmem:s2] =	stream.indirect.scatter.add.f32 [tilespmem:s26], [sflag:$0x8], $0x80, s1, s18, $0xb8;
	[tilespmem:$0x1EA80] =	vst v63  }
0x1a9: {  	v0 =	vand.u32 $0xFFFFFFFC, v0;
	v1 =	vmov s9;
	_ =	swait.ge [sflag:s14], $0x2800  }
0x1aa: {  	v0 =	vbroadcast v0, $0x0;
	v1 =	vand.u32 $0xFFFFFFFE, v1;
	[sflag:s14] =	ssyncset.done $0x0  }
0x1ab: {  	s12 =	simm.s32 $0x300;
	v1 =	vbroadcast v1, $0x0;
	[sflag:s14] =	ssyncadd.s32 $0xFFFFD800  }
0x1ac: {  	[tilespmem:s23], [sflag:$0x3] =	stream.indirect.gather [hbm4b:s5+s18], $0x80, s12, s18, $0xb8;
	[tilespmem:$0x1EA80] =	vst v63  }
0x1ad: {  	_ =	swait.ge [sflag:s24], $0x2800  }
0x1ae: {  	[sflag:s24] =	ssyncset.done $0x0  }
0x1af: {  	[sflag:s24] =	ssyncadd.s32 $0xFFFFD800  }
0x1b0: {  	v2 =	vld.idx.msk [tilespmem:v0+s17+$0x0], $0xffff  }
0x1b1: {  	s22 =	simm.s32 $0x141;
	s12 =	simm.s32 $0xB80;
	v0 =	vld.idx.msk [tilespmem:v1+s17+$0x0], $0xffff  }
0x1b2: {  	v1 =	vmov s22;
	v3 =	vld [tilespmem:s12+$0x70]  }
0x1b3: {  	v4 =	vld [tilespmem:s12+$0xFFFFFF00];
	v1 =	vand.u32 $0xFFFFFFFD, v1  }
0x1b4: {  	v5 =	vld [tilespmem:s12+$0xFFFFFF10];
	v1 =	vbroadcast v1, $0x0  }
0x1b5: {  	v6 =	vld [tilespmem:s12+$0xFFFFFF20]  }
0x1b6: {  	v7 =	vld [tilespmem:s12+$0xFFFFFF30]  }
0x1b7: {  	v8 =	vld [tilespmem:s12+$0xFFFFFF40]  }
0x1b8: {  	v9 =	vld [tilespmem:s12+$0xFFFFFF50]  }
0x1b9: {  	v10 =	vld [tilespmem:s12+$0xFFFFFF60];
	v4 =	vmul.f32 v4, v2  }
0x1ba: {  	v11 =	vld.idx.msk [tilespmem:v1+s17+$0x0], $0xffff;
	v1 =	vmul.f32 v3, v0  }
0x1bb: {  	[tilespmem:s12+$0xFFFFFF00] =	vst v4;
	v4 =	vld [tilespmem:s12+$0xFFFFFF70];
	v3 =	vmul.f32 v5, v2  }
0x1bc: {  	v5 =	vld [tilespmem:s12+$0xFFFFFF80];
	[tilespmem:s12+$0x70] =	vst v1;
	v1 =	vmul.f32 v6, v2  }
0x1bd: {  	s25 =	simm.s32 $0x143;
	[tilespmem:s12+$0xFFFFFF10] =	vst v3;
	v3 =	vmul.f32 v7, v2;
	v6 =	vld [tilespmem:s12+$0xFFFFFF90]  }
0x1be: {  	v7 =	vmov s25;
	[tilespmem:s12+$0xFFFFFF20] =	vst v1;
	v1 =	vmul.f32 v8, v2;
	v8 =	vld [tilespmem:s12+$0xFFFFFFA0]  }
0x1bf: {  	[tilespmem:s12+$0xFFFFFF30] =	vst v3;
	v3 =	vmul.f32 v9, v2;
	v9 =	vld [tilespmem:s12+$0xFFFFFFB0]  }
0x1c0: {  	[tilespmem:s12+$0xFFFFFF40] =	vst v1;
	v1 =	vmul.f32 v10, v2;
	v10 =	vld [tilespmem:s12+$0xFFFFFFC0]  }
0x1c1: {  	[tilespmem:s12+$0xFFFFFF50] =	vst v3;
	v3 =	vmul.f32 v5, v11;
	v5 =	vld [tilespmem:s12+$0xFFFFFFD0]  }
0x1c2: {  	v2 =	vmul.f32 v4, v2;
	v4 =	vld [tilespmem:s12+$0xFFFFFFE0];
	[tilespmem:s12+$0xFFFFFF60] =	vst v1  }
0x1c3: {  	v6 =	vmul.f32 v6, v11;
	v1 =	vld.idx.msk [tilespmem:v7+s17+$0x0], $0xffff;
	[tilespmem:s12+$0xFFFFFF80] =	vst v3  }
0x1c4: {  	[tilespmem:s12+$0xFFFFFF70] =	vst v2;
	v7 =	vld [tilespmem:s12+$0xFFFFFFF0];
	v2 =	vmul.f32 v8, v11  }
0x1c5: {  	[tilespmem:s12+$0xFFFFFF90] =	vst v6;
	v3 =	vmul.f32 v9, v11;
	v9 =	vld [tilespmem:s12+$0x0]  }
0x1c6: {  	v6 =	vld [tilespmem:s12+$0x10];
	[tilespmem:s12+$0xFFFFFFA0] =	vst v2;
	v2 =	vmul.f32 v10, v11  }
0x1c7: {  	[tilespmem:s12+$0xFFFFFFB0] =	vst v3;
	v3 =	vmul.f32 v5, v11;
	v5 =	vld [tilespmem:s12+$0x20]  }
0x1c8: {  	[tilespmem:s12+$0xFFFFFFC0] =	vst v2;
	v2 =	vmul.f32 v4, v11;
	v4 =	vld [tilespmem:s12+$0x30]  }
0x1c9: {  	[tilespmem:s12+$0xFFFFFFD0] =	vst v3;
	v3 =	vld [tilespmem:s12+$0x40];
	v8 =	vmul.f32 v7, v11  }
0x1ca: {  	s4 =	simm.s32 $0x0;
	s9 =	simm.s32 $0xB80;
	v7 =	vmul.f32 v9, v0;
	[tilespmem:s12+$0xFFFFFFE0] =	vst v2;
	v2 =	vld [tilespmem:s12+$0x50]  }
.LBB2_11:
0x1cb: {  	s1 =	sadd.s32 $0x147, s4;
	[tilespmem:s12+$0xFFFFFFF0] =	vst v8;
	v6 =	vmul.f32 v6, v0;
	v8 =	vld [tilespmem:s12+$0x60]  }
0x1cc: {  	s22 =	sadd.s32 $0x144, s4;
	s25 =	sadd.s32 $0x145, s4;
	v9 =	vmov s1;
	[tilespmem:s12+$0x0] =	vst v7;
	v5 =	vmul.f32 v5, v0;
	v7 =	vld [tilespmem:s12+$0x80]  }
0x1cd: {  	v10 =	vmov s22;
	v11 =	vmov s25;
	[tilespmem:s12+$0x10] =	vst v6;
	v4 =	vmul.f32 v4, v0;
	v6 =	vld [tilespmem:s12+$0x90]  }
0x1ce: {  	s1 =	sadd.s32 $0x146, s4;
	s4 =	sadd.s32 $0x4, s4;
	v10 =	vand.u32 $0xFFFFFFFC, v10;
	v11 =	vand.u32 $0xFFFFFFFD, v11;
	[tilespmem:s12+$0x20] =	vst v5;
	v3 =	vmul.f32 v3, v0;
	v5 =	vld [tilespmem:s12+$0xA0]  }
0x1cf: {  	v12 =	vmov s1;
	p0 =	slt.u32 s4, $0x4C;
	v10 =	vbroadcast v10, $0x0;
	[tilespmem:s12+$0x30] =	vst v4;
	v2 =	vmul.f32 v2, v0;
	v4 =	vld [tilespmem:s12+$0xB0]  }
0x1d0: {  	v11 =	vbroadcast v11, $0x0;
	v12 =	vand.u32 $0xFFFFFFFE, v12;
	[tilespmem:s12+$0x40] =	vst v3;
	v0 =	vmul.f32 v8, v0;
	v3 =	vld [tilespmem:s12+$0xC0]  }
0x1d1: {  	v8 =	vbroadcast v12, $0x0;
	[tilespmem:s12+$0x50] =	vst v2;
	v2 =	vmul.f32 v7, v1;
	v7 =	vld [tilespmem:s12+$0xD0]  }
0x1d2: {  	[tilespmem:s12+$0x60] =	vst v0;
	v0 =	vmul.f32 v6, v1;
	v6 =	vld [tilespmem:s12+$0xE0]  }
0x1d3: {  	[tilespmem:s12+$0x80] =	vst v2;
	v2 =	vmul.f32 v5, v1;
	v5 =	vld [tilespmem:s12+$0xF0]  }
0x1d4: {  	v9 =	vld.idx.msk [tilespmem:v9+s17+$0x0], $0xffff;
	[tilespmem:s12+$0x90] =	vst v0;
	v0 =	vmul.f32 v4, v1  }
0x1d5: {  	v4 =	vld.idx.msk [tilespmem:v10+s17+$0x0], $0xffff;
	[tilespmem:s12+$0xA0] =	vst v2;
	v2 =	vmul.f32 v3, v1  }
0x1d6: {  	v3 =	vld.idx.msk [tilespmem:v11+s17+$0x0], $0xffff;
	[tilespmem:s12+$0xB0] =	vst v0;
	v7 =	vmul.f32 v7, v1  }
0x1d7: {  	s12 =	sadd.s32 $0x200, s12;
	v0 =	vld.idx.msk [tilespmem:v8+s17+$0x0], $0xffff;
	[tilespmem:s9+$0xC0] =	vst v2;
	v2 =	vmul.f32 v6, v1  }
0x1d8: {  	v6 =	vld [tilespmem:s12+$0x70];
	[tilespmem:s9+$0xD0] =	vst v7;
	v7 =	vmul.f32 v5, v1  }
0x1d9: {  	v5 =	vld [tilespmem:s12+$0xFFFFFF00];
	[tilespmem:s9+$0xE0] =	vst v2  }
0x1da: {  	v1 =	vmov v9;
	v2 =	vld [tilespmem:s12+$0xFFFFFF10];
	[tilespmem:s9+$0xF0] =	vst v7;
	s9 =	smov.u32 s12  }
0x1db: {  	v7 =	vld [tilespmem:s12+$0xFFFFFF20]  }
0x1dc: {  	v8 =	vld [tilespmem:s12+$0xFFFFFF30]  }
0x1dd: {  	v9 =	vld [tilespmem:s12+$0xFFFFFF40];
	v6 =	vmul.f32 v6, v0  }
0x1de: {  	v5 =	vmul.f32 v5, v4;
	v10 =	vld [tilespmem:s12+$0xFFFFFF50]  }
0x1df: {  	v2 =	vmul.f32 v2, v4;
	v11 =	vld [tilespmem:s12+$0xFFFFFF60];
	[tilespmem:s12+$0x70] =	vst v6  }
0x1e0: {  	[tilespmem:s12+$0xFFFFFF00] =	vst v5;
	v5 =	vmul.f32 v7, v4;
	v6 =	vld [tilespmem:s12+$0xFFFFFF70]  }
0x1e1: {  	[tilespmem:s12+$0xFFFFFF10] =	vst v2;
	v2 =	vmul.f32 v8, v4;
	v7 =	vld [tilespmem:s12+$0xFFFFFF80]  }
0x1e2: {  	[tilespmem:s12+$0xFFFFFF20] =	vst v5;
	v5 =	vmul.f32 v9, v4;
	v8 =	vld [tilespmem:s12+$0xFFFFFF90]  }
0x1e3: {  	[tilespmem:s12+$0xFFFFFF30] =	vst v2;
	v2 =	vmul.f32 v10, v4;
	v9 =	vld [tilespmem:s12+$0xFFFFFFA0]  }
0x1e4: {  	[tilespmem:s12+$0xFFFFFF40] =	vst v5;
	v5 =	vmul.f32 v11, v4;
	v10 =	vld [tilespmem:s12+$0xFFFFFFB0]  }
0x1e5: {  	[tilespmem:s12+$0xFFFFFF50] =	vst v2;
	v2 =	vmul.f32 v6, v4;
	v4 =	vld [tilespmem:s12+$0xFFFFFFC0]  }
0x1e6: {  	[tilespmem:s12+$0xFFFFFF60] =	vst v5;
	v5 =	vmul.f32 v7, v3;
	v7 =	vld [tilespmem:s12+$0xFFFFFFD0]  }
0x1e7: {  	[tilespmem:s12+$0xFFFFFF70] =	vst v2;
	v2 =	vmul.f32 v8, v3;
	v8 =	vld [tilespmem:s12+$0xFFFFFFE0]  }
0x1e8: {  	[tilespmem:s12+$0xFFFFFF80] =	vst v5;
	v5 =	vmul.f32 v9, v3;
	v9 =	vld [tilespmem:s12+$0xFFFFFFF0]  }
0x1e9: {  	[tilespmem:s12+$0xFFFFFF90] =	vst v2;
	v2 =	vmul.f32 v10, v3;
	v10 =	vld [tilespmem:s12+$0x0]  }
.Ltmp4:
0x1ea: {  	[tilespmem:s12+$0xFFFFFFA0] =	vst v5;
	v4 =	vmul.f32 v4, v3;
	v6 =	vld [tilespmem:s12+$0x10];
	(pc) =	sbr.rel @p0 .LBB2_11-.Ltmp4, $4  }
0x1eb: {  	[tilespmem:s12+$0xFFFFFFB0] =	vst v2;
	v2 =	vmul.f32 v7, v3;
	v5 =	vld [tilespmem:s12+$0x20]  }
0x1ec: {  	[tilespmem:s12+$0xFFFFFFC0] =	vst v4;
	v7 =	vmul.f32 v8, v3;
	v4 =	vld [tilespmem:s12+$0x30]  }
0x1ed: {  	[tilespmem:s12+$0xFFFFFFD0] =	vst v2;
	v8 =	vmul.f32 v9, v3;
	v3 =	vld [tilespmem:s12+$0x40]  }
0x1ee: {  	[tilespmem:s12+$0xFFFFFFE0] =	vst v7;
	v7 =	vmul.f32 v10, v0;
	v2 =	vld [tilespmem:s12+$0x50]  }
0x1ef: {  	[tilespmem:s12+$0xFFFFFFF0] =	vst v8;
	v6 =	vmul.f32 v6, v0;
	v8 =	vld [tilespmem:s12+$0x80]  }
0x1f0: {  	v9 =	vld [tilespmem:s12+$0x60];
	[tilespmem:s12+$0x0] =	vst v7;
	v5 =	vmul.f32 v5, v0  }
0x1f1: {  	v7 =	vld [tilespmem:s12+$0x90];
	[tilespmem:s12+$0x10] =	vst v6;
	v4 =	vmul.f32 v4, v0  }
0x1f2: {  	v6 =	vld [tilespmem:s12+$0xA0];
	[tilespmem:s12+$0x20] =	vst v5;
	v3 =	vmul.f32 v3, v0  }
0x1f3: {  	v5 =	vld [tilespmem:s12+$0xB0];
	[tilespmem:s12+$0x30] =	vst v4;
	v2 =	vmul.f32 v2, v0  }
0x1f4: {  	v4 =	vld [tilespmem:s12+$0xC0];
	[tilespmem:s12+$0x40] =	vst v3;
	v3 =	vmul.f32 v8, v1  }
0x1f5: {  	v8 =	vld [tilespmem:s12+$0xD0];
	v0 =	vmul.f32 v9, v0;
	[tilespmem:s12+$0x50] =	vst v2  }
0x1f6: {  	v2 =	vld [tilespmem:s12+$0xE0];
	v7 =	vmul.f32 v7, v1;
	[tilespmem:s12+$0x80] =	vst v3  }
0x1f7: {  	[tilespmem:s12+$0x60] =	vst v0;
	v0 =	vmul.f32 v6, v1;
	v3 =	vld [tilespmem:s12+$0xF0]  }
0x1f8: {  	[tilespmem:s12+$0x90] =	vst v7;
	v5 =	vmul.f32 v5, v1  }
0x1f9: {  	[tilespmem:s12+$0xA0] =	vst v0;
	v0 =	vmul.f32 v4, v1  }
0x1fa: {  	[tilespmem:s12+$0xB0] =	vst v5;
	v4 =	vmul.f32 v8, v1  }
0x1fb: {  	[tilespmem:s9+$0xC0] =	vst v0;
	v0 =	vmul.f32 v2, v1  }
0x1fc: {  	[tilespmem:s9+$0xD0] =	vst v4;
	v1 =	vmul.f32 v3, v1  }
0x1fd: {  	[tilespmem:s9+$0xE0] =	vst v0  }
0x1fe: {  	s1 =	simm.s32 $0x600;
	s4 =	simm.s32 $0x190;
	[tilespmem:s9+$0xF0] =	vst v1;
	s9 =	simm.s32 $0x192  }
0x1ff: {  	v0 =	vmov s4;
	[spmem:s2] =	stream.indirect.scatter.add.f32 [tilespmem:s19], [sflag:$0x5], $0x80, s1, s18, $0xb8;
	[tilespmem:$0x1EA80] =	vst v63  }
0x200: {  	v0 =	vand.u32 $0xFFFFFFFC, v0;
	v1 =	vmov s9;
	_ =	swait.ge [sflag:s20], $0x2800  }
0x201: {  	v0 =	vbroadcast v0, $0x0;
	v1 =	vand.u32 $0xFFFFFFFE, v1;
	[sflag:s20] =	ssyncset.done $0x0  }
0x202: {  	s12 =	simm.s32 $0x380;
	v1 =	vbroadcast v1, $0x0;
	[sflag:s20] =	ssyncadd.s32 $0xFFFFD800  }
0x203: {  	[tilespmem:s26], [sflag:$0x4] =	stream.indirect.gather [hbm4b:s5+s18], $0x80, s12, s18, $0xb8;
	[tilespmem:$0x1EA80] =	vst v63  }
0x204: {  	_ =	swait.ge [sflag:s28], $0x2800  }
0x205: {  	[sflag:s28] =	ssyncset.done $0x0  }
0x206: {  	[sflag:s28] =	ssyncadd.s32 $0xFFFFD800  }
0x207: {  	v0 =	vld.idx.msk [tilespmem:v0+s17+$0x0], $0xffff  }
0x208: {  	s22 =	simm.s32 $0x191;
	s12 =	simm.s32 $0x3380;
	v1 =	vld.idx.msk [tilespmem:v1+s17+$0x0], $0xffff  }
0x209: {  	v2 =	vmov s22;
	v3 =	vld [tilespmem:s12+$0x70]  }
0x20a: {  	v2 =	vand.u32 $0xFFFFFFFD, v2;
	v4 =	vld [tilespmem:s12+$0xFFFFFF00]  }
0x20b: {  	v2 =	vbroadcast v2, $0x0;
	v5 =	vld [tilespmem:s12+$0xFFFFFF10]  }
0x20c: {  	v6 =	vld [tilespmem:s12+$0xFFFFFF20]  }
0x20d: {  	v7 =	vld [tilespmem:s12+$0xFFFFFF30]  }
0x20e: {  	v8 =	vld [tilespmem:s12+$0xFFFFFF40]  }
0x20f: {  	v9 =	vld [tilespmem:s12+$0xFFFFFF50]  }
0x210: {  	v10 =	vld [tilespmem:s12+$0xFFFFFF60];
	v4 =	vmul.f32 v4, v0  }
0x211: {  	v2 =	vld.idx.msk [tilespmem:v2+s17+$0x0], $0xffff;
	v3 =	vmul.f32 v3, v1  }
0x212: {  	v12 =	vld [tilespmem:s12+$0xFFFFFFD0];
	[tilespmem:s12+$0xFFFFFF00] =	vst v4;
	v4 =	vmul.f32 v5, v0  }
0x213: {  	s25 =	simm.s32 $0x193;
	v5 =	vld [tilespmem:s12+$0xFFFFFF70];
	[tilespmem:s12+$0x70] =	vst v3;
	v3 =	vmul.f32 v6, v0  }
0x214: {  	v11 =	vmov s25;
	v6 =	vld [tilespmem:s12+$0xFFFFFF80];
	[tilespmem:s12+$0xFFFFFF10] =	vst v4;
	v4 =	vmul.f32 v7, v0  }
0x215: {  	v7 =	vld [tilespmem:s12+$0xFFFFFF90];
	[tilespmem:s12+$0xFFFFFF20] =	vst v3;
	v3 =	vmul.f32 v8, v0  }
0x216: {  	v8 =	vld [tilespmem:s12+$0xFFFFFFA0];
	[tilespmem:s12+$0xFFFFFF30] =	vst v4;
	v4 =	vmul.f32 v9, v0  }
0x217: {  	v9 =	vld [tilespmem:s12+$0xFFFFFFB0];
	[tilespmem:s12+$0xFFFFFF40] =	vst v3;
	v3 =	vmul.f32 v10, v0  }
0x218: {  	v10 =	vld [tilespmem:s12+$0xFFFFFFC0];
	v5 =	vmul.f32 v5, v0;
	[tilespmem:s12+$0xFFFFFF50] =	vst v4  }
0x219: {  	v0 =	vld.idx.msk [tilespmem:v11+s17+$0x0], $0xffff;
	v4 =	vmul.f32 v6, v2;
	[tilespmem:s12+$0xFFFFFF60] =	vst v3  }
0x21a: {  	v3 =	vld [tilespmem:s12+$0xFFFFFFE0];
	v6 =	vmul.f32 v7, v2;
	[tilespmem:s12+$0xFFFFFF70] =	vst v5  }
0x21b: {  	v7 =	vld [tilespmem:s12+$0xFFFFFFF0];
	[tilespmem:s12+$0xFFFFFF80] =	vst v4;
	v4 =	vmul.f32 v8, v2  }
0x21c: {  	[tilespmem:s12+$0xFFFFFF90] =	vst v6;
	v5 =	vmul.f32 v9, v2;
	v9 =	vld [tilespmem:s12+$0x0]  }
0x21d: {  	v6 =	vld [tilespmem:s12+$0x10];
	[tilespmem:s12+$0xFFFFFFA0] =	vst v4;
	v4 =	vmul.f32 v10, v2  }
0x21e: {  	v8 =	vmul.f32 v12, v2;
	[tilespmem:s12+$0xFFFFFFB0] =	vst v5;
	v5 =	vld [tilespmem:s12+$0x20]  }
0x21f: {  	v10 =	vmul.f32 v3, v2;
	[tilespmem:s12+$0xFFFFFFC0] =	vst v4;
	v4 =	vld [tilespmem:s12+$0x30]  }
0x220: {  	[tilespmem:s12+$0xFFFFFFD0] =	vst v8;
	v3 =	vld [tilespmem:s12+$0x40];
	v8 =	vmul.f32 v7, v2  }
0x221: {  	s4 =	simm.s32 $0x0;
	s9 =	simm.s32 $0x3380;
	v2 =	vld [tilespmem:s12+$0x50];
	[tilespmem:s12+$0xFFFFFFE0] =	vst v10;
	v7 =	vmul.f32 v9, v1  }
.LBB2_13:
0x222: {  	s1 =	sadd.s32 $0x197, s4;
	[tilespmem:s12+$0xFFFFFFF0] =	vst v8;
	v6 =	vmul.f32 v6, v1;
	v8 =	vld [tilespmem:s12+$0x60]  }
0x223: {  	s22 =	sadd.s32 $0x194, s4;
	s25 =	sadd.s32 $0x195, s4;
	v9 =	vmov s1;
	[tilespmem:s12+$0x0] =	vst v7;
	v5 =	vmul.f32 v5, v1;
	v7 =	vld [tilespmem:s12+$0x80]  }
0x224: {  	v10 =	vmov s22;
	v11 =	vmov s25;
	[tilespmem:s12+$0x10] =	vst v6;
	v4 =	vmul.f32 v4, v1;
	v6 =	vld [tilespmem:s12+$0x90]  }
0x225: {  	s1 =	sadd.s32 $0x196, s4;
	s4 =	sadd.s32 $0x4, s4;
	v10 =	vand.u32 $0xFFFFFFFC, v10;
	v11 =	vand.u32 $0xFFFFFFFD, v11;
	[tilespmem:s12+$0x20] =	vst v5;
	v3 =	vmul.f32 v3, v1;
	v5 =	vld [tilespmem:s12+$0xA0]  }
0x226: {  	v12 =	vmov s1;
	p0 =	slt.u32 s4, $0x4C;
	v10 =	vbroadcast v10, $0x0;
	[tilespmem:s12+$0x30] =	vst v4;
	v2 =	vmul.f32 v2, v1;
	v4 =	vld [tilespmem:s12+$0xB0]  }
0x227: {  	v11 =	vbroadcast v11, $0x0;
	v12 =	vand.u32 $0xFFFFFFFE, v12;
	[tilespmem:s12+$0x40] =	vst v3;
	v1 =	vmul.f32 v8, v1;
	v3 =	vld [tilespmem:s12+$0xC0]  }
0x228: {  	v8 =	vbroadcast v12, $0x0;
	[tilespmem:s12+$0x50] =	vst v2;
	v2 =	vmul.f32 v7, v0;
	v7 =	vld [tilespmem:s12+$0xD0]  }
0x229: {  	[tilespmem:s12+$0x60] =	vst v1;
	v1 =	vmul.f32 v6, v0;
	v6 =	vld [tilespmem:s12+$0xE0]  }
0x22a: {  	[tilespmem:s12+$0x80] =	vst v2;
	v2 =	vmul.f32 v5, v0;
	v5 =	vld [tilespmem:s12+$0xF0]  }
0x22b: {  	v9 =	vld.idx.msk [tilespmem:v9+s17+$0x0], $0xffff;
	[tilespmem:s12+$0x90] =	vst v1;
	v1 =	vmul.f32 v4, v0  }
0x22c: {  	v4 =	vld.idx.msk [tilespmem:v10+s17+$0x0], $0xffff;
	[tilespmem:s12+$0xA0] =	vst v2;
	v2 =	vmul.f32 v3, v0  }
0x22d: {  	v3 =	vld.idx.msk [tilespmem:v11+s17+$0x0], $0xffff;
	[tilespmem:s12+$0xB0] =	vst v1;
	v7 =	vmul.f32 v7, v0  }
0x22e: {  	s12 =	sadd.s32 $0x200, s12;
	v1 =	vld.idx.msk [tilespmem:v8+s17+$0x0], $0xffff;
	[tilespmem:s9+$0xC0] =	vst v2;
	v2 =	vmul.f32 v6, v0  }
0x22f: {  	v6 =	vld [tilespmem:s12+$0x70];
	[tilespmem:s9+$0xD0] =	vst v7;
	v7 =	vmul.f32 v5, v0  }
0x230: {  	v5 =	vld [tilespmem:s12+$0xFFFFFF00];
	[tilespmem:s9+$0xE0] =	vst v2  }
0x231: {  	v0 =	vmov v9;
	v2 =	vld [tilespmem:s12+$0xFFFFFF10];
	[tilespmem:s9+$0xF0] =	vst v7;
	s9 =	smov.u32 s12  }
0x232: {  	v7 =	vld [tilespmem:s12+$0xFFFFFF20]  }
0x233: {  	v8 =	vld [tilespmem:s12+$0xFFFFFF30]  }
0x234: {  	v9 =	vld [tilespmem:s12+$0xFFFFFF40];
	v6 =	vmul.f32 v6, v1  }
0x235: {  	v5 =	vmul.f32 v5, v4;
	v10 =	vld [tilespmem:s12+$0xFFFFFF50]  }
0x236: {  	v2 =	vmul.f32 v2, v4;
	v11 =	vld [tilespmem:s12+$0xFFFFFF60];
	[tilespmem:s12+$0x70] =	vst v6  }
0x237: {  	[tilespmem:s12+$0xFFFFFF00] =	vst v5;
	v5 =	vmul.f32 v7, v4;
	v6 =	vld [tilespmem:s12+$0xFFFFFF70]  }
0x238: {  	[tilespmem:s12+$0xFFFFFF10] =	vst v2;
	v2 =	vmul.f32 v8, v4;
	v7 =	vld [tilespmem:s12+$0xFFFFFF80]  }
0x239: {  	[tilespmem:s12+$0xFFFFFF20] =	vst v5;
	v5 =	vmul.f32 v9, v4;
	v8 =	vld [tilespmem:s12+$0xFFFFFF90]  }
0x23a: {  	[tilespmem:s12+$0xFFFFFF30] =	vst v2;
	v2 =	vmul.f32 v10, v4;
	v9 =	vld [tilespmem:s12+$0xFFFFFFA0]  }
0x23b: {  	[tilespmem:s12+$0xFFFFFF40] =	vst v5;
	v5 =	vmul.f32 v11, v4;
	v10 =	vld [tilespmem:s12+$0xFFFFFFB0]  }
0x23c: {  	[tilespmem:s12+$0xFFFFFF50] =	vst v2;
	v2 =	vmul.f32 v6, v4;
	v4 =	vld [tilespmem:s12+$0xFFFFFFC0]  }
0x23d: {  	[tilespmem:s12+$0xFFFFFF60] =	vst v5;
	v5 =	vmul.f32 v7, v3;
	v7 =	vld [tilespmem:s12+$0xFFFFFFD0]  }
0x23e: {  	[tilespmem:s12+$0xFFFFFF70] =	vst v2;
	v2 =	vmul.f32 v8, v3;
	v8 =	vld [tilespmem:s12+$0xFFFFFFE0]  }
0x23f: {  	[tilespmem:s12+$0xFFFFFF80] =	vst v5;
	v5 =	vmul.f32 v9, v3;
	v9 =	vld [tilespmem:s12+$0xFFFFFFF0]  }
0x240: {  	[tilespmem:s12+$0xFFFFFF90] =	vst v2;
	v2 =	vmul.f32 v10, v3;
	v10 =	vld [tilespmem:s12+$0x0]  }
.Ltmp5:
0x241: {  	[tilespmem:s12+$0xFFFFFFA0] =	vst v5;
	v4 =	vmul.f32 v4, v3;
	v6 =	vld [tilespmem:s12+$0x10];
	(pc) =	sbr.rel @p0 .LBB2_13-.Ltmp5, $4  }
0x242: {  	[tilespmem:s12+$0xFFFFFFB0] =	vst v2;
	v2 =	vmul.f32 v7, v3;
	v5 =	vld [tilespmem:s12+$0x20]  }
0x243: {  	[tilespmem:s12+$0xFFFFFFC0] =	vst v4;
	v7 =	vmul.f32 v8, v3;
	v4 =	vld [tilespmem:s12+$0x30]  }
0x244: {  	[tilespmem:s12+$0xFFFFFFD0] =	vst v2;
	v8 =	vmul.f32 v9, v3;
	v3 =	vld [tilespmem:s12+$0x40]  }
0x245: {  	[tilespmem:s12+$0xFFFFFFE0] =	vst v7;
	v7 =	vmul.f32 v10, v1;
	v2 =	vld [tilespmem:s12+$0x50]  }
0x246: {  	[tilespmem:s12+$0xFFFFFFF0] =	vst v8;
	v6 =	vmul.f32 v6, v1;
	v8 =	vld [tilespmem:s12+$0x80]  }
0x247: {  	v9 =	vld [tilespmem:s12+$0x60];
	[tilespmem:s12+$0x0] =	vst v7;
	v5 =	vmul.f32 v5, v1  }
0x248: {  	v7 =	vld [tilespmem:s12+$0x90];
	[tilespmem:s12+$0x10] =	vst v6;
	v4 =	vmul.f32 v4, v1  }
0x249: {  	v6 =	vld [tilespmem:s12+$0xA0];
	[tilespmem:s12+$0x20] =	vst v5;
	v3 =	vmul.f32 v3, v1  }
0x24a: {  	v5 =	vld [tilespmem:s12+$0xB0];
	[tilespmem:s12+$0x30] =	vst v4;
	v2 =	vmul.f32 v2, v1  }
0x24b: {  	v4 =	vld [tilespmem:s12+$0xC0];
	[tilespmem:s12+$0x40] =	vst v3;
	v3 =	vmul.f32 v8, v0  }
0x24c: {  	v8 =	vld [tilespmem:s12+$0xD0];
	v1 =	vmul.f32 v9, v1;
	[tilespmem:s12+$0x50] =	vst v2  }
0x24d: {  	v2 =	vld [tilespmem:s12+$0xE0];
	v7 =	vmul.f32 v7, v0;
	[tilespmem:s12+$0x80] =	vst v3  }
0x24e: {  	[tilespmem:s12+$0x60] =	vst v1;
	v1 =	vmul.f32 v6, v0;
	v3 =	vld [tilespmem:s12+$0xF0]  }
0x24f: {  	[tilespmem:s12+$0x90] =	vst v7;
	v5 =	vmul.f32 v5, v0  }
0x250: {  	[tilespmem:s12+$0xA0] =	vst v1;
	v1 =	vmul.f32 v4, v0  }
0x251: {  	s1 =	simm.s32 $0x1E0;
	[tilespmem:s12+$0xB0] =	vst v5;
	v4 =	vmul.f32 v8, v0  }
0x252: {  	[tilespmem:s9+$0xC0] =	vst v1;
	v1 =	vmul.f32 v2, v0;
	v2 =	vmov s1  }
0x253: {  	s4 =	simm.s32 $0x1E2;
	[tilespmem:s9+$0xD0] =	vst v4;
	v0 =	vmul.f32 v3, v0;
	v2 =	vand.u32 $0xFFFFFFFC, v2  }
0x254: {  	v3 =	vmov s4;
	[tilespmem:s9+$0xE0] =	vst v1;
	v1 =	vbroadcast v2, $0x0  }
0x255: {  	s12 =	simm.s32 $0x680;
	v2 =	vand.u32 $0xFFFFFFFE, v3;
	[tilespmem:s9+$0xF0] =	vst v0  }
0x256: {  	v0 =	vbroadcast v2, $0x0;
	[spmem:s2] =	stream.indirect.scatter.add.f32 [tilespmem:s21], [sflag:$0x6], $0x80, s12, s18, $0xb8;
	[tilespmem:$0x1EA80] =	vst v63  }
0x257: {  	_ =	swait.ge [sflag:s0], $0x2800  }
0x258: {  	[sflag:s0] =	ssyncset.done $0x0  }
0x259: {  	[sflag:s0] =	ssyncadd.s32 $0xFFFFD800  }
0x25a: {  	s12 =	simm.s32 $0x5B80;
	v2 =	vld.idx.msk [tilespmem:v1+s17+$0x0], $0xffff  }
0x25b: {  	s22 =	simm.s32 $0x1E1;
	v3 =	vld [tilespmem:s12+$0x70]  }
0x25c: {  	v1 =	vld.idx.msk [tilespmem:v0+s17+$0x0], $0xffff;
	v0 =	vmov s22  }
0x25d: {  	v4 =	vld [tilespmem:s12+$0xFFFFFF00];
	v0 =	vand.u32 $0xFFFFFFFD, v0  }
0x25e: {  	v5 =	vld [tilespmem:s12+$0xFFFFFF10];
	v0 =	vbroadcast v0, $0x0  }
0x25f: {  	v6 =	vld [tilespmem:s12+$0xFFFFFF20]  }
0x260: {  	v7 =	vld [tilespmem:s12+$0xFFFFFF30]  }
0x261: {  	v8 =	vld [tilespmem:s12+$0xFFFFFF40]  }
0x262: {  	v9 =	vld [tilespmem:s12+$0xFFFFFF50]  }
0x263: {  	v10 =	vld [tilespmem:s12+$0xFFFFFF60];
	v4 =	vmul.f32 v4, v2  }
0x264: {  	v11 =	vld.idx.msk [tilespmem:v0+s17+$0x0], $0xffff;
	v0 =	vmul.f32 v3, v1  }
0x265: {  	[tilespmem:s12+$0xFFFFFF00] =	vst v4;
	v4 =	vld [tilespmem:s12+$0xFFFFFF70];
	v3 =	vmul.f32 v5, v2  }
0x266: {  	v5 =	vld [tilespmem:s12+$0xFFFFFF80];
	[tilespmem:s12+$0x70] =	vst v0;
	v0 =	vmul.f32 v6, v2  }
0x267: {  	s25 =	simm.s32 $0x1E3;
	[tilespmem:s12+$0xFFFFFF10] =	vst v3;
	v3 =	vmul.f32 v7, v2;
	v6 =	vld [tilespmem:s12+$0xFFFFFF90]  }
0x268: {  	v7 =	vmov s25;
	[tilespmem:s12+$0xFFFFFF20] =	vst v0;
	v0 =	vmul.f32 v8, v2;
	v8 =	vld [tilespmem:s12+$0xFFFFFFA0]  }
0x269: {  	[tilespmem:s12+$0xFFFFFF30] =	vst v3;
	v3 =	vmul.f32 v9, v2;
	v9 =	vld [tilespmem:s12+$0xFFFFFFB0]  }
0x26a: {  	[tilespmem:s12+$0xFFFFFF40] =	vst v0;
	v0 =	vmul.f32 v10, v2;
	v10 =	vld [tilespmem:s12+$0xFFFFFFC0]  }
0x26b: {  	[tilespmem:s12+$0xFFFFFF50] =	vst v3;
	v3 =	vmul.f32 v5, v11;
	v5 =	vld [tilespmem:s12+$0xFFFFFFD0]  }
0x26c: {  	v2 =	vmul.f32 v4, v2;
	v4 =	vld [tilespmem:s12+$0xFFFFFFE0];
	[tilespmem:s12+$0xFFFFFF60] =	vst v0  }
0x26d: {  	v6 =	vmul.f32 v6, v11;
	v0 =	vld.idx.msk [tilespmem:v7+s17+$0x0], $0xffff;
	[tilespmem:s12+$0xFFFFFF80] =	vst v3  }
0x26e: {  	[tilespmem:s12+$0xFFFFFF70] =	vst v2;
	v7 =	vld [tilespmem:s12+$0xFFFFFFF0];
	v2 =	vmul.f32 v8, v11  }
0x26f: {  	[tilespmem:s12+$0xFFFFFF90] =	vst v6;
	v3 =	vmul.f32 v9, v11;
	v9 =	vld [tilespmem:s12+$0x0]  }
0x270: {  	v6 =	vld [tilespmem:s12+$0x10];
	[tilespmem:s12+$0xFFFFFFA0] =	vst v2;
	v2 =	vmul.f32 v10, v11  }
0x271: {  	[tilespmem:s12+$0xFFFFFFB0] =	vst v3;
	v3 =	vmul.f32 v5, v11;
	v5 =	vld [tilespmem:s12+$0x20]  }
0x272: {  	[tilespmem:s12+$0xFFFFFFC0] =	vst v2;
	v2 =	vmul.f32 v4, v11;
	v4 =	vld [tilespmem:s12+$0x30]  }
0x273: {  	[tilespmem:s12+$0xFFFFFFD0] =	vst v3;
	v3 =	vld [tilespmem:s12+$0x40];
	v8 =	vmul.f32 v7, v11  }
0x274: {  	s4 =	simm.s32 $0x0;
	s9 =	simm.s32 $0x5B80;
	v7 =	vmul.f32 v9, v1;
	[tilespmem:s12+$0xFFFFFFE0] =	vst v2;
	v2 =	vld [tilespmem:s12+$0x50]  }
.LBB2_15:
0x275: {  	s1 =	sadd.s32 $0x1E7, s4;
	[tilespmem:s12+$0xFFFFFFF0] =	vst v8;
	v6 =	vmul.f32 v6, v1;
	v8 =	vld [tilespmem:s12+$0x60]  }
0x276: {  	s22 =	sadd.s32 $0x1E4, s4;
	s25 =	sadd.s32 $0x1E5, s4;
	v9 =	vmov s1;
	[tilespmem:s12+$0x0] =	vst v7;
	v5 =	vmul.f32 v5, v1;
	v7 =	vld [tilespmem:s12+$0x80]  }
0x277: {  	v10 =	vmov s22;
	v11 =	vmov s25;
	[tilespmem:s12+$0x10] =	vst v6;
	v4 =	vmul.f32 v4, v1;
	v6 =	vld [tilespmem:s12+$0x90]  }
0x278: {  	s1 =	sadd.s32 $0x1E6, s4;
	s4 =	sadd.s32 $0x4, s4;
	v10 =	vand.u32 $0xFFFFFFFC, v10;
	v11 =	vand.u32 $0xFFFFFFFD, v11;
	[tilespmem:s12+$0x20] =	vst v5;
	v3 =	vmul.f32 v3, v1;
	v5 =	vld [tilespmem:s12+$0xA0]  }
0x279: {  	v12 =	vmov s1;
	p0 =	slt.u32 s4, $0x4C;
	v10 =	vbroadcast v10, $0x0;
	[tilespmem:s12+$0x30] =	vst v4;
	v2 =	vmul.f32 v2, v1;
	v4 =	vld [tilespmem:s12+$0xB0]  }
0x27a: {  	v11 =	vbroadcast v11, $0x0;
	v12 =	vand.u32 $0xFFFFFFFE, v12;
	[tilespmem:s12+$0x40] =	vst v3;
	v1 =	vmul.f32 v8, v1;
	v3 =	vld [tilespmem:s12+$0xC0]  }
0x27b: {  	v8 =	vbroadcast v12, $0x0;
	[tilespmem:s12+$0x50] =	vst v2;
	v2 =	vmul.f32 v7, v0;
	v7 =	vld [tilespmem:s12+$0xD0]  }
0x27c: {  	[tilespmem:s12+$0x60] =	vst v1;
	v1 =	vmul.f32 v6, v0;
	v6 =	vld [tilespmem:s12+$0xE0]  }
0x27d: {  	[tilespmem:s12+$0x80] =	vst v2;
	v2 =	vmul.f32 v5, v0;
	v5 =	vld [tilespmem:s12+$0xF0]  }
0x27e: {  	v9 =	vld.idx.msk [tilespmem:v9+s17+$0x0], $0xffff;
	[tilespmem:s12+$0x90] =	vst v1;
	v1 =	vmul.f32 v4, v0  }
0x27f: {  	v4 =	vld.idx.msk [tilespmem:v10+s17+$0x0], $0xffff;
	[tilespmem:s12+$0xA0] =	vst v2;
	v2 =	vmul.f32 v3, v0  }
0x280: {  	v3 =	vld.idx.msk [tilespmem:v11+s17+$0x0], $0xffff;
	[tilespmem:s12+$0xB0] =	vst v1;
	v7 =	vmul.f32 v7, v0  }
0x281: {  	s12 =	sadd.s32 $0x200, s12;
	v1 =	vld.idx.msk [tilespmem:v8+s17+$0x0], $0xffff;
	[tilespmem:s9+$0xC0] =	vst v2;
	v2 =	vmul.f32 v6, v0  }
0x282: {  	v6 =	vld [tilespmem:s12+$0x70];
	[tilespmem:s9+$0xD0] =	vst v7;
	v7 =	vmul.f32 v5, v0  }
0x283: {  	v5 =	vld [tilespmem:s12+$0xFFFFFF00];
	[tilespmem:s9+$0xE0] =	vst v2  }
0x284: {  	v0 =	vmov v9;
	v2 =	vld [tilespmem:s12+$0xFFFFFF10];
	[tilespmem:s9+$0xF0] =	vst v7;
	s9 =	smov.u32 s12  }
0x285: {  	v7 =	vld [tilespmem:s12+$0xFFFFFF20]  }
0x286: {  	v8 =	vld [tilespmem:s12+$0xFFFFFF30]  }
0x287: {  	v9 =	vld [tilespmem:s12+$0xFFFFFF40];
	v6 =	vmul.f32 v6, v1  }
0x288: {  	v5 =	vmul.f32 v5, v4;
	v10 =	vld [tilespmem:s12+$0xFFFFFF50]  }
0x289: {  	v2 =	vmul.f32 v2, v4;
	v11 =	vld [tilespmem:s12+$0xFFFFFF60];
	[tilespmem:s12+$0x70] =	vst v6  }
0x28a: {  	[tilespmem:s12+$0xFFFFFF00] =	vst v5;
	v5 =	vmul.f32 v7, v4;
	v6 =	vld [tilespmem:s12+$0xFFFFFF70]  }
0x28b: {  	[tilespmem:s12+$0xFFFFFF10] =	vst v2;
	v2 =	vmul.f32 v8, v4;
	v7 =	vld [tilespmem:s12+$0xFFFFFF80]  }
0x28c: {  	[tilespmem:s12+$0xFFFFFF20] =	vst v5;
	v5 =	vmul.f32 v9, v4;
	v8 =	vld [tilespmem:s12+$0xFFFFFF90]  }
0x28d: {  	[tilespmem:s12+$0xFFFFFF30] =	vst v2;
	v2 =	vmul.f32 v10, v4;
	v9 =	vld [tilespmem:s12+$0xFFFFFFA0]  }
0x28e: {  	[tilespmem:s12+$0xFFFFFF40] =	vst v5;
	v5 =	vmul.f32 v11, v4;
	v10 =	vld [tilespmem:s12+$0xFFFFFFB0]  }
0x28f: {  	[tilespmem:s12+$0xFFFFFF50] =	vst v2;
	v2 =	vmul.f32 v6, v4;
	v4 =	vld [tilespmem:s12+$0xFFFFFFC0]  }
0x290: {  	[tilespmem:s12+$0xFFFFFF60] =	vst v5;
	v5 =	vmul.f32 v7, v3;
	v7 =	vld [tilespmem:s12+$0xFFFFFFD0]  }
0x291: {  	[tilespmem:s12+$0xFFFFFF70] =	vst v2;
	v2 =	vmul.f32 v8, v3;
	v8 =	vld [tilespmem:s12+$0xFFFFFFE0]  }
0x292: {  	[tilespmem:s12+$0xFFFFFF80] =	vst v5;
	v5 =	vmul.f32 v9, v3;
	v9 =	vld [tilespmem:s12+$0xFFFFFFF0]  }
0x293: {  	[tilespmem:s12+$0xFFFFFF90] =	vst v2;
	v2 =	vmul.f32 v10, v3;
	v10 =	vld [tilespmem:s12+$0x0]  }
.Ltmp6:
0x294: {  	[tilespmem:s12+$0xFFFFFFA0] =	vst v5;
	v4 =	vmul.f32 v4, v3;
	v6 =	vld [tilespmem:s12+$0x10];
	(pc) =	sbr.rel @p0 .LBB2_15-.Ltmp6, $4  }
0x295: {  	[tilespmem:s12+$0xFFFFFFB0] =	vst v2;
	v2 =	vmul.f32 v7, v3;
	v5 =	vld [tilespmem:s12+$0x20]  }
0x296: {  	[tilespmem:s12+$0xFFFFFFC0] =	vst v4;
	v7 =	vmul.f32 v8, v3;
	v4 =	vld [tilespmem:s12+$0x30]  }
0x297: {  	[tilespmem:s12+$0xFFFFFFD0] =	vst v2;
	v8 =	vmul.f32 v9, v3;
	v3 =	vld [tilespmem:s12+$0x40]  }
0x298: {  	[tilespmem:s12+$0xFFFFFFE0] =	vst v7;
	v7 =	vmul.f32 v10, v1;
	v2 =	vld [tilespmem:s12+$0x50]  }
0x299: {  	[tilespmem:s12+$0xFFFFFFF0] =	vst v8;
	v6 =	vmul.f32 v6, v1;
	v8 =	vld [tilespmem:s12+$0x80]  }
0x29a: {  	v9 =	vld [tilespmem:s12+$0x60];
	[tilespmem:s12+$0x0] =	vst v7;
	v5 =	vmul.f32 v5, v1  }
0x29b: {  	v7 =	vld [tilespmem:s12+$0x90];
	[tilespmem:s12+$0x10] =	vst v6;
	v4 =	vmul.f32 v4, v1  }
0x29c: {  	v6 =	vld [tilespmem:s12+$0xA0];
	[tilespmem:s12+$0x20] =	vst v5;
	v3 =	vmul.f32 v3, v1  }
0x29d: {  	v5 =	vld [tilespmem:s12+$0xB0];
	[tilespmem:s12+$0x30] =	vst v4;
	v2 =	vmul.f32 v2, v1  }
0x29e: {  	v4 =	vld [tilespmem:s12+$0xC0];
	[tilespmem:s12+$0x40] =	vst v3;
	v3 =	vmul.f32 v8, v0  }
0x29f: {  	v8 =	vld [tilespmem:s12+$0xD0];
	v1 =	vmul.f32 v9, v1;
	[tilespmem:s12+$0x50] =	vst v2  }
0x2a0: {  	v2 =	vld [tilespmem:s12+$0xE0];
	v7 =	vmul.f32 v7, v0;
	[tilespmem:s12+$0x80] =	vst v3  }
0x2a1: {  	[tilespmem:s12+$0x60] =	vst v1;
	v1 =	vmul.f32 v6, v0;
	v3 =	vld [tilespmem:s12+$0xF0]  }
0x2a2: {  	[tilespmem:s12+$0x90] =	vst v7;
	v5 =	vmul.f32 v5, v0  }
0x2a3: {  	[tilespmem:s12+$0xA0] =	vst v1;
	v1 =	vmul.f32 v4, v0  }
0x2a4: {  	s1 =	simm.s32 $0x230;
	[tilespmem:s12+$0xB0] =	vst v5;
	v4 =	vmul.f32 v8, v0  }
0x2a5: {  	[tilespmem:s9+$0xC0] =	vst v1;
	v1 =	vmul.f32 v2, v0;
	v2 =	vmov s1  }
0x2a6: {  	[tilespmem:s9+$0xD0] =	vst v4;
	v0 =	vmul.f32 v3, v0;
	v2 =	vand.u32 $0xFFFFFFFC, v2  }
0x2a7: {  	[tilespmem:s9+$0xE0] =	vst v1;
	v1 =	vbroadcast v2, $0x0  }
0x2a8: {  	s12 =	simm.s32 $0x232;
	[tilespmem:s9+$0xF0] =	vst v0  }
0x2a9: {  	[spmem:s2] =	stream.indirect.scatter.add.f32 [tilespmem:s23], [sflag:$0x7], $0x80, s29, s18, $0xb8;
	[tilespmem:$0x1EA80] =	vst v63  }
0x2aa: {  	v3 =	vmov s12;
	_ =	swait.ge [sflag:s13], $0x2800  }
0x2ab: {  	v2 =	vand.u32 $0xFFFFFFFE, v3;
	[sflag:s13] =	ssyncset.done $0x0  }
0x2ac: {  	v0 =	vbroadcast v2, $0x0;
	[sflag:s13] =	ssyncadd.s32 $0xFFFFD800  }
0x2ad: {  	s12 =	simm.s32 $0x8380;
	v1 =	vld.idx.msk [tilespmem:v1+s17+$0x0], $0xffff  }
0x2ae: {  	v3 =	vld [tilespmem:s12+$0x70]  }
0x2af: {  	s22 =	simm.s32 $0x231;
	v4 =	vld [tilespmem:s12+$0xFFFFFF00]  }
0x2b0: {  	v2 =	vmov s22;
	v5 =	vld [tilespmem:s12+$0xFFFFFF10]  }
0x2b1: {  	v2 =	vand.u32 $0xFFFFFFFD, v2;
	v6 =	vld [tilespmem:s12+$0xFFFFFF20]  }
0x2b2: {  	v2 =	vbroadcast v2, $0x0;
	v0 =	vld.idx.msk [tilespmem:v0+s17+$0x0], $0xffff  }
0x2b3: {  	v7 =	vld [tilespmem:s12+$0xFFFFFF30]  }
0x2b4: {  	v8 =	vld [tilespmem:s12+$0xFFFFFF40]  }
0x2b5: {  	v9 =	vld [tilespmem:s12+$0xFFFFFF50]  }
0x2b6: {  	v10 =	vld [tilespmem:s12+$0xFFFFFF60];
	v4 =	vmul.f32 v4, v1  }
0x2b7: {  	v12 =	vld [tilespmem:s12+$0xFFFFFFD0];
	v3 =	vmul.f32 v3, v0  }
0x2b8: {  	v2 =	vld.idx.msk [tilespmem:v2+s17+$0x0], $0xffff;
	[tilespmem:s12+$0xFFFFFF00] =	vst v4;
	v4 =	vmul.f32 v5, v1  }
0x2b9: {  	s25 =	simm.s32 $0x233;
	v5 =	vld [tilespmem:s12+$0xFFFFFF70];
	[tilespmem:s12+$0x70] =	vst v3;
	v3 =	vmul.f32 v6, v1  }
0x2ba: {  	v11 =	vmov s25;
	v6 =	vld [tilespmem:s12+$0xFFFFFF80];
	[tilespmem:s12+$0xFFFFFF10] =	vst v4;
	v4 =	vmul.f32 v7, v1  }
0x2bb: {  	v7 =	vld [tilespmem:s12+$0xFFFFFF90];
	[tilespmem:s12+$0xFFFFFF20] =	vst v3;
	v3 =	vmul.f32 v8, v1  }
0x2bc: {  	v8 =	vld [tilespmem:s12+$0xFFFFFFA0];
	[tilespmem:s12+$0xFFFFFF30] =	vst v4;
	v4 =	vmul.f32 v9, v1  }
0x2bd: {  	v9 =	vld [tilespmem:s12+$0xFFFFFFB0];
	[tilespmem:s12+$0xFFFFFF40] =	vst v3;
	v3 =	vmul.f32 v10, v1  }
0x2be: {  	v10 =	vld [tilespmem:s12+$0xFFFFFFC0];
	v5 =	vmul.f32 v5, v1;
	[tilespmem:s12+$0xFFFFFF50] =	vst v4  }
0x2bf: {  	v1 =	vld.idx.msk [tilespmem:v11+s17+$0x0], $0xffff;
	v4 =	vmul.f32 v6, v2;
	[tilespmem:s12+$0xFFFFFF60] =	vst v3  }
0x2c0: {  	v3 =	vld [tilespmem:s12+$0xFFFFFFE0];
	v6 =	vmul.f32 v7, v2;
	[tilespmem:s12+$0xFFFFFF70] =	vst v5  }
0x2c1: {  	v7 =	vld [tilespmem:s12+$0xFFFFFFF0];
	[tilespmem:s12+$0xFFFFFF80] =	vst v4;
	v4 =	vmul.f32 v8, v2  }
0x2c2: {  	[tilespmem:s12+$0xFFFFFF90] =	vst v6;
	v5 =	vmul.f32 v9, v2;
	v9 =	vld [tilespmem:s12+$0x0]  }
0x2c3: {  	v6 =	vld [tilespmem:s12+$0x10];
	[tilespmem:s12+$0xFFFFFFA0] =	vst v4;
	v4 =	vmul.f32 v10, v2  }
0x2c4: {  	v8 =	vmul.f32 v12, v2;
	[tilespmem:s12+$0xFFFFFFB0] =	vst v5;
	v5 =	vld [tilespmem:s12+$0x20]  }
0x2c5: {  	[tilespmem:s12+$0xFFFFFFC0] =	vst v4;
	v10 =	vmul.f32 v3, v2;
	v4 =	vld [tilespmem:s12+$0x30]  }
0x2c6: {  	[tilespmem:s12+$0xFFFFFFD0] =	vst v8;
	v3 =	vld [tilespmem:s12+$0x40];
	v8 =	vmul.f32 v7, v2  }
0x2c7: {  	s4 =	simm.s32 $0x0;
	s9 =	simm.s32 $0x8380;
	v2 =	vld [tilespmem:s12+$0x50];
	[tilespmem:s12+$0xFFFFFFE0] =	vst v10;
	v7 =	vmul.f32 v9, v0  }
.LBB2_17:
0x2c8: {  	s1 =	sadd.s32 $0x237, s4;
	[tilespmem:s12+$0xFFFFFFF0] =	vst v8;
	v6 =	vmul.f32 v6, v0;
	v8 =	vld [tilespmem:s12+$0x60]  }
0x2c9: {  	s22 =	sadd.s32 $0x234, s4;
	s25 =	sadd.s32 $0x235, s4;
	v9 =	vmov s1;
	[tilespmem:s12+$0x0] =	vst v7;
	v5 =	vmul.f32 v5, v0;
	v7 =	vld [tilespmem:s12+$0x80]  }
0x2ca: {  	v10 =	vmov s22;
	v11 =	vmov s25;
	[tilespmem:s12+$0x10] =	vst v6;
	v4 =	vmul.f32 v4, v0;
	v6 =	vld [tilespmem:s12+$0x90]  }
0x2cb: {  	s1 =	sadd.s32 $0x236, s4;
	s4 =	sadd.s32 $0x4, s4;
	v10 =	vand.u32 $0xFFFFFFFC, v10;
	v11 =	vand.u32 $0xFFFFFFFD, v11;
	[tilespmem:s12+$0x20] =	vst v5;
	v3 =	vmul.f32 v3, v0;
	v5 =	vld [tilespmem:s12+$0xA0]  }
0x2cc: {  	v12 =	vmov s1;
	p0 =	slt.u32 s4, $0x4C;
	v10 =	vbroadcast v10, $0x0;
	[tilespmem:s12+$0x30] =	vst v4;
	v2 =	vmul.f32 v2, v0;
	v4 =	vld [tilespmem:s12+$0xB0]  }
0x2cd: {  	v11 =	vbroadcast v11, $0x0;
	v12 =	vand.u32 $0xFFFFFFFE, v12;
	[tilespmem:s12+$0x40] =	vst v3;
	v0 =	vmul.f32 v8, v0;
	v3 =	vld [tilespmem:s12+$0xC0]  }
0x2ce: {  	v8 =	vbroadcast v12, $0x0;
	[tilespmem:s12+$0x50] =	vst v2;
	v2 =	vmul.f32 v7, v1;
	v7 =	vld [tilespmem:s12+$0xD0]  }
0x2cf: {  	[tilespmem:s12+$0x60] =	vst v0;
	v0 =	vmul.f32 v6, v1;
	v6 =	vld [tilespmem:s12+$0xE0]  }
0x2d0: {  	[tilespmem:s12+$0x80] =	vst v2;
	v2 =	vmul.f32 v5, v1;
	v5 =	vld [tilespmem:s12+$0xF0]  }
0x2d1: {  	v9 =	vld.idx.msk [tilespmem:v9+s17+$0x0], $0xffff;
	[tilespmem:s12+$0x90] =	vst v0;
	v0 =	vmul.f32 v4, v1  }
0x2d2: {  	v4 =	vld.idx.msk [tilespmem:v10+s17+$0x0], $0xffff;
	[tilespmem:s12+$0xA0] =	vst v2;
	v2 =	vmul.f32 v3, v1  }
0x2d3: {  	v3 =	vld.idx.msk [tilespmem:v11+s17+$0x0], $0xffff;
	[tilespmem:s12+$0xB0] =	vst v0;
	v7 =	vmul.f32 v7, v1  }
0x2d4: {  	s12 =	sadd.s32 $0x200, s12;
	v0 =	vld.idx.msk [tilespmem:v8+s17+$0x0], $0xffff;
	[tilespmem:s9+$0xC0] =	vst v2;
	v2 =	vmul.f32 v6, v1  }
0x2d5: {  	v6 =	vld [tilespmem:s12+$0x70];
	[tilespmem:s9+$0xD0] =	vst v7;
	v7 =	vmul.f32 v5, v1  }
0x2d6: {  	v5 =	vld [tilespmem:s12+$0xFFFFFF00];
	[tilespmem:s9+$0xE0] =	vst v2  }
0x2d7: {  	v1 =	vmov v9;
	v2 =	vld [tilespmem:s12+$0xFFFFFF10];
	[tilespmem:s9+$0xF0] =	vst v7;
	s9 =	smov.u32 s12  }
0x2d8: {  	v7 =	vld [tilespmem:s12+$0xFFFFFF20]  }
0x2d9: {  	v8 =	vld [tilespmem:s12+$0xFFFFFF30]  }
0x2da: {  	v9 =	vld [tilespmem:s12+$0xFFFFFF40];
	v6 =	vmul.f32 v6, v0  }
0x2db: {  	v5 =	vmul.f32 v5, v4;
	v10 =	vld [tilespmem:s12+$0xFFFFFF50]  }
0x2dc: {  	v2 =	vmul.f32 v2, v4;
	v11 =	vld [tilespmem:s12+$0xFFFFFF60];
	[tilespmem:s12+$0x70] =	vst v6  }
0x2dd: {  	[tilespmem:s12+$0xFFFFFF00] =	vst v5;
	v5 =	vmul.f32 v7, v4;
	v6 =	vld [tilespmem:s12+$0xFFFFFF70]  }
0x2de: {  	[tilespmem:s12+$0xFFFFFF10] =	vst v2;
	v2 =	vmul.f32 v8, v4;
	v7 =	vld [tilespmem:s12+$0xFFFFFF80]  }
0x2df: {  	[tilespmem:s12+$0xFFFFFF20] =	vst v5;
	v5 =	vmul.f32 v9, v4;
	v8 =	vld [tilespmem:s12+$0xFFFFFF90]  }
0x2e0: {  	[tilespmem:s12+$0xFFFFFF30] =	vst v2;
	v2 =	vmul.f32 v10, v4;
	v9 =	vld [tilespmem:s12+$0xFFFFFFA0]  }
0x2e1: {  	[tilespmem:s12+$0xFFFFFF40] =	vst v5;
	v5 =	vmul.f32 v11, v4;
	v10 =	vld [tilespmem:s12+$0xFFFFFFB0]  }
0x2e2: {  	[tilespmem:s12+$0xFFFFFF50] =	vst v2;
	v2 =	vmul.f32 v6, v4;
	v4 =	vld [tilespmem:s12+$0xFFFFFFC0]  }
0x2e3: {  	[tilespmem:s12+$0xFFFFFF60] =	vst v5;
	v5 =	vmul.f32 v7, v3;
	v7 =	vld [tilespmem:s12+$0xFFFFFFD0]  }
0x2e4: {  	[tilespmem:s12+$0xFFFFFF70] =	vst v2;
	v2 =	vmul.f32 v8, v3;
	v8 =	vld [tilespmem:s12+$0xFFFFFFE0]  }
0x2e5: {  	[tilespmem:s12+$0xFFFFFF80] =	vst v5;
	v5 =	vmul.f32 v9, v3;
	v9 =	vld [tilespmem:s12+$0xFFFFFFF0]  }
0x2e6: {  	[tilespmem:s12+$0xFFFFFF90] =	vst v2;
	v2 =	vmul.f32 v10, v3;
	v10 =	vld [tilespmem:s12+$0x0]  }
.Ltmp7:
0x2e7: {  	[tilespmem:s12+$0xFFFFFFA0] =	vst v5;
	v4 =	vmul.f32 v4, v3;
	v6 =	vld [tilespmem:s12+$0x10];
	(pc) =	sbr.rel @p0 .LBB2_17-.Ltmp7, $4  }
0x2e8: {  	[tilespmem:s12+$0xFFFFFFB0] =	vst v2;
	v2 =	vmul.f32 v7, v3;
	v5 =	vld [tilespmem:s12+$0x20]  }
0x2e9: {  	[tilespmem:s12+$0xFFFFFFC0] =	vst v4;
	v7 =	vmul.f32 v8, v3;
	v4 =	vld [tilespmem:s12+$0x30]  }
0x2ea: {  	[tilespmem:s12+$0xFFFFFFD0] =	vst v2;
	v8 =	vmul.f32 v9, v3;
	v3 =	vld [tilespmem:s12+$0x40]  }
0x2eb: {  	[tilespmem:s12+$0xFFFFFFE0] =	vst v7;
	v7 =	vmul.f32 v10, v0;
	v2 =	vld [tilespmem:s12+$0x50]  }
0x2ec: {  	[tilespmem:s12+$0xFFFFFFF0] =	vst v8;
	v6 =	vmul.f32 v6, v0;
	v49 =	vld [tilespmem:s12+$0x80]  }
0x2ed: {  	v9 =	vld [tilespmem:s12+$0x60];
	[tilespmem:s12+$0x0] =	vst v7;
	v5 =	vmul.f32 v5, v0  }
0x2ee: {  	v50 =	vld [tilespmem:s12+$0x90];
	[tilespmem:s12+$0x10] =	vst v6;
	v4 =	vmul.f32 v4, v0  }
0x2ef: {  	v51 =	vld [tilespmem:s12+$0xA0];
	[tilespmem:s12+$0x20] =	vst v5;
	v3 =	vmul.f32 v3, v0  }
0x2f0: {  	v52 =	vld [tilespmem:s12+$0xB0];
	[tilespmem:s12+$0x30] =	vst v4;
	v2 =	vmul.f32 v2, v0  }
0x2f1: {  	v53 =	vld [tilespmem:s12+$0xC0];
	[tilespmem:s12+$0x40] =	vst v3;
	v54 =	vmul.f32 v49, v1  }
0x2f2: {  	v55 =	vld [tilespmem:s12+$0xD0];
	v56 =	vmul.f32 v9, v0;
	[tilespmem:s12+$0x50] =	vst v2  }
0x2f3: {  	v57 =	vld [tilespmem:s12+$0xE0];
	v7 =	vmul.f32 v50, v1;
	[tilespmem:s12+$0x80] =	vst v54  }
0x2f4: {  	v59 =	vld [tilespmem:s12+$0xF0];
	v58 =	vmul.f32 v51, v1;
	[tilespmem:s12+$0x60] =	vst v56  }
0x2f5: {  	v5 =	vmul.f32 v52, v1;
	[tilespmem:s12+$0x90] =	vst v7  }
0x2f6: {  	v60 =	vmul.f32 v53, v1;
	[tilespmem:s12+$0xA0] =	vst v58  }
0x2f7: {  	v61 =	vmul.f32 v55, v1;
	[tilespmem:s12+$0xB0] =	vst v5  }
0x2f8: {  	v62 =	vmul.f32 v57, v1;
	[tilespmem:s9+$0xC0] =	vst v60  }
0x2f9: {  	v63 =	vmul.f32 v59, v1;
	[tilespmem:s9+$0xD0] =	vst v61  }
0x2fa: {  	[tilespmem:s9+$0xE0] =	vst v62  }
0x2fb: {  	[tilespmem:s9+$0xF0] =	vst v63  }
0x2fc: {  	[spmem:s2] =	stream.indirect.scatter.add.f32 [tilespmem:s26], [sflag:$0x8], $0x80, s31, s18, $0xb8;
	[tilespmem:$0x1EA80] =	vst v63  }
0x2fd: {  	_ =	swait.ge [sflag:s30], $0x2800  }
0x2fe: {  	[sflag:s30] =	ssyncset.done $0x0  }
0x2ff: {  	[sflag:s30] =	ssyncadd.s32 $0xFFFFD800  }
0x300: {  	_ =	swait.ge [sflag:s8], $0x2800  }
0x301: {  	[sflag:s8] =	ssyncset.done $0x0  }
0x302: {  	s3 =	sadd.s32 $0x1, s3;
	[sflag:s8] =	ssyncadd.s32 $0xFFFFD800  }
0x303: {  	p0 =	sne.s32 s3, $0x10;
	_ =	swait.ge [sflag:s14], $0x2800  }
.Ltmp8:
0x304: {  	[sflag:s14] =	ssyncset.done $0x0;
	(pc) =	sbr.rel @p0 .LBB2_2-.Ltmp8, $4  }
0x305: {  	[sflag:s14] =	ssyncadd.s32 $0xFFFFD800  }
0x306: {  	_ =	swait.ge [sflag:s20], $0x2800  }
0x307: {  	[sflag:s20] =	ssyncset.done $0x0  }
0x308: {  	[sflag:s20] =	ssyncadd.s32 $0xFFFFD800  }
0x309: {  	[bflag:$0x0] =	sbarrier.arrive $0xFFFF  }
0x30a: {  	s9 =	rddreg [dreg:$0x6]  }
0x30b: {  	s1 =	rddreg [dreg:$0x7]  }
0x30c: {  	s3 =	rddreg [dreg:$0x9]  }
0x30d: {  	[hbm:s1], [sflag:s9] =	dma.local [spmem:s3], $0x2800  }
0x30e: {  	_ =	swait.ge [sflag:s15], $0x2800  }
0x30f: {  	s12 =	rddreg [dreg:$0x4]  }
0x310: {  	s25 =	rddreg [dreg:$0x8];
	s12 =	sadd.s32 $0x1, s12  }
0x311: {  	p0 =	sne.s32 s12, s25  }
.Ltmp9:
0x312: {  	_ = 	snop;
	(pc) =	sbr.rel @p0 .LBB2_1-.Ltmp9, $3  }
0x313: {  	_ =	sdelay $0x1  }
0x314: {  	[sflag:s15] =	ssyncset.done $0x0  }
0x315: {  	[sflag:s15] =	ssyncadd.s32 $0xFFFFD800  }
0x316: {  	_ =	sfence.sel $0x180000  }
0x317: {  	[bflag:$0x0] =	sbarrier.arrive $0xFFFF  }
0x318: {  	_ =	strace $0x9000004A  }
0x319: {  	s0 =	stileid.u32;
	[bflag:$0x2] =	sbarrier.arrive $0xFFFF  }
0x31a: {  	p0 =	sne.s32 s0, $0x0;
	s0 =	rddreg [dreg:$0x3]  }
0x31b: {  	s0 =	sadd.s32 @!p0 $0x100000, s0  }
0x31c: {  	[sflag:s0] =	ssyncadd.tile.s32 @!p0 $0x1;
	_ =	shalt  }
.Lfunc_end2:
_tile_overlayer_lowered:
.L_overlay_start_2:
0x31d: {  	(tag) =	ssettag $0x2  }
0x31e: {  	s0 =	rddreg [dreg:$0x0];
	s2 =	stileid.u32  }
0x31f: {  	s1 =	rddreg [dreg:$0x1];
	p0 =	sne.s32 s2, $0x0  }
0x320: {  	s3 =	rddreg [dreg:$0x2];
	[bflag:$0x3] =	sbarrier.arrive $0xFFFF;
	s2 =	simm.s32 @!p0 $0x1C09  }
0x321: {  	[timem:s3], [sflag:s2] =	dma.local @!p0 [hbm:s0], s1  }
0x322: {  	s0 =	simm.s32 @!p0 $0x9  }
0x323: {  	_ =	swait.ge @!p0 [sflag:s0], s1  }
0x324: {  	s1 =	ssub.s32 @!p0 $0x0, s1;
	[sflag:s0] =	ssyncset.done @!p0 $0x0  }
0x325: {  	[sflag:s0] =	ssyncadd.s32 @!p0 s1  }
0x326: {  	[bflag:$0x3] =	sbarrier.arrive $0xFFFF  }
0x327: {  	_ =	shalt  }

</sc_bundles>
